<compile_context>
chip_gen: v7x
topology: tpu7x:2x2x1
jax: 0.10.2.dev20260603
libtpu: 0.0.44.dev20260713+nightly
codegen_flags: <defaults>
</compile_context>

<pallas_src>
import functools

import jax
import jax.numpy as jnp
from jax import lax
from jax.experimental import pallas as pl
from jax.experimental.pallas import tpu as pltpu
from jax.experimental.pallas import tpu_sc as plsc

F32 = jnp.float32
BF16 = jnp.bfloat16
I32 = jnp.int32

T = 4096
H = 1024
E = 8
CAP = 512
B = 2
S = 2048
DISP_ROWS = 4608
TRASH = 4096
NW = 32
RPW = T // NW
GW = 32
NBUF = 3
NCH = RPW // GW
INV_ROWS = 4608
IW = 128
PW = 128

_BLK1 = 512
_BLKR = 256
_BLKF = 256



def _stage1_body(x_ref, w_ref, b_ref, wg_ref, hid_ref, ss_ref, g_ref,
                 cnt_ref, hs_ref, log_v, acc_v):
    pid = pl.program_id(0)

    @pl.when(pid == 0)
    def _():
        acc_v[...] = jnp.zeros_like(acc_v)

    xb = x_ref[...].astype(BF16)
    h = jnp.dot(xb, w_ref[...].astype(BF16), preferred_element_type=F32)
    h = h + b_ref[...]
    hid_ref[...] = h
    b = pid // ((T // B) // _BLK1)
    rowsel = (lax.broadcasted_iota(I32, (B, 1), 0) == b).astype(F32)
    acc_v[...] += rowsel * jnp.sum(h, axis=0, keepdims=True)
    log_v[pl.ds(pid * _BLK1, _BLK1), :] = jnp.dot(
        h.astype(BF16), wg_ref[...].astype(BF16), preferred_element_type=F32)

    @pl.when(pid == pl.num_programs(0) - 1)
    def _():
        ss, gate, cnt = _routing_math(log_v[...])
        ss_ref[...] = ss
        g_ref[...] = gate
        cnt_ref[...] = cnt
        hs_ref[...] = acc_v[...]


def _routing_math(l):
    m = jnp.max(l, axis=1, keepdims=True)
    s = jnp.sum(jnp.exp(l - m), axis=1, keepdims=True)
    gv = 1.0 / s
    ei = lax.broadcasted_iota(I32, (T, E), 1)
    idx = jnp.min(jnp.where(l == m, ei, E), axis=1, keepdims=True)
    mask = (ei == idx).astype(F32)
    nb = 512
    ri = lax.broadcasted_iota(I32, (nb, nb), 0)
    ci = lax.broadcasted_iota(I32, (nb, nb), 1)
    tril = (ci <= ri).astype(BF16)
    carry = jnp.zeros((1, E), F32)
    locs = []
    for b in range(T // nb):
        mb = mask[b * nb:(b + 1) * nb]
        incl = jnp.dot(tril, mb.astype(BF16), preferred_element_type=F32)
        incl = jnp.sum(incl * mb, axis=1, keepdims=True)
        base = jnp.sum(carry * mb, axis=1, keepdims=True)
        locs.append(base + incl - 1.0)
        carry = carry + jnp.sum(mb, axis=0, keepdims=True)
    loc = jnp.concatenate(locs, axis=0)
    keep = loc < CAP
    locc = jnp.minimum(loc, CAP - 1.0).astype(I32)
    slot = idx * CAP + locc
    tok = lax.broadcasted_iota(I32, (T, 1), 0)
    trash = TRASH + (tok & (DISP_ROWS - TRASH - 1))
    ss = jnp.where(keep, slot, trash)
    gate = jnp.where(keep, gv, 0.0)
    cnt = jnp.concatenate(
        [carry.astype(I32), jnp.zeros((1, 16 - E), I32)], axis=1)
    return ss, gate, cnt


def _ffn_body(d_ref, wa_ref, ba_ref, wb_ref, bb_ref, h_ref):
    lhs = d_ref[...].astype(BF16)
    t = jnp.dot(lhs, wa_ref[0].astype(BF16), preferred_element_type=F32)
    t = t + ba_ref[0]
    h = jnp.dot(t.astype(BF16), wb_ref[0].astype(BF16),
                preferred_element_type=F32)
    h = h + bb_ref[0]
    h_ref[...] = h


def _w2_body(r_ref, g_ref, w_ref, b_ref, wg_ref, o_ref, ss_ref, pay_ref,
             cnt_ref, log_v):
    pid = pl.program_id(0)
    g = g_ref[...]
    lhs = jnp.where(g > 0, r_ref[...] * g, 0.0).astype(BF16)
    o = jnp.dot(lhs, w_ref[...].astype(BF16), preferred_element_type=F32)
    o = o + b_ref[...]
    o_ref[...] = o
    log_v[pl.ds(pid * _BLK1, _BLK1), :] = jnp.dot(
        o.astype(BF16), wg_ref[...].astype(BF16), preferred_element_type=F32)

    @pl.when(pid == pl.num_programs(0) - 1)
    def _():
        ss, gate, cnt = _routing_math(log_v[...])
        ss_ref[...] = ss
        cnt_ref[...] = cnt
        tok = lax.broadcasted_iota(I32, (T, 1), 0)
        lane = lax.broadcasted_iota(I32, (T, PW), 1)
        half0 = tok < S
        sel0 = jnp.logical_and(lane == 0, half0)
        sel1 = jnp.logical_and(lane == 1, jnp.logical_not(half0))
        pay_ref[...] = jnp.where(jnp.logical_or(sel0, sel1), gate, 0.0)


def _ffn2_final_body(d_ref, wa_ref, ba_ref, wb_ref, bb_ref, pay_ref,
                     cnt_ref, hs_ref, w3_ref, b3_ref, y_ref, out_ref,
                     acco_ref):
    e = pl.program_id(0)

    @pl.when(e == 0)
    def _():
        acco_ref[...] = jnp.zeros_like(acco_ref)
        out_ref[...] = jnp.zeros_like(out_ref)

    lhs = d_ref[...].astype(BF16)
    t = jnp.dot(lhs, wa_ref[0].astype(BF16), preferred_element_type=F32)
    t = t + ba_ref[0]
    h = jnp.dot(t.astype(BF16), wb_ref[0].astype(BF16),
                preferred_element_type=F32)
    h = h + bb_ref[0]
    lane16 = lax.broadcasted_iota(I32, (1, 16), 1)
    ce = jnp.sum(jnp.where(lane16 == e, cnt_ref[...], 0), keepdims=True)
    ri = lax.broadcasted_iota(I32, (CAP, 1), 0)
    valid = ri < ce
    h = jnp.where(valid, h, 0.0)
    pay = jnp.where(valid, pay_ref[...], 0.0)
    s0 = jnp.sum(pay[:, 0:1] * h, axis=0, keepdims=True)
    s1 = jnp.sum(pay[:, 1:2] * h, axis=0, keepdims=True)
    acco_ref[...] += jnp.concatenate([s0, s1], axis=0)

    @pl.when(e == pl.num_programs(0) - 1)
    def _():
        sent = hs_ref[...] * (1.0 / S)
        sent = sent + jnp.dot((acco_ref[...] * (1.0 / S)).astype(BF16),
                              w3_ref[...].astype(BF16),
                              preferred_element_type=F32)
        sent = sent + b3_ref[...]
        m = jnp.max(sent, axis=1, keepdims=True)
        lz = jnp.log(jnp.sum(jnp.exp(sent - m), axis=1, keepdims=True)) + m
        ci = lax.broadcasted_iota(I32, (B, H), 1)
        picked = jnp.sum(jnp.where(ci == y_ref[...], sent, 0.0),
                         axis=1, keepdims=True)
        out_ref[...] = jnp.sum(lz - picked, axis=0, keepdims=True) / B



def _stage1(xf, W1, b1, Wg1):
    grid = (T // _BLK1,)
    return pl.pallas_call(
        _stage1_body,
        grid=grid,
        in_specs=[
            pl.BlockSpec((_BLK1, H), lambda i: (i, 0)),
            pl.BlockSpec((H, H), lambda i: (0, 0)),
            pl.BlockSpec((1, H), lambda i: (0, 0)),
            pl.BlockSpec((H, E), lambda i: (0, 0)),
        ],
        out_specs=[
            pl.BlockSpec((_BLK1, H), lambda i: (i, 0)),
            pl.BlockSpec((T, 1), lambda i: (0, 0)),
            pl.BlockSpec((T, 1), lambda i: (0, 0)),
            pl.BlockSpec((1, 16), lambda i: (0, 0)),
            pl.BlockSpec((B, H), lambda i: (0, 0)),
        ],
        out_shape=[
            jax.ShapeDtypeStruct((T, H), F32),
            jax.ShapeDtypeStruct((T, 1), I32),
            jax.ShapeDtypeStruct((T, 1), F32),
            jax.ShapeDtypeStruct((1, 16), I32),
            jax.ShapeDtypeStruct((B, H), F32),
        ],
        scratch_shapes=[pltpu.VMEM((T, E), F32), pltpu.VMEM((B, H), F32)],
        compiler_params=pltpu.CompilerParams(
            dimension_semantics=("arbitrary",)),
    )(xf, W1, b1, Wg1)


def _ffn(disp, Wa, ba, Wb, bb):
    grid = (E,)
    return pl.pallas_call(
        _ffn_body,
        grid=grid,
        in_specs=[
            pl.BlockSpec((CAP, H), lambda e: (e, 0)),
            pl.BlockSpec((1, H, H), lambda e: (e, 0, 0)),
            pl.BlockSpec((1, 1, H), lambda e: (e, 0, 0)),
            pl.BlockSpec((1, H, H), lambda e: (e, 0, 0)),
            pl.BlockSpec((1, 1, H), lambda e: (e, 0, 0)),
        ],
        out_specs=[pl.BlockSpec((CAP, H), lambda e: (e, 0))],
        out_shape=[jax.ShapeDtypeStruct((T, H), F32)],
        compiler_params=pltpu.CompilerParams(
            dimension_semantics=("parallel",)),
    )(disp, Wa, ba, Wb, bb)[0]


def _w2(rows, gate, W2, b2, Wg2):
    grid = (T // _BLK1,)
    return pl.pallas_call(
        _w2_body,
        grid=grid,
        in_specs=[
            pl.BlockSpec((_BLK1, H), lambda i: (i, 0)),
            pl.BlockSpec((_BLK1, 1), lambda i: (i, 0)),
            pl.BlockSpec((H, H), lambda i: (0, 0)),
            pl.BlockSpec((1, H), lambda i: (0, 0)),
            pl.BlockSpec((H, E), lambda i: (0, 0)),
        ],
        out_specs=[
            pl.BlockSpec((_BLK1, H), lambda i: (i, 0)),
            pl.BlockSpec((T, 1), lambda i: (0, 0)),
            pl.BlockSpec((T, PW), lambda i: (0, 0)),
            pl.BlockSpec((1, 16), lambda i: (0, 0)),
        ],
        out_shape=[
            jax.ShapeDtypeStruct((T, H), F32),
            jax.ShapeDtypeStruct((T, 1), I32),
            jax.ShapeDtypeStruct((T, PW), F32),
            jax.ShapeDtypeStruct((1, 16), I32),
        ],
        scratch_shapes=[pltpu.VMEM((T, E), F32)],
        compiler_params=pltpu.CompilerParams(
            dimension_semantics=("arbitrary",)),
    )(rows, gate, W2, b2, Wg2)


def _ffn2_final(disp, Wa, ba, Wb, bb, pay_slot, cnt2, hs, W3, b3, y2):
    grid = (E,)
    return pl.pallas_call(
        _ffn2_final_body,
        grid=grid,
        in_specs=[
            pl.BlockSpec((CAP, H), lambda e: (e, 0)),
            pl.BlockSpec((1, H, H), lambda e: (e, 0, 0)),
            pl.BlockSpec((1, 1, H), lambda e: (e, 0, 0)),
            pl.BlockSpec((1, H, H), lambda e: (e, 0, 0)),
            pl.BlockSpec((1, 1, H), lambda e: (e, 0, 0)),
            pl.BlockSpec((CAP, PW), lambda e: (e, 0)),
            pl.BlockSpec((1, 16), lambda e: (0, 0)),
            pl.BlockSpec((B, H), lambda e: (0, 0)),
            pl.BlockSpec((H, H), lambda e: (0, 0)),
            pl.BlockSpec((1, H), lambda e: (0, 0)),
            pl.BlockSpec((B, 1), lambda e: (0, 0)),
        ],
        out_specs=[pl.BlockSpec((1, 1), lambda e: (0, 0))],
        out_shape=[jax.ShapeDtypeStruct((1, 1), F32)],
        scratch_shapes=[pltpu.VMEM((B, H), F32)],
        compiler_params=pltpu.CompilerParams(
            dimension_semantics=("arbitrary",)),
    )(disp, Wa, ba, Wb, bb, pay_slot, cnt2, hs, W3, b3, y2)[0]



def _sc_mesh():
    return plsc.VectorSubcoreMesh(core_axis_name="c", subcore_axis_name="s")


def _sc_dispatch(src, slots2):
    scratch = [
        pltpu.VMEM((NCH, GW), I32),
        pltpu.VMEM((NBUF, GW, H), F32),
        pltpu.VMEM((RPW, IW), I32),
    ] + [pltpu.SemaphoreType.DMA] * (2 * NBUF + 1)

    @functools.partial(
        pl.kernel,
        out_type=[jax.ShapeDtypeStruct((DISP_ROWS, H), F32),
                  jax.ShapeDtypeStruct((INV_ROWS, IW), I32)],
        mesh=_sc_mesh(),
        scratch_types=scratch,
        compiler_params=pltpu.CompilerParams(needs_layout_passes=False),
    )
    def k(src_hbm, slot2_hbm, out_hbm, inv_hbm, idx_v, buf, tok_v, *sems):
        sin, sout, stok = sems[:NBUF], sems[NBUF:2 * NBUF], sems[2 * NBUF]
        wid = lax.axis_index("s") * 2 + lax.axis_index("c")
        base = wid * RPW
        pltpu.sync_copy(slot2_hbm.at[pl.ds(wid * NCH, NCH)], idx_v)
        for j in range(RPW):
            tok_v[j, pl.ds(0, 16)] = jnp.full((16,), base + j, I32)
        tok_cps = [
            pltpu.async_copy(tok_v.at[pl.ds(j * GW, GW)],
                             inv_hbm.at[idx_v.at[j]], stok)
            for j in range(NCH)]

        ins = [None] * NCH
        outs = [None] * NCH
        for j in range(min(NBUF, NCH)):
            ins[j] = pltpu.async_copy(
                src_hbm.at[pl.ds(base + j * GW, GW)], buf.at[j % NBUF],
                sin[j % NBUF])
        for j in range(NCH):
            ins[j].wait()
            outs[j] = pltpu.async_copy(
                buf.at[j % NBUF], out_hbm.at[idx_v.at[j]], sout[j % NBUF])
            nxt = j + NBUF
            if nxt < NCH:
                outs[j].wait()
                ins[nxt] = pltpu.async_copy(
                    src_hbm.at[pl.ds(base + nxt * GW, GW)],
                    buf.at[nxt % NBUF], sin[nxt % NBUF])
        for j in range(max(0, NCH - NBUF), NCH):
            outs[j].wait()
        for cp in tok_cps:
            cp.wait()

    return k(src, slots2)


def _sc_dispatch2(src, slots2, pay):
    scratch = [
        pltpu.VMEM((NCH, GW), I32),
        pltpu.VMEM((NBUF, GW, H), F32),
        pltpu.VMEM((RPW, PW), F32),
    ] + [pltpu.SemaphoreType.DMA] * (2 * NBUF + 1)

    @functools.partial(
        pl.kernel,
        out_type=[jax.ShapeDtypeStruct((DISP_ROWS, H), F32),
                  jax.ShapeDtypeStruct((INV_ROWS, PW), F32)],
        mesh=_sc_mesh(),
        scratch_types=scratch,
        compiler_params=pltpu.CompilerParams(needs_layout_passes=False),
    )
    def k(src_hbm, slot2_hbm, pay_hbm, out_hbm, pays_hbm,
          idx_v, buf, pay_v, *sems):
        sin, sout, spay = sems[:NBUF], sems[NBUF:2 * NBUF], sems[2 * NBUF]
        wid = lax.axis_index("s") * 2 + lax.axis_index("c")
        base = wid * RPW
        pltpu.sync_copy(slot2_hbm.at[pl.ds(wid * NCH, NCH)], idx_v)
        pltpu.sync_copy(pay_hbm.at[pl.ds(base, RPW)], pay_v)
        pay_cps = [
            pltpu.async_copy(pay_v.at[pl.ds(j * GW, GW)],
                             pays_hbm.at[idx_v.at[j]], spay)
            for j in range(NCH)]

        ins = [None] * NCH
        outs = [None] * NCH
        for j in range(min(NBUF, NCH)):
            ins[j] = pltpu.async_copy(
                src_hbm.at[pl.ds(base + j * GW, GW)], buf.at[j % NBUF],
                sin[j % NBUF])
        for j in range(NCH):
            ins[j].wait()
            outs[j] = pltpu.async_copy(
                buf.at[j % NBUF], out_hbm.at[idx_v.at[j]], sout[j % NBUF])
            nxt = j + NBUF
            if nxt < NCH:
                outs[j].wait()
                ins[nxt] = pltpu.async_copy(
                    src_hbm.at[pl.ds(base + nxt * GW, GW)],
                    buf.at[nxt % NBUF], sin[nxt % NBUF])
        for j in range(max(0, NCH - NBUF), NCH):
            outs[j].wait()
        for cp in pay_cps:
            cp.wait()

    return k(src, slots2, pay)


def _sc_combine(h, inv16, counts):
    scratch = [
        pltpu.VMEM((RPW, IW), I32),
        pltpu.VMEM((NCH, GW), I32),
        pltpu.VMEM((NBUF, GW, H), F32),
        pltpu.VMEM((16,), I32),
    ] + [pltpu.SemaphoreType.DMA] * (2 * NBUF)

    @functools.partial(
        pl.kernel,
        out_type=jax.ShapeDtypeStruct((DISP_ROWS, H), F32),
        mesh=_sc_mesh(),
        scratch_types=scratch,
        compiler_params=pltpu.CompilerParams(needs_layout_passes=False),
    )
    def k(h_hbm, inv_hbm, cnt_hbm, out_hbm, inv_v, idx_v, buf, cnt_v, *sems):
        sin, sout = sems[:NBUF], sems[NBUF:]
        wid = lax.axis_index("s") * 2 + lax.axis_index("c")
        base = wid * RPW
        pltpu.sync_copy(inv_hbm.at[pl.ds(base, RPW)], inv_v)
        pltpu.sync_copy(cnt_hbm, cnt_v)
        e = base // CAP
        ce = plsc.load_gather(cnt_v, [jnp.full((16,), e, I32)])
        bound = e * CAP + jnp.minimum(ce, CAP)
        zeros = jnp.zeros((16,), I32)
        lane = lax.iota(I32, 16)
        for kk in range(RPW // 16):
            s = base + kk * 16 + lane
            ids = plsc.load_gather(inv_v, [kk * 16 + lane, zeros])
            valid = s < bound
            vals = jnp.where(valid, ids, TRASH + (s & (DISP_ROWS - TRASH - 1)))
            idx_v[(kk * 16) // GW, pl.ds((kk * 16) % GW, 16)] = vals

        ins = [None] * NCH
        outs = [None] * NCH
        for j in range(min(NBUF, NCH)):
            ins[j] = pltpu.async_copy(
                h_hbm.at[pl.ds(base + j * GW, GW)], buf.at[j % NBUF],
                sin[j % NBUF])
        for j in range(NCH):
            ins[j].wait()
            outs[j] = pltpu.async_copy(
                buf.at[j % NBUF], out_hbm.at[idx_v.at[j]], sout[j % NBUF])
            nxt = j + NBUF
            if nxt < NCH:
                outs[j].wait()
                ins[nxt] = pltpu.async_copy(
                    h_hbm.at[pl.ds(base + nxt * GW, GW)],
                    buf.at[nxt % NBUF], sin[nxt % NBUF])
        for j in range(max(0, NCH - NBUF), NCH):
            outs[j].wait()

    return k(h, inv16, counts)



def kernel(x, y, W1, b1, Wg1, We1a, be1a, We1b, be1b, W2, b2, Wg2,
           We2a, be2a, We2b, be2b, W3, b3):
    xf = x.reshape(T, H)
    hidden16, ss1, gate1, cnt1, hs = _stage1(xf, W1, b1.reshape(1, H), Wg1)
    disp1, inv1 = _sc_dispatch(hidden16, ss1.reshape(-1, GW))
    h1 = _ffn(disp1, We1a, be1a.reshape(E, 1, H),
              We1b, be1b.reshape(E, 1, H))
    rows1 = _sc_combine(h1, inv1, cnt1.reshape(16))

    out16, ss2, pay, cnt2 = _w2(rows1, gate1, W2, b2.reshape(1, H), Wg2)
    disp2, pay_slot = _sc_dispatch2(out16, ss2.reshape(-1, GW), pay)
    loss = _ffn2_final(disp2, We2a, be2a.reshape(E, 1, H),
                       We2b, be2b.reshape(E, 1, H), pay_slot, cnt2, hs,
                       W3, b3.reshape(1, H), y.reshape(B, 1).astype(I32))
    return loss.reshape(())

# --- scband reference (transcript-rebuilt; emitter-appended) ---
"""Pipeline reference for scband-simple-mo-emodel-91276644974696 (READ-ONLY COPY).

The authoritative reference and input builder live on the scoring server;
editing this copy changes nothing except your own understanding.
"""

import jax, jax.numpy as jnp
import numpy as np

HIDDEN = 1024
NUM_EXPERTS = 8
BATCH = 2
SEQ = 2048
NUM_CLASSES = HIDDEN


def _linear_params(key, fan_in, fan_out):
    k1, k2 = jax.random.split(key)
    bound = 1.0 / np.sqrt(fan_in)
    W = jax.random.uniform(k1, (fan_in, fan_out), minval=-bound, maxval=bound, dtype=jnp.float32)
    b = jax.random.uniform(k2, (fan_out,), minval=-bound, maxval=bound, dtype=jnp.float32)
    return W, b


def _expert_params(key, E, H):
    ks = jax.random.split(key, 4)
    bound = 1.0 / np.sqrt(H)
    Wa = jax.random.uniform(ks[0], (E, H, H), minval=-bound, maxval=bound, dtype=jnp.float32)
    ba = jax.random.uniform(ks[1], (E, H), minval=-bound, maxval=bound, dtype=jnp.float32)
    Wb = jax.random.uniform(ks[2], (E, H, H), minval=-bound, maxval=bound, dtype=jnp.float32)
    bb = jax.random.uniform(ks[3], (E, H), minval=-bound, maxval=bound, dtype=jnp.float32)
    return Wa, ba, Wb, bb


def setup_inputs(seed: int = 0) -> dict:
    key = jax.random.key(seed)
    ks = jax.random.split(key, 10)
    x = jax.random.normal(ks[0], (BATCH, SEQ, HIDDEN), dtype=jnp.float32)
    y = jax.random.randint(ks[1], (BATCH,), 0, NUM_CLASSES, dtype=jnp.int32)
    W1, b1 = _linear_params(ks[2], HIDDEN, HIDDEN)
    gb = 1.0 / np.sqrt(HIDDEN)
    Wg1 = jax.random.uniform(ks[3], (HIDDEN, NUM_EXPERTS), minval=-gb, maxval=gb, dtype=jnp.float32)
    We1a, be1a, We1b, be1b = _expert_params(ks[4], NUM_EXPERTS, HIDDEN)
    W2, b2 = _linear_params(ks[5], HIDDEN, HIDDEN)
    Wg2 = jax.random.uniform(ks[6], (HIDDEN, NUM_EXPERTS), minval=-gb, maxval=gb, dtype=jnp.float32)
    We2a, be2a, We2b, be2b = _expert_params(ks[7], NUM_EXPERTS, HIDDEN)
    W3, b3 = _linear_params(ks[8], HIDDEN, HIDDEN)
    return {"x": x, "y": y, "W1": W1, "b1": b1, "Wg1": Wg1,
            "We1a": We1a, "be1a": be1a, "We1b": We1b, "be1b": be1b,
            "W2": W2, "b2": b2, "Wg2": Wg2,
            "We2a": We2a, "be2a": be2a, "We2b": We2b, "be2b": be2b,
            "W3": W3, "b3": b3}


def _moe_top1(xf, Wg, Wa, ba, Wb, bb):
    # DeepSpeed-style top-1 gating with capacity_factor=1.0 (token dropping)
    T, H = xf.shape
    E = Wg.shape[1]
    cap = T // E
    logits = xf @ Wg
    gates = jax.nn.softmax(logits, axis=-1)
    idx = jnp.argmax(gates, axis=-1)
    mask1 = jax.nn.one_hot(idx, E, dtype=xf.dtype)
    locs = jnp.cumsum(mask1, axis=0) - 1.0
    loc = jnp.sum(locs * mask1, axis=1).astype(jnp.int32)
    keep = (loc < cap).astype(xf.dtype)
    gate_val = jnp.sum(gates * mask1, axis=1) * keep
    loc_c = jnp.minimum(loc, cap - 1)
    disp = jnp.zeros((E, cap, H), xf.dtype).at[idx, loc_c].add(xf * keep[:, None])
    h = jnp.einsum('ech,eho->eco', disp, Wa) + ba[:, None, :]
    h = jnp.einsum('ech,eho->eco', h, Wb) + bb[:, None, :]
    return h[idx, loc_c] * gate_val[:, None]


def reference(x, y, W1, b1, Wg1, We1a, be1a, We1b, be1b, W2, b2, Wg2, We2a, be2a, We2b, be2b, W3, b3):
    B, S, H = x.shape
    xf = x.reshape(B * S, H)
    hidden = xf @ W1 + b1
    out = _moe_top1(hidden, Wg1, We1a, be1a, We1b, be1b)
    out = out @ W2 + b2
    out = _moe_top1(out, Wg2, We2a, be2a, We2b, be2b)
    out = out @ W3 + b3
    hid = (hidden + out).reshape(B, S, H)
    sent = hid.mean(axis=1)
    logz = jax.nn.logsumexp(sent, axis=-1)
    picked = jnp.take_along_axis(sent, y[:, None].astype(jnp.int32), axis=1)[:, 0]
    return jnp.mean(logz - picked)

if __name__ == "__main__":
    import jax
    _d = setup_inputs()
    print(jax.jit(kernel)(*tuple(_d.values())))

</pallas_src>

<mosaic_0001>
#map = affine_map<(d0, d1) -> (0, 0)>
module attributes {stable_mosaic.version = 14 : i64} {
  func.func @k(%arg0: i32, %arg1: i32, %arg2: memref<4096x1024xf32, #tpu.memory_space<hbm>>, %arg3: memref<128x32xi32, #tpu.memory_space<hbm>>, %arg4: memref<4096x128xf32, #tpu.memory_space<hbm>>, %arg5: memref<4608x1024xf32, #tpu.memory_space<hbm>>, %arg6: memref<4608x128xf32, #tpu.memory_space<hbm>>, %arg7: memref<4x32xi32, #tpu.memory_space<vmem>>, %arg8: memref<3x32x1024xf32, #tpu.memory_space<vmem>>, %arg9: memref<128x128xf32, #tpu.memory_space<vmem>>, %arg10: memref<!tpu.dma_semaphore, #tpu.memory_space<semaphore_mem>>, %arg11: memref<!tpu.dma_semaphore, #tpu.memory_space<semaphore_mem>>, %arg12: memref<!tpu.dma_semaphore, #tpu.memory_space<semaphore_mem>>, %arg13: memref<!tpu.dma_semaphore, #tpu.memory_space<semaphore_mem>>, %arg14: memref<!tpu.dma_semaphore, #tpu.memory_space<semaphore_mem>>, %arg15: memref<!tpu.dma_semaphore, #tpu.memory_space<semaphore_mem>>, %arg16: memref<!tpu.dma_semaphore, #tpu.memory_space<semaphore_mem>>) attributes {dimension_semantics = [#tpu.dimension_semantics<core_parallel>, #tpu.dimension_semantics<subcore_parallel>], iteration_bounds = array<i64: 2, 16>, scalar_prefetch = 0 : i64, scratch_operands = 10 : i64, tpu.core_type = #tpu.core_type<sc_vector_subcore>, window_params = [{transform_indices = #map}, {transform_indices = #map}, {transform_indices = #map}, {transform_indices = #map}, {transform_indices = #map}]} {
    %mul3A = arith.constant 2 : i32
    %mul3A_0 = arith.muli %arg1, %mul3A : i32
    %add3A = arith.addi %mul3A_0, %arg0 : i32
    %mul3A_1 = arith.constant 128 : i32
    %mul3A_2 = arith.muli %add3A, %mul3A_1 : i32
    %mul3A_3 = arith.constant 4 : i32
    %mul3A_4 = arith.muli %add3A, %mul3A_3 : i32
    "tpu.region"() ({
      %run_scoped3A = tpu.sem_alloc : memref<!tpu.dma_semaphore, #tpu.memory_space<semaphore_mem>>
      %dma_start3A_291 = arith.constant 0 : i32
      %dma_start3A_292 = tpu.memref_slice %arg3[%mul3A_4, %dma_start3A_291] : memref<128x32xi32, #tpu.memory_space<hbm>> -> memref<4x32xi32, #tpu.memory_space<hbm>>
      %dma_start3A_293 = arith.constant 0 : i32
      %dma_start3A_294 = tpu.memref_slice %arg3[%mul3A_4, %dma_start3A_293] : memref<128x32xi32, #tpu.memory_space<hbm>> -> memref<4x32xi32, #tpu.memory_space<hbm>>
      tpu.enqueue_dma source(%dma_start3A_294 : memref<4x32xi32, #tpu.memory_space<hbm>>) target(%arg7 : memref<4x32xi32, #tpu.memory_space<vmem>>) target_semaphore(%run_scoped3A : memref<!tpu.dma_semaphore, #tpu.memory_space<semaphore_mem>>)
      %dma_wait3A_295 = arith.constant 0 : i32
      %dma_wait3A_296 = tpu.memref_slice %arg3[%mul3A_4, %dma_wait3A_295] : memref<128x32xi32, #tpu.memory_space<hbm>> -> memref<4x32xi32, #tpu.memory_space<hbm>>
      %dma_wait3A_297 = arith.constant 0 : i32
      %dma_wait3A_298 = tpu.memref_slice %arg3[%mul3A_4, %dma_wait3A_297] : memref<128x32xi32, #tpu.memory_space<hbm>> -> memref<4x32xi32, #tpu.memory_space<hbm>>
      tpu.wait_dma2 semaphore(%run_scoped3A : memref<!tpu.dma_semaphore, #tpu.memory_space<semaphore_mem>>) src(%dma_wait3A_298 : memref<4x32xi32, #tpu.memory_space<hbm>>) dst(%arg7 : memref<4x32xi32, #tpu.memory_space<vmem>>)
      tpu.yield
    }) : () -> ()
    "tpu.region"() ({
      %run_scoped3A = tpu.sem_alloc : memref<!tpu.dma_semaphore, #tpu.memory_space<semaphore_mem>>
      %dma_start3A_291 = arith.constant 0 : i32
      %dma_start3A_292 = tpu.memref_slice %arg4[%mul3A_2, %dma_start3A_291] : memref<4096x128xf32, #tpu.memory_space<hbm>> -> memref<128x128xf32, #tpu.memory_space<hbm>>
      %dma_start3A_293 = arith.constant 0 : i32
      %dma_start3A_294 = tpu.memref_slice %arg4[%mul3A_2, %dma_start3A_293] : memref<4096x128xf32, #tpu.memory_space<hbm>> -> memref<128x128xf32, #tpu.memory_space<hbm>>
      tpu.enqueue_dma source(%dma_start3A_294 : memref<128x128xf32, #tpu.memory_space<hbm>>) target(%arg9 : memref<128x128xf32, #tpu.memory_space<vmem>>) target_semaphore(%run_scoped3A : memref<!tpu.dma_semaphore, #tpu.memory_space<semaphore_mem>>)
      %dma_wait3A_295 = arith.constant 0 : i32
      %dma_wait3A_296 = tpu.memref_slice %arg4[%mul3A_2, %dma_wait3A_295] : memref<4096x128xf32, #tpu.memory_space<hbm>> -> memref<128x128xf32, #tpu.memory_space<hbm>>
      %dma_wait3A_297 = arith.constant 0 : i32
      %dma_wait3A_298 = tpu.memref_slice %arg4[%mul3A_2, %dma_wait3A_297] : memref<4096x128xf32, #tpu.memory_space<hbm>> -> memref<128x128xf32, #tpu.memory_space<hbm>>
      tpu.wait_dma2 semaphore(%run_scoped3A : memref<!tpu.dma_semaphore, #tpu.memory_space<semaphore_mem>>) src(%dma_wait3A_298 : memref<128x128xf32, #tpu.memory_space<hbm>>) dst(%arg9 : memref<128x128xf32, #tpu.memory_space<vmem>>)
      tpu.yield
    }) : () -> ()
    %dma_start3A = arith.constant 0 : i32
    %dma_start3A_5 = arith.constant 0 : i32
    %dma_start3A_6 = arith.constant 0 : i32
    %dma_start3A_7 = tpu.memref_slice %arg9[%dma_start3A_5, %dma_start3A_6] : memref<128x128xf32, #tpu.memory_space<vmem>> -> memref<32x128xf32, #tpu.memory_space<vmem>>
    %dma_start3A_8 = arith.constant 0 : i32
    %dma_start3A_9 = tpu.memref_slice %arg7[%dma_start3A, %dma_start3A_8] : memref<4x32xi32, #tpu.memory_space<vmem>> -> memref<1x32xi32, #tpu.memory_space<vmem>>
    %dma_start3A_10 = tpu.memref_squeeze %dma_start3A_9 : memref<1x32xi32, #tpu.memory_space<vmem>> -> memref<32xi32, #tpu.memory_space<vmem>>
    %dma_start3A_11 = arith.constant 0 : i32
    %dma_start3A_12 = arith.constant 0 : i32
    %dma_start3A_13 = tpu.memref_slice %arg6[%dma_start3A_11, %dma_start3A_12] : memref<4608x128xf32, #tpu.memory_space<hbm>> -> memref<4608x128xf32, #tpu.memory_space<hbm>>
    tpu.enqueue_indirect_dma source(%dma_start3A_7 : memref<32x128xf32, #tpu.memory_space<vmem>>) target(%dma_start3A_13 : memref<4608x128xf32, #tpu.memory_space<hbm>>) offsets(%dma_start3A_10 : memref<32xi32, #tpu.memory_space<vmem>>) semaphore(%arg16 : memref<!tpu.dma_semaphore, #tpu.memory_space<semaphore_mem>>)
    %dma_start3A_14 = arith.constant 1 : i32
    %dma_start3A_15 = arith.constant 32 : i32
    %dma_start3A_16 = arith.constant 0 : i32
    %dma_start3A_17 = tpu.memref_slice %arg9[%dma_start3A_15, %dma_start3A_16] : memref<128x128xf32, #tpu.memory_space<vmem>> -> memref<32x128xf32, #tpu.memory_space<vmem>>
    %dma_start3A_18 = arith.constant 0 : i32
    %dma_start3A_19 = tpu.memref_slice %arg7[%dma_start3A_14, %dma_start3A_18] : memref<4x32xi32, #tpu.memory_space<vmem>> -> memref<1x32xi32, #tpu.memory_space<vmem>>
    %dma_start3A_20 = tpu.memref_squeeze %dma_start3A_19 : memref<1x32xi32, #tpu.memory_space<vmem>> -> memref<32xi32, #tpu.memory_space<vmem>>
    %dma_start3A_21 = arith.constant 0 : i32
    %dma_start3A_22 = arith.constant 0 : i32
    %dma_start3A_23 = tpu.memref_slice %arg6[%dma_start3A_21, %dma_start3A_22] : memref<4608x128xf32, #tpu.memory_space<hbm>> -> memref<4608x128xf32, #tpu.memory_space<hbm>>
    tpu.enqueue_indirect_dma source(%dma_start3A_17 : memref<32x128xf32, #tpu.memory_space<vmem>>) target(%dma_start3A_23 : memref<4608x128xf32, #tpu.memory_space<hbm>>) offsets(%dma_start3A_20 : memref<32xi32, #tpu.memory_space<vmem>>) semaphore(%arg16 : memref<!tpu.dma_semaphore, #tpu.memory_space<semaphore_mem>>)
    %dma_start3A_24 = arith.constant 2 : i32
    %dma_start3A_25 = arith.constant 64 : i32
    %dma_start3A_26 = arith.constant 0 : i32
    %dma_start3A_27 = tpu.memref_slice %arg9[%dma_start3A_25, %dma_start3A_26] : memref<128x128xf32, #tpu.memory_space<vmem>> -> memref<32x128xf32, #tpu.memory_space<vmem>>
    %dma_start3A_28 = arith.constant 0 : i32
    %dma_start3A_29 = tpu.memref_slice %arg7[%dma_start3A_24, %dma_start3A_28] : memref<4x32xi32, #tpu.memory_space<vmem>> -> memref<1x32xi32, #tpu.memory_space<vmem>>
    %dma_start3A_30 = tpu.memref_squeeze %dma_start3A_29 : memref<1x32xi32, #tpu.memory_space<vmem>> -> memref<32xi32, #tpu.memory_space<vmem>>
    %dma_start3A_31 = arith.constant 0 : i32
    %dma_start3A_32 = arith.constant 0 : i32
    %dma_start3A_33 = tpu.memref_slice %arg6[%dma_start3A_31, %dma_start3A_32] : memref<4608x128xf32, #tpu.memory_space<hbm>> -> memref<4608x128xf32, #tpu.memory_space<hbm>>
    tpu.enqueue_indirect_dma source(%dma_start3A_27 : memref<32x128xf32, #tpu.memory_space<vmem>>) target(%dma_start3A_33 : memref<4608x128xf32, #tpu.memory_space<hbm>>) offsets(%dma_start3A_30 : memref<32xi32, #tpu.memory_space<vmem>>) semaphore(%arg16 : memref<!tpu.dma_semaphore, #tpu.memory_space<semaphore_mem>>)
    %dma_start3A_34 = arith.constant 3 : i32
    %dma_start3A_35 = arith.constant 96 : i32
    %dma_start3A_36 = arith.constant 0 : i32
    %dma_start3A_37 = tpu.memref_slice %arg9[%dma_start3A_35, %dma_start3A_36] : memref<128x128xf32, #tpu.memory_space<vmem>> -> memref<32x128xf32, #tpu.memory_space<vmem>>
    %dma_start3A_38 = arith.constant 0 : i32
    %dma_start3A_39 = tpu.memref_slice %arg7[%dma_start3A_34, %dma_start3A_38] : memref<4x32xi32, #tpu.memory_space<vmem>> -> memref<1x32xi32, #tpu.memory_space<vmem>>
    %dma_start3A_40 = tpu.memref_squeeze %dma_start3A_39 : memref<1x32xi32, #tpu.memory_space<vmem>> -> memref<32xi32, #tpu.memory_space<vmem>>
    %dma_start3A_41 = arith.constant 0 : i32
    %dma_start3A_42 = arith.constant 0 : i32
    %dma_start3A_43 = tpu.memref_slice %arg6[%dma_start3A_41, %dma_start3A_42] : memref<4608x128xf32, #tpu.memory_space<hbm>> -> memref<4608x128xf32, #tpu.memory_space<hbm>>
    tpu.enqueue_indirect_dma source(%dma_start3A_37 : memref<32x128xf32, #tpu.memory_space<vmem>>) target(%dma_start3A_43 : memref<4608x128xf32, #tpu.memory_space<hbm>>) offsets(%dma_start3A_40 : memref<32xi32, #tpu.memory_space<vmem>>) semaphore(%arg16 : memref<!tpu.dma_semaphore, #tpu.memory_space<semaphore_mem>>)
    %add3A_44 = arith.constant 0 : i32
    %add3A_45 = arith.addi %mul3A_2, %add3A_44 : i32
    %dma_start3A_46 = arith.constant 0 : i32
    %dma_start3A_47 = arith.constant 0 : i32
    %dma_start3A_48 = arith.constant 0 : i32
    %dma_start3A_49 = tpu.memref_slice %arg8[%dma_start3A_46, %dma_start3A_47, %dma_start3A_48] : memref<3x32x1024xf32, #tpu.memory_space<vmem>> -> memref<1x32x1024xf32, #tpu.memory_space<vmem>>
    %dma_start3A_50 = tpu.memref_squeeze %dma_start3A_49 : memref<1x32x1024xf32, #tpu.memory_space<vmem>> -> memref<32x1024xf32, #tpu.memory_space<vmem>>
    %dma_start3A_51 = arith.constant 0 : i32
    %dma_start3A_52 = tpu.memref_slice %arg2[%add3A_45, %dma_start3A_51] : memref<4096x1024xf32, #tpu.memory_space<hbm>> -> memref<32x1024xf32, #tpu.memory_space<hbm>>
    %dma_start3A_53 = arith.constant 0 : i32
    %dma_start3A_54 = arith.constant 0 : i32
    %dma_start3A_55 = tpu.memref_slice %arg8[%dma_start3A_46, %dma_start3A_53, %dma_start3A_54] : memref<3x32x1024xf32, #tpu.memory_space<vmem>> -> memref<1x32x1024xf32, #tpu.memory_space<vmem>>
    %dma_start3A_56 = tpu.memref_squeeze %dma_start3A_55 : memref<1x32x1024xf32, #tpu.memory_space<vmem>> -> memref<32x1024xf32, #tpu.memory_space<vmem>>
    %dma_start3A_57 = arith.constant 0 : i32
    %dma_start3A_58 = tpu.memref_slice %arg2[%add3A_45, %dma_start3A_57] : memref<4096x1024xf32, #tpu.memory_space<hbm>> -> memref<32x1024xf32, #tpu.memory_space<hbm>>
    tpu.enqueue_dma source(%dma_start3A_58 : memref<32x1024xf32, #tpu.memory_space<hbm>>) target(%dma_start3A_56 : memref<32x1024xf32, #tpu.memory_space<vmem>>) target_semaphore(%arg10 : memref<!tpu.dma_semaphore, #tpu.memory_space<semaphore_mem>>)
    %add3A_59 = arith.constant 32 : i32
    %add3A_60 = arith.addi %mul3A_2, %add3A_59 : i32
    %dma_start3A_61 = arith.constant 1 : i32
    %dma_start3A_62 = arith.constant 0 : i32
    %dma_start3A_63 = arith.constant 0 : i32
    %dma_start3A_64 = tpu.memref_slice %arg8[%dma_start3A_61, %dma_start3A_62, %dma_start3A_63] : memref<3x32x1024xf32, #tpu.memory_space<vmem>> -> memref<1x32x1024xf32, #tpu.memory_space<vmem>>
    %dma_start3A_65 = tpu.memref_squeeze %dma_start3A_64 : memref<1x32x1024xf32, #tpu.memory_space<vmem>> -> memref<32x1024xf32, #tpu.memory_space<vmem>>
    %dma_start3A_66 = arith.constant 0 : i32
    %dma_start3A_67 = tpu.memref_slice %arg2[%add3A_60, %dma_start3A_66] : memref<4096x1024xf32, #tpu.memory_space<hbm>> -> memref<32x1024xf32, #tpu.memory_space<hbm>>
    %dma_start3A_68 = arith.constant 0 : i32
    %dma_start3A_69 = arith.constant 0 : i32
    %dma_start3A_70 = tpu.memref_slice %arg8[%dma_start3A_61, %dma_start3A_68, %dma_start3A_69] : memref<3x32x1024xf32, #tpu.memory_space<vmem>> -> memref<1x32x1024xf32, #tpu.memory_space<vmem>>
    %dma_start3A_71 = tpu.memref_squeeze %dma_start3A_70 : memref<1x32x1024xf32, #tpu.memory_space<vmem>> -> memref<32x1024xf32, #tpu.memory_space<vmem>>
    %dma_start3A_72 = arith.constant 0 : i32
    %dma_start3A_73 = tpu.memref_slice %arg2[%add3A_60, %dma_start3A_72] : memref<4096x1024xf32, #tpu.memory_space<hbm>> -> memref<32x1024xf32, #tpu.memory_space<hbm>>
    tpu.enqueue_dma source(%dma_start3A_73 : memref<32x1024xf32, #tpu.memory_space<hbm>>) target(%dma_start3A_71 : memref<32x1024xf32, #tpu.memory_space<vmem>>) target_semaphore(%arg11 : memref<!tpu.dma_semaphore, #tpu.memory_space<semaphore_mem>>)
    %add3A_74 = arith.constant 64 : i32
    %add3A_75 = arith.addi %mul3A_2, %add3A_74 : i32
    %dma_start3A_76 = arith.constant 2 : i32
    %dma_start3A_77 = arith.constant 0 : i32
    %dma_start3A_78 = arith.constant 0 : i32
    %dma_start3A_79 = tpu.memref_slice %arg8[%dma_start3A_76, %dma_start3A_77, %dma_start3A_78] : memref<3x32x1024xf32, #tpu.memory_space<vmem>> -> memref<1x32x1024xf32, #tpu.memory_space<vmem>>
    %dma_start3A_80 = tpu.memref_squeeze %dma_start3A_79 : memref<1x32x1024xf32, #tpu.memory_space<vmem>> -> memref<32x1024xf32, #tpu.memory_space<vmem>>
    %dma_start3A_81 = arith.constant 0 : i32
    %dma_start3A_82 = tpu.memref_slice %arg2[%add3A_75, %dma_start3A_81] : memref<4096x1024xf32, #tpu.memory_space<hbm>> -> memref<32x1024xf32, #tpu.memory_space<hbm>>
    %dma_start3A_83 = arith.constant 0 : i32
    %dma_start3A_84 = arith.constant 0 : i32
    %dma_start3A_85 = tpu.memref_slice %arg8[%dma_start3A_76, %dma_start3A_83, %dma_start3A_84] : memref<3x32x1024xf32, #tpu.memory_space<vmem>> -> memref<1x32x1024xf32, #tpu.memory_space<vmem>>
    %dma_start3A_86 = tpu.memref_squeeze %dma_start3A_85 : memref<1x32x1024xf32, #tpu.memory_space<vmem>> -> memref<32x1024xf32, #tpu.memory_space<vmem>>
    %dma_start3A_87 = arith.constant 0 : i32
    %dma_start3A_88 = tpu.memref_slice %arg2[%add3A_75, %dma_start3A_87] : memref<4096x1024xf32, #tpu.memory_space<hbm>> -> memref<32x1024xf32, #tpu.memory_space<hbm>>
    tpu.enqueue_dma source(%dma_start3A_88 : memref<32x1024xf32, #tpu.memory_space<hbm>>) target(%dma_start3A_86 : memref<32x1024xf32, #tpu.memory_space<vmem>>) target_semaphore(%arg12 : memref<!tpu.dma_semaphore, #tpu.memory_space<semaphore_mem>>)
    %dma_wait3A = arith.constant 0 : i32
    %dma_wait3A_89 = arith.constant 0 : i32
    %dma_wait3A_90 = arith.constant 0 : i32
    %dma_wait3A_91 = tpu.memref_slice %arg8[%dma_wait3A, %dma_wait3A_89, %dma_wait3A_90] : memref<3x32x1024xf32, #tpu.memory_space<vmem>> -> memref<1x32x1024xf32, #tpu.memory_space<vmem>>
    %dma_wait3A_92 = tpu.memref_squeeze %dma_wait3A_91 : memref<1x32x1024xf32, #tpu.memory_space<vmem>> -> memref<32x1024xf32, #tpu.memory_space<vmem>>
    %dma_wait3A_93 = arith.constant 0 : i32
    %dma_wait3A_94 = tpu.memref_slice %arg2[%add3A_45, %dma_wait3A_93] : memref<4096x1024xf32, #tpu.memory_space<hbm>> -> memref<32x1024xf32, #tpu.memory_space<hbm>>
    %dma_wait3A_95 = arith.constant 0 : i32
    %dma_wait3A_96 = arith.constant 0 : i32
    %dma_wait3A_97 = tpu.memref_slice %arg8[%dma_wait3A, %dma_wait3A_95, %dma_wait3A_96] : memref<3x32x1024xf32, #tpu.memory_space<vmem>> -> memref<1x32x1024xf32, #tpu.memory_space<vmem>>
    %dma_wait3A_98 = tpu.memref_squeeze %dma_wait3A_97 : memref<1x32x1024xf32, #tpu.memory_space<vmem>> -> memref<32x1024xf32, #tpu.memory_space<vmem>>
    %dma_wait3A_99 = arith.constant 0 : i32
    %dma_wait3A_100 = tpu.memref_slice %arg2[%add3A_45, %dma_wait3A_99] : memref<4096x1024xf32, #tpu.memory_space<hbm>> -> memref<32x1024xf32, #tpu.memory_space<hbm>>
    tpu.wait_dma2 semaphore(%arg10 : memref<!tpu.dma_semaphore, #tpu.memory_space<semaphore_mem>>) src(%dma_wait3A_100 : memref<32x1024xf32, #tpu.memory_space<hbm>>) dst(%dma_wait3A_98 : memref<32x1024xf32, #tpu.memory_space<vmem>>)
    %dma_start3A_101 = arith.constant 0 : i32
    %dma_start3A_102 = arith.constant 0 : i32
    %dma_start3A_103 = arith.constant 0 : i32
    %dma_start3A_104 = arith.constant 0 : i32
    %dma_start3A_105 = tpu.memref_slice %arg8[%dma_start3A_101, %dma_start3A_103, %dma_start3A_104] : memref<3x32x1024xf32, #tpu.memory_space<vmem>> -> memref<1x32x1024xf32, #tpu.memory_space<vmem>>
    %dma_start3A_106 = tpu.memref_squeeze %dma_start3A_105 : memref<1x32x1024xf32, #tpu.memory_space<vmem>> -> memref<32x1024xf32, #tpu.memory_space<vmem>>
    %dma_start3A_107 = arith.constant 0 : i32
    %dma_start3A_108 = tpu.memref_slice %arg7[%dma_start3A_102, %dma_start3A_107] : memref<4x32xi32, #tpu.memory_space<vmem>> -> memref<1x32xi32, #tpu.memory_space<vmem>>
    %dma_start3A_109 = tpu.memref_squeeze %dma_start3A_108 : memref<1x32xi32, #tpu.memory_space<vmem>> -> memref<32xi32, #tpu.memory_space<vmem>>
    %dma_start3A_110 = arith.constant 0 : i32
    %dma_start3A_111 = arith.constant 0 : i32
    %dma_start3A_112 = tpu.memref_slice %arg5[%dma_start3A_110, %dma_start3A_111] : memref<4608x1024xf32, #tpu.memory_space<hbm>> -> memref<4608x1024xf32, #tpu.memory_space<hbm>>
    tpu.enqueue_indirect_dma source(%dma_start3A_106 : memref<32x1024xf32, #tpu.memory_space<vmem>>) target(%dma_start3A_112 : memref<4608x1024xf32, #tpu.memory_space<hbm>>) offsets(%dma_start3A_109 : memref<32xi32, #tpu.memory_space<vmem>>) semaphore(%arg13 : memref<!tpu.dma_semaphore, #tpu.memory_space<semaphore_mem>>)
    %dma_wait3A_113 = arith.constant 0 : i32
    %dma_wait3A_114 = arith.constant 0 : i32
    %dma_wait3A_115 = arith.constant 0 : i32
    %dma_wait3A_116 = arith.constant 0 : i32
    %dma_wait3A_117 = tpu.memref_slice %arg8[%dma_wait3A_113, %dma_wait3A_115, %dma_wait3A_116] : memref<3x32x1024xf32, #tpu.memory_space<vmem>> -> memref<1x32x1024xf32, #tpu.memory_space<vmem>>
    %dma_wait3A_118 = tpu.memref_squeeze %dma_wait3A_117 : memref<1x32x1024xf32, #tpu.memory_space<vmem>> -> memref<32x1024xf32, #tpu.memory_space<vmem>>
    %dma_wait3A_119 = arith.constant 0 : i32
    %dma_wait3A_120 = tpu.memref_slice %arg7[%dma_wait3A_114, %dma_wait3A_119] : memref<4x32xi32, #tpu.memory_space<vmem>> -> memref<1x32xi32, #tpu.memory_space<vmem>>
    %dma_wait3A_121 = tpu.memref_squeeze %dma_wait3A_120 : memref<1x32xi32, #tpu.memory_space<vmem>> -> memref<32xi32, #tpu.memory_space<vmem>>
    %dma_wait3A_122 = arith.constant 0 : i32
    %dma_wait3A_123 = arith.constant 0 : i32
    %dma_wait3A_124 = tpu.memref_slice %arg5[%dma_wait3A_122, %dma_wait3A_123] : memref<4608x1024xf32, #tpu.memory_space<hbm>> -> memref<4608x1024xf32, #tpu.memory_space<hbm>>
    tpu.wait_indirect_dma semaphore(%arg13 : memref<!tpu.dma_semaphore, #tpu.memory_space<semaphore_mem>>) src(%dma_wait3A_118 : memref<32x1024xf32, #tpu.memory_space<vmem>>) dst(%dma_wait3A_124 : memref<4608x1024xf32, #tpu.memory_space<hbm>>)
    %add3A_125 = arith.constant 96 : i32
    %add3A_126 = arith.addi %mul3A_2, %add3A_125 : i32
    %dma_start3A_127 = arith.constant 0 : i32
    %dma_start3A_128 = arith.constant 0 : i32
    %dma_start3A_129 = arith.constant 0 : i32
    %dma_start3A_130 = tpu.memref_slice %arg8[%dma_start3A_127, %dma_start3A_128, %dma_start3A_129] : memref<3x32x1024xf32, #tpu.memory_space<vmem>> -> memref<1x32x1024xf32, #tpu.memory_space<vmem>>
    %dma_start3A_131 = tpu.memref_squeeze %dma_start3A_130 : memref<1x32x1024xf32, #tpu.memory_space<vmem>> -> memref<32x1024xf32, #tpu.memory_space<vmem>>
    %dma_start3A_132 = arith.constant 0 : i32
    %dma_start3A_133 = tpu.memref_slice %arg2[%add3A_126, %dma_start3A_132] : memref<4096x1024xf32, #tpu.memory_space<hbm>> -> memref<32x1024xf32, #tpu.memory_space<hbm>>
    %dma_start3A_134 = arith.constant 0 : i32
    %dma_start3A_135 = arith.constant 0 : i32
    %dma_start3A_136 = tpu.memref_slice %arg8[%dma_start3A_127, %dma_start3A_134, %dma_start3A_135] : memref<3x32x1024xf32, #tpu.memory_space<vmem>> -> memref<1x32x1024xf32, #tpu.memory_space<vmem>>
    %dma_start3A_137 = tpu.memref_squeeze %dma_start3A_136 : memref<1x32x1024xf32, #tpu.memory_space<vmem>> -> memref<32x1024xf32, #tpu.memory_space<vmem>>
    %dma_start3A_138 = arith.constant 0 : i32
    %dma_start3A_139 = tpu.memref_slice %arg2[%add3A_126, %dma_start3A_138] : memref<4096x1024xf32, #tpu.memory_space<hbm>> -> memref<32x1024xf32, #tpu.memory_space<hbm>>
    tpu.enqueue_dma source(%dma_start3A_139 : memref<32x1024xf32, #tpu.memory_space<hbm>>) target(%dma_start3A_137 : memref<32x1024xf32, #tpu.memory_space<vmem>>) target_semaphore(%arg10 : memref<!tpu.dma_semaphore, #tpu.memory_space<semaphore_mem>>)
    %dma_wait3A_140 = arith.constant 1 : i32
    %dma_wait3A_141 = arith.constant 0 : i32
    %dma_wait3A_142 = arith.constant 0 : i32
    %dma_wait3A_143 = tpu.memref_slice %arg8[%dma_wait3A_140, %dma_wait3A_141, %dma_wait3A_142] : memref<3x32x1024xf32, #tpu.memory_space<vmem>> -> memref<1x32x1024xf32, #tpu.memory_space<vmem>>
    %dma_wait3A_144 = tpu.memref_squeeze %dma_wait3A_143 : memref<1x32x1024xf32, #tpu.memory_space<vmem>> -> memref<32x1024xf32, #tpu.memory_space<vmem>>
    %dma_wait3A_145 = arith.constant 0 : i32
    %dma_wait3A_146 = tpu.memref_slice %arg2[%add3A_60, %dma_wait3A_145] : memref<4096x1024xf32, #tpu.memory_space<hbm>> -> memref<32x1024xf32, #tpu.memory_space<hbm>>
    %dma_wait3A_147 = arith.constant 0 : i32
    %dma_wait3A_148 = arith.constant 0 : i32
    %dma_wait3A_149 = tpu.memref_slice %arg8[%dma_wait3A_140, %dma_wait3A_147, %dma_wait3A_148] : memref<3x32x1024xf32, #tpu.memory_space<vmem>> -> memref<1x32x1024xf32, #tpu.memory_space<vmem>>
    %dma_wait3A_150 = tpu.memref_squeeze %dma_wait3A_149 : memref<1x32x1024xf32, #tpu.memory_space<vmem>> -> memref<32x1024xf32, #tpu.memory_space<vmem>>
    %dma_wait3A_151 = arith.constant 0 : i32
    %dma_wait3A_152 = tpu.memref_slice %arg2[%add3A_60, %dma_wait3A_151] : memref<4096x1024xf32, #tpu.memory_space<hbm>> -> memref<32x1024xf32, #tpu.memory_space<hbm>>
    tpu.wait_dma2 semaphore(%arg11 : memref<!tpu.dma_semaphore, #tpu.memory_space<semaphore_mem>>) src(%dma_wait3A_152 : memref<32x1024xf32, #tpu.memory_space<hbm>>) dst(%dma_wait3A_150 : memref<32x1024xf32, #tpu.memory_space<vmem>>)
    %dma_start3A_153 = arith.constant 1 : i32
    %dma_start3A_154 = arith.constant 1 : i32
    %dma_start3A_155 = arith.constant 0 : i32
    %dma_start3A_156 = arith.constant 0 : i32
    %dma_start3A_157 = tpu.memref_slice %arg8[%dma_start3A_153, %dma_start3A_155, %dma_start3A_156] : memref<3x32x1024xf32, #tpu.memory_space<vmem>> -> memref<1x32x1024xf32, #tpu.memory_space<vmem>>
    %dma_start3A_158 = tpu.memref_squeeze %dma_start3A_157 : memref<1x32x1024xf32, #tpu.memory_space<vmem>> -> memref<32x1024xf32, #tpu.memory_space<vmem>>
    %dma_start3A_159 = arith.constant 0 : i32
    %dma_start3A_160 = tpu.memref_slice %arg7[%dma_start3A_154, %dma_start3A_159] : memref<4x32xi32, #tpu.memory_space<vmem>> -> memref<1x32xi32, #tpu.memory_space<vmem>>
    %dma_start3A_161 = tpu.memref_squeeze %dma_start3A_160 : memref<1x32xi32, #tpu.memory_space<vmem>> -> memref<32xi32, #tpu.memory_space<vmem>>
    %dma_start3A_162 = arith.constant 0 : i32
    %dma_start3A_163 = arith.constant 0 : i32
    %dma_start3A_164 = tpu.memref_slice %arg5[%dma_start3A_162, %dma_start3A_163] : memref<4608x1024xf32, #tpu.memory_space<hbm>> -> memref<4608x1024xf32, #tpu.memory_space<hbm>>
    tpu.enqueue_indirect_dma source(%dma_start3A_158 : memref<32x1024xf32, #tpu.memory_space<vmem>>) target(%dma_start3A_164 : memref<4608x1024xf32, #tpu.memory_space<hbm>>) offsets(%dma_start3A_161 : memref<32xi32, #tpu.memory_space<vmem>>) semaphore(%arg14 : memref<!tpu.dma_semaphore, #tpu.memory_space<semaphore_mem>>)
    %dma_wait3A_165 = arith.constant 2 : i32
    %dma_wait3A_166 = arith.constant 0 : i32
    %dma_wait3A_167 = arith.constant 0 : i32
    %dma_wait3A_168 = tpu.memref_slice %arg8[%dma_wait3A_165, %dma_wait3A_166, %dma_wait3A_167] : memref<3x32x1024xf32, #tpu.memory_space<vmem>> -> memref<1x32x1024xf32, #tpu.memory_space<vmem>>
    %dma_wait3A_169 = tpu.memref_squeeze %dma_wait3A_168 : memref<1x32x1024xf32, #tpu.memory_space<vmem>> -> memref<32x1024xf32, #tpu.memory_space<vmem>>
    %dma_wait3A_170 = arith.constant 0 : i32
    %dma_wait3A_171 = tpu.memref_slice %arg2[%add3A_75, %dma_wait3A_170] : memref<4096x1024xf32, #tpu.memory_space<hbm>> -> memref<32x1024xf32, #tpu.memory_space<hbm>>
    %dma_wait3A_172 = arith.constant 0 : i32
    %dma_wait3A_173 = arith.constant 0 : i32
    %dma_wait3A_174 = tpu.memref_slice %arg8[%dma_wait3A_165, %dma_wait3A_172, %dma_wait3A_173] : memref<3x32x1024xf32, #tpu.memory_space<vmem>> -> memref<1x32x1024xf32, #tpu.memory_space<vmem>>
    %dma_wait3A_175 = tpu.memref_squeeze %dma_wait3A_174 : memref<1x32x1024xf32, #tpu.memory_space<vmem>> -> memref<32x1024xf32, #tpu.memory_space<vmem>>
    %dma_wait3A_176 = arith.constant 0 : i32
    %dma_wait3A_177 = tpu.memref_slice %arg2[%add3A_75, %dma_wait3A_176] : memref<4096x1024xf32, #tpu.memory_space<hbm>> -> memref<32x1024xf32, #tpu.memory_space<hbm>>
    tpu.wait_dma2 semaphore(%arg12 : memref<!tpu.dma_semaphore, #tpu.memory_space<semaphore_mem>>) src(%dma_wait3A_177 : memref<32x1024xf32, #tpu.memory_space<hbm>>) dst(%dma_wait3A_175 : memref<32x1024xf32, #tpu.memory_space<vmem>>)
    %dma_start3A_178 = arith.constant 2 : i32
    %dma_start3A_179 = arith.constant 2 : i32
    %dma_start3A_180 = arith.constant 0 : i32
    %dma_start3A_181 = arith.constant 0 : i32
    %dma_start3A_182 = tpu.memref_slice %arg8[%dma_start3A_178, %dma_start3A_180, %dma_start3A_181] : memref<3x32x1024xf32, #tpu.memory_space<vmem>> -> memref<1x32x1024xf32, #tpu.memory_space<vmem>>
    %dma_start3A_183 = tpu.memref_squeeze %dma_start3A_182 : memref<1x32x1024xf32, #tpu.memory_space<vmem>> -> memref<32x1024xf32, #tpu.memory_space<vmem>>
    %dma_start3A_184 = arith.constant 0 : i32
    %dma_start3A_185 = tpu.memref_slice %arg7[%dma_start3A_179, %dma_start3A_184] : memref<4x32xi32, #tpu.memory_space<vmem>> -> memref<1x32xi32, #tpu.memory_space<vmem>>
    %dma_start3A_186 = tpu.memref_squeeze %dma_start3A_185 : memref<1x32xi32, #tpu.memory_space<vmem>> -> memref<32xi32, #tpu.memory_space<vmem>>
    %dma_start3A_187 = arith.constant 0 : i32
    %dma_start3A_188 = arith.constant 0 : i32
    %dma_start3A_189 = tpu.memref_slice %arg5[%dma_start3A_187, %dma_start3A_188] : memref<4608x1024xf32, #tpu.memory_space<hbm>> -> memref<4608x1024xf32, #tpu.memory_space<hbm>>
    tpu.enqueue_indirect_dma source(%dma_start3A_183 : memref<32x1024xf32, #tpu.memory_space<vmem>>) target(%dma_start3A_189 : memref<4608x1024xf32, #tpu.memory_space<hbm>>) offsets(%dma_start3A_186 : memref<32xi32, #tpu.memory_space<vmem>>) semaphore(%arg15 : memref<!tpu.dma_semaphore, #tpu.memory_space<semaphore_mem>>)
    %dma_wait3A_190 = arith.constant 0 : i32
    %dma_wait3A_191 = arith.constant 0 : i32
    %dma_wait3A_192 = arith.constant 0 : i32
    %dma_wait3A_193 = tpu.memref_slice %arg8[%dma_wait3A_190, %dma_wait3A_191, %dma_wait3A_192] : memref<3x32x1024xf32, #tpu.memory_space<vmem>> -> memref<1x32x1024xf32, #tpu.memory_space<vmem>>
    %dma_wait3A_194 = tpu.memref_squeeze %dma_wait3A_193 : memref<1x32x1024xf32, #tpu.memory_space<vmem>> -> memref<32x1024xf32, #tpu.memory_space<vmem>>
    %dma_wait3A_195 = arith.constant 0 : i32
    %dma_wait3A_196 = tpu.memref_slice %arg2[%add3A_126, %dma_wait3A_195] : memref<4096x1024xf32, #tpu.memory_space<hbm>> -> memref<32x1024xf32, #tpu.memory_space<hbm>>
    %dma_wait3A_197 = arith.constant 0 : i32
    %dma_wait3A_198 = arith.constant 0 : i32
    %dma_wait3A_199 = tpu.memref_slice %arg8[%dma_wait3A_190, %dma_wait3A_197, %dma_wait3A_198] : memref<3x32x1024xf32, #tpu.memory_space<vmem>> -> memref<1x32x1024xf32, #tpu.memory_space<vmem>>
    %dma_wait3A_200 = tpu.memref_squeeze %dma_wait3A_199 : memref<1x32x1024xf32, #tpu.memory_space<vmem>> -> memref<32x1024xf32, #tpu.memory_space<vmem>>
    %dma_wait3A_201 = arith.constant 0 : i32
    %dma_wait3A_202 = tpu.memref_slice %arg2[%add3A_126, %dma_wait3A_201] : memref<4096x1024xf32, #tpu.memory_space<hbm>> -> memref<32x1024xf32, #tpu.memory_space<hbm>>
    tpu.wait_dma2 semaphore(%arg10 : memref<!tpu.dma_semaphore, #tpu.memory_space<semaphore_mem>>) src(%dma_wait3A_202 : memref<32x1024xf32, #tpu.memory_space<hbm>>) dst(%dma_wait3A_200 : memref<32x1024xf32, #tpu.memory_space<vmem>>)
    %dma_start3A_203 = arith.constant 0 : i32
    %dma_start3A_204 = arith.constant 3 : i32
    %dma_start3A_205 = arith.constant 0 : i32
    %dma_start3A_206 = arith.constant 0 : i32
    %dma_start3A_207 = tpu.memref_slice %arg8[%dma_start3A_203, %dma_start3A_205, %dma_start3A_206] : memref<3x32x1024xf32, #tpu.memory_space<vmem>> -> memref<1x32x1024xf32, #tpu.memory_space<vmem>>
    %dma_start3A_208 = tpu.memref_squeeze %dma_start3A_207 : memref<1x32x1024xf32, #tpu.memory_space<vmem>> -> memref<32x1024xf32, #tpu.memory_space<vmem>>
    %dma_start3A_209 = arith.constant 0 : i32
    %dma_start3A_210 = tpu.memref_slice %arg7[%dma_start3A_204, %dma_start3A_209] : memref<4x32xi32, #tpu.memory_space<vmem>> -> memref<1x32xi32, #tpu.memory_space<vmem>>
    %dma_start3A_211 = tpu.memref_squeeze %dma_start3A_210 : memref<1x32xi32, #tpu.memory_space<vmem>> -> memref<32xi32, #tpu.memory_space<vmem>>
    %dma_start3A_212 = arith.constant 0 : i32
    %dma_start3A_213 = arith.constant 0 : i32
    %dma_start3A_214 = tpu.memref_slice %arg5[%dma_start3A_212, %dma_start3A_213] : memref<4608x1024xf32, #tpu.memory_space<hbm>> -> memref<4608x1024xf32, #tpu.memory_space<hbm>>
    tpu.enqueue_indirect_dma source(%dma_start3A_208 : memref<32x1024xf32, #tpu.memory_space<vmem>>) target(%dma_start3A_214 : memref<4608x1024xf32, #tpu.memory_space<hbm>>) offsets(%dma_start3A_211 : memref<32xi32, #tpu.memory_space<vmem>>) semaphore(%arg13 : memref<!tpu.dma_semaphore, #tpu.memory_space<semaphore_mem>>)
    %dma_wait3A_215 = arith.constant 1 : i32
    %dma_wait3A_216 = arith.constant 1 : i32
    %dma_wait3A_217 = arith.constant 0 : i32
    %dma_wait3A_218 = arith.constant 0 : i32
    %dma_wait3A_219 = tpu.memref_slice %arg8[%dma_wait3A_215, %dma_wait3A_217, %dma_wait3A_218] : memref<3x32x1024xf32, #tpu.memory_space<vmem>> -> memref<1x32x1024xf32, #tpu.memory_space<vmem>>
    %dma_wait3A_220 = tpu.memref_squeeze %dma_wait3A_219 : memref<1x32x1024xf32, #tpu.memory_space<vmem>> -> memref<32x1024xf32, #tpu.memory_space<vmem>>
    %dma_wait3A_221 = arith.constant 0 : i32
    %dma_wait3A_222 = tpu.memref_slice %arg7[%dma_wait3A_216, %dma_wait3A_221] : memref<4x32xi32, #tpu.memory_space<vmem>> -> memref<1x32xi32, #tpu.memory_space<vmem>>
    %dma_wait3A_223 = tpu.memref_squeeze %dma_wait3A_222 : memref<1x32xi32, #tpu.memory_space<vmem>> -> memref<32xi32, #tpu.memory_space<vmem>>
    %dma_wait3A_224 = arith.constant 0 : i32
    %dma_wait3A_225 = arith.constant 0 : i32
    %dma_wait3A_226 = tpu.memref_slice %arg5[%dma_wait3A_224, %dma_wait3A_225] : memref<4608x1024xf32, #tpu.memory_space<hbm>> -> memref<4608x1024xf32, #tpu.memory_space<hbm>>
    tpu.wait_indirect_dma semaphore(%arg14 : memref<!tpu.dma_semaphore, #tpu.memory_space<semaphore_mem>>) src(%dma_wait3A_220 : memref<32x1024xf32, #tpu.memory_space<vmem>>) dst(%dma_wait3A_226 : memref<4608x1024xf32, #tpu.memory_space<hbm>>)
    %dma_wait3A_227 = arith.constant 2 : i32
    %dma_wait3A_228 = arith.constant 2 : i32
    %dma_wait3A_229 = arith.constant 0 : i32
    %dma_wait3A_230 = arith.constant 0 : i32
    %dma_wait3A_231 = tpu.memref_slice %arg8[%dma_wait3A_227, %dma_wait3A_229, %dma_wait3A_230] : memref<3x32x1024xf32, #tpu.memory_space<vmem>> -> memref<1x32x1024xf32, #tpu.memory_space<vmem>>
    %dma_wait3A_232 = tpu.memref_squeeze %dma_wait3A_231 : memref<1x32x1024xf32, #tpu.memory_space<vmem>> -> memref<32x1024xf32, #tpu.memory_space<vmem>>
    %dma_wait3A_233 = arith.constant 0 : i32
    %dma_wait3A_234 = tpu.memref_slice %arg7[%dma_wait3A_228, %dma_wait3A_233] : memref<4x32xi32, #tpu.memory_space<vmem>> -> memref<1x32xi32, #tpu.memory_space<vmem>>
    %dma_wait3A_235 = tpu.memref_squeeze %dma_wait3A_234 : memref<1x32xi32, #tpu.memory_space<vmem>> -> memref<32xi32, #tpu.memory_space<vmem>>
    %dma_wait3A_236 = arith.constant 0 : i32
    %dma_wait3A_237 = arith.constant 0 : i32
    %dma_wait3A_238 = tpu.memref_slice %arg5[%dma_wait3A_236, %dma_wait3A_237] : memref<4608x1024xf32, #tpu.memory_space<hbm>> -> memref<4608x1024xf32, #tpu.memory_space<hbm>>
    tpu.wait_indirect_dma semaphore(%arg15 : memref<!tpu.dma_semaphore, #tpu.memory_space<semaphore_mem>>) src(%dma_wait3A_232 : memref<32x1024xf32, #tpu.memory_space<vmem>>) dst(%dma_wait3A_238 : memref<4608x1024xf32, #tpu.memory_space<hbm>>)
    %dma_wait3A_239 = arith.constant 0 : i32
    %dma_wait3A_240 = arith.constant 3 : i32
    %dma_wait3A_241 = arith.constant 0 : i32
    %dma_wait3A_242 = arith.constant 0 : i32
    %dma_wait3A_243 = tpu.memref_slice %arg8[%dma_wait3A_239, %dma_wait3A_241, %dma_wait3A_242] : memref<3x32x1024xf32, #tpu.memory_space<vmem>> -> memref<1x32x1024xf32, #tpu.memory_space<vmem>>
    %dma_wait3A_244 = tpu.memref_squeeze %dma_wait3A_243 : memref<1x32x1024xf32, #tpu.memory_space<vmem>> -> memref<32x1024xf32, #tpu.memory_space<vmem>>
    %dma_wait3A_245 = arith.constant 0 : i32
    %dma_wait3A_246 = tpu.memref_slice %arg7[%dma_wait3A_240, %dma_wait3A_245] : memref<4x32xi32, #tpu.memory_space<vmem>> -> memref<1x32xi32, #tpu.memory_space<vmem>>
    %dma_wait3A_247 = tpu.memref_squeeze %dma_wait3A_246 : memref<1x32xi32, #tpu.memory_space<vmem>> -> memref<32xi32, #tpu.memory_space<vmem>>
    %dma_wait3A_248 = arith.constant 0 : i32
    %dma_wait3A_249 = arith.constant 0 : i32
    %dma_wait3A_250 = tpu.memref_slice %arg5[%dma_wait3A_248, %dma_wait3A_249] : memref<4608x1024xf32, #tpu.memory_space<hbm>> -> memref<4608x1024xf32, #tpu.memory_space<hbm>>
    tpu.wait_indirect_dma semaphore(%arg13 : memref<!tpu.dma_semaphore, #tpu.memory_space<semaphore_mem>>) src(%dma_wait3A_244 : memref<32x1024xf32, #tpu.memory_space<vmem>>) dst(%dma_wait3A_250 : memref<4608x1024xf32, #tpu.memory_space<hbm>>)
    %dma_wait3A_251 = arith.constant 0 : i32
    %dma_wait3A_252 = arith.constant 0 : i32
    %dma_wait3A_253 = arith.constant 0 : i32
    %dma_wait3A_254 = tpu.memref_slice %arg9[%dma_wait3A_252, %dma_wait3A_253] : memref<128x128xf32, #tpu.memory_space<vmem>> -> memref<32x128xf32, #tpu.memory_space<vmem>>
    %dma_wait3A_255 = arith.constant 0 : i32
    %dma_wait3A_256 = tpu.memref_slice %arg7[%dma_wait3A_251, %dma_wait3A_255] : memref<4x32xi32, #tpu.memory_space<vmem>> -> memref<1x32xi32, #tpu.memory_space<vmem>>
    %dma_wait3A_257 = tpu.memref_squeeze %dma_wait3A_256 : memref<1x32xi32, #tpu.memory_space<vmem>> -> memref<32xi32, #tpu.memory_space<vmem>>
    %dma_wait3A_258 = arith.constant 0 : i32
    %dma_wait3A_259 = arith.constant 0 : i32
    %dma_wait3A_260 = tpu.memref_slice %arg6[%dma_wait3A_258, %dma_wait3A_259] : memref<4608x128xf32, #tpu.memory_space<hbm>> -> memref<4608x128xf32, #tpu.memory_space<hbm>>
    tpu.wait_indirect_dma semaphore(%arg16 : memref<!tpu.dma_semaphore, #tpu.memory_space<semaphore_mem>>) src(%dma_wait3A_254 : memref<32x128xf32, #tpu.memory_space<vmem>>) dst(%dma_wait3A_260 : memref<4608x128xf32, #tpu.memory_space<hbm>>)
    %dma_wait3A_261 = arith.constant 1 : i32
    %dma_wait3A_262 = arith.constant 32 : i32
    %dma_wait3A_263 = arith.constant 0 : i32
    %dma_wait3A_264 = tpu.memref_slice %arg9[%dma_wait3A_262, %dma_wait3A_263] : memref<128x128xf32, #tpu.memory_space<vmem>> -> memref<32x128xf32, #tpu.memory_space<vmem>>
    %dma_wait3A_265 = arith.constant 0 : i32
    %dma_wait3A_266 = tpu.memref_slice %arg7[%dma_wait3A_261, %dma_wait3A_265] : memref<4x32xi32, #tpu.memory_space<vmem>> -> memref<1x32xi32, #tpu.memory_space<vmem>>
    %dma_wait3A_267 = tpu.memref_squeeze %dma_wait3A_266 : memref<1x32xi32, #tpu.memory_space<vmem>> -> memref<32xi32, #tpu.memory_space<vmem>>
    %dma_wait3A_268 = arith.constant 0 : i32
    %dma_wait3A_269 = arith.constant 0 : i32
    %dma_wait3A_270 = tpu.memref_slice %arg6[%dma_wait3A_268, %dma_wait3A_269] : memref<4608x128xf32, #tpu.memory_space<hbm>> -> memref<4608x128xf32, #tpu.memory_space<hbm>>
    tpu.wait_indirect_dma semaphore(%arg16 : memref<!tpu.dma_semaphore, #tpu.memory_space<semaphore_mem>>) src(%dma_wait3A_264 : memref<32x128xf32, #tpu.memory_space<vmem>>) dst(%dma_wait3A_270 : memref<4608x128xf32, #tpu.memory_space<hbm>>)
    %dma_wait3A_271 = arith.constant 2 : i32
    %dma_wait3A_272 = arith.constant 64 : i32
    %dma_wait3A_273 = arith.constant 0 : i32
    %dma_wait3A_274 = tpu.memref_slice %arg9[%dma_wait3A_272, %dma_wait3A_273] : memref<128x128xf32, #tpu.memory_space<vmem>> -> memref<32x128xf32, #tpu.memory_space<vmem>>
    %dma_wait3A_275 = arith.constant 0 : i32
    %dma_wait3A_276 = tpu.memref_slice %arg7[%dma_wait3A_271, %dma_wait3A_275] : memref<4x32xi32, #tpu.memory_space<vmem>> -> memref<1x32xi32, #tpu.memory_space<vmem>>
    %dma_wait3A_277 = tpu.memref_squeeze %dma_wait3A_276 : memref<1x32xi32, #tpu.memory_space<vmem>> -> memref<32xi32, #tpu.memory_space<vmem>>
    %dma_wait3A_278 = arith.constant 0 : i32
    %dma_wait3A_279 = arith.constant 0 : i32
    %dma_wait3A_280 = tpu.memref_slice %arg6[%dma_wait3A_278, %dma_wait3A_279] : memref<4608x128xf32, #tpu.memory_space<hbm>> -> memref<4608x128xf32, #tpu.memory_space<hbm>>
    tpu.wait_indirect_dma semaphore(%arg16 : memref<!tpu.dma_semaphore, #tpu.memory_space<semaphore_mem>>) src(%dma_wait3A_274 : memref<32x128xf32, #tpu.memory_space<vmem>>) dst(%dma_wait3A_280 : memref<4608x128xf32, #tpu.memory_space<hbm>>)
    %dma_wait3A_281 = arith.constant 3 : i32
    %dma_wait3A_282 = arith.constant 96 : i32
    %dma_wait3A_283 = arith.constant 0 : i32
    %dma_wait3A_284 = tpu.memref_slice %arg9[%dma_wait3A_282, %dma_wait3A_283] : memref<128x128xf32, #tpu.memory_space<vmem>> -> memref<32x128xf32, #tpu.memory_space<vmem>>
    %dma_wait3A_285 = arith.constant 0 : i32
    %dma_wait3A_286 = tpu.memref_slice %arg7[%dma_wait3A_281, %dma_wait3A_285] : memref<4x32xi32, #tpu.memory_space<vmem>> -> memref<1x32xi32, #tpu.memory_space<vmem>>
    %dma_wait3A_287 = tpu.memref_squeeze %dma_wait3A_286 : memref<1x32xi32, #tpu.memory_space<vmem>> -> memref<32xi32, #tpu.memory_space<vmem>>
    %dma_wait3A_288 = arith.constant 0 : i32
    %dma_wait3A_289 = arith.constant 0 : i32
    %dma_wait3A_290 = tpu.memref_slice %arg6[%dma_wait3A_288, %dma_wait3A_289] : memref<4608x128xf32, #tpu.memory_space<hbm>> -> memref<4608x128xf32, #tpu.memory_space<hbm>>
    tpu.wait_indirect_dma semaphore(%arg16 : memref<!tpu.dma_semaphore, #tpu.memory_space<semaphore_mem>>) src(%dma_wait3A_284 : memref<32x128xf32, #tpu.memory_space<vmem>>) dst(%dma_wait3A_290 : memref<4608x128xf32, #tpu.memory_space<hbm>>)
    return
  }
}

#map = affine_map<(d0, d1) -> (0, 0)>
module attributes {stable_mosaic.version = 14 : i64} {
  func.func @k(%arg0: i32, %arg1: i32, %arg2: memref<4096x1024xf32, #tpu.memory_space<hbm>>, %arg3: memref<128x32xi32, #tpu.memory_space<hbm>>, %arg4: memref<4608x1024xf32, #tpu.memory_space<hbm>>, %arg5: memref<4608x128xi32, #tpu.memory_space<hbm>>, %arg6: memref<4x32xi32, #tpu.memory_space<vmem>>, %arg7: memref<3x32x1024xf32, #tpu.memory_space<vmem>>, %arg8: memref<128x128xi32, #tpu.memory_space<vmem>>, %arg9: memref<!tpu.dma_semaphore, #tpu.memory_space<semaphore_mem>>, %arg10: memref<!tpu.dma_semaphore, #tpu.memory_space<semaphore_mem>>, %arg11: memref<!tpu.dma_semaphore, #tpu.memory_space<semaphore_mem>>, %arg12: memref<!tpu.dma_semaphore, #tpu.memory_space<semaphore_mem>>, %arg13: memref<!tpu.dma_semaphore, #tpu.memory_space<semaphore_mem>>, %arg14: memref<!tpu.dma_semaphore, #tpu.memory_space<semaphore_mem>>, %arg15: memref<!tpu.dma_semaphore, #tpu.memory_space<semaphore_mem>>) attributes {dimension_semantics = [#tpu.dimension_semantics<core_parallel>, #tpu.dimension_semantics<subcore_parallel>], iteration_bounds = array<i64: 2, 16>, scalar_prefetch = 0 : i64, scratch_operands = 10 : i64, tpu.core_type = #tpu.core_type<sc_vector_subcore>, window_params = [{transform_indices = #map}, {transform_indices = #map}, {transform_indices = #map}, {transform_indices = #map}]} {
    %mul3A = arith.constant 2 : i32
    %mul3A_0 = arith.muli %arg1, %mul3A : i32
    %add3A = arith.addi %mul3A_0, %arg0 : i32
    %mul3A_1 = arith.constant 128 : i32
    %mul3A_2 = arith.muli %add3A, %mul3A_1 : i32
    %mul3A_3 = arith.constant 4 : i32
    %mul3A_4 = arith.muli %add3A, %mul3A_3 : i32
    "tpu.region"() ({
      %run_scoped3A = tpu.sem_alloc : memref<!tpu.dma_semaphore, #tpu.memory_space<semaphore_mem>>
      %dma_start3A_1185 = arith.constant 0 : i32
      %dma_start3A_1186 = tpu.memref_slice %arg3[%mul3A_4, %dma_start3A_1185] : memref<128x32xi32, #tpu.memory_space<hbm>> -> memref<4x32xi32, #tpu.memory_space<hbm>>
      %dma_start3A_1187 = arith.constant 0 : i32
      %dma_start3A_1188 = tpu.memref_slice %arg3[%mul3A_4, %dma_start3A_1187] : memref<128x32xi32, #tpu.memory_space<hbm>> -> memref<4x32xi32, #tpu.memory_space<hbm>>
      tpu.enqueue_dma source(%dma_start3A_1188 : memref<4x32xi32, #tpu.memory_space<hbm>>) target(%arg6 : memref<4x32xi32, #tpu.memory_space<vmem>>) target_semaphore(%run_scoped3A : memref<!tpu.dma_semaphore, #tpu.memory_space<semaphore_mem>>)
      %dma_wait3A_1189 = arith.constant 0 : i32
      %dma_wait3A_1190 = tpu.memref_slice %arg3[%mul3A_4, %dma_wait3A_1189] : memref<128x32xi32, #tpu.memory_space<hbm>> -> memref<4x32xi32, #tpu.memory_space<hbm>>
      %dma_wait3A_1191 = arith.constant 0 : i32
      %dma_wait3A_1192 = tpu.memref_slice %arg3[%mul3A_4, %dma_wait3A_1191] : memref<128x32xi32, #tpu.memory_space<hbm>> -> memref<4x32xi32, #tpu.memory_space<hbm>>
      tpu.wait_dma2 semaphore(%run_scoped3A : memref<!tpu.dma_semaphore, #tpu.memory_space<semaphore_mem>>) src(%dma_wait3A_1192 : memref<4x32xi32, #tpu.memory_space<hbm>>) dst(%arg6 : memref<4x32xi32, #tpu.memory_space<vmem>>)
      tpu.yield
    }) : () -> ()
    %add3A_5 = arith.constant 0 : i32
    %add3A_6 = arith.addi %mul3A_2, %add3A_5 : i32
    %broadcast_in_dim3A = vector.broadcast %add3A_6 : i32 to vector<16xi32>
    %swap3A = arith.constant 0 : i32
    %swap3A_7 = arith.index_cast %swap3A : i32 to index
    %swap3A_8 = arith.constant 0 : index
    %swap3A_9 = tpu.vector_load %arg8[%swap3A_7, %swap3A_8] {strides = array<i32>} : memref<128x128xi32, #tpu.memory_space<vmem>>, vector<16xi32>,
    tpu.vector_store %arg8[%swap3A_7, %swap3A_8], %broadcast_in_dim3A {strides = array<i32>} : memref<128x128xi32, #tpu.memory_space<vmem>>, vector<16xi32>,
    %add3A_10 = arith.constant 1 : i32
    %add3A_11 = arith.addi %mul3A_2, %add3A_10 : i32
    %broadcast_in_dim3A_12 = vector.broadcast %add3A_11 : i32 to vector<16xi32>
    %swap3A_13 = arith.constant 1 : i32
    %swap3A_14 = arith.index_cast %swap3A_13 : i32 to index
    %swap3A_15 = arith.constant 0 : index
    %swap3A_16 = tpu.vector_load %arg8[%swap3A_14, %swap3A_15] {strides = array<i32>} : memref<128x128xi32, #tpu.memory_space<vmem>>, vector<16xi32>,
    tpu.vector_store %arg8[%swap3A_14, %swap3A_15], %broadcast_in_dim3A_12 {strides = array<i32>} : memref<128x128xi32, #tpu.memory_space<vmem>>, vector<16xi32>,
    %add3A_17 = arith.constant 2 : i32
    %add3A_18 = arith.addi %mul3A_2, %add3A_17 : i32
    %broadcast_in_dim3A_19 = vector.broadcast %add3A_18 : i32 to vector<16xi32>
    %swap3A_20 = arith.constant 2 : i32
    %swap3A_21 = arith.index_cast %swap3A_20 : i32 to index
    %swap3A_22 = arith.constant 0 : index
    %swap3A_23 = tpu.vector_load %arg8[%swap3A_21, %swap3A_22] {strides = array<i32>} : memref<128x128xi32, #tpu.memory_space<vmem>>, vector<16xi32>,
    tpu.vector_store %arg8[%swap3A_21, %swap3A_22], %broadcast_in_dim3A_19 {strides = array<i32>} : memref<128x128xi32, #tpu.memory_space<vmem>>, vector<16xi32>,
    %add3A_24 = arith.constant 3 : i32
    %add3A_25 = arith.addi %mul3A_2, %add3A_24 : i32
    %broadcast_in_dim3A_26 = vector.broadcast %add3A_25 : i32 to vector<16xi32>
    %swap3A_27 = arith.constant 3 : i32
    %swap3A_28 = arith.index_cast %swap3A_27 : i32 to index
    %swap3A_29 = arith.constant 0 : index
    %swap3A_30 = tpu.vector_load %arg8[%swap3A_28, %swap3A_29] {strides = array<i32>} : memref<128x128xi32, #tpu.memory_space<vmem>>, vector<16xi32>,
    tpu.vector_store %arg8[%swap3A_28, %swap3A_29], %broadcast_in_dim3A_26 {strides = array<i32>} : memref<128x128xi32, #tpu.memory_space<vmem>>, vector<16xi32>,
    %add3A_31 = arith.constant 4 : i32
    %add3A_32 = arith.addi %mul3A_2, %add3A_31 : i32
    %broadcast_in_dim3A_33 = vector.broadcast %add3A_32 : i32 to vector<16xi32>
    %swap3A_34 = arith.constant 4 : i32
    %swap3A_35 = arith.index_cast %swap3A_34 : i32 to index
    %swap3A_36 = arith.constant 0 : index
    %swap3A_37 = tpu.vector_load %arg8[%swap3A_35, %swap3A_36] {strides = array<i32>} : memref<128x128xi32, #tpu.memory_space<vmem>>, vector<16xi32>,
    tpu.vector_store %arg8[%swap3A_35, %swap3A_36], %broadcast_in_dim3A_33 {strides = array<i32>} : memref<128x128xi32, #tpu.memory_space<vmem>>, vector<16xi32>,
    %add3A_38 = arith.constant 5 : i32
    %add3A_39 = arith.addi %mul3A_2, %add3A_38 : i32
    %broadcast_in_dim3A_40 = vector.broadcast %add3A_39 : i32 to vector<16xi32>
    %swap3A_41 = arith.constant 5 : i32
    %swap3A_42 = arith.index_cast %swap3A_41 : i32 to index
    %swap3A_43 = arith.constant 0 : index
    %swap3A_44 = tpu.vector_load %arg8[%swap3A_42, %swap3A_43] {strides = array<i32>} : memref<128x128xi32, #tpu.memory_space<vmem>>, vector<16xi32>,
    tpu.vector_store %arg8[%swap3A_42, %swap3A_43], %broadcast_in_dim3A_40 {strides = array<i32>} : memref<128x128xi32, #tpu.memory_space<vmem>>, vector<16xi32>,
    %add3A_45 = arith.constant 6 : i32
    %add3A_46 = arith.addi %mul3A_2, %add3A_45 : i32
    %broadcast_in_dim3A_47 = vector.broadcast %add3A_46 : i32 to vector<16xi32>
    %swap3A_48 = arith.constant 6 : i32
    %swap3A_49 = arith.index_cast %swap3A_48 : i32 to index
    %swap3A_50 = arith.constant 0 : index
    %swap3A_51 = tpu.vector_load %arg8[%swap3A_49, %swap3A_50] {strides = array<i32>} : memref<128x128xi32, #tpu.memory_space<vmem>>, vector<16xi32>,
    tpu.vector_store %arg8[%swap3A_49, %swap3A_50], %broadcast_in_dim3A_47 {strides = array<i32>} : memref<128x128xi32, #tpu.memory_space<vmem>>, vector<16xi32>,
    %add3A_52 = arith.constant 7 : i32
    %add3A_53 = arith.addi %mul3A_2, %add3A_52 : i32
    %broadcast_in_dim3A_54 = vector.broadcast %add3A_53 : i32 to vector<16xi32>
    %swap3A_55 = arith.constant 7 : i32
    %swap3A_56 = arith.index_cast %swap3A_55 : i32 to index
    %swap3A_57 = arith.constant 0 : index
    %swap3A_58 = tpu.vector_load %arg8[%swap3A_56, %swap3A_57] {strides = array<i32>} : memref<128x128xi32, #tpu.memory_space<vmem>>, vector<16xi32>,
    tpu.vector_store %arg8[%swap3A_56, %swap3A_57], %broadcast_in_dim3A_54 {strides = array<i32>} : memref<128x128xi32, #tpu.memory_space<vmem>>, vector<16xi32>,
    %add3A_59 = arith.constant 8 : i32
    %add3A_60 = arith.addi %mul3A_2, %add3A_59 : i32
    %broadcast_in_dim3A_61 = vector.broadcast %add3A_60 : i32 to vector<16xi32>
    %swap3A_62 = arith.constant 8 : i32
    %swap3A_63 = arith.index_cast %swap3A_62 : i32 to index
    %swap3A_64 = arith.constant 0 : index
    %swap3A_65 = tpu.vector_load %arg8[%swap3A_63, %swap3A_64] {strides = array<i32>} : memref<128x128xi32, #tpu.memory_space<vmem>>, vector<16xi32>,
    tpu.vector_store %arg8[%swap3A_63, %swap3A_64], %broadcast_in_dim3A_61 {strides = array<i32>} : memref<128x128xi32, #tpu.memory_space<vmem>>, vector<16xi32>,
    %add3A_66 = arith.constant 9 : i32
    %add3A_67 = arith.addi %mul3A_2, %add3A_66 : i32
    %broadcast_in_dim3A_68 = vector.broadcast %add3A_67 : i32 to vector<16xi32>
    %swap3A_69 = arith.constant 9 : i32
    %swap3A_70 = arith.index_cast %swap3A_69 : i32 to index
    %swap3A_71 = arith.constant 0 : index
    %swap3A_72 = tpu.vector_load %arg8[%swap3A_70, %swap3A_71] {strides = array<i32>} : memref<128x128xi32, #tpu.memory_space<vmem>>, vector<16xi32>,
    tpu.vector_store %arg8[%swap3A_70, %swap3A_71], %broadcast_in_dim3A_68 {strides = array<i32>} : memref<128x128xi32, #tpu.memory_space<vmem>>, vector<16xi32>,
    %add3A_73 = arith.constant 10 : i32
    %add3A_74 = arith.addi %mul3A_2, %add3A_73 : i32
    %broadcast_in_dim3A_75 = vector.broadcast %add3A_74 : i32 to vector<16xi32>
    %swap3A_76 = arith.constant 10 : i32
    %swap3A_77 = arith.index_cast %swap3A_76 : i32 to index
    %swap3A_78 = arith.constant 0 : index
    %swap3A_79 = tpu.vector_load %arg8[%swap3A_77, %swap3A_78] {strides = array<i32>} : memref<128x128xi32, #tpu.memory_space<vmem>>, vector<16xi32>,
    tpu.vector_store %arg8[%swap3A_77, %swap3A_78], %broadcast_in_dim3A_75 {strides = array<i32>} : memref<128x128xi32, #tpu.memory_space<vmem>>, vector<16xi32>,
    %add3A_80 = arith.constant 11 : i32
    %add3A_81 = arith.addi %mul3A_2, %add3A_80 : i32
    %broadcast_in_dim3A_82 = vector.broadcast %add3A_81 : i32 to vector<16xi32>
    %swap3A_83 = arith.constant 11 : i32
    %swap3A_84 = arith.index_cast %swap3A_83 : i32 to index
    %swap3A_85 = arith.constant 0 : index
    %swap3A_86 = tpu.vector_load %arg8[%swap3A_84, %swap3A_85] {strides = array<i32>} : memref<128x128xi32, #tpu.memory_space<vmem>>, vector<16xi32>,
    tpu.vector_store %arg8[%swap3A_84, %swap3A_85], %broadcast_in_dim3A_82 {strides = array<i32>} : memref<128x128xi32, #tpu.memory_space<vmem>>, vector<16xi32>,
    %add3A_87 = arith.constant 12 : i32
    %add3A_88 = arith.addi %mul3A_2, %add3A_87 : i32
    %broadcast_in_dim3A_89 = vector.broadcast %add3A_88 : i32 to vector<16xi32>
    %swap3A_90 = arith.constant 12 : i32
    %swap3A_91 = arith.index_cast %swap3A_90 : i32 to index
    %swap3A_92 = arith.constant 0 : index
    %swap3A_93 = tpu.vector_load %arg8[%swap3A_91, %swap3A_92] {strides = array<i32>} : memref<128x128xi32, #tpu.memory_space<vmem>>, vector<16xi32>,
    tpu.vector_store %arg8[%swap3A_91, %swap3A_92], %broadcast_in_dim3A_89 {strides = array<i32>} : memref<128x128xi32, #tpu.memory_space<vmem>>, vector<16xi32>,
    %add3A_94 = arith.constant 13 : i32
    %add3A_95 = arith.addi %mul3A_2, %add3A_94 : i32
    %broadcast_in_dim3A_96 = vector.broadcast %add3A_95 : i32 to vector<16xi32>
    %swap3A_97 = arith.constant 13 : i32
    %swap3A_98 = arith.index_cast %swap3A_97 : i32 to index
    %swap3A_99 = arith.constant 0 : index
    %swap3A_100 = tpu.vector_load %arg8[%swap3A_98, %swap3A_99] {strides = array<i32>} : memref<128x128xi32, #tpu.memory_space<vmem>>, vector<16xi32>,
    tpu.vector_store %arg8[%swap3A_98, %swap3A_99], %broadcast_in_dim3A_96 {strides = array<i32>} : memref<128x128xi32, #tpu.memory_space<vmem>>, vector<16xi32>,
    %add3A_101 = arith.constant 14 : i32
    %add3A_102 = arith.addi %mul3A_2, %add3A_101 : i32
    %broadcast_in_dim3A_103 = vector.broadcast %add3A_102 : i32 to vector<16xi32>
    %swap3A_104 = arith.constant 14 : i32
    %swap3A_105 = arith.index_cast %swap3A_104 : i32 to index
    %swap3A_106 = arith.constant 0 : index
    %swap3A_107 = tpu.vector_load %arg8[%swap3A_105, %swap3A_106] {strides = array<i32>} : memref<128x128xi32, #tpu.memory_space<vmem>>, vector<16xi32>,
    tpu.vector_store %arg8[%swap3A_105, %swap3A_106], %broadcast_in_dim3A_103 {strides = array<i32>} : memref<128x128xi32, #tpu.memory_space<vmem>>, vector<16xi32>,
    %add3A_108 = arith.constant 15 : i32
    %add3A_109 = arith.addi %mul3A_2, %add3A_108 : i32
    %broadcast_in_dim3A_110 = vector.broadcast %add3A_109 : i32 to vector<16xi32>
    %swap3A_111 = arith.constant 15 : i32
    %swap3A_112 = arith.index_cast %swap3A_111 : i32 to index
    %swap3A_113 = arith.constant 0 : index
    %swap3A_114 = tpu.vector_load %arg8[%swap3A_112, %swap3A_113] {strides = array<i32>} : memref<128x128xi32, #tpu.memory_space<vmem>>, vector<16xi32>,
    tpu.vector_store %arg8[%swap3A_112, %swap3A_113], %broadcast_in_dim3A_110 {strides = array<i32>} : memref<128x128xi32, #tpu.memory_space<vmem>>, vector<16xi32>,
    %add3A_115 = arith.constant 16 : i32
    %add3A_116 = arith.addi %mul3A_2, %add3A_115 : i32
    %broadcast_in_dim3A_117 = vector.broadcast %add3A_116 : i32 to vector<16xi32>
    %swap3A_118 = arith.constant 16 : i32
    %swap3A_119 = arith.index_cast %swap3A_118 : i32 to index
    %swap3A_120 = arith.constant 0 : index
    %swap3A_121 = tpu.vector_load %arg8[%swap3A_119, %swap3A_120] {strides = array<i32>} : memref<128x128xi32, #tpu.memory_space<vmem>>, vector<16xi32>,
    tpu.vector_store %arg8[%swap3A_119, %swap3A_120], %broadcast_in_dim3A_117 {strides = array<i32>} : memref<128x128xi32, #tpu.memory_space<vmem>>, vector<16xi32>,
    %add3A_122 = arith.constant 17 : i32
    %add3A_123 = arith.addi %mul3A_2, %add3A_122 : i32
    %broadcast_in_dim3A_124 = vector.broadcast %add3A_123 : i32 to vector<16xi32>
    %swap3A_125 = arith.constant 17 : i32
    %swap3A_126 = arith.index_cast %swap3A_125 : i32 to index
    %swap3A_127 = arith.constant 0 : index
    %swap3A_128 = tpu.vector_load %arg8[%swap3A_126, %swap3A_127] {strides = array<i32>} : memref<128x128xi32, #tpu.memory_space<vmem>>, vector<16xi32>,
    tpu.vector_store %arg8[%swap3A_126, %swap3A_127], %broadcast_in_dim3A_124 {strides = array<i32>} : memref<128x128xi32, #tpu.memory_space<vmem>>, vector<16xi32>,
    %add3A_129 = arith.constant 18 : i32
    %add3A_130 = arith.addi %mul3A_2, %add3A_129 : i32
    %broadcast_in_dim3A_131 = vector.broadcast %add3A_130 : i32 to vector<16xi32>
    %swap3A_132 = arith.constant 18 : i32
    %swap3A_133 = arith.index_cast %swap3A_132 : i32 to index
    %swap3A_134 = arith.constant 0 : index
    %swap3A_135 = tpu.vector_load %arg8[%swap3A_133, %swap3A_134] {strides = array<i32>} : memref<128x128xi32, #tpu.memory_space<vmem>>, vector<16xi32>,
    tpu.vector_store %arg8[%swap3A_133, %swap3A_134], %broadcast_in_dim3A_131 {strides = array<i32>} : memref<128x128xi32, #tpu.memory_space<vmem>>, vector<16xi32>,
    %add3A_136 = arith.constant 19 : i32
    %add3A_137 = arith.addi %mul3A_2, %add3A_136 : i32
    %broadcast_in_dim3A_138 = vector.broadcast %add3A_137 : i32 to vector<16xi32>
    %swap3A_139 = arith.constant 19 : i32
    %swap3A_140 = arith.index_cast %swap3A_139 : i32 to index
    %swap3A_141 = arith.constant 0 : index
    %swap3A_142 = tpu.vector_load %arg8[%swap3A_140, %swap3A_141] {strides = array<i32>} : memref<128x128xi32, #tpu.memory_space<vmem>>, vector<16xi32>,
    tpu.vector_store %arg8[%swap3A_140, %swap3A_141], %broadcast_in_dim3A_138 {strides = array<i32>} : memref<128x128xi32, #tpu.memory_space<vmem>>, vector<16xi32>,
    %add3A_143 = arith.constant 20 : i32
    %add3A_144 = arith.addi %mul3A_2, %add3A_143 : i32
    %broadcast_in_dim3A_145 = vector.broadcast %add3A_144 : i32 to vector<16xi32>
    %swap3A_146 = arith.constant 20 : i32
    %swap3A_147 = arith.index_cast %swap3A_146 : i32 to index
    %swap3A_148 = arith.constant 0 : index
    %swap3A_149 = tpu.vector_load %arg8[%swap3A_147, %swap3A_148] {strides = array<i32>} : memref<128x128xi32, #tpu.memory_space<vmem>>, vector<16xi32>,
    tpu.vector_store %arg8[%swap3A_147, %swap3A_148], %broadcast_in_dim3A_145 {strides = array<i32>} : memref<128x128xi32, #tpu.memory_space<vmem>>, vector<16xi32>,
    %add3A_150 = arith.constant 21 : i32
    %add3A_151 = arith.addi %mul3A_2, %add3A_150 : i32
    %broadcast_in_dim3A_152 = vector.broadcast %add3A_151 : i32 to vector<16xi32>
    %swap3A_153 = arith.constant 21 : i32
    %swap3A_154 = arith.index_cast %swap3A_153 : i32 to index
    %swap3A_155 = arith.constant 0 : index
    %swap3A_156 = tpu.vector_load %arg8[%swap3A_154, %swap3A_155] {strides = array<i32>} : memref<128x128xi32, #tpu.memory_space<vmem>>, vector<16xi32>,
    tpu.vector_store %arg8[%swap3A_154, %swap3A_155], %broadcast_in_dim3A_152 {strides = array<i32>} : memref<128x128xi32, #tpu.memory_space<vmem>>, vector<16xi32>,
    %add3A_157 = arith.constant 22 : i32
    %add3A_158 = arith.addi %mul3A_2, %add3A_157 : i32
    %broadcast_in_dim3A_159 = vector.broadcast %add3A_158 : i32 to vector<16xi32>
    %swap3A_160 = arith.constant 22 : i32
    %swap3A_161 = arith.index_cast %swap3A_160 : i32 to index
    %swap3A_162 = arith.constant 0 : index
    %swap3A_163 = tpu.vector_load %arg8[%swap3A_161, %swap3A_162] {strides = array<i32>} : memref<128x128xi32, #tpu.memory_space<vmem>>, vector<16xi32>,
    tpu.vector_store %arg8[%swap3A_161, %swap3A_162], %broadcast_in_dim3A_159 {strides = array<i32>} : memref<128x128xi32, #tpu.memory_space<vmem>>, vector<16xi32>,
    %add3A_164 = arith.constant 23 : i32
    %add3A_165 = arith.addi %mul3A_2, %add3A_164 : i32
    %broadcast_in_dim3A_166 = vector.broadcast %add3A_165 : i32 to vector<16xi32>
    %swap3A_167 = arith.constant 23 : i32
    %swap3A_168 = arith.index_cast %swap3A_167 : i32 to index
    %swap3A_169 = arith.constant 0 : index
    %swap3A_170 = tpu.vector_load %arg8[%swap3A_168, %swap3A_169] {strides = array<i32>} : memref<128x128xi32, #tpu.memory_space<vmem>>, vector<16xi32>,
    tpu.vector_store %arg8[%swap3A_168, %swap3A_169], %broadcast_in_dim3A_166 {strides = array<i32>} : memref<128x128xi32, #tpu.memory_space<vmem>>, vector<16xi32>,
    %add3A_171 = arith.constant 24 : i32
    %add3A_172 = arith.addi %mul3A_2, %add3A_171 : i32
    %broadcast_in_dim3A_173 = vector.broadcast %add3A_172 : i32 to vector<16xi32>
    %swap3A_174 = arith.constant 24 : i32
    %swap3A_175 = arith.index_cast %swap3A_174 : i32 to index
    %swap3A_176 = arith.constant 0 : index
    %swap3A_177 = tpu.vector_load %arg8[%swap3A_175, %swap3A_176] {strides = array<i32>} : memref<128x128xi32, #tpu.memory_space<vmem>>, vector<16xi32>,
    tpu.vector_store %arg8[%swap3A_175, %swap3A_176], %broadcast_in_dim3A_173 {strides = array<i32>} : memref<128x128xi32, #tpu.memory_space<vmem>>, vector<16xi32>,
    %add3A_178 = arith.constant 25 : i32
    %add3A_179 = arith.addi %mul3A_2, %add3A_178 : i32
    %broadcast_in_dim3A_180 = vector.broadcast %add3A_179 : i32 to vector<16xi32>
    %swap3A_181 = arith.constant 25 : i32
    %swap3A_182 = arith.index_cast %swap3A_181 : i32 to index
    %swap3A_183 = arith.constant 0 : index
    %swap3A_184 = tpu.vector_load %arg8[%swap3A_182, %swap3A_183] {strides = array<i32>} : memref<128x128xi32, #tpu.memory_space<vmem>>, vector<16xi32>,
    tpu.vector_store %arg8[%swap3A_182, %swap3A_183], %broadcast_in_dim3A_180 {strides = array<i32>} : memref<128x128xi32, #tpu.memory_space<vmem>>, vector<16xi32>,
    %add3A_185 = arith.constant 26 : i32
    %add3A_186 = arith.addi %mul3A_2, %add3A_185 : i32
    %broadcast_in_dim3A_187 = vector.broadcast %add3A_186 : i32 to vector<16xi32>
    %swap3A_188 = arith.constant 26 : i32
    %swap3A_189 = arith.index_cast %swap3A_188 : i32 to index
    %swap3A_190 = arith.constant 0 : index
    %swap3A_191 = tpu.vector_load %arg8[%swap3A_189, %swap3A_190] {strides = array<i32>} : memref<128x128xi32, #tpu.memory_space<vmem>>, vector<16xi32>,
    tpu.vector_store %arg8[%swap3A_189, %swap3A_190], %broadcast_in_dim3A_187 {strides = array<i32>} : memref<128x128xi32, #tpu.memory_space<vmem>>, vector<16xi32>,
    %add3A_192 = arith.constant 27 : i32
    %add3A_193 = arith.addi %mul3A_2, %add3A_192 : i32
    %broadcast_in_dim3A_194 = vector.broadcast %add3A_193 : i32 to vector<16xi32>
    %swap3A_195 = arith.constant 27 : i32
    %swap3A_196 = arith.index_cast %swap3A_195 : i32 to index
    %swap3A_197 = arith.constant 0 : index
    %swap3A_198 = tpu.vector_load %arg8[%swap3A_196, %swap3A_197] {strides = array<i32>} : memref<128x128xi32, #tpu.memory_space<vmem>>, vector<16xi32>,
    tpu.vector_store %arg8[%swap3A_196, %swap3A_197], %broadcast_in_dim3A_194 {strides = array<i32>} : memref<128x128xi32, #tpu.memory_space<vmem>>, vector<16xi32>,
    %add3A_199 = arith.constant 28 : i32
    %add3A_200 = arith.addi %mul3A_2, %add3A_199 : i32
    %broadcast_in_dim3A_201 = vector.broadcast %add3A_200 : i32 to vector<16xi32>
    %swap3A_202 = arith.constant 28 : i32
    %swap3A_203 = arith.index_cast %swap3A_202 : i32 to index
    %swap3A_204 = arith.constant 0 : index
    %swap3A_205 = tpu.vector_load %arg8[%swap3A_203, %swap3A_204] {strides = array<i32>} : memref<128x128xi32, #tpu.memory_space<vmem>>, vector<16xi32>,
    tpu.vector_store %arg8[%swap3A_203, %swap3A_204], %broadcast_in_dim3A_201 {strides = array<i32>} : memref<128x128xi32, #tpu.memory_space<vmem>>, vector<16xi32>,
    %add3A_206 = arith.constant 29 : i32
    %add3A_207 = arith.addi %mul3A_2, %add3A_206 : i32
    %broadcast_in_dim3A_208 = vector.broadcast %add3A_207 : i32 to vector<16xi32>
    %swap3A_209 = arith.constant 29 : i32
    %swap3A_210 = arith.index_cast %swap3A_209 : i32 to index
    %swap3A_211 = arith.constant 0 : index
    %swap3A_212 = tpu.vector_load %arg8[%swap3A_210, %swap3A_211] {strides = array<i32>} : memref<128x128xi32, #tpu.memory_space<vmem>>, vector<16xi32>,
    tpu.vector_store %arg8[%swap3A_210, %swap3A_211], %broadcast_in_dim3A_208 {strides = array<i32>} : memref<128x128xi32, #tpu.memory_space<vmem>>, vector<16xi32>,
    %add3A_213 = arith.constant 30 : i32
    %add3A_214 = arith.addi %mul3A_2, %add3A_213 : i32
    %broadcast_in_dim3A_215 = vector.broadcast %add3A_214 : i32 to vector<16xi32>
    %swap3A_216 = arith.constant 30 : i32
    %swap3A_217 = arith.index_cast %swap3A_216 : i32 to index
    %swap3A_218 = arith.constant 0 : index
    %swap3A_219 = tpu.vector_load %arg8[%swap3A_217, %swap3A_218] {strides = array<i32>} : memref<128x128xi32, #tpu.memory_space<vmem>>, vector<16xi32>,
    tpu.vector_store %arg8[%swap3A_217, %swap3A_218], %broadcast_in_dim3A_215 {strides = array<i32>} : memref<128x128xi32, #tpu.memory_space<vmem>>, vector<16xi32>,
    %add3A_220 = arith.constant 31 : i32
    %add3A_221 = arith.addi %mul3A_2, %add3A_220 : i32
    %broadcast_in_dim3A_222 = vector.broadcast %add3A_221 : i32 to vector<16xi32>
    %swap3A_223 = arith.constant 31 : i32
    %swap3A_224 = arith.index_cast %swap3A_223 : i32 to index
    %swap3A_225 = arith.constant 0 : index
    %swap3A_226 = tpu.vector_load %arg8[%swap3A_224, %swap3A_225] {strides = array<i32>} : memref<128x128xi32, #tpu.memory_space<vmem>>, vector<16xi32>,
    tpu.vector_store %arg8[%swap3A_224, %swap3A_225], %broadcast_in_dim3A_222 {strides = array<i32>} : memref<128x128xi32, #tpu.memory_space<vmem>>, vector<16xi32>,
    %add3A_227 = arith.constant 32 : i32
    %add3A_228 = arith.addi %mul3A_2, %add3A_227 : i32
    %broadcast_in_dim3A_229 = vector.broadcast %add3A_228 : i32 to vector<16xi32>
    %swap3A_230 = arith.constant 32 : i32
    %swap3A_231 = arith.index_cast %swap3A_230 : i32 to index
    %swap3A_232 = arith.constant 0 : index
    %swap3A_233 = tpu.vector_load %arg8[%swap3A_231, %swap3A_232] {strides = array<i32>} : memref<128x128xi32, #tpu.memory_space<vmem>>, vector<16xi32>,
    tpu.vector_store %arg8[%swap3A_231, %swap3A_232], %broadcast_in_dim3A_229 {strides = array<i32>} : memref<128x128xi32, #tpu.memory_space<vmem>>, vector<16xi32>,
    %add3A_234 = arith.constant 33 : i32
    %add3A_235 = arith.addi %mul3A_2, %add3A_234 : i32
    %broadcast_in_dim3A_236 = vector.broadcast %add3A_235 : i32 to vector<16xi32>
    %swap3A_237 = arith.constant 33 : i32
    %swap3A_238 = arith.index_cast %swap3A_237 : i32 to index
    %swap3A_239 = arith.constant 0 : index
    %swap3A_240 = tpu.vector_load %arg8[%swap3A_238, %swap3A_239] {strides = array<i32>} : memref<128x128xi32, #tpu.memory_space<vmem>>, vector<16xi32>,
    tpu.vector_store %arg8[%swap3A_238, %swap3A_239], %broadcast_in_dim3A_236 {strides = array<i32>} : memref<128x128xi32, #tpu.memory_space<vmem>>, vector<16xi32>,
    %add3A_241 = arith.constant 34 : i32
    %add3A_242 = arith.addi %mul3A_2, %add3A_241 : i32
    %broadcast_in_dim3A_243 = vector.broadcast %add3A_242 : i32 to vector<16xi32>
    %swap3A_244 = arith.constant 34 : i32
    %swap3A_245 = arith.index_cast %swap3A_244 : i32 to index
    %swap3A_246 = arith.constant 0 : index
    %swap3A_247 = tpu.vector_load %arg8[%swap3A_245, %swap3A_246] {strides = array<i32>} : memref<128x128xi32, #tpu.memory_space<vmem>>, vector<16xi32>,
    tpu.vector_store %arg8[%swap3A_245, %swap3A_246], %broadcast_in_dim3A_243 {strides = array<i32>} : memref<128x128xi32, #tpu.memory_space<vmem>>, vector<16xi32>,
    %add3A_248 = arith.constant 35 : i32
    %add3A_249 = arith.addi %mul3A_2, %add3A_248 : i32
    %broadcast_in_dim3A_250 = vector.broadcast %add3A_249 : i32 to vector<16xi32>
    %swap3A_251 = arith.constant 35 : i32
    %swap3A_252 = arith.index_cast %swap3A_251 : i32 to index
    %swap3A_253 = arith.constant 0 : index
    %swap3A_254 = tpu.vector_load %arg8[%swap3A_252, %swap3A_253] {strides = array<i32>} : memref<128x128xi32, #tpu.memory_space<vmem>>, vector<16xi32>,
    tpu.vector_store %arg8[%swap3A_252, %swap3A_253], %broadcast_in_dim3A_250 {strides = array<i32>} : memref<128x128xi32, #tpu.memory_space<vmem>>, vector<16xi32>,
    %add3A_255 = arith.constant 36 : i32
    %add3A_256 = arith.addi %mul3A_2, %add3A_255 : i32
    %broadcast_in_dim3A_257 = vector.broadcast %add3A_256 : i32 to vector<16xi32>
    %swap3A_258 = arith.constant 36 : i32
    %swap3A_259 = arith.index_cast %swap3A_258 : i32 to index
    %swap3A_260 = arith.constant 0 : index
    %swap3A_261 = tpu.vector_load %arg8[%swap3A_259, %swap3A_260] {strides = array<i32>} : memref<128x128xi32, #tpu.memory_space<vmem>>, vector<16xi32>,
    tpu.vector_store %arg8[%swap3A_259, %swap3A_260], %broadcast_in_dim3A_257 {strides = array<i32>} : memref<128x128xi32, #tpu.memory_space<vmem>>, vector<16xi32>,
    %add3A_262 = arith.constant 37 : i32
    %add3A_263 = arith.addi %mul3A_2, %add3A_262 : i32
    %broadcast_in_dim3A_264 = vector.broadcast %add3A_263 : i32 to vector<16xi32>
    %swap3A_265 = arith.constant 37 : i32
    %swap3A_266 = arith.index_cast %swap3A_265 : i32 to index
    %swap3A_267 = arith.constant 0 : index
    %swap3A_268 = tpu.vector_load %arg8[%swap3A_266, %swap3A_267] {strides = array<i32>} : memref<128x128xi32, #tpu.memory_space<vmem>>, vector<16xi32>,
    tpu.vector_store %arg8[%swap3A_266, %swap3A_267], %broadcast_in_dim3A_264 {strides = array<i32>} : memref<128x128xi32, #tpu.memory_space<vmem>>, vector<16xi32>,
    %add3A_269 = arith.constant 38 : i32
    %add3A_270 = arith.addi %mul3A_2, %add3A_269 : i32
    %broadcast_in_dim3A_271 = vector.broadcast %add3A_270 : i32 to vector<16xi32>
    %swap3A_272 = arith.constant 38 : i32
    %swap3A_273 = arith.index_cast %swap3A_272 : i32 to index
    %swap3A_274 = arith.constant 0 : index
    %swap3A_275 = tpu.vector_load %arg8[%swap3A_273, %swap3A_274] {strides = array<i32>} : memref<128x128xi32, #tpu.memory_space<vmem>>, vector<16xi32>,
    tpu.vector_store %arg8[%swap3A_273, %swap3A_274], %broadcast_in_dim3A_271 {strides = array<i32>} : memref<128x128xi32, #tpu.memory_space<vmem>>, vector<16xi32>,
    %add3A_276 = arith.constant 39 : i32
    %add3A_277 = arith.addi %mul3A_2, %add3A_276 : i32
    %broadcast_in_dim3A_278 = vector.broadcast %add3A_277 : i32 to vector<16xi32>
    %swap3A_279 = arith.constant 39 : i32
    %swap3A_280 = arith.index_cast %swap3A_279 : i32 to index
    %swap3A_281 = arith.constant 0 : index
    %swap3A_282 = tpu.vector_load %arg8[%swap3A_280, %swap3A_281] {strides = array<i32>} : memref<128x128xi32, #tpu.memory_space<vmem>>, vector<16xi32>,
    tpu.vector_store %arg8[%swap3A_280, %swap3A_281], %broadcast_in_dim3A_278 {strides = array<i32>} : memref<128x128xi32, #tpu.memory_space<vmem>>, vector<16xi32>,
    %add3A_283 = arith.constant 40 : i32
    %add3A_284 = arith.addi %mul3A_2, %add3A_283 : i32
    %broadcast_in_dim3A_285 = vector.broadcast %add3A_284 : i32 to vector<16xi32>
    %swap3A_286 = arith.constant 40 : i32
    %swap3A_287 = arith.index_cast %swap3A_286 : i32 to index
    %swap3A_288 = arith.constant 0 : index
    %swap3A_289 = tpu.vector_load %arg8[%swap3A_287, %swap3A_288] {strides = array<i32>} : memref<128x128xi32, #tpu.memory_space<vmem>>, vector<16xi32>,
    tpu.vector_store %arg8[%swap3A_287, %swap3A_288], %broadcast_in_dim3A_285 {strides = array<i32>} : memref<128x128xi32, #tpu.memory_space<vmem>>, vector<16xi32>,
    %add3A_290 = arith.constant 41 : i32
    %add3A_291 = arith.addi %mul3A_2, %add3A_290 : i32
    %broadcast_in_dim3A_292 = vector.broadcast %add3A_291 : i32 to vector<16xi32>
    %swap3A_293 = arith.constant 41 : i32
    %swap3A_294 = arith.index_cast %swap3A_293 : i32 to index
    %swap3A_295 = arith.constant 0 : index
    %swap3A_296 = tpu.vector_load %arg8[%swap3A_294, %swap3A_295] {strides = array<i32>} : memref<128x128xi32, #tpu.memory_space<vmem>>, vector<16xi32>,
    tpu.vector_store %arg8[%swap3A_294, %swap3A_295], %broadcast_in_dim3A_292 {strides = array<i32>} : memref<128x128xi32, #tpu.memory_space<vmem>>, vector<16xi32>,
    %add3A_297 = arith.constant 42 : i32
    %add3A_298 = arith.addi %mul3A_2, %add3A_297 : i32
    %broadcast_in_dim3A_299 = vector.broadcast %add3A_298 : i32 to vector<16xi32>
    %swap3A_300 = arith.constant 42 : i32
    %swap3A_301 = arith.index_cast %swap3A_300 : i32 to index
    %swap3A_302 = arith.constant 0 : index
    %swap3A_303 = tpu.vector_load %arg8[%swap3A_301, %swap3A_302] {strides = array<i32>} : memref<128x128xi32, #tpu.memory_space<vmem>>, vector<16xi32>,
    tpu.vector_store %arg8[%swap3A_301, %swap3A_302], %broadcast_in_dim3A_299 {strides = array<i32>} : memref<128x128xi32, #tpu.memory_space<vmem>>, vector<16xi32>,
    %add3A_304 = arith.constant 43 : i32
    %add3A_305 = arith.addi %mul3A_2, %add3A_304 : i32
    %broadcast_in_dim3A_306 = vector.broadcast %add3A_305 : i32 to vector<16xi32>
    %swap3A_307 = arith.constant 43 : i32
    %swap3A_308 = arith.index_cast %swap3A_307 : i32 to index
    %swap3A_309 = arith.constant 0 : index
    %swap3A_310 = tpu.vector_load %arg8[%swap3A_308, %swap3A_309] {strides = array<i32>} : memref<128x128xi32, #tpu.memory_space<vmem>>, vector<16xi32>,
    tpu.vector_store %arg8[%swap3A_308, %swap3A_309], %broadcast_in_dim3A_306 {strides = array<i32>} : memref<128x128xi32, #tpu.memory_space<vmem>>, vector<16xi32>,
    %add3A_311 = arith.constant 44 : i32
    %add3A_312 = arith.addi %mul3A_2, %add3A_311 : i32
    %broadcast_in_dim3A_313 = vector.broadcast %add3A_312 : i32 to vector<16xi32>
    %swap3A_314 = arith.constant 44 : i32
    %swap3A_315 = arith.index_cast %swap3A_314 : i32 to index
    %swap3A_316 = arith.constant 0 : index
    %swap3A_317 = tpu.vector_load %arg8[%swap3A_315, %swap3A_316] {strides = array<i32>} : memref<128x128xi32, #tpu.memory_space<vmem>>, vector<16xi32>,
    tpu.vector_store %arg8[%swap3A_315, %swap3A_316], %broadcast_in_dim3A_313 {strides = array<i32>} : memref<128x128xi32, #tpu.memory_space<vmem>>, vector<16xi32>,
    %add3A_318 = arith.constant 45 : i32
    %add3A_319 = arith.addi %mul3A_2, %add3A_318 : i32
    %broadcast_in_dim3A_320 = vector.broadcast %add3A_319 : i32 to vector<16xi32>
    %swap3A_321 = arith.constant 45 : i32
    %swap3A_322 = arith.index_cast %swap3A_321 : i32 to index
    %swap3A_323 = arith.constant 0 : index
    %swap3A_324 = tpu.vector_load %arg8[%swap3A_322, %swap3A_323] {strides = array<i32>} : memref<128x128xi32, #tpu.memory_space<vmem>>, vector<16xi32>,
    tpu.vector_store %arg8[%swap3A_322, %swap3A_323], %broadcast_in_dim3A_320 {strides = array<i32>} : memref<128x128xi32, #tpu.memory_space<vmem>>, vector<16xi32>,
    %add3A_325 = arith.constant 46 : i32
    %add3A_326 = arith.addi %mul3A_2, %add3A_325 : i32
    %broadcast_in_dim3A_327 = vector.broadcast %add3A_326 : i32 to vector<16xi32>
    %swap3A_328 = arith.constant 46 : i32
    %swap3A_329 = arith.index_cast %swap3A_328 : i32 to index
    %swap3A_330 = arith.constant 0 : index
    %swap3A_331 = tpu.vector_load %arg8[%swap3A_329, %swap3A_330] {strides = array<i32>} : memref<128x128xi32, #tpu.memory_space<vmem>>, vector<16xi32>,
    tpu.vector_store %arg8[%swap3A_329, %swap3A_330], %broadcast_in_dim3A_327 {strides = array<i32>} : memref<128x128xi32, #tpu.memory_space<vmem>>, vector<16xi32>,
    %add3A_332 = arith.constant 47 : i32
    %add3A_333 = arith.addi %mul3A_2, %add3A_332 : i32
    %broadcast_in_dim3A_334 = vector.broadcast %add3A_333 : i32 to vector<16xi32>
    %swap3A_335 = arith.constant 47 : i32
    %swap3A_336 = arith.index_cast %swap3A_335 : i32 to index
    %swap3A_337 = arith.constant 0 : index
    %swap3A_338 = tpu.vector_load %arg8[%swap3A_336, %swap3A_337] {strides = array<i32>} : memref<128x128xi32, #tpu.memory_space<vmem>>, vector<16xi32>,
    tpu.vector_store %arg8[%swap3A_336, %swap3A_337], %broadcast_in_dim3A_334 {strides = array<i32>} : memref<128x128xi32, #tpu.memory_space<vmem>>, vector<16xi32>,
    %add3A_339 = arith.constant 48 : i32
    %add3A_340 = arith.addi %mul3A_2, %add3A_339 : i32
    %broadcast_in_dim3A_341 = vector.broadcast %add3A_340 : i32 to vector<16xi32>
    %swap3A_342 = arith.constant 48 : i32
    %swap3A_343 = arith.index_cast %swap3A_342 : i32 to index
    %swap3A_344 = arith.constant 0 : index
    %swap3A_345 = tpu.vector_load %arg8[%swap3A_343, %swap3A_344] {strides = array<i32>} : memref<128x128xi32, #tpu.memory_space<vmem>>, vector<16xi32>,
    tpu.vector_store %arg8[%swap3A_343, %swap3A_344], %broadcast_in_dim3A_341 {strides = array<i32>} : memref<128x128xi32, #tpu.memory_space<vmem>>, vector<16xi32>,
    %add3A_346 = arith.constant 49 : i32
    %add3A_347 = arith.addi %mul3A_2, %add3A_346 : i32
    %broadcast_in_dim3A_348 = vector.broadcast %add3A_347 : i32 to vector<16xi32>
    %swap3A_349 = arith.constant 49 : i32
    %swap3A_350 = arith.index_cast %swap3A_349 : i32 to index
    %swap3A_351 = arith.constant 0 : index
    %swap3A_352 = tpu.vector_load %arg8[%swap3A_350, %swap3A_351] {strides = array<i32>} : memref<128x128xi32, #tpu.memory_space<vmem>>, vector<16xi32>,
    tpu.vector_store %arg8[%swap3A_350, %swap3A_351], %broadcast_in_dim3A_348 {strides = array<i32>} : memref<128x128xi32, #tpu.memory_space<vmem>>, vector<16xi32>,
    %add3A_353 = arith.constant 50 : i32
    %add3A_354 = arith.addi %mul3A_2, %add3A_353 : i32
    %broadcast_in_dim3A_355 = vector.broadcast %add3A_354 : i32 to vector<16xi32>
    %swap3A_356 = arith.constant 50 : i32
    %swap3A_357 = arith.index_cast %swap3A_356 : i32 to index
    %swap3A_358 = arith.constant 0 : index
    %swap3A_359 = tpu.vector_load %arg8[%swap3A_357, %swap3A_358] {strides = array<i32>} : memref<128x128xi32, #tpu.memory_space<vmem>>, vector<16xi32>,
    tpu.vector_store %arg8[%swap3A_357, %swap3A_358], %broadcast_in_dim3A_355 {strides = array<i32>} : memref<128x128xi32, #tpu.memory_space<vmem>>, vector<16xi32>,
    %add3A_360 = arith.constant 51 : i32
    %add3A_361 = arith.addi %mul3A_2, %add3A_360 : i32
    %broadcast_in_dim3A_362 = vector.broadcast %add3A_361 : i32 to vector<16xi32>
    %swap3A_363 = arith.constant 51 : i32
    %swap3A_364 = arith.index_cast %swap3A_363 : i32 to index
    %swap3A_365 = arith.constant 0 : index
    %swap3A_366 = tpu.vector_load %arg8[%swap3A_364, %swap3A_365] {strides = array<i32>} : memref<128x128xi32, #tpu.memory_space<vmem>>, vector<16xi32>,
    tpu.vector_store %arg8[%swap3A_364, %swap3A_365], %broadcast_in_dim3A_362 {strides = array<i32>} : memref<128x128xi32, #tpu.memory_space<vmem>>, vector<16xi32>,
    %add3A_367 = arith.constant 52 : i32
    %add3A_368 = arith.addi %mul3A_2, %add3A_367 : i32
    %broadcast_in_dim3A_369 = vector.broadcast %add3A_368 : i32 to vector<16xi32>
    %swap3A_370 = arith.constant 52 : i32
    %swap3A_371 = arith.index_cast %swap3A_370 : i32 to index
    %swap3A_372 = arith.constant 0 : index
    %swap3A_373 = tpu.vector_load %arg8[%swap3A_371, %swap3A_372] {strides = array<i32>} : memref<128x128xi32, #tpu.memory_space<vmem>>, vector<16xi32>,
    tpu.vector_store %arg8[%swap3A_371, %swap3A_372], %broadcast_in_dim3A_369 {strides = array<i32>} : memref<128x128xi32, #tpu.memory_space<vmem>>, vector<16xi32>,
    %add3A_374 = arith.constant 53 : i32
    %add3A_375 = arith.addi %mul3A_2, %add3A_374 : i32
    %broadcast_in_dim3A_376 = vector.broadcast %add3A_375 : i32 to vector<16xi32>
    %swap3A_377 = arith.constant 53 : i32
    %swap3A_378 = arith.index_cast %swap3A_377 : i32 to index
    %swap3A_379 = arith.constant 0 : index
    %swap3A_380 = tpu.vector_load %arg8[%swap3A_378, %swap3A_379] {strides = array<i32>} : memref<128x128xi32, #tpu.memory_space<vmem>>, vector<16xi32>,
    tpu.vector_store %arg8[%swap3A_378, %swap3A_379], %broadcast_in_dim3A_376 {strides = array<i32>} : memref<128x128xi32, #tpu.memory_space<vmem>>, vector<16xi32>,
    %add3A_381 = arith.constant 54 : i32
    %add3A_382 = arith.addi %mul3A_2, %add3A_381 : i32
    %broadcast_in_dim3A_383 = vector.broadcast %add3A_382 : i32 to vector<16xi32>
    %swap3A_384 = arith.constant 54 : i32
    %swap3A_385 = arith.index_cast %swap3A_384 : i32 to index
    %swap3A_386 = arith.constant 0 : index
    %swap3A_387 = tpu.vector_load %arg8[%swap3A_385, %swap3A_386] {strides = array<i32>} : memref<128x128xi32, #tpu.memory_space<vmem>>, vector<16xi32>,
    tpu.vector_store %arg8[%swap3A_385, %swap3A_386], %broadcast_in_dim3A_383 {strides = array<i32>} : memref<128x128xi32, #tpu.memory_space<vmem>>, vector<16xi32>,
    %add3A_388 = arith.constant 55 : i32
    %add3A_389 = arith.addi %mul3A_2, %add3A_388 : i32
    %broadcast_in_dim3A_390 = vector.broadcast %add3A_389 : i32 to vector<16xi32>
    %swap3A_391 = arith.constant 55 : i32
    %swap3A_392 = arith.index_cast %swap3A_391 : i32 to index
    %swap3A_393 = arith.constant 0 : index
    %swap3A_394 = tpu.vector_load %arg8[%swap3A_392, %swap3A_393] {strides = array<i32>} : memref<128x128xi32, #tpu.memory_space<vmem>>, vector<16xi32>,
    tpu.vector_store %arg8[%swap3A_392, %swap3A_393], %broadcast_in_dim3A_390 {strides = array<i32>} : memref<128x128xi32, #tpu.memory_space<vmem>>, vector<16xi32>,
    %add3A_395 = arith.constant 56 : i32
    %add3A_396 = arith.addi %mul3A_2, %add3A_395 : i32
    %broadcast_in_dim3A_397 = vector.broadcast %add3A_396 : i32 to vector<16xi32>
    %swap3A_398 = arith.constant 56 : i32
    %swap3A_399 = arith.index_cast %swap3A_398 : i32 to index
    %swap3A_400 = arith.constant 0 : index
    %swap3A_401 = tpu.vector_load %arg8[%swap3A_399, %swap3A_400] {strides = array<i32>} : memref<128x128xi32, #tpu.memory_space<vmem>>, vector<16xi32>,
    tpu.vector_store %arg8[%swap3A_399, %swap3A_400], %broadcast_in_dim3A_397 {strides = array<i32>} : memref<128x128xi32, #tpu.memory_space<vmem>>, vector<16xi32>,
    %add3A_402 = arith.constant 57 : i32
    %add3A_403 = arith.addi %mul3A_2, %add3A_402 : i32
    %broadcast_in_dim3A_404 = vector.broadcast %add3A_403 : i32 to vector<16xi32>
    %swap3A_405 = arith.constant 57 : i32
    %swap3A_406 = arith.index_cast %swap3A_405 : i32 to index
    %swap3A_407 = arith.constant 0 : index
    %swap3A_408 = tpu.vector_load %arg8[%swap3A_406, %swap3A_407] {strides = array<i32>} : memref<128x128xi32, #tpu.memory_space<vmem>>, vector<16xi32>,
    tpu.vector_store %arg8[%swap3A_406, %swap3A_407], %broadcast_in_dim3A_404 {strides = array<i32>} : memref<128x128xi32, #tpu.memory_space<vmem>>, vector<16xi32>,
    %add3A_409 = arith.constant 58 : i32
    %add3A_410 = arith.addi %mul3A_2, %add3A_409 : i32
    %broadcast_in_dim3A_411 = vector.broadcast %add3A_410 : i32 to vector<16xi32>
    %swap3A_412 = arith.constant 58 : i32
    %swap3A_413 = arith.index_cast %swap3A_412 : i32 to index
    %swap3A_414 = arith.constant 0 : index
    %swap3A_415 = tpu.vector_load %arg8[%swap3A_413, %swap3A_414] {strides = array<i32>} : memref<128x128xi32, #tpu.memory_space<vmem>>, vector<16xi32>,
    tpu.vector_store %arg8[%swap3A_413, %swap3A_414], %broadcast_in_dim3A_411 {strides = array<i32>} : memref<128x128xi32, #tpu.memory_space<vmem>>, vector<16xi32>,
    %add3A_416 = arith.constant 59 : i32
    %add3A_417 = arith.addi %mul3A_2, %add3A_416 : i32
    %broadcast_in_dim3A_418 = vector.broadcast %add3A_417 : i32 to vector<16xi32>
    %swap3A_419 = arith.constant 59 : i32
    %swap3A_420 = arith.index_cast %swap3A_419 : i32 to index
    %swap3A_421 = arith.constant 0 : index
    %swap3A_422 = tpu.vector_load %arg8[%swap3A_420, %swap3A_421] {strides = array<i32>} : memref<128x128xi32, #tpu.memory_space<vmem>>, vector<16xi32>,
    tpu.vector_store %arg8[%swap3A_420, %swap3A_421], %broadcast_in_dim3A_418 {strides = array<i32>} : memref<128x128xi32, #tpu.memory_space<vmem>>, vector<16xi32>,
    %add3A_423 = arith.constant 60 : i32
    %add3A_424 = arith.addi %mul3A_2, %add3A_423 : i32
    %broadcast_in_dim3A_425 = vector.broadcast %add3A_424 : i32 to vector<16xi32>
    %swap3A_426 = arith.constant 60 : i32
    %swap3A_427 = arith.index_cast %swap3A_426 : i32 to index
    %swap3A_428 = arith.constant 0 : index
    %swap3A_429 = tpu.vector_load %arg8[%swap3A_427, %swap3A_428] {strides = array<i32>} : memref<128x128xi32, #tpu.memory_space<vmem>>, vector<16xi32>,
    tpu.vector_store %arg8[%swap3A_427, %swap3A_428], %broadcast_in_dim3A_425 {strides = array<i32>} : memref<128x128xi32, #tpu.memory_space<vmem>>, vector<16xi32>,
    %add3A_430 = arith.constant 61 : i32
    %add3A_431 = arith.addi %mul3A_2, %add3A_430 : i32
    %broadcast_in_dim3A_432 = vector.broadcast %add3A_431 : i32 to vector<16xi32>
    %swap3A_433 = arith.constant 61 : i32
    %swap3A_434 = arith.index_cast %swap3A_433 : i32 to index
    %swap3A_435 = arith.constant 0 : index
    %swap3A_436 = tpu.vector_load %arg8[%swap3A_434, %swap3A_435] {strides = array<i32>} : memref<128x128xi32, #tpu.memory_space<vmem>>, vector<16xi32>,
    tpu.vector_store %arg8[%swap3A_434, %swap3A_435], %broadcast_in_dim3A_432 {strides = array<i32>} : memref<128x128xi32, #tpu.memory_space<vmem>>, vector<16xi32>,
    %add3A_437 = arith.constant 62 : i32
    %add3A_438 = arith.addi %mul3A_2, %add3A_437 : i32
    %broadcast_in_dim3A_439 = vector.broadcast %add3A_438 : i32 to vector<16xi32>
    %swap3A_440 = arith.constant 62 : i32
    %swap3A_441 = arith.index_cast %swap3A_440 : i32 to index
    %swap3A_442 = arith.constant 0 : index
    %swap3A_443 = tpu.vector_load %arg8[%swap3A_441, %swap3A_442] {strides = array<i32>} : memref<128x128xi32, #tpu.memory_space<vmem>>, vector<16xi32>,
    tpu.vector_store %arg8[%swap3A_441, %swap3A_442], %broadcast_in_dim3A_439 {strides = array<i32>} : memref<128x128xi32, #tpu.memory_space<vmem>>, vector<16xi32>,
    %add3A_444 = arith.constant 63 : i32
    %add3A_445 = arith.addi %mul3A_2, %add3A_444 : i32
    %broadcast_in_dim3A_446 = vector.broadcast %add3A_445 : i32 to vector<16xi32>
    %swap3A_447 = arith.constant 63 : i32
    %swap3A_448 = arith.index_cast %swap3A_447 : i32 to index
    %swap3A_449 = arith.constant 0 : index
    %swap3A_450 = tpu.vector_load %arg8[%swap3A_448, %swap3A_449] {strides = array<i32>} : memref<128x128xi32, #tpu.memory_space<vmem>>, vector<16xi32>,
    tpu.vector_store %arg8[%swap3A_448, %swap3A_449], %broadcast_in_dim3A_446 {strides = array<i32>} : memref<128x128xi32, #tpu.memory_space<vmem>>, vector<16xi32>,
    %add3A_451 = arith.constant 64 : i32
    %add3A_452 = arith.addi %mul3A_2, %add3A_451 : i32
    %broadcast_in_dim3A_453 = vector.broadcast %add3A_452 : i32 to vector<16xi32>
    %swap3A_454 = arith.constant 64 : i32
    %swap3A_455 = arith.index_cast %swap3A_454 : i32 to index
    %swap3A_456 = arith.constant 0 : index
    %swap3A_457 = tpu.vector_load %arg8[%swap3A_455, %swap3A_456] {strides = array<i32>} : memref<128x128xi32, #tpu.memory_space<vmem>>, vector<16xi32>,
    tpu.vector_store %arg8[%swap3A_455, %swap3A_456], %broadcast_in_dim3A_453 {strides = array<i32>} : memref<128x128xi32, #tpu.memory_space<vmem>>, vector<16xi32>,
    %add3A_458 = arith.constant 65 : i32
    %add3A_459 = arith.addi %mul3A_2, %add3A_458 : i32
    %broadcast_in_dim3A_460 = vector.broadcast %add3A_459 : i32 to vector<16xi32>
    %swap3A_461 = arith.constant 65 : i32
    %swap3A_462 = arith.index_cast %swap3A_461 : i32 to index
    %swap3A_463 = arith.constant 0 : index
    %swap3A_464 = tpu.vector_load %arg8[%swap3A_462, %swap3A_463] {strides = array<i32>} : memref<128x128xi32, #tpu.memory_space<vmem>>, vector<16xi32>,
    tpu.vector_store %arg8[%swap3A_462, %swap3A_463], %broadcast_in_dim3A_460 {strides = array<i32>} : memref<128x128xi32, #tpu.memory_space<vmem>>, vector<16xi32>,
    %add3A_465 = arith.constant 66 : i32
    %add3A_466 = arith.addi %mul3A_2, %add3A_465 : i32
    %broadcast_in_dim3A_467 = vector.broadcast %add3A_466 : i32 to vector<16xi32>
    %swap3A_468 = arith.constant 66 : i32
    %swap3A_469 = arith.index_cast %swap3A_468 : i32 to index
    %swap3A_470 = arith.constant 0 : index
    %swap3A_471 = tpu.vector_load %arg8[%swap3A_469, %swap3A_470] {strides = array<i32>} : memref<128x128xi32, #tpu.memory_space<vmem>>, vector<16xi32>,
    tpu.vector_store %arg8[%swap3A_469, %swap3A_470], %broadcast_in_dim3A_467 {strides = array<i32>} : memref<128x128xi32, #tpu.memory_space<vmem>>, vector<16xi32>,
    %add3A_472 = arith.constant 67 : i32
    %add3A_473 = arith.addi %mul3A_2, %add3A_472 : i32
    %broadcast_in_dim3A_474 = vector.broadcast %add3A_473 : i32 to vector<16xi32>
    %swap3A_475 = arith.constant 67 : i32
    %swap3A_476 = arith.index_cast %swap3A_475 : i32 to index
    %swap3A_477 = arith.constant 0 : index
    %swap3A_478 = tpu.vector_load %arg8[%swap3A_476, %swap3A_477] {strides = array<i32>} : memref<128x128xi32, #tpu.memory_space<vmem>>, vector<16xi32>,
    tpu.vector_store %arg8[%swap3A_476, %swap3A_477], %broadcast_in_dim3A_474 {strides = array<i32>} : memref<128x128xi32, #tpu.memory_space<vmem>>, vector<16xi32>,
    %add3A_479 = arith.constant 68 : i32
    %add3A_480 = arith.addi %mul3A_2, %add3A_479 : i32
    %broadcast_in_dim3A_481 = vector.broadcast %add3A_480 : i32 to vector<16xi32>
    %swap3A_482 = arith.constant 68 : i32
    %swap3A_483 = arith.index_cast %swap3A_482 : i32 to index
    %swap3A_484 = arith.constant 0 : index
    %swap3A_485 = tpu.vector_load %arg8[%swap3A_483, %swap3A_484] {strides = array<i32>} : memref<128x128xi32, #tpu.memory_space<vmem>>, vector<16xi32>,
    tpu.vector_store %arg8[%swap3A_483, %swap3A_484], %broadcast_in_dim3A_481 {strides = array<i32>} : memref<128x128xi32, #tpu.memory_space<vmem>>, vector<16xi32>,
    %add3A_486 = arith.constant 69 : i32
    %add3A_487 = arith.addi %mul3A_2, %add3A_486 : i32
    %broadcast_in_dim3A_488 = vector.broadcast %add3A_487 : i32 to vector<16xi32>
    %swap3A_489 = arith.constant 69 : i32
    %swap3A_490 = arith.index_cast %swap3A_489 : i32 to index
    %swap3A_491 = arith.constant 0 : index
    %swap3A_492 = tpu.vector_load %arg8[%swap3A_490, %swap3A_491] {strides = array<i32>} : memref<128x128xi32, #tpu.memory_space<vmem>>, vector<16xi32>,
    tpu.vector_store %arg8[%swap3A_490, %swap3A_491], %broadcast_in_dim3A_488 {strides = array<i32>} : memref<128x128xi32, #tpu.memory_space<vmem>>, vector<16xi32>,
    %add3A_493 = arith.constant 70 : i32
    %add3A_494 = arith.addi %mul3A_2, %add3A_493 : i32
    %broadcast_in_dim3A_495 = vector.broadcast %add3A_494 : i32 to vector<16xi32>
    %swap3A_496 = arith.constant 70 : i32
    %swap3A_497 = arith.index_cast %swap3A_496 : i32 to index
    %swap3A_498 = arith.constant 0 : index
    %swap3A_499 = tpu.vector_load %arg8[%swap3A_497, %swap3A_498] {strides = array<i32>} : memref<128x128xi32, #tpu.memory_space<vmem>>, vector<16xi32>,
    tpu.vector_store %arg8[%swap3A_497, %swap3A_498], %broadcast_in_dim3A_495 {strides = array<i32>} : memref<128x128xi32, #tpu.memory_space<vmem>>, vector<16xi32>,
    %add3A_500 = arith.constant 71 : i32
    %add3A_501 = arith.addi %mul3A_2, %add3A_500 : i32
    %broadcast_in_dim3A_502 = vector.broadcast %add3A_501 : i32 to vector<16xi32>
    %swap3A_503 = arith.constant 71 : i32
    %swap3A_504 = arith.index_cast %swap3A_503 : i32 to index
    %swap3A_505 = arith.constant 0 : index
    %swap3A_506 = tpu.vector_load %arg8[%swap3A_504, %swap3A_505] {strides = array<i32>} : memref<128x128xi32, #tpu.memory_space<vmem>>, vector<16xi32>,
    tpu.vector_store %arg8[%swap3A_504, %swap3A_505], %broadcast_in_dim3A_502 {strides = array<i32>} : memref<128x128xi32, #tpu.memory_space<vmem>>, vector<16xi32>,
    %add3A_507 = arith.constant 72 : i32
    %add3A_508 = arith.addi %mul3A_2, %add3A_507 : i32
    %broadcast_in_dim3A_509 = vector.broadcast %add3A_508 : i32 to vector<16xi32>
    %swap3A_510 = arith.constant 72 : i32
    %swap3A_511 = arith.index_cast %swap3A_510 : i32 to index
    %swap3A_512 = arith.constant 0 : index
    %swap3A_513 = tpu.vector_load %arg8[%swap3A_511, %swap3A_512] {strides = array<i32>} : memref<128x128xi32, #tpu.memory_space<vmem>>, vector<16xi32>,
    tpu.vector_store %arg8[%swap3A_511, %swap3A_512], %broadcast_in_dim3A_509 {strides = array<i32>} : memref<128x128xi32, #tpu.memory_space<vmem>>, vector<16xi32>,
    %add3A_514 = arith.constant 73 : i32
    %add3A_515 = arith.addi %mul3A_2, %add3A_514 : i32
    %broadcast_in_dim3A_516 = vector.broadcast %add3A_515 : i32 to vector<16xi32>
    %swap3A_517 = arith.constant 73 : i32
    %swap3A_518 = arith.index_cast %swap3A_517 : i32 to index
    %swap3A_519 = arith.constant 0 : index
    %swap3A_520 = tpu.vector_load %arg8[%swap3A_518, %swap3A_519] {strides = array<i32>} : memref<128x128xi32, #tpu.memory_space<vmem>>, vector<16xi32>,
    tpu.vector_store %arg8[%swap3A_518, %swap3A_519], %broadcast_in_dim3A_516 {strides = array<i32>} : memref<128x128xi32, #tpu.memory_space<vmem>>, vector<16xi32>,
    %add3A_521 = arith.constant 74 : i32
    %add3A_522 = arith.addi %mul3A_2, %add3A_521 : i32
    %broadcast_in_dim3A_523 = vector.broadcast %add3A_522 : i32 to vector<16xi32>
    %swap3A_524 = arith.constant 74 : i32
    %swap3A_525 = arith.index_cast %swap3A_524 : i32 to index
    %swap3A_526 = arith.constant 0 : index
    %swap3A_527 = tpu.vector_load %arg8[%swap3A_525, %swap3A_526] {strides = array<i32>} : memref<128x128xi32, #tpu.memory_space<vmem>>, vector<16xi32>,
    tpu.vector_store %arg8[%swap3A_525, %swap3A_526], %broadcast_in_dim3A_523 {strides = array<i32>} : memref<128x128xi32, #tpu.memory_space<vmem>>, vector<16xi32>,
    %add3A_528 = arith.constant 75 : i32
    %add3A_529 = arith.addi %mul3A_2, %add3A_528 : i32
    %broadcast_in_dim3A_530 = vector.broadcast %add3A_529 : i32 to vector<16xi32>
    %swap3A_531 = arith.constant 75 : i32
    %swap3A_532 = arith.index_cast %swap3A_531 : i32 to index
    %swap3A_533 = arith.constant 0 : index
    %swap3A_534 = tpu.vector_load %arg8[%swap3A_532, %swap3A_533] {strides = array<i32>} : memref<128x128xi32, #tpu.memory_space<vmem>>, vector<16xi32>,
    tpu.vector_store %arg8[%swap3A_532, %swap3A_533], %broadcast_in_dim3A_530 {strides = array<i32>} : memref<128x128xi32, #tpu.memory_space<vmem>>, vector<16xi32>,
    %add3A_535 = arith.constant 76 : i32
    %add3A_536 = arith.addi %mul3A_2, %add3A_535 : i32
    %broadcast_in_dim3A_537 = vector.broadcast %add3A_536 : i32 to vector<16xi32>
    %swap3A_538 = arith.constant 76 : i32
    %swap3A_539 = arith.index_cast %swap3A_538 : i32 to index
    %swap3A_540 = arith.constant 0 : index
    %swap3A_541 = tpu.vector_load %arg8[%swap3A_539, %swap3A_540] {strides = array<i32>} : memref<128x128xi32, #tpu.memory_space<vmem>>, vector<16xi32>,
    tpu.vector_store %arg8[%swap3A_539, %swap3A_540], %broadcast_in_dim3A_537 {strides = array<i32>} : memref<128x128xi32, #tpu.memory_space<vmem>>, vector<16xi32>,
    %add3A_542 = arith.constant 77 : i32
    %add3A_543 = arith.addi %mul3A_2, %add3A_542 : i32
    %broadcast_in_dim3A_544 = vector.broadcast %add3A_543 : i32 to vector<16xi32>
    %swap3A_545 = arith.constant 77 : i32
    %swap3A_546 = arith.index_cast %swap3A_545 : i32 to index
    %swap3A_547 = arith.constant 0 : index
    %swap3A_548 = tpu.vector_load %arg8[%swap3A_546, %swap3A_547] {strides = array<i32>} : memref<128x128xi32, #tpu.memory_space<vmem>>, vector<16xi32>,
    tpu.vector_store %arg8[%swap3A_546, %swap3A_547], %broadcast_in_dim3A_544 {strides = array<i32>} : memref<128x128xi32, #tpu.memory_space<vmem>>, vector<16xi32>,
    %add3A_549 = arith.constant 78 : i32
    %add3A_550 = arith.addi %mul3A_2, %add3A_549 : i32
    %broadcast_in_dim3A_551 = vector.broadcast %add3A_550 : i32 to vector<16xi32>
    %swap3A_552 = arith.constant 78 : i32
    %swap3A_553 = arith.index_cast %swap3A_552 : i32 to index
    %swap3A_554 = arith.constant 0 : index
    %swap3A_555 = tpu.vector_load %arg8[%swap3A_553, %swap3A_554] {strides = array<i32>} : memref<128x128xi32, #tpu.memory_space<vmem>>, vector<16xi32>,
    tpu.vector_store %arg8[%swap3A_553, %swap3A_554], %broadcast_in_dim3A_551 {strides = array<i32>} : memref<128x128xi32, #tpu.memory_space<vmem>>, vector<16xi32>,
    %add3A_556 = arith.constant 79 : i32
    %add3A_557 = arith.addi %mul3A_2, %add3A_556 : i32
    %broadcast_in_dim3A_558 = vector.broadcast %add3A_557 : i32 to vector<16xi32>
    %swap3A_559 = arith.constant 79 : i32
    %swap3A_560 = arith.index_cast %swap3A_559 : i32 to index
    %swap3A_561 = arith.constant 0 : index
    %swap3A_562 = tpu.vector_load %arg8[%swap3A_560, %swap3A_561] {strides = array<i32>} : memref<128x128xi32, #tpu.memory_space<vmem>>, vector<16xi32>,
    tpu.vector_store %arg8[%swap3A_560, %swap3A_561], %broadcast_in_dim3A_558 {strides = array<i32>} : memref<128x128xi32, #tpu.memory_space<vmem>>, vector<16xi32>,
    %add3A_563 = arith.constant 80 : i32
    %add3A_564 = arith.addi %mul3A_2, %add3A_563 : i32
    %broadcast_in_dim3A_565 = vector.broadcast %add3A_564 : i32 to vector<16xi32>
    %swap3A_566 = arith.constant 80 : i32
    %swap3A_567 = arith.index_cast %swap3A_566 : i32 to index
    %swap3A_568 = arith.constant 0 : index
    %swap3A_569 = tpu.vector_load %arg8[%swap3A_567, %swap3A_568] {strides = array<i32>} : memref<128x128xi32, #tpu.memory_space<vmem>>, vector<16xi32>,
    tpu.vector_store %arg8[%swap3A_567, %swap3A_568], %broadcast_in_dim3A_565 {strides = array<i32>} : memref<128x128xi32, #tpu.memory_space<vmem>>, vector<16xi32>,
    %add3A_570 = arith.constant 81 : i32
    %add3A_571 = arith.addi %mul3A_2, %add3A_570 : i32
    %broadcast_in_dim3A_572 = vector.broadcast %add3A_571 : i32 to vector<16xi32>
    %swap3A_573 = arith.constant 81 : i32
    %swap3A_574 = arith.index_cast %swap3A_573 : i32 to index
    %swap3A_575 = arith.constant 0 : index
    %swap3A_576 = tpu.vector_load %arg8[%swap3A_574, %swap3A_575] {strides = array<i32>} : memref<128x128xi32, #tpu.memory_space<vmem>>, vector<16xi32>,
    tpu.vector_store %arg8[%swap3A_574, %swap3A_575], %broadcast_in_dim3A_572 {strides = array<i32>} : memref<128x128xi32, #tpu.memory_space<vmem>>, vector<16xi32>,
    %add3A_577 = arith.constant 82 : i32
    %add3A_578 = arith.addi %mul3A_2, %add3A_577 : i32
    %broadcast_in_dim3A_579 = vector.broadcast %add3A_578 : i32 to vector<16xi32>
    %swap3A_580 = arith.constant 82 : i32
    %swap3A_581 = arith.index_cast %swap3A_580 : i32 to index
    %swap3A_582 = arith.constant 0 : index
    %swap3A_583 = tpu.vector_load %arg8[%swap3A_581, %swap3A_582] {strides = array<i32>} : memref<128x128xi32, #tpu.memory_space<vmem>>, vector<16xi32>,
    tpu.vector_store %arg8[%swap3A_581, %swap3A_582], %broadcast_in_dim3A_579 {strides = array<i32>} : memref<128x128xi32, #tpu.memory_space<vmem>>, vector<16xi32>,
    %add3A_584 = arith.constant 83 : i32
    %add3A_585 = arith.addi %mul3A_2, %add3A_584 : i32
    %broadcast_in_dim3A_586 = vector.broadcast %add3A_585 : i32 to vector<16xi32>
    %swap3A_587 = arith.constant 83 : i32
    %swap3A_588 = arith.index_cast %swap3A_587 : i32 to index
    %swap3A_589 = arith.constant 0 : index
    %swap3A_590 = tpu.vector_load %arg8[%swap3A_588, %swap3A_589] {strides = array<i32>} : memref<128x128xi32, #tpu.memory_space<vmem>>, vector<16xi32>,
    tpu.vector_store %arg8[%swap3A_588, %swap3A_589], %broadcast_in_dim3A_586 {strides = array<i32>} : memref<128x128xi32, #tpu.memory_space<vmem>>, vector<16xi32>,
    %add3A_591 = arith.constant 84 : i32
    %add3A_592 = arith.addi %mul3A_2, %add3A_591 : i32
    %broadcast_in_dim3A_593 = vector.broadcast %add3A_592 : i32 to vector<16xi32>
    %swap3A_594 = arith.constant 84 : i32
    %swap3A_595 = arith.index_cast %swap3A_594 : i32 to index
    %swap3A_596 = arith.constant 0 : index
    %swap3A_597 = tpu.vector_load %arg8[%swap3A_595, %swap3A_596] {strides = array<i32>} : memref<128x128xi32, #tpu.memory_space<vmem>>, vector<16xi32>,
    tpu.vector_store %arg8[%swap3A_595, %swap3A_596], %broadcast_in_dim3A_593 {strides = array<i32>} : memref<128x128xi32, #tpu.memory_space<vmem>>, vector<16xi32>,
    %add3A_598 = arith.constant 85 : i32
    %add3A_599 = arith.addi %mul3A_2, %add3A_598 : i32
    %broadcast_in_dim3A_600 = vector.broadcast %add3A_599 : i32 to vector<16xi32>
    %swap3A_601 = arith.constant 85 : i32
    %swap3A_602 = arith.index_cast %swap3A_601 : i32 to index
    %swap3A_603 = arith.constant 0 : index
    %swap3A_604 = tpu.vector_load %arg8[%swap3A_602, %swap3A_603] {strides = array<i32>} : memref<128x128xi32, #tpu.memory_space<vmem>>, vector<16xi32>,
    tpu.vector_store %arg8[%swap3A_602, %swap3A_603], %broadcast_in_dim3A_600 {strides = array<i32>} : memref<128x128xi32, #tpu.memory_space<vmem>>, vector<16xi32>,
    %add3A_605 = arith.constant 86 : i32
    %add3A_606 = arith.addi %mul3A_2, %add3A_605 : i32
    %broadcast_in_dim3A_607 = vector.broadcast %add3A_606 : i32 to vector<16xi32>
    %swap3A_608 = arith.constant 86 : i32
    %swap3A_609 = arith.index_cast %swap3A_608 : i32 to index
    %swap3A_610 = arith.constant 0 : index
    %swap3A_611 = tpu.vector_load %arg8[%swap3A_609, %swap3A_610] {strides = array<i32>} : memref<128x128xi32, #tpu.memory_space<vmem>>, vector<16xi32>,
    tpu.vector_store %arg8[%swap3A_609, %swap3A_610], %broadcast_in_dim3A_607 {strides = array<i32>} : memref<128x128xi32, #tpu.memory_space<vmem>>, vector<16xi32>,
    %add3A_612 = arith.constant 87 : i32
    %add3A_613 = arith.addi %mul3A_2, %add3A_612 : i32
    %broadcast_in_dim3A_614 = vector.broadcast %add3A_613 : i32 to vector<16xi32>
    %swap3A_615 = arith.constant 87 : i32
    %swap3A_616 = arith.index_cast %swap3A_615 : i32 to index
    %swap3A_617 = arith.constant 0 : index
    %swap3A_618 = tpu.vector_load %arg8[%swap3A_616, %swap3A_617] {strides = array<i32>} : memref<128x128xi32, #tpu.memory_space<vmem>>, vector<16xi32>,
    tpu.vector_store %arg8[%swap3A_616, %swap3A_617], %broadcast_in_dim3A_614 {strides = array<i32>} : memref<128x128xi32, #tpu.memory_space<vmem>>, vector<16xi32>,
    %add3A_619 = arith.constant 88 : i32
    %add3A_620 = arith.addi %mul3A_2, %add3A_619 : i32
    %broadcast_in_dim3A_621 = vector.broadcast %add3A_620 : i32 to vector<16xi32>
    %swap3A_622 = arith.constant 88 : i32
    %swap3A_623 = arith.index_cast %swap3A_622 : i32 to index
    %swap3A_624 = arith.constant 0 : index
    %swap3A_625 = tpu.vector_load %arg8[%swap3A_623, %swap3A_624] {strides = array<i32>} : memref<128x128xi32, #tpu.memory_space<vmem>>, vector<16xi32>,
    tpu.vector_store %arg8[%swap3A_623, %swap3A_624], %broadcast_in_dim3A_621 {strides = array<i32>} : memref<128x128xi32, #tpu.memory_space<vmem>>, vector<16xi32>,
    %add3A_626 = arith.constant 89 : i32
    %add3A_627 = arith.addi %mul3A_2, %add3A_626 : i32
    %broadcast_in_dim3A_628 = vector.broadcast %add3A_627 : i32 to vector<16xi32>
    %swap3A_629 = arith.constant 89 : i32
    %swap3A_630 = arith.index_cast %swap3A_629 : i32 to index
    %swap3A_631 = arith.constant 0 : index
    %swap3A_632 = tpu.vector_load %arg8[%swap3A_630, %swap3A_631] {strides = array<i32>} : memref<128x128xi32, #tpu.memory_space<vmem>>, vector<16xi32>,
    tpu.vector_store %arg8[%swap3A_630, %swap3A_631], %broadcast_in_dim3A_628 {strides = array<i32>} : memref<128x128xi32, #tpu.memory_space<vmem>>, vector<16xi32>,
    %add3A_633 = arith.constant 90 : i32
    %add3A_634 = arith.addi %mul3A_2, %add3A_633 : i32
    %broadcast_in_dim3A_635 = vector.broadcast %add3A_634 : i32 to vector<16xi32>
    %swap3A_636 = arith.constant 90 : i32
    %swap3A_637 = arith.index_cast %swap3A_636 : i32 to index
    %swap3A_638 = arith.constant 0 : index
    %swap3A_639 = tpu.vector_load %arg8[%swap3A_637, %swap3A_638] {strides = array<i32>} : memref<128x128xi32, #tpu.memory_space<vmem>>, vector<16xi32>,
    tpu.vector_store %arg8[%swap3A_637, %swap3A_638], %broadcast_in_dim3A_635 {strides = array<i32>} : memref<128x128xi32, #tpu.memory_space<vmem>>, vector<16xi32>,
    %add3A_640 = arith.constant 91 : i32
    %add3A_641 = arith.addi %mul3A_2, %add3A_640 : i32
    %broadcast_in_dim3A_642 = vector.broadcast %add3A_641 : i32 to vector<16xi32>
    %swap3A_643 = arith.constant 91 : i32
    %swap3A_644 = arith.index_cast %swap3A_643 : i32 to index
    %swap3A_645 = arith.constant 0 : index
    %swap3A_646 = tpu.vector_load %arg8[%swap3A_644, %swap3A_645] {strides = array<i32>} : memref<128x128xi32, #tpu.memory_space<vmem>>, vector<16xi32>,
    tpu.vector_store %arg8[%swap3A_644, %swap3A_645], %broadcast_in_dim3A_642 {strides = array<i32>} : memref<128x128xi32, #tpu.memory_space<vmem>>, vector<16xi32>,
    %add3A_647 = arith.constant 92 : i32
    %add3A_648 = arith.addi %mul3A_2, %add3A_647 : i32
    %broadcast_in_dim3A_649 = vector.broadcast %add3A_648 : i32 to vector<16xi32>
    %swap3A_650 = arith.constant 92 : i32
    %swap3A_651 = arith.index_cast %swap3A_650 : i32 to index
    %swap3A_652 = arith.constant 0 : index
    %swap3A_653 = tpu.vector_load %arg8[%swap3A_651, %swap3A_652] {strides = array<i32>} : memref<128x128xi32, #tpu.memory_space<vmem>>, vector<16xi32>,
    tpu.vector_store %arg8[%swap3A_651, %swap3A_652], %broadcast_in_dim3A_649 {strides = array<i32>} : memref<128x128xi32, #tpu.memory_space<vmem>>, vector<16xi32>,
    %add3A_654 = arith.constant 93 : i32
    %add3A_655 = arith.addi %mul3A_2, %add3A_654 : i32
    %broadcast_in_dim3A_656 = vector.broadcast %add3A_655 : i32 to vector<16xi32>
    %swap3A_657 = arith.constant 93 : i32
    %swap3A_658 = arith.index_cast %swap3A_657 : i32 to index
    %swap3A_659 = arith.constant 0 : index
    %swap3A_660 = tpu.vector_load %arg8[%swap3A_658, %swap3A_659] {strides = array<i32>} : memref<128x128xi32, #tpu.memory_space<vmem>>, vector<16xi32>,
    tpu.vector_store %arg8[%swap3A_658, %swap3A_659], %broadcast_in_dim3A_656 {strides = array<i32>} : memref<128x128xi32, #tpu.memory_space<vmem>>, vector<16xi32>,
    %add3A_661 = arith.constant 94 : i32
    %add3A_662 = arith.addi %mul3A_2, %add3A_661 : i32
    %broadcast_in_dim3A_663 = vector.broadcast %add3A_662 : i32 to vector<16xi32>
    %swap3A_664 = arith.constant 94 : i32
    %swap3A_665 = arith.index_cast %swap3A_664 : i32 to index
    %swap3A_666 = arith.constant 0 : index
    %swap3A_667 = tpu.vector_load %arg8[%swap3A_665, %swap3A_666] {strides = array<i32>} : memref<128x128xi32, #tpu.memory_space<vmem>>, vector<16xi32>,
    tpu.vector_store %arg8[%swap3A_665, %swap3A_666], %broadcast_in_dim3A_663 {strides = array<i32>} : memref<128x128xi32, #tpu.memory_space<vmem>>, vector<16xi32>,
    %add3A_668 = arith.constant 95 : i32
    %add3A_669 = arith.addi %mul3A_2, %add3A_668 : i32
    %broadcast_in_dim3A_670 = vector.broadcast %add3A_669 : i32 to vector<16xi32>
    %swap3A_671 = arith.constant 95 : i32
    %swap3A_672 = arith.index_cast %swap3A_671 : i32 to index
    %swap3A_673 = arith.constant 0 : index
    %swap3A_674 = tpu.vector_load %arg8[%swap3A_672, %swap3A_673] {strides = array<i32>} : memref<128x128xi32, #tpu.memory_space<vmem>>, vector<16xi32>,
    tpu.vector_store %arg8[%swap3A_672, %swap3A_673], %broadcast_in_dim3A_670 {strides = array<i32>} : memref<128x128xi32, #tpu.memory_space<vmem>>, vector<16xi32>,
    %add3A_675 = arith.constant 96 : i32
    %add3A_676 = arith.addi %mul3A_2, %add3A_675 : i32
    %broadcast_in_dim3A_677 = vector.broadcast %add3A_676 : i32 to vector<16xi32>
    %swap3A_678 = arith.constant 96 : i32
    %swap3A_679 = arith.index_cast %swap3A_678 : i32 to index
    %swap3A_680 = arith.constant 0 : index
    %swap3A_681 = tpu.vector_load %arg8[%swap3A_679, %swap3A_680] {strides = array<i32>} : memref<128x128xi32, #tpu.memory_space<vmem>>, vector<16xi32>,
    tpu.vector_store %arg8[%swap3A_679, %swap3A_680], %broadcast_in_dim3A_677 {strides = array<i32>} : memref<128x128xi32, #tpu.memory_space<vmem>>, vector<16xi32>,
    %add3A_682 = arith.constant 97 : i32
    %add3A_683 = arith.addi %mul3A_2, %add3A_682 : i32
    %broadcast_in_dim3A_684 = vector.broadcast %add3A_683 : i32 to vector<16xi32>
    %swap3A_685 = arith.constant 97 : i32
    %swap3A_686 = arith.index_cast %swap3A_685 : i32 to index
    %swap3A_687 = arith.constant 0 : index
    %swap3A_688 = tpu.vector_load %arg8[%swap3A_686, %swap3A_687] {strides = array<i32>} : memref<128x128xi32, #tpu.memory_space<vmem>>, vector<16xi32>,
    tpu.vector_store %arg8[%swap3A_686, %swap3A_687], %broadcast_in_dim3A_684 {strides = array<i32>} : memref<128x128xi32, #tpu.memory_space<vmem>>, vector<16xi32>,
    %add3A_689 = arith.constant 98 : i32
    %add3A_690 = arith.addi %mul3A_2, %add3A_689 : i32
    %broadcast_in_dim3A_691 = vector.broadcast %add3A_690 : i32 to vector<16xi32>
    %swap3A_692 = arith.constant 98 : i32
    %swap3A_693 = arith.index_cast %swap3A_692 : i32 to index
    %swap3A_694 = arith.constant 0 : index
    %swap3A_695 = tpu.vector_load %arg8[%swap3A_693, %swap3A_694] {strides = array<i32>} : memref<128x128xi32, #tpu.memory_space<vmem>>, vector<16xi32>,
    tpu.vector_store %arg8[%swap3A_693, %swap3A_694], %broadcast_in_dim3A_691 {strides = array<i32>} : memref<128x128xi32, #tpu.memory_space<vmem>>, vector<16xi32>,
    %add3A_696 = arith.constant 99 : i32
    %add3A_697 = arith.addi %mul3A_2, %add3A_696 : i32
    %broadcast_in_dim3A_698 = vector.broadcast %add3A_697 : i32 to vector<16xi32>
    %swap3A_699 = arith.constant 99 : i32
    %swap3A_700 = arith.index_cast %swap3A_699 : i32 to index
    %swap3A_701 = arith.constant 0 : index
    %swap3A_702 = tpu.vector_load %arg8[%swap3A_700, %swap3A_701] {strides = array<i32>} : memref<128x128xi32, #tpu.memory_space<vmem>>, vector<16xi32>,
    tpu.vector_store %arg8[%swap3A_700, %swap3A_701], %broadcast_in_dim3A_698 {strides = array<i32>} : memref<128x128xi32, #tpu.memory_space<vmem>>, vector<16xi32>,
    %add3A_703 = arith.constant 100 : i32
    %add3A_704 = arith.addi %mul3A_2, %add3A_703 : i32
    %broadcast_in_dim3A_705 = vector.broadcast %add3A_704 : i32 to vector<16xi32>
    %swap3A_706 = arith.constant 100 : i32
    %swap3A_707 = arith.index_cast %swap3A_706 : i32 to index
    %swap3A_708 = arith.constant 0 : index
    %swap3A_709 = tpu.vector_load %arg8[%swap3A_707, %swap3A_708] {strides = array<i32>} : memref<128x128xi32, #tpu.memory_space<vmem>>, vector<16xi32>,
    tpu.vector_store %arg8[%swap3A_707, %swap3A_708], %broadcast_in_dim3A_705 {strides = array<i32>} : memref<128x128xi32, #tpu.memory_space<vmem>>, vector<16xi32>,
    %add3A_710 = arith.constant 101 : i32
    %add3A_711 = arith.addi %mul3A_2, %add3A_710 : i32
    %broadcast_in_dim3A_712 = vector.broadcast %add3A_711 : i32 to vector<16xi32>
    %swap3A_713 = arith.constant 101 : i32
    %swap3A_714 = arith.index_cast %swap3A_713 : i32 to index
    %swap3A_715 = arith.constant 0 : index
    %swap3A_716 = tpu.vector_load %arg8[%swap3A_714, %swap3A_715] {strides = array<i32>} : memref<128x128xi32, #tpu.memory_space<vmem>>, vector<16xi32>,
    tpu.vector_store %arg8[%swap3A_714, %swap3A_715], %broadcast_in_dim3A_712 {strides = array<i32>} : memref<128x128xi32, #tpu.memory_space<vmem>>, vector<16xi32>,
    %add3A_717 = arith.constant 102 : i32
    %add3A_718 = arith.addi %mul3A_2, %add3A_717 : i32
    %broadcast_in_dim3A_719 = vector.broadcast %add3A_718 : i32 to vector<16xi32>
    %swap3A_720 = arith.constant 102 : i32
    %swap3A_721 = arith.index_cast %swap3A_720 : i32 to index
    %swap3A_722 = arith.constant 0 : index
    %swap3A_723 = tpu.vector_load %arg8[%swap3A_721, %swap3A_722] {strides = array<i32>} : memref<128x128xi32, #tpu.memory_space<vmem>>, vector<16xi32>,
    tpu.vector_store %arg8[%swap3A_721, %swap3A_722], %broadcast_in_dim3A_719 {strides = array<i32>} : memref<128x128xi32, #tpu.memory_space<vmem>>, vector<16xi32>,
    %add3A_724 = arith.constant 103 : i32
    %add3A_725 = arith.addi %mul3A_2, %add3A_724 : i32
    %broadcast_in_dim3A_726 = vector.broadcast %add3A_725 : i32 to vector<16xi32>
    %swap3A_727 = arith.constant 103 : i32
    %swap3A_728 = arith.index_cast %swap3A_727 : i32 to index
    %swap3A_729 = arith.constant 0 : index
    %swap3A_730 = tpu.vector_load %arg8[%swap3A_728, %swap3A_729] {strides = array<i32>} : memref<128x128xi32, #tpu.memory_space<vmem>>, vector<16xi32>,
    tpu.vector_store %arg8[%swap3A_728, %swap3A_729], %broadcast_in_dim3A_726 {strides = array<i32>} : memref<128x128xi32, #tpu.memory_space<vmem>>, vector<16xi32>,
    %add3A_731 = arith.constant 104 : i32
    %add3A_732 = arith.addi %mul3A_2, %add3A_731 : i32
    %broadcast_in_dim3A_733 = vector.broadcast %add3A_732 : i32 to vector<16xi32>
    %swap3A_734 = arith.constant 104 : i32
    %swap3A_735 = arith.index_cast %swap3A_734 : i32 to index
    %swap3A_736 = arith.constant 0 : index
    %swap3A_737 = tpu.vector_load %arg8[%swap3A_735, %swap3A_736] {strides = array<i32>} : memref<128x128xi32, #tpu.memory_space<vmem>>, vector<16xi32>,
    tpu.vector_store %arg8[%swap3A_735, %swap3A_736], %broadcast_in_dim3A_733 {strides = array<i32>} : memref<128x128xi32, #tpu.memory_space<vmem>>, vector<16xi32>,
    %add3A_738 = arith.constant 105 : i32
    %add3A_739 = arith.addi %mul3A_2, %add3A_738 : i32
    %broadcast_in_dim3A_740 = vector.broadcast %add3A_739 : i32 to vector<16xi32>
    %swap3A_741 = arith.constant 105 : i32
    %swap3A_742 = arith.index_cast %swap3A_741 : i32 to index
    %swap3A_743 = arith.constant 0 : index
    %swap3A_744 = tpu.vector_load %arg8[%swap3A_742, %swap3A_743] {strides = array<i32>} : memref<128x128xi32, #tpu.memory_space<vmem>>, vector<16xi32>,
    tpu.vector_store %arg8[%swap3A_742, %swap3A_743], %broadcast_in_dim3A_740 {strides = array<i32>} : memref<128x128xi32, #tpu.memory_space<vmem>>, vector<16xi32>,
    %add3A_745 = arith.constant 106 : i32
    %add3A_746 = arith.addi %mul3A_2, %add3A_745 : i32
    %broadcast_in_dim3A_747 = vector.broadcast %add3A_746 : i32 to vector<16xi32>
    %swap3A_748 = arith.constant 106 : i32
    %swap3A_749 = arith.index_cast %swap3A_748 : i32 to index
    %swap3A_750 = arith.constant 0 : index
    %swap3A_751 = tpu.vector_load %arg8[%swap3A_749, %swap3A_750] {strides = array<i32>} : memref<128x128xi32, #tpu.memory_space<vmem>>, vector<16xi32>,
    tpu.vector_store %arg8[%swap3A_749, %swap3A_750], %broadcast_in_dim3A_747 {strides = array<i32>} : memref<128x128xi32, #tpu.memory_space<vmem>>, vector<16xi32>,
    %add3A_752 = arith.constant 107 : i32
    %add3A_753 = arith.addi %mul3A_2, %add3A_752 : i32
    %broadcast_in_dim3A_754 = vector.broadcast %add3A_753 : i32 to vector<16xi32>
    %swap3A_755 = arith.constant 107 : i32
    %swap3A_756 = arith.index_cast %swap3A_755 : i32 to index
    %swap3A_757 = arith.constant 0 : index
    %swap3A_758 = tpu.vector_load %arg8[%swap3A_756, %swap3A_757] {strides = array<i32>} : memref<128x128xi32, #tpu.memory_space<vmem>>, vector<16xi32>,
    tpu.vector_store %arg8[%swap3A_756, %swap3A_757], %broadcast_in_dim3A_754 {strides = array<i32>} : memref<128x128xi32, #tpu.memory_space<vmem>>, vector<16xi32>,
    %add3A_759 = arith.constant 108 : i32
    %add3A_760 = arith.addi %mul3A_2, %add3A_759 : i32
    %broadcast_in_dim3A_761 = vector.broadcast %add3A_760 : i32 to vector<16xi32>
    %swap3A_762 = arith.constant 108 : i32
    %swap3A_763 = arith.index_cast %swap3A_762 : i32 to index
    %swap3A_764 = arith.constant 0 : index
    %swap3A_765 = tpu.vector_load %arg8[%swap3A_763, %swap3A_764] {strides = array<i32>} : memref<128x128xi32, #tpu.memory_space<vmem>>, vector<16xi32>,
    tpu.vector_store %arg8[%swap3A_763, %swap3A_764], %broadcast_in_dim3A_761 {strides = array<i32>} : memref<128x128xi32, #tpu.memory_space<vmem>>, vector<16xi32>,
    %add3A_766 = arith.constant 109 : i32
    %add3A_767 = arith.addi %mul3A_2, %add3A_766 : i32
    %broadcast_in_dim3A_768 = vector.broadcast %add3A_767 : i32 to vector<16xi32>
    %swap3A_769 = arith.constant 109 : i32
    %swap3A_770 = arith.index_cast %swap3A_769 : i32 to index
    %swap3A_771 = arith.constant 0 : index
    %swap3A_772 = tpu.vector_load %arg8[%swap3A_770, %swap3A_771] {strides = array<i32>} : memref<128x128xi32, #tpu.memory_space<vmem>>, vector<16xi32>,
    tpu.vector_store %arg8[%swap3A_770, %swap3A_771], %broadcast_in_dim3A_768 {strides = array<i32>} : memref<128x128xi32, #tpu.memory_space<vmem>>, vector<16xi32>,
    %add3A_773 = arith.constant 110 : i32
    %add3A_774 = arith.addi %mul3A_2, %add3A_773 : i32
    %broadcast_in_dim3A_775 = vector.broadcast %add3A_774 : i32 to vector<16xi32>
    %swap3A_776 = arith.constant 110 : i32
    %swap3A_777 = arith.index_cast %swap3A_776 : i32 to index
    %swap3A_778 = arith.constant 0 : index
    %swap3A_779 = tpu.vector_load %arg8[%swap3A_777, %swap3A_778] {strides = array<i32>} : memref<128x128xi32, #tpu.memory_space<vmem>>, vector<16xi32>,
    tpu.vector_store %arg8[%swap3A_777, %swap3A_778], %broadcast_in_dim3A_775 {strides = array<i32>} : memref<128x128xi32, #tpu.memory_space<vmem>>, vector<16xi32>,
    %add3A_780 = arith.constant 111 : i32
    %add3A_781 = arith.addi %mul3A_2, %add3A_780 : i32
    %broadcast_in_dim3A_782 = vector.broadcast %add3A_781 : i32 to vector<16xi32>
    %swap3A_783 = arith.constant 111 : i32
    %swap3A_784 = arith.index_cast %swap3A_783 : i32 to index
    %swap3A_785 = arith.constant 0 : index
    %swap3A_786 = tpu.vector_load %arg8[%swap3A_784, %swap3A_785] {strides = array<i32>} : memref<128x128xi32, #tpu.memory_space<vmem>>, vector<16xi32>,
    tpu.vector_store %arg8[%swap3A_784, %swap3A_785], %broadcast_in_dim3A_782 {strides = array<i32>} : memref<128x128xi32, #tpu.memory_space<vmem>>, vector<16xi32>,
    %add3A_787 = arith.constant 112 : i32
    %add3A_788 = arith.addi %mul3A_2, %add3A_787 : i32
    %broadcast_in_dim3A_789 = vector.broadcast %add3A_788 : i32 to vector<16xi32>
    %swap3A_790 = arith.constant 112 : i32
    %swap3A_791 = arith.index_cast %swap3A_790 : i32 to index
    %swap3A_792 = arith.constant 0 : index
    %swap3A_793 = tpu.vector_load %arg8[%swap3A_791, %swap3A_792] {strides = array<i32>} : memref<128x128xi32, #tpu.memory_space<vmem>>, vector<16xi32>,
    tpu.vector_store %arg8[%swap3A_791, %swap3A_792], %broadcast_in_dim3A_789 {strides = array<i32>} : memref<128x128xi32, #tpu.memory_space<vmem>>, vector<16xi32>,
    %add3A_794 = arith.constant 113 : i32
    %add3A_795 = arith.addi %mul3A_2, %add3A_794 : i32
    %broadcast_in_dim3A_796 = vector.broadcast %add3A_795 : i32 to vector<16xi32>
    %swap3A_797 = arith.constant 113 : i32
    %swap3A_798 = arith.index_cast %swap3A_797 : i32 to index
    %swap3A_799 = arith.constant 0 : index
    %swap3A_800 = tpu.vector_load %arg8[%swap3A_798, %swap3A_799] {strides = array<i32>} : memref<128x128xi32, #tpu.memory_space<vmem>>, vector<16xi32>,
    tpu.vector_store %arg8[%swap3A_798, %swap3A_799], %broadcast_in_dim3A_796 {strides = array<i32>} : memref<128x128xi32, #tpu.memory_space<vmem>>, vector<16xi32>,
    %add3A_801 = arith.constant 114 : i32
    %add3A_802 = arith.addi %mul3A_2, %add3A_801 : i32
    %broadcast_in_dim3A_803 = vector.broadcast %add3A_802 : i32 to vector<16xi32>
    %swap3A_804 = arith.constant 114 : i32
    %swap3A_805 = arith.index_cast %swap3A_804 : i32 to index
    %swap3A_806 = arith.constant 0 : index
    %swap3A_807 = tpu.vector_load %arg8[%swap3A_805, %swap3A_806] {strides = array<i32>} : memref<128x128xi32, #tpu.memory_space<vmem>>, vector<16xi32>,
    tpu.vector_store %arg8[%swap3A_805, %swap3A_806], %broadcast_in_dim3A_803 {strides = array<i32>} : memref<128x128xi32, #tpu.memory_space<vmem>>, vector<16xi32>,
    %add3A_808 = arith.constant 115 : i32
    %add3A_809 = arith.addi %mul3A_2, %add3A_808 : i32
    %broadcast_in_dim3A_810 = vector.broadcast %add3A_809 : i32 to vector<16xi32>
    %swap3A_811 = arith.constant 115 : i32
    %swap3A_812 = arith.index_cast %swap3A_811 : i32 to index
    %swap3A_813 = arith.constant 0 : index
    %swap3A_814 = tpu.vector_load %arg8[%swap3A_812, %swap3A_813] {strides = array<i32>} : memref<128x128xi32, #tpu.memory_space<vmem>>, vector<16xi32>,
    tpu.vector_store %arg8[%swap3A_812, %swap3A_813], %broadcast_in_dim3A_810 {strides = array<i32>} : memref<128x128xi32, #tpu.memory_space<vmem>>, vector<16xi32>,
    %add3A_815 = arith.constant 116 : i32
    %add3A_816 = arith.addi %mul3A_2, %add3A_815 : i32
    %broadcast_in_dim3A_817 = vector.broadcast %add3A_816 : i32 to vector<16xi32>
    %swap3A_818 = arith.constant 116 : i32
    %swap3A_819 = arith.index_cast %swap3A_818 : i32 to index
    %swap3A_820 = arith.constant 0 : index
    %swap3A_821 = tpu.vector_load %arg8[%swap3A_819, %swap3A_820] {strides = array<i32>} : memref<128x128xi32, #tpu.memory_space<vmem>>, vector<16xi32>,
    tpu.vector_store %arg8[%swap3A_819, %swap3A_820], %broadcast_in_dim3A_817 {strides = array<i32>} : memref<128x128xi32, #tpu.memory_space<vmem>>, vector<16xi32>,
    %add3A_822 = arith.constant 117 : i32
    %add3A_823 = arith.addi %mul3A_2, %add3A_822 : i32
    %broadcast_in_dim3A_824 = vector.broadcast %add3A_823 : i32 to vector<16xi32>
    %swap3A_825 = arith.constant 117 : i32
    %swap3A_826 = arith.index_cast %swap3A_825 : i32 to index
    %swap3A_827 = arith.constant 0 : index
    %swap3A_828 = tpu.vector_load %arg8[%swap3A_826, %swap3A_827] {strides = array<i32>} : memref<128x128xi32, #tpu.memory_space<vmem>>, vector<16xi32>,
    tpu.vector_store %arg8[%swap3A_826, %swap3A_827], %broadcast_in_dim3A_824 {strides = array<i32>} : memref<128x128xi32, #tpu.memory_space<vmem>>, vector<16xi32>,
    %add3A_829 = arith.constant 118 : i32
    %add3A_830 = arith.addi %mul3A_2, %add3A_829 : i32
    %broadcast_in_dim3A_831 = vector.broadcast %add3A_830 : i32 to vector<16xi32>
    %swap3A_832 = arith.constant 118 : i32
    %swap3A_833 = arith.index_cast %swap3A_832 : i32 to index
    %swap3A_834 = arith.constant 0 : index
    %swap3A_835 = tpu.vector_load %arg8[%swap3A_833, %swap3A_834] {strides = array<i32>} : memref<128x128xi32, #tpu.memory_space<vmem>>, vector<16xi32>,
    tpu.vector_store %arg8[%swap3A_833, %swap3A_834], %broadcast_in_dim3A_831 {strides = array<i32>} : memref<128x128xi32, #tpu.memory_space<vmem>>, vector<16xi32>,
    %add3A_836 = arith.constant 119 : i32
    %add3A_837 = arith.addi %mul3A_2, %add3A_836 : i32
    %broadcast_in_dim3A_838 = vector.broadcast %add3A_837 : i32 to vector<16xi32>
    %swap3A_839 = arith.constant 119 : i32
    %swap3A_840 = arith.index_cast %swap3A_839 : i32 to index
    %swap3A_841 = arith.constant 0 : index
    %swap3A_842 = tpu.vector_load %arg8[%swap3A_840, %swap3A_841] {strides = array<i32>} : memref<128x128xi32, #tpu.memory_space<vmem>>, vector<16xi32>,
    tpu.vector_store %arg8[%swap3A_840, %swap3A_841], %broadcast_in_dim3A_838 {strides = array<i32>} : memref<128x128xi32, #tpu.memory_space<vmem>>, vector<16xi32>,
    %add3A_843 = arith.constant 120 : i32
    %add3A_844 = arith.addi %mul3A_2, %add3A_843 : i32
    %broadcast_in_dim3A_845 = vector.broadcast %add3A_844 : i32 to vector<16xi32>
    %swap3A_846 = arith.constant 120 : i32
    %swap3A_847 = arith.index_cast %swap3A_846 : i32 to index
    %swap3A_848 = arith.constant 0 : index
    %swap3A_849 = tpu.vector_load %arg8[%swap3A_847, %swap3A_848] {strides = array<i32>} : memref<128x128xi32, #tpu.memory_space<vmem>>, vector<16xi32>,
    tpu.vector_store %arg8[%swap3A_847, %swap3A_848], %broadcast_in_dim3A_845 {strides = array<i32>} : memref<128x128xi32, #tpu.memory_space<vmem>>, vector<16xi32>,
    %add3A_850 = arith.constant 121 : i32
    %add3A_851 = arith.addi %mul3A_2, %add3A_850 : i32
    %broadcast_in_dim3A_852 = vector.broadcast %add3A_851 : i32 to vector<16xi32>
    %swap3A_853 = arith.constant 121 : i32
    %swap3A_854 = arith.index_cast %swap3A_853 : i32 to index
    %swap3A_855 = arith.constant 0 : index
    %swap3A_856 = tpu.vector_load %arg8[%swap3A_854, %swap3A_855] {strides = array<i32>} : memref<128x128xi32, #tpu.memory_space<vmem>>, vector<16xi32>,
    tpu.vector_store %arg8[%swap3A_854, %swap3A_855], %broadcast_in_dim3A_852 {strides = array<i32>} : memref<128x128xi32, #tpu.memory_space<vmem>>, vector<16xi32>,
    %add3A_857 = arith.constant 122 : i32
    %add3A_858 = arith.addi %mul3A_2, %add3A_857 : i32
    %broadcast_in_dim3A_859 = vector.broadcast %add3A_858 : i32 to vector<16xi32>
    %swap3A_860 = arith.constant 122 : i32
    %swap3A_861 = arith.index_cast %swap3A_860 : i32 to index
    %swap3A_862 = arith.constant 0 : index
    %swap3A_863 = tpu.vector_load %arg8[%swap3A_861, %swap3A_862] {strides = array<i32>} : memref<128x128xi32, #tpu.memory_space<vmem>>, vector<16xi32>,
    tpu.vector_store %arg8[%swap3A_861, %swap3A_862], %broadcast_in_dim3A_859 {strides = array<i32>} : memref<128x128xi32, #tpu.memory_space<vmem>>, vector<16xi32>,
    %add3A_864 = arith.constant 123 : i32
    %add3A_865 = arith.addi %mul3A_2, %add3A_864 : i32
    %broadcast_in_dim3A_866 = vector.broadcast %add3A_865 : i32 to vector<16xi32>
    %swap3A_867 = arith.constant 123 : i32
    %swap3A_868 = arith.index_cast %swap3A_867 : i32 to index
    %swap3A_869 = arith.constant 0 : index
    %swap3A_870 = tpu.vector_load %arg8[%swap3A_868, %swap3A_869] {strides = array<i32>} : memref<128x128xi32, #tpu.memory_space<vmem>>, vector<16xi32>,
    tpu.vector_store %arg8[%swap3A_868, %swap3A_869], %broadcast_in_dim3A_866 {strides = array<i32>} : memref<128x128xi32, #tpu.memory_space<vmem>>, vector<16xi32>,
    %add3A_871 = arith.constant 124 : i32
    %add3A_872 = arith.addi %mul3A_2, %add3A_871 : i32
    %broadcast_in_dim3A_873 = vector.broadcast %add3A_872 : i32 to vector<16xi32>
    %swap3A_874 = arith.constant 124 : i32
    %swap3A_875 = arith.index_cast %swap3A_874 : i32 to index
    %swap3A_876 = arith.constant 0 : index
    %swap3A_877 = tpu.vector_load %arg8[%swap3A_875, %swap3A_876] {strides = array<i32>} : memref<128x128xi32, #tpu.memory_space<vmem>>, vector<16xi32>,
    tpu.vector_store %arg8[%swap3A_875, %swap3A_876], %broadcast_in_dim3A_873 {strides = array<i32>} : memref<128x128xi32, #tpu.memory_space<vmem>>, vector<16xi32>,
    %add3A_878 = arith.constant 125 : i32
    %add3A_879 = arith.addi %mul3A_2, %add3A_878 : i32
    %broadcast_in_dim3A_880 = vector.broadcast %add3A_879 : i32 to vector<16xi32>
    %swap3A_881 = arith.constant 125 : i32
    %swap3A_882 = arith.index_cast %swap3A_881 : i32 to index
    %swap3A_883 = arith.constant 0 : index
    %swap3A_884 = tpu.vector_load %arg8[%swap3A_882, %swap3A_883] {strides = array<i32>} : memref<128x128xi32, #tpu.memory_space<vmem>>, vector<16xi32>,
    tpu.vector_store %arg8[%swap3A_882, %swap3A_883], %broadcast_in_dim3A_880 {strides = array<i32>} : memref<128x128xi32, #tpu.memory_space<vmem>>, vector<16xi32>,
    %add3A_885 = arith.constant 126 : i32
    %add3A_886 = arith.addi %mul3A_2, %add3A_885 : i32
    %broadcast_in_dim3A_887 = vector.broadcast %add3A_886 : i32 to vector<16xi32>
    %swap3A_888 = arith.constant 126 : i32
    %swap3A_889 = arith.index_cast %swap3A_888 : i32 to index
    %swap3A_890 = arith.constant 0 : index
    %swap3A_891 = tpu.vector_load %arg8[%swap3A_889, %swap3A_890] {strides = array<i32>} : memref<128x128xi32, #tpu.memory_space<vmem>>, vector<16xi32>,
    tpu.vector_store %arg8[%swap3A_889, %swap3A_890], %broadcast_in_dim3A_887 {strides = array<i32>} : memref<128x128xi32, #tpu.memory_space<vmem>>, vector<16xi32>,
    %add3A_892 = arith.constant 127 : i32
    %add3A_893 = arith.addi %mul3A_2, %add3A_892 : i32
    %broadcast_in_dim3A_894 = vector.broadcast %add3A_893 : i32 to vector<16xi32>
    %swap3A_895 = arith.constant 127 : i32
    %swap3A_896 = arith.index_cast %swap3A_895 : i32 to index
    %swap3A_897 = arith.constant 0 : index
    %swap3A_898 = tpu.vector_load %arg8[%swap3A_896, %swap3A_897] {strides = array<i32>} : memref<128x128xi32, #tpu.memory_space<vmem>>, vector<16xi32>,
    tpu.vector_store %arg8[%swap3A_896, %swap3A_897], %broadcast_in_dim3A_894 {strides = array<i32>} : memref<128x128xi32, #tpu.memory_space<vmem>>, vector<16xi32>,
    %dma_start3A = arith.constant 0 : i32
    %dma_start3A_899 = arith.constant 0 : i32
    %dma_start3A_900 = arith.constant 0 : i32
    %dma_start3A_901 = tpu.memref_slice %arg8[%dma_start3A_899, %dma_start3A_900] : memref<128x128xi32, #tpu.memory_space<vmem>> -> memref<32x128xi32, #tpu.memory_space<vmem>>
    %dma_start3A_902 = arith.constant 0 : i32
    %dma_start3A_903 = tpu.memref_slice %arg6[%dma_start3A, %dma_start3A_902] : memref<4x32xi32, #tpu.memory_space<vmem>> -> memref<1x32xi32, #tpu.memory_space<vmem>>
    %dma_start3A_904 = tpu.memref_squeeze %dma_start3A_903 : memref<1x32xi32, #tpu.memory_space<vmem>> -> memref<32xi32, #tpu.memory_space<vmem>>
    %dma_start3A_905 = arith.constant 0 : i32
    %dma_start3A_906 = arith.constant 0 : i32
    %dma_start3A_907 = tpu.memref_slice %arg5[%dma_start3A_905, %dma_start3A_906] : memref<4608x128xi32, #tpu.memory_space<hbm>> -> memref<4608x128xi32, #tpu.memory_space<hbm>>
    tpu.enqueue_indirect_dma source(%dma_start3A_901 : memref<32x128xi32, #tpu.memory_space<vmem>>) target(%dma_start3A_907 : memref<4608x128xi32, #tpu.memory_space<hbm>>) offsets(%dma_start3A_904 : memref<32xi32, #tpu.memory_space<vmem>>) semaphore(%arg15 : memref<!tpu.dma_semaphore, #tpu.memory_space<semaphore_mem>>)
    %dma_start3A_908 = arith.constant 1 : i32
    %dma_start3A_909 = arith.constant 32 : i32
    %dma_start3A_910 = arith.constant 0 : i32
    %dma_start3A_911 = tpu.memref_slice %arg8[%dma_start3A_909, %dma_start3A_910] : memref<128x128xi32, #tpu.memory_space<vmem>> -> memref<32x128xi32, #tpu.memory_space<vmem>>
    %dma_start3A_912 = arith.constant 0 : i32
    %dma_start3A_913 = tpu.memref_slice %arg6[%dma_start3A_908, %dma_start3A_912] : memref<4x32xi32, #tpu.memory_space<vmem>> -> memref<1x32xi32, #tpu.memory_space<vmem>>
    %dma_start3A_914 = tpu.memref_squeeze %dma_start3A_913 : memref<1x32xi32, #tpu.memory_space<vmem>> -> memref<32xi32, #tpu.memory_space<vmem>>
    %dma_start3A_915 = arith.constant 0 : i32
    %dma_start3A_916 = arith.constant 0 : i32
    %dma_start3A_917 = tpu.memref_slice %arg5[%dma_start3A_915, %dma_start3A_916] : memref<4608x128xi32, #tpu.memory_space<hbm>> -> memref<4608x128xi32, #tpu.memory_space<hbm>>
    tpu.enqueue_indirect_dma source(%dma_start3A_911 : memref<32x128xi32, #tpu.memory_space<vmem>>) target(%dma_start3A_917 : memref<4608x128xi32, #tpu.memory_space<hbm>>) offsets(%dma_start3A_914 : memref<32xi32, #tpu.memory_space<vmem>>) semaphore(%arg15 : memref<!tpu.dma_semaphore, #tpu.memory_space<semaphore_mem>>)
    %dma_start3A_918 = arith.constant 2 : i32
    %dma_start3A_919 = arith.constant 64 : i32
    %dma_start3A_920 = arith.constant 0 : i32
    %dma_start3A_921 = tpu.memref_slice %arg8[%dma_start3A_919, %dma_start3A_920] : memref<128x128xi32, #tpu.memory_space<vmem>> -> memref<32x128xi32, #tpu.memory_space<vmem>>
    %dma_start3A_922 = arith.constant 0 : i32
    %dma_start3A_923 = tpu.memref_slice %arg6[%dma_start3A_918, %dma_start3A_922] : memref<4x32xi32, #tpu.memory_space<vmem>> -> memref<1x32xi32, #tpu.memory_space<vmem>>
    %dma_start3A_924 = tpu.memref_squeeze %dma_start3A_923 : memref<1x32xi32, #tpu.memory_space<vmem>> -> memref<32xi32, #tpu.memory_space<vmem>>
    %dma_start3A_925 = arith.constant 0 : i32
    %dma_start3A_926 = arith.constant 0 : i32
    %dma_start3A_927 = tpu.memref_slice %arg5[%dma_start3A_925, %dma_start3A_926] : memref<4608x128xi32, #tpu.memory_space<hbm>> -> memref<4608x128xi32, #tpu.memory_space<hbm>>
    tpu.enqueue_indirect_dma source(%dma_start3A_921 : memref<32x128xi32, #tpu.memory_space<vmem>>) target(%dma_start3A_927 : memref<4608x128xi32, #tpu.memory_space<hbm>>) offsets(%dma_start3A_924 : memref<32xi32, #tpu.memory_space<vmem>>) semaphore(%arg15 : memref<!tpu.dma_semaphore, #tpu.memory_space<semaphore_mem>>)
    %dma_start3A_928 = arith.constant 3 : i32
    %dma_start3A_929 = arith.constant 96 : i32
    %dma_start3A_930 = arith.constant 0 : i32
    %dma_start3A_931 = tpu.memref_slice %arg8[%dma_start3A_929, %dma_start3A_930] : memref<128x128xi32, #tpu.memory_space<vmem>> -> memref<32x128xi32, #tpu.memory_space<vmem>>
    %dma_start3A_932 = arith.constant 0 : i32
    %dma_start3A_933 = tpu.memref_slice %arg6[%dma_start3A_928, %dma_start3A_932] : memref<4x32xi32, #tpu.memory_space<vmem>> -> memref<1x32xi32, #tpu.memory_space<vmem>>
    %dma_start3A_934 = tpu.memref_squeeze %dma_start3A_933 : memref<1x32xi32, #tpu.memory_space<vmem>> -> memref<32xi32, #tpu.memory_space<vmem>>
    %dma_start3A_935 = arith.constant 0 : i32
    %dma_start3A_936 = arith.constant 0 : i32
    %dma_start3A_937 = tpu.memref_slice %arg5[%dma_start3A_935, %dma_start3A_936] : memref<4608x128xi32, #tpu.memory_space<hbm>> -> memref<4608x128xi32, #tpu.memory_space<hbm>>
    tpu.enqueue_indirect_dma source(%dma_start3A_931 : memref<32x128xi32, #tpu.memory_space<vmem>>) target(%dma_start3A_937 : memref<4608x128xi32, #tpu.memory_space<hbm>>) offsets(%dma_start3A_934 : memref<32xi32, #tpu.memory_space<vmem>>) semaphore(%arg15 : memref<!tpu.dma_semaphore, #tpu.memory_space<semaphore_mem>>)
    %add3A_938 = arith.constant 0 : i32
    %add3A_939 = arith.addi %mul3A_2, %add3A_938 : i32
    %dma_start3A_940 = arith.constant 0 : i32
    %dma_start3A_941 = arith.constant 0 : i32
    %dma_start3A_942 = arith.constant 0 : i32
    %dma_start3A_943 = tpu.memref_slice %arg7[%dma_start3A_940, %dma_start3A_941, %dma_start3A_942] : memref<3x32x1024xf32, #tpu.memory_space<vmem>> -> memref<1x32x1024xf32, #tpu.memory_space<vmem>>
    %dma_start3A_944 = tpu.memref_squeeze %dma_start3A_943 : memref<1x32x1024xf32, #tpu.memory_space<vmem>> -> memref<32x1024xf32, #tpu.memory_space<vmem>>
    %dma_start3A_945 = arith.constant 0 : i32
    %dma_start3A_946 = tpu.memref_slice %arg2[%add3A_939, %dma_start3A_945] : memref<4096x1024xf32, #tpu.memory_space<hbm>> -> memref<32x1024xf32, #tpu.memory_space<hbm>>
    %dma_start3A_947 = arith.constant 0 : i32
    %dma_start3A_948 = arith.constant 0 : i32
    %dma_start3A_949 = tpu.memref_slice %arg7[%dma_start3A_940, %dma_start3A_947, %dma_start3A_948] : memref<3x32x1024xf32, #tpu.memory_space<vmem>> -> memref<1x32x1024xf32, #tpu.memory_space<vmem>>
    %dma_start3A_950 = tpu.memref_squeeze %dma_start3A_949 : memref<1x32x1024xf32, #tpu.memory_space<vmem>> -> memref<32x1024xf32, #tpu.memory_space<vmem>>
    %dma_start3A_951 = arith.constant 0 : i32
    %dma_start3A_952 = tpu.memref_slice %arg2[%add3A_939, %dma_start3A_951] : memref<4096x1024xf32, #tpu.memory_space<hbm>> -> memref<32x1024xf32, #tpu.memory_space<hbm>>
    tpu.enqueue_dma source(%dma_start3A_952 : memref<32x1024xf32, #tpu.memory_space<hbm>>) target(%dma_start3A_950 : memref<32x1024xf32, #tpu.memory_space<vmem>>) target_semaphore(%arg9 : memref<!tpu.dma_semaphore, #tpu.memory_space<semaphore_mem>>)
    %add3A_953 = arith.constant 32 : i32
    %add3A_954 = arith.addi %mul3A_2, %add3A_953 : i32
    %dma_start3A_955 = arith.constant 1 : i32
    %dma_start3A_956 = arith.constant 0 : i32
    %dma_start3A_957 = arith.constant 0 : i32
    %dma_start3A_958 = tpu.memref_slice %arg7[%dma_start3A_955, %dma_start3A_956, %dma_start3A_957] : memref<3x32x1024xf32, #tpu.memory_space<vmem>> -> memref<1x32x1024xf32, #tpu.memory_space<vmem>>
    %dma_start3A_959 = tpu.memref_squeeze %dma_start3A_958 : memref<1x32x1024xf32, #tpu.memory_space<vmem>> -> memref<32x1024xf32, #tpu.memory_space<vmem>>
    %dma_start3A_960 = arith.constant 0 : i32
    %dma_start3A_961 = tpu.memref_slice %arg2[%add3A_954, %dma_start3A_960] : memref<4096x1024xf32, #tpu.memory_space<hbm>> -> memref<32x1024xf32, #tpu.memory_space<hbm>>
    %dma_start3A_962 = arith.constant 0 : i32
    %dma_start3A_963 = arith.constant 0 : i32
    %dma_start3A_964 = tpu.memref_slice %arg7[%dma_start3A_955, %dma_start3A_962, %dma_start3A_963] : memref<3x32x1024xf32, #tpu.memory_space<vmem>> -> memref<1x32x1024xf32, #tpu.memory_space<vmem>>
    %dma_start3A_965 = tpu.memref_squeeze %dma_start3A_964 : memref<1x32x1024xf32, #tpu.memory_space<vmem>> -> memref<32x1024xf32, #tpu.memory_space<vmem>>
    %dma_start3A_966 = arith.constant 0 : i32
    %dma_start3A_967 = tpu.memref_slice %arg2[%add3A_954, %dma_start3A_966] : memref<4096x1024xf32, #tpu.memory_space<hbm>> -> memref<32x1024xf32, #tpu.memory_space<hbm>>
    tpu.enqueue_dma source(%dma_start3A_967 : memref<32x1024xf32, #tpu.memory_space<hbm>>) target(%dma_start3A_965 : memref<32x1024xf32, #tpu.memory_space<vmem>>) target_semaphore(%arg10 : memref<!tpu.dma_semaphore, #tpu.memory_space<semaphore_mem>>)
    %add3A_968 = arith.constant 64 : i32
    %add3A_969 = arith.addi %mul3A_2, %add3A_968 : i32
    %dma_start3A_970 = arith.constant 2 : i32
    %dma_start3A_971 = arith.constant 0 : i32
    %dma_start3A_972 = arith.constant 0 : i32
    %dma_start3A_973 = tpu.memref_slice %arg7[%dma_start3A_970, %dma_start3A_971, %dma_start3A_972] : memref<3x32x1024xf32, #tpu.memory_space<vmem>> -> memref<1x32x1024xf32, #tpu.memory_space<vmem>>
    %dma_start3A_974 = tpu.memref_squeeze %dma_start3A_973 : memref<1x32x1024xf32, #tpu.memory_space<vmem>> -> memref<32x1024xf32, #tpu.memory_space<vmem>>
    %dma_start3A_975 = arith.constant 0 : i32
    %dma_start3A_976 = tpu.memref_slice %arg2[%add3A_969, %dma_start3A_975] : memref<4096x1024xf32, #tpu.memory_space<hbm>> -> memref<32x1024xf32, #tpu.memory_space<hbm>>
    %dma_start3A_977 = arith.constant 0 : i32
    %dma_start3A_978 = arith.constant 0 : i32
    %dma_start3A_979 = tpu.memref_slice %arg7[%dma_start3A_970, %dma_start3A_977, %dma_start3A_978] : memref<3x32x1024xf32, #tpu.memory_space<vmem>> -> memref<1x32x1024xf32, #tpu.memory_space<vmem>>
    %dma_start3A_980 = tpu.memref_squeeze %dma_start3A_979 : memref<1x32x1024xf32, #tpu.memory_space<vmem>> -> memref<32x1024xf32, #tpu.memory_space<vmem>>
    %dma_start3A_981 = arith.constant 0 : i32
    %dma_start3A_982 = tpu.memref_slice %arg2[%add3A_969, %dma_start3A_981] : memref<4096x1024xf32, #tpu.memory_space<hbm>> -> memref<32x1024xf32, #tpu.memory_space<hbm>>
    tpu.enqueue_dma source(%dma_start3A_982 : memref<32x1024xf32, #tpu.memory_space<hbm>>) target(%dma_start3A_980 : memref<32x1024xf32, #tpu.memory_space<vmem>>) target_semaphore(%arg11 : memref<!tpu.dma_semaphore, #tpu.memory_space<semaphore_mem>>)
    %dma_wait3A = arith.constant 0 : i32
    %dma_wait3A_983 = arith.constant 0 : i32
    %dma_wait3A_984 = arith.constant 0 : i32
    %dma_wait3A_985 = tpu.memref_slice %arg7[%dma_wait3A, %dma_wait3A_983, %dma_wait3A_984] : memref<3x32x1024xf32, #tpu.memory_space<vmem>> -> memref<1x32x1024xf32, #tpu.memory_space<vmem>>
    %dma_wait3A_986 = tpu.memref_squeeze %dma_wait3A_985 : memref<1x32x1024xf32, #tpu.memory_space<vmem>> -> memref<32x1024xf32, #tpu.memory_space<vmem>>
    %dma_wait3A_987 = arith.constant 0 : i32
    %dma_wait3A_988 = tpu.memref_slice %arg2[%add3A_939, %dma_wait3A_987] : memref<4096x1024xf32, #tpu.memory_space<hbm>> -> memref<32x1024xf32, #tpu.memory_space<hbm>>
    %dma_wait3A_989 = arith.constant 0 : i32
    %dma_wait3A_990 = arith.constant 0 : i32
    %dma_wait3A_991 = tpu.memref_slice %arg7[%dma_wait3A, %dma_wait3A_989, %dma_wait3A_990] : memref<3x32x1024xf32, #tpu.memory_space<vmem>> -> memref<1x32x1024xf32, #tpu.memory_space<vmem>>
    %dma_wait3A_992 = tpu.memref_squeeze %dma_wait3A_991 : memref<1x32x1024xf32, #tpu.memory_space<vmem>> -> memref<32x1024xf32, #tpu.memory_space<vmem>>
    %dma_wait3A_993 = arith.constant 0 : i32
    %dma_wait3A_994 = tpu.memref_slice %arg2[%add3A_939, %dma_wait3A_993] : memref<4096x1024xf32, #tpu.memory_space<hbm>> -> memref<32x1024xf32, #tpu.memory_space<hbm>>
    tpu.wait_dma2 semaphore(%arg9 : memref<!tpu.dma_semaphore, #tpu.memory_space<semaphore_mem>>) src(%dma_wait3A_994 : memref<32x1024xf32, #tpu.memory_space<hbm>>) dst(%dma_wait3A_992 : memref<32x1024xf32, #tpu.memory_space<vmem>>)
    %dma_start3A_995 = arith.constant 0 : i32
    %dma_start3A_996 = arith.constant 0 : i32
    %dma_start3A_997 = arith.constant 0 : i32
    %dma_start3A_998 = arith.constant 0 : i32
    %dma_start3A_999 = tpu.memref_slice %arg7[%dma_start3A_995, %dma_start3A_997, %dma_start3A_998] : memref<3x32x1024xf32, #tpu.memory_space<vmem>> -> memref<1x32x1024xf32, #tpu.memory_space<vmem>>
    %dma_start3A_1000 = tpu.memref_squeeze %dma_start3A_999 : memref<1x32x1024xf32, #tpu.memory_space<vmem>> -> memref<32x1024xf32, #tpu.memory_space<vmem>>
    %dma_start3A_1001 = arith.constant 0 : i32
    %dma_start3A_1002 = tpu.memref_slice %arg6[%dma_start3A_996, %dma_start3A_1001] : memref<4x32xi32, #tpu.memory_space<vmem>> -> memref<1x32xi32, #tpu.memory_space<vmem>>
    %dma_start3A_1003 = tpu.memref_squeeze %dma_start3A_1002 : memref<1x32xi32, #tpu.memory_space<vmem>> -> memref<32xi32, #tpu.memory_space<vmem>>
    %dma_start3A_1004 = arith.constant 0 : i32
    %dma_start3A_1005 = arith.constant 0 : i32
    %dma_start3A_1006 = tpu.memref_slice %arg4[%dma_start3A_1004, %dma_start3A_1005] : memref<4608x1024xf32, #tpu.memory_space<hbm>> -> memref<4608x1024xf32, #tpu.memory_space<hbm>>
    tpu.enqueue_indirect_dma source(%dma_start3A_1000 : memref<32x1024xf32, #tpu.memory_space<vmem>>) target(%dma_start3A_1006 : memref<4608x1024xf32, #tpu.memory_space<hbm>>) offsets(%dma_start3A_1003 : memref<32xi32, #tpu.memory_space<vmem>>) semaphore(%arg12 : memref<!tpu.dma_semaphore, #tpu.memory_space<semaphore_mem>>)
    %dma_wait3A_1007 = arith.constant 0 : i32
    %dma_wait3A_1008 = arith.constant 0 : i32
    %dma_wait3A_1009 = arith.constant 0 : i32
    %dma_wait3A_1010 = arith.constant 0 : i32
    %dma_wait3A_1011 = tpu.memref_slice %arg7[%dma_wait3A_1007, %dma_wait3A_1009, %dma_wait3A_1010] : memref<3x32x1024xf32, #tpu.memory_space<vmem>> -> memref<1x32x1024xf32, #tpu.memory_space<vmem>>
    %dma_wait3A_1012 = tpu.memref_squeeze %dma_wait3A_1011 : memref<1x32x1024xf32, #tpu.memory_space<vmem>> -> memref<32x1024xf32, #tpu.memory_space<vmem>>
    %dma_wait3A_1013 = arith.constant 0 : i32
    %dma_wait3A_1014 = tpu.memref_slice %arg6[%dma_wait3A_1008, %dma_wait3A_1013] : memref<4x32xi32, #tpu.memory_space<vmem>> -> memref<1x32xi32, #tpu.memory_space<vmem>>
    %dma_wait3A_1015 = tpu.memref_squeeze %dma_wait3A_1014 : memref<1x32xi32, #tpu.memory_space<vmem>> -> memref<32xi32, #tpu.memory_space<vmem>>
    %dma_wait3A_1016 = arith.constant 0 : i32
    %dma_wait3A_1017 = arith.constant 0 : i32
    %dma_wait3A_1018 = tpu.memref_slice %arg4[%dma_wait3A_1016, %dma_wait3A_1017] : memref<4608x1024xf32, #tpu.memory_space<hbm>> -> memref<4608x1024xf32, #tpu.memory_space<hbm>>
    tpu.wait_indirect_dma semaphore(%arg12 : memref<!tpu.dma_semaphore, #tpu.memory_space<semaphore_mem>>) src(%dma_wait3A_1012 : memref<32x1024xf32, #tpu.memory_space<vmem>>) dst(%dma_wait3A_1018 : memref<4608x1024xf32, #tpu.memory_space<hbm>>)
    %add3A_1019 = arith.constant 96 : i32
    %add3A_1020 = arith.addi %mul3A_2, %add3A_1019 : i32
    %dma_start3A_1021 = arith.constant 0 : i32
    %dma_start3A_1022 = arith.constant 0 : i32
    %dma_start3A_1023 = arith.constant 0 : i32
    %dma_start3A_1024 = tpu.memref_slice %arg7[%dma_start3A_1021, %dma_start3A_1022, %dma_start3A_1023] : memref<3x32x1024xf32, #tpu.memory_space<vmem>> -> memref<1x32x1024xf32, #tpu.memory_space<vmem>>
    %dma_start3A_1025 = tpu.memref_squeeze %dma_start3A_1024 : memref<1x32x1024xf32, #tpu.memory_space<vmem>> -> memref<32x1024xf32, #tpu.memory_space<vmem>>
    %dma_start3A_1026 = arith.constant 0 : i32
    %dma_start3A_1027 = tpu.memref_slice %arg2[%add3A_1020, %dma_start3A_1026] : memref<4096x1024xf32, #tpu.memory_space<hbm>> -> memref<32x1024xf32, #tpu.memory_space<hbm>>
    %dma_start3A_1028 = arith.constant 0 : i32
    %dma_start3A_1029 = arith.constant 0 : i32
    %dma_start3A_1030 = tpu.memref_slice %arg7[%dma_start3A_1021, %dma_start3A_1028, %dma_start3A_1029] : memref<3x32x1024xf32, #tpu.memory_space<vmem>> -> memref<1x32x1024xf32, #tpu.memory_space<vmem>>
    %dma_start3A_1031 = tpu.memref_squeeze %dma_start3A_1030 : memref<1x32x1024xf32, #tpu.memory_space<vmem>> -> memref<32x1024xf32, #tpu.memory_space<vmem>>
    %dma_start3A_1032 = arith.constant 0 : i32
    %dma_start3A_1033 = tpu.memref_slice %arg2[%add3A_1020, %dma_start3A_1032] : memref<4096x1024xf32, #tpu.memory_space<hbm>> -> memref<32x1024xf32, #tpu.memory_space<hbm>>
    tpu.enqueue_dma source(%dma_start3A_1033 : memref<32x1024xf32, #tpu.memory_space<hbm>>) target(%dma_start3A_1031 : memref<32x1024xf32, #tpu.memory_space<vmem>>) target_semaphore(%arg9 : memref<!tpu.dma_semaphore, #tpu.memory_space<semaphore_mem>>)
    %dma_wait3A_1034 = arith.constant 1 : i32
    %dma_wait3A_1035 = arith.constant 0 : i32
    %dma_wait3A_1036 = arith.constant 0 : i32
    %dma_wait3A_1037 = tpu.memref_slice %arg7[%dma_wait3A_1034, %dma_wait3A_1035, %dma_wait3A_1036] : memref<3x32x1024xf32, #tpu.memory_space<vmem>> -> memref<1x32x1024xf32, #tpu.memory_space<vmem>>
    %dma_wait3A_1038 = tpu.memref_squeeze %dma_wait3A_1037 : memref<1x32x1024xf32, #tpu.memory_space<vmem>> -> memref<32x1024xf32, #tpu.memory_space<vmem>>
    %dma_wait3A_1039 = arith.constant 0 : i32
    %dma_wait3A_1040 = tpu.memref_slice %arg2[%add3A_954, %dma_wait3A_1039] : memref<4096x1024xf32, #tpu.memory_space<hbm>> -> memref<32x1024xf32, #tpu.memory_space<hbm>>
    %dma_wait3A_1041 = arith.constant 0 : i32
    %dma_wait3A_1042 = arith.constant 0 : i32
    %dma_wait3A_1043 = tpu.memref_slice %arg7[%dma_wait3A_1034, %dma_wait3A_1041, %dma_wait3A_1042] : memref<3x32x1024xf32, #tpu.memory_space<vmem>> -> memref<1x32x1024xf32, #tpu.memory_space<vmem>>
    %dma_wait3A_1044 = tpu.memref_squeeze %dma_wait3A_1043 : memref<1x32x1024xf32, #tpu.memory_space<vmem>> -> memref<32x1024xf32, #tpu.memory_space<vmem>>
    %dma_wait3A_1045 = arith.constant 0 : i32
    %dma_wait3A_1046 = tpu.memref_slice %arg2[%add3A_954, %dma_wait3A_1045] : memref<4096x1024xf32, #tpu.memory_space<hbm>> -> memref<32x1024xf32, #tpu.memory_space<hbm>>
    tpu.wait_dma2 semaphore(%arg10 : memref<!tpu.dma_semaphore, #tpu.memory_space<semaphore_mem>>) src(%dma_wait3A_1046 : memref<32x1024xf32, #tpu.memory_space<hbm>>) dst(%dma_wait3A_1044 : memref<32x1024xf32, #tpu.memory_space<vmem>>)
    %dma_start3A_1047 = arith.constant 1 : i32
    %dma_start3A_1048 = arith.constant 1 : i32
    %dma_start3A_1049 = arith.constant 0 : i32
    %dma_start3A_1050 = arith.constant 0 : i32
    %dma_start3A_1051 = tpu.memref_slice %arg7[%dma_start3A_1047, %dma_start3A_1049, %dma_start3A_1050] : memref<3x32x1024xf32, #tpu.memory_space<vmem>> -> memref<1x32x1024xf32, #tpu.memory_space<vmem>>
    %dma_start3A_1052 = tpu.memref_squeeze %dma_start3A_1051 : memref<1x32x1024xf32, #tpu.memory_space<vmem>> -> memref<32x1024xf32, #tpu.memory_space<vmem>>
    %dma_start3A_1053 = arith.constant 0 : i32
    %dma_start3A_1054 = tpu.memref_slice %arg6[%dma_start3A_1048, %dma_start3A_1053] : memref<4x32xi32, #tpu.memory_space<vmem>> -> memref<1x32xi32, #tpu.memory_space<vmem>>
    %dma_start3A_1055 = tpu.memref_squeeze %dma_start3A_1054 : memref<1x32xi32, #tpu.memory_space<vmem>> -> memref<32xi32, #tpu.memory_space<vmem>>
    %dma_start3A_1056 = arith.constant 0 : i32
    %dma_start3A_1057 = arith.constant 0 : i32
    %dma_start3A_1058 = tpu.memref_slice %arg4[%dma_start3A_1056, %dma_start3A_1057] : memref<4608x1024xf32, #tpu.memory_space<hbm>> -> memref<4608x1024xf32, #tpu.memory_space<hbm>>
    tpu.enqueue_indirect_dma source(%dma_start3A_1052 : memref<32x1024xf32, #tpu.memory_space<vmem>>) target(%dma_start3A_1058 : memref<4608x1024xf32, #tpu.memory_space<hbm>>) offsets(%dma_start3A_1055 : memref<32xi32, #tpu.memory_space<vmem>>) semaphore(%arg13 : memref<!tpu.dma_semaphore, #tpu.memory_space<semaphore_mem>>)
    %dma_wait3A_1059 = arith.constant 2 : i32
    %dma_wait3A_1060 = arith.constant 0 : i32
    %dma_wait3A_1061 = arith.constant 0 : i32
    %dma_wait3A_1062 = tpu.memref_slice %arg7[%dma_wait3A_1059, %dma_wait3A_1060, %dma_wait3A_1061] : memref<3x32x1024xf32, #tpu.memory_space<vmem>> -> memref<1x32x1024xf32, #tpu.memory_space<vmem>>
    %dma_wait3A_1063 = tpu.memref_squeeze %dma_wait3A_1062 : memref<1x32x1024xf32, #tpu.memory_space<vmem>> -> memref<32x1024xf32, #tpu.memory_space<vmem>>
    %dma_wait3A_1064 = arith.constant 0 : i32
    %dma_wait3A_1065 = tpu.memref_slice %arg2[%add3A_969, %dma_wait3A_1064] : memref<4096x1024xf32, #tpu.memory_space<hbm>> -> memref<32x1024xf32, #tpu.memory_space<hbm>>
    %dma_wait3A_1066 = arith.constant 0 : i32
    %dma_wait3A_1067 = arith.constant 0 : i32
    %dma_wait3A_1068 = tpu.memref_slice %arg7[%dma_wait3A_1059, %dma_wait3A_1066, %dma_wait3A_1067] : memref<3x32x1024xf32, #tpu.memory_space<vmem>> -> memref<1x32x1024xf32, #tpu.memory_space<vmem>>
    %dma_wait3A_1069 = tpu.memref_squeeze %dma_wait3A_1068 : memref<1x32x1024xf32, #tpu.memory_space<vmem>> -> memref<32x1024xf32, #tpu.memory_space<vmem>>
    %dma_wait3A_1070 = arith.constant 0 : i32
    %dma_wait3A_1071 = tpu.memref_slice %arg2[%add3A_969, %dma_wait3A_1070] : memref<4096x1024xf32, #tpu.memory_space<hbm>> -> memref<32x1024xf32, #tpu.memory_space<hbm>>
    tpu.wait_dma2 semaphore(%arg11 : memref<!tpu.dma_semaphore, #tpu.memory_space<semaphore_mem>>) src(%dma_wait3A_1071 : memref<32x1024xf32, #tpu.memory_space<hbm>>) dst(%dma_wait3A_1069 : memref<32x1024xf32, #tpu.memory_space<vmem>>)
    %dma_start3A_1072 = arith.constant 2 : i32
    %dma_start3A_1073 = arith.constant 2 : i32
    %dma_start3A_1074 = arith.constant 0 : i32
    %dma_start3A_1075 = arith.constant 0 : i32
    %dma_start3A_1076 = tpu.memref_slice %arg7[%dma_start3A_1072, %dma_start3A_1074, %dma_start3A_1075] : memref<3x32x1024xf32, #tpu.memory_space<vmem>> -> memref<1x32x1024xf32, #tpu.memory_space<vmem>>
    %dma_start3A_1077 = tpu.memref_squeeze %dma_start3A_1076 : memref<1x32x1024xf32, #tpu.memory_space<vmem>> -> memref<32x1024xf32, #tpu.memory_space<vmem>>
    %dma_start3A_1078 = arith.constant 0 : i32
    %dma_start3A_1079 = tpu.memref_slice %arg6[%dma_start3A_1073, %dma_start3A_1078] : memref<4x32xi32, #tpu.memory_space<vmem>> -> memref<1x32xi32, #tpu.memory_space<vmem>>
    %dma_start3A_1080 = tpu.memref_squeeze %dma_start3A_1079 : memref<1x32xi32, #tpu.memory_space<vmem>> -> memref<32xi32, #tpu.memory_space<vmem>>
    %dma_start3A_1081 = arith.constant 0 : i32
    %dma_start3A_1082 = arith.constant 0 : i32
    %dma_start3A_1083 = tpu.memref_slice %arg4[%dma_start3A_1081, %dma_start3A_1082] : memref<4608x1024xf32, #tpu.memory_space<hbm>> -> memref<4608x1024xf32, #tpu.memory_space<hbm>>
    tpu.enqueue_indirect_dma source(%dma_start3A_1077 : memref<32x1024xf32, #tpu.memory_space<vmem>>) target(%dma_start3A_1083 : memref<4608x1024xf32, #tpu.memory_space<hbm>>) offsets(%dma_start3A_1080 : memref<32xi32, #tpu.memory_space<vmem>>) semaphore(%arg14 : memref<!tpu.dma_semaphore, #tpu.memory_space<semaphore_mem>>)
    %dma_wait3A_1084 = arith.constant 0 : i32
    %dma_wait3A_1085 = arith.constant 0 : i32
    %dma_wait3A_1086 = arith.constant 0 : i32
    %dma_wait3A_1087 = tpu.memref_slice %arg7[%dma_wait3A_1084, %dma_wait3A_1085, %dma_wait3A_1086] : memref<3x32x1024xf32, #tpu.memory_space<vmem>> -> memref<1x32x1024xf32, #tpu.memory_space<vmem>>
    %dma_wait3A_1088 = tpu.memref_squeeze %dma_wait3A_1087 : memref<1x32x1024xf32, #tpu.memory_space<vmem>> -> memref<32x1024xf32, #tpu.memory_space<vmem>>
    %dma_wait3A_1089 = arith.constant 0 : i32
    %dma_wait3A_1090 = tpu.memref_slice %arg2[%add3A_1020, %dma_wait3A_1089] : memref<4096x1024xf32, #tpu.memory_space<hbm>> -> memref<32x1024xf32, #tpu.memory_space<hbm>>
    %dma_wait3A_1091 = arith.constant 0 : i32
    %dma_wait3A_1092 = arith.constant 0 : i32
    %dma_wait3A_1093 = tpu.memref_slice %arg7[%dma_wait3A_1084, %dma_wait3A_1091, %dma_wait3A_1092] : memref<3x32x1024xf32, #tpu.memory_space<vmem>> -> memref<1x32x1024xf32, #tpu.memory_space<vmem>>
    %dma_wait3A_1094 = tpu.memref_squeeze %dma_wait3A_1093 : memref<1x32x1024xf32, #tpu.memory_space<vmem>> -> memref<32x1024xf32, #tpu.memory_space<vmem>>
    %dma_wait3A_1095 = arith.constant 0 : i32
    %dma_wait3A_1096 = tpu.memref_slice %arg2[%add3A_1020, %dma_wait3A_1095] : memref<4096x1024xf32, #tpu.memory_space<hbm>> -> memref<32x1024xf32, #tpu.memory_space<hbm>>
    tpu.wait_dma2 semaphore(%arg9 : memref<!tpu.dma_semaphore, #tpu.memory_space<semaphore_mem>>) src(%dma_wait3A_1096 : memref<32x1024xf32, #tpu.memory_space<hbm>>) dst(%dma_wait3A_1094 : memref<32x1024xf32, #tpu.memory_space<vmem>>)
    %dma_start3A_1097 = arith.constant 0 : i32
    %dma_start3A_1098 = arith.constant 3 : i32
    %dma_start3A_1099 = arith.constant 0 : i32
    %dma_start3A_1100 = arith.constant 0 : i32
    %dma_start3A_1101 = tpu.memref_slice %arg7[%dma_start3A_1097, %dma_start3A_1099, %dma_start3A_1100] : memref<3x32x1024xf32, #tpu.memory_space<vmem>> -> memref<1x32x1024xf32, #tpu.memory_space<vmem>>
    %dma_start3A_1102 = tpu.memref_squeeze %dma_start3A_1101 : memref<1x32x1024xf32, #tpu.memory_space<vmem>> -> memref<32x1024xf32, #tpu.memory_space<vmem>>
    %dma_start3A_1103 = arith.constant 0 : i32
    %dma_start3A_1104 = tpu.memref_slice %arg6[%dma_start3A_1098, %dma_start3A_1103] : memref<4x32xi32, #tpu.memory_space<vmem>> -> memref<1x32xi32, #tpu.memory_space<vmem>>
    %dma_start3A_1105 = tpu.memref_squeeze %dma_start3A_1104 : memref<1x32xi32, #tpu.memory_space<vmem>> -> memref<32xi32, #tpu.memory_space<vmem>>
    %dma_start3A_1106 = arith.constant 0 : i32
    %dma_start3A_1107 = arith.constant 0 : i32
    %dma_start3A_1108 = tpu.memref_slice %arg4[%dma_start3A_1106, %dma_start3A_1107] : memref<4608x1024xf32, #tpu.memory_space<hbm>> -> memref<4608x1024xf32, #tpu.memory_space<hbm>>
    tpu.enqueue_indirect_dma source(%dma_start3A_1102 : memref<32x1024xf32, #tpu.memory_space<vmem>>) target(%dma_start3A_1108 : memref<4608x1024xf32, #tpu.memory_space<hbm>>) offsets(%dma_start3A_1105 : memref<32xi32, #tpu.memory_space<vmem>>) semaphore(%arg12 : memref<!tpu.dma_semaphore, #tpu.memory_space<semaphore_mem>>)
    %dma_wait3A_1109 = arith.constant 1 : i32
    %dma_wait3A_1110 = arith.constant 1 : i32
    %dma_wait3A_1111 = arith.constant 0 : i32
    %dma_wait3A_1112 = arith.constant 0 : i32
    %dma_wait3A_1113 = tpu.memref_slice %arg7[%dma_wait3A_1109, %dma_wait3A_1111, %dma_wait3A_1112] : memref<3x32x1024xf32, #tpu.memory_space<vmem>> -> memref<1x32x1024xf32, #tpu.memory_space<vmem>>
    %dma_wait3A_1114 = tpu.memref_squeeze %dma_wait3A_1113 : memref<1x32x1024xf32, #tpu.memory_space<vmem>> -> memref<32x1024xf32, #tpu.memory_space<vmem>>
    %dma_wait3A_1115 = arith.constant 0 : i32
    %dma_wait3A_1116 = tpu.memref_slice %arg6[%dma_wait3A_1110, %dma_wait3A_1115] : memref<4x32xi32, #tpu.memory_space<vmem>> -> memref<1x32xi32, #tpu.memory_space<vmem>>
    %dma_wait3A_1117 = tpu.memref_squeeze %dma_wait3A_1116 : memref<1x32xi32, #tpu.memory_space<vmem>> -> memref<32xi32, #tpu.memory_space<vmem>>
    %dma_wait3A_1118 = arith.constant 0 : i32
    %dma_wait3A_1119 = arith.constant 0 : i32
    %dma_wait3A_1120 = tpu.memref_slice %arg4[%dma_wait3A_1118, %dma_wait3A_1119] : memref<4608x1024xf32, #tpu.memory_space<hbm>> -> memref<4608x1024xf32, #tpu.memory_space<hbm>>
    tpu.wait_indirect_dma semaphore(%arg13 : memref<!tpu.dma_semaphore, #tpu.memory_space<semaphore_mem>>) src(%dma_wait3A_1114 : memref<32x1024xf32, #tpu.memory_space<vmem>>) dst(%dma_wait3A_1120 : memref<4608x1024xf32, #tpu.memory_space<hbm>>)
    %dma_wait3A_1121 = arith.constant 2 : i32
    %dma_wait3A_1122 = arith.constant 2 : i32
    %dma_wait3A_1123 = arith.constant 0 : i32
    %dma_wait3A_1124 = arith.constant 0 : i32
    %dma_wait3A_1125 = tpu.memref_slice %arg7[%dma_wait3A_1121, %dma_wait3A_1123, %dma_wait3A_1124] : memref<3x32x1024xf32, #tpu.memory_space<vmem>> -> memref<1x32x1024xf32, #tpu.memory_space<vmem>>
    %dma_wait3A_1126 = tpu.memref_squeeze %dma_wait3A_1125 : memref<1x32x1024xf32, #tpu.memory_space<vmem>> -> memref<32x1024xf32, #tpu.memory_space<vmem>>
    %dma_wait3A_1127 = arith.constant 0 : i32
    %dma_wait3A_1128 = tpu.memref_slice %arg6[%dma_wait3A_1122, %dma_wait3A_1127] : memref<4x32xi32, #tpu.memory_space<vmem>> -> memref<1x32xi32, #tpu.memory_space<vmem>>
    %dma_wait3A_1129 = tpu.memref_squeeze %dma_wait3A_1128 : memref<1x32xi32, #tpu.memory_space<vmem>> -> memref<32xi32, #tpu.memory_space<vmem>>
    %dma_wait3A_1130 = arith.constant 0 : i32
    %dma_wait3A_1131 = arith.constant 0 : i32
    %dma_wait3A_1132 = tpu.memref_slice %arg4[%dma_wait3A_1130, %dma_wait3A_1131] : memref<4608x1024xf32, #tpu.memory_space<hbm>> -> memref<4608x1024xf32, #tpu.memory_space<hbm>>
    tpu.wait_indirect_dma semaphore(%arg14 : memref<!tpu.dma_semaphore, #tpu.memory_space<semaphore_mem>>) src(%dma_wait3A_1126 : memref<32x1024xf32, #tpu.memory_space<vmem>>) dst(%dma_wait3A_1132 : memref<4608x1024xf32, #tpu.memory_space<hbm>>)
    %dma_wait3A_1133 = arith.constant 0 : i32
    %dma_wait3A_1134 = arith.constant 3 : i32
    %dma_wait3A_1135 = arith.constant 0 : i32
    %dma_wait3A_1136 = arith.constant 0 : i32
    %dma_wait3A_1137 = tpu.memref_slice %arg7[%dma_wait3A_1133, %dma_wait3A_1135, %dma_wait3A_1136] : memref<3x32x1024xf32, #tpu.memory_space<vmem>> -> memref<1x32x1024xf32, #tpu.memory_space<vmem>>
    %dma_wait3A_1138 = tpu.memref_squeeze %dma_wait3A_1137 : memref<1x32x1024xf32, #tpu.memory_space<vmem>> -> memref<32x1024xf32, #tpu.memory_space<vmem>>
    %dma_wait3A_1139 = arith.constant 0 : i32
    %dma_wait3A_1140 = tpu.memref_slice %arg6[%dma_wait3A_1134, %dma_wait3A_1139] : memref<4x32xi32, #tpu.memory_space<vmem>> -> memref<1x32xi32, #tpu.memory_space<vmem>>
    %dma_wait3A_1141 = tpu.memref_squeeze %dma_wait3A_1140 : memref<1x32xi32, #tpu.memory_space<vmem>> -> memref<32xi32, #tpu.memory_space<vmem>>
    %dma_wait3A_1142 = arith.constant 0 : i32
    %dma_wait3A_1143 = arith.constant 0 : i32
    %dma_wait3A_1144 = tpu.memref_slice %arg4[%dma_wait3A_1142, %dma_wait3A_1143] : memref<4608x1024xf32, #tpu.memory_space<hbm>> -> memref<4608x1024xf32, #tpu.memory_space<hbm>>
    tpu.wait_indirect_dma semaphore(%arg12 : memref<!tpu.dma_semaphore, #tpu.memory_space<semaphore_mem>>) src(%dma_wait3A_1138 : memref<32x1024xf32, #tpu.memory_space<vmem>>) dst(%dma_wait3A_1144 : memref<4608x1024xf32, #tpu.memory_space<hbm>>)
    %dma_wait3A_1145 = arith.constant 0 : i32
    %dma_wait3A_1146 = arith.constant 0 : i32
    %dma_wait3A_1147 = arith.constant 0 : i32
    %dma_wait3A_1148 = tpu.memref_slice %arg8[%dma_wait3A_1146, %dma_wait3A_1147] : memref<128x128xi32, #tpu.memory_space<vmem>> -> memref<32x128xi32, #tpu.memory_space<vmem>>
    %dma_wait3A_1149 = arith.constant 0 : i32
    %dma_wait3A_1150 = tpu.memref_slice %arg6[%dma_wait3A_1145, %dma_wait3A_1149] : memref<4x32xi32, #tpu.memory_space<vmem>> -> memref<1x32xi32, #tpu.memory_space<vmem>>
    %dma_wait3A_1151 = tpu.memref_squeeze %dma_wait3A_1150 : memref<1x32xi32, #tpu.memory_space<vmem>> -> memref<32xi32, #tpu.memory_space<vmem>>
    %dma_wait3A_1152 = arith.constant 0 : i32
    %dma_wait3A_1153 = arith.constant 0 : i32
    %dma_wait3A_1154 = tpu.memref_slice %arg5[%dma_wait3A_1152, %dma_wait3A_1153] : memref<4608x128xi32, #tpu.memory_space<hbm>> -> memref<4608x128xi32, #tpu.memory_space<hbm>>
    tpu.wait_indirect_dma semaphore(%arg15 : memref<!tpu.dma_semaphore, #tpu.memory_space<semaphore_mem>>) src(%dma_wait3A_1148 : memref<32x128xi32, #tpu.memory_space<vmem>>) dst(%dma_wait3A_1154 : memref<4608x128xi32, #tpu.memory_space<hbm>>)
    %dma_wait3A_1155 = arith.constant 1 : i32
    %dma_wait3A_1156 = arith.constant 32 : i32
    %dma_wait3A_1157 = arith.constant 0 : i32
    %dma_wait3A_1158 = tpu.memref_slice %arg8[%dma_wait3A_1156, %dma_wait3A_1157] : memref<128x128xi32, #tpu.memory_space<vmem>> -> memref<32x128xi32, #tpu.memory_space<vmem>>
    %dma_wait3A_1159 = arith.constant 0 : i32
    %dma_wait3A_1160 = tpu.memref_slice %arg6[%dma_wait3A_1155, %dma_wait3A_1159] : memref<4x32xi32, #tpu.memory_space<vmem>> -> memref<1x32xi32, #tpu.memory_space<vmem>>
    %dma_wait3A_1161 = tpu.memref_squeeze %dma_wait3A_1160 : memref<1x32xi32, #tpu.memory_space<vmem>> -> memref<32xi32, #tpu.memory_space<vmem>>
    %dma_wait3A_1162 = arith.constant 0 : i32
    %dma_wait3A_1163 = arith.constant 0 : i32
    %dma_wait3A_1164 = tpu.memref_slice %arg5[%dma_wait3A_1162, %dma_wait3A_1163] : memref<4608x128xi32, #tpu.memory_space<hbm>> -> memref<4608x128xi32, #tpu.memory_space<hbm>>
    tpu.wait_indirect_dma semaphore(%arg15 : memref<!tpu.dma_semaphore, #tpu.memory_space<semaphore_mem>>) src(%dma_wait3A_1158 : memref<32x128xi32, #tpu.memory_space<vmem>>) dst(%dma_wait3A_1164 : memref<4608x128xi32, #tpu.memory_space<hbm>>)
    %dma_wait3A_1165 = arith.constant 2 : i32
    %dma_wait3A_1166 = arith.constant 64 : i32
    %dma_wait3A_1167 = arith.constant 0 : i32
    %dma_wait3A_1168 = tpu.memref_slice %arg8[%dma_wait3A_1166, %dma_wait3A_1167] : memref<128x128xi32, #tpu.memory_space<vmem>> -> memref<32x128xi32, #tpu.memory_space<vmem>>
    %dma_wait3A_1169 = arith.constant 0 : i32
    %dma_wait3A_1170 = tpu.memref_slice %arg6[%dma_wait3A_1165, %dma_wait3A_1169] : memref<4x32xi32, #tpu.memory_space<vmem>> -> memref<1x32xi32, #tpu.memory_space<vmem>>
    %dma_wait3A_1171 = tpu.memref_squeeze %dma_wait3A_1170 : memref<1x32xi32, #tpu.memory_space<vmem>> -> memref<32xi32, #tpu.memory_space<vmem>>
    %dma_wait3A_1172 = arith.constant 0 : i32
    %dma_wait3A_1173 = arith.constant 0 : i32
    %dma_wait3A_1174 = tpu.memref_slice %arg5[%dma_wait3A_1172, %dma_wait3A_1173] : memref<4608x128xi32, #tpu.memory_space<hbm>> -> memref<4608x128xi32, #tpu.memory_space<hbm>>
    tpu.wait_indirect_dma semaphore(%arg15 : memref<!tpu.dma_semaphore, #tpu.memory_space<semaphore_mem>>) src(%dma_wait3A_1168 : memref<32x128xi32, #tpu.memory_space<vmem>>) dst(%dma_wait3A_1174 : memref<4608x128xi32, #tpu.memory_space<hbm>>)
    %dma_wait3A_1175 = arith.constant 3 : i32
    %dma_wait3A_1176 = arith.constant 96 : i32
    %dma_wait3A_1177 = arith.constant 0 : i32
    %dma_wait3A_1178 = tpu.memref_slice %arg8[%dma_wait3A_1176, %dma_wait3A_1177] : memref<128x128xi32, #tpu.memory_space<vmem>> -> memref<32x128xi32, #tpu.memory_space<vmem>>
    %dma_wait3A_1179 = arith.constant 0 : i32
    %dma_wait3A_1180 = tpu.memref_slice %arg6[%dma_wait3A_1175, %dma_wait3A_1179] : memref<4x32xi32, #tpu.memory_space<vmem>> -> memref<1x32xi32, #tpu.memory_space<vmem>>
    %dma_wait3A_1181 = tpu.memref_squeeze %dma_wait3A_1180 : memref<1x32xi32, #tpu.memory_space<vmem>> -> memref<32xi32, #tpu.memory_space<vmem>>
    %dma_wait3A_1182 = arith.constant 0 : i32
    %dma_wait3A_1183 = arith.constant 0 : i32
    %dma_wait3A_1184 = tpu.memref_slice %arg5[%dma_wait3A_1182, %dma_wait3A_1183] : memref<4608x128xi32, #tpu.memory_space<hbm>> -> memref<4608x128xi32, #tpu.memory_space<hbm>>
    tpu.wait_indirect_dma semaphore(%arg15 : memref<!tpu.dma_semaphore, #tpu.memory_space<semaphore_mem>>) src(%dma_wait3A_1178 : memref<32x128xi32, #tpu.memory_space<vmem>>) dst(%dma_wait3A_1184 : memref<4608x128xi32, #tpu.memory_space<hbm>>)
    return
  }
}

#map = affine_map<(d0, d1) -> (0, 0)>
#map1 = affine_map<(d0, d1) -> (0)>
module attributes {stable_mosaic.version = 14 : i64} {
  func.func @k(%arg0: i32, %arg1: i32, %arg2: memref<4096x1024xf32, #tpu.memory_space<hbm>>, %arg3: memref<4608x128xi32, #tpu.memory_space<hbm>>, %arg4: memref<16xi32, #tpu.memory_space<hbm>>, %arg5: memref<4608x1024xf32, #tpu.memory_space<hbm>>, %arg6: memref<128x128xi32, #tpu.memory_space<vmem>>, %arg7: memref<4x32xi32, #tpu.memory_space<vmem>>, %arg8: memref<3x32x1024xf32, #tpu.memory_space<vmem>>, %arg9: memref<16xi32, #tpu.memory_space<vmem>>, %arg10: memref<!tpu.dma_semaphore, #tpu.memory_space<semaphore_mem>>, %arg11: memref<!tpu.dma_semaphore, #tpu.memory_space<semaphore_mem>>, %arg12: memref<!tpu.dma_semaphore, #tpu.memory_space<semaphore_mem>>, %arg13: memref<!tpu.dma_semaphore, #tpu.memory_space<semaphore_mem>>, %arg14: memref<!tpu.dma_semaphore, #tpu.memory_space<semaphore_mem>>, %arg15: memref<!tpu.dma_semaphore, #tpu.memory_space<semaphore_mem>>) attributes {dimension_semantics = [#tpu.dimension_semantics<core_parallel>, #tpu.dimension_semantics<subcore_parallel>], iteration_bounds = array<i64: 2, 16>, scalar_prefetch = 0 : i64, scratch_operands = 10 : i64, tpu.core_type = #tpu.core_type<sc_vector_subcore>, window_params = [{transform_indices = #map}, {transform_indices = #map}, {transform_indices = #map1}, {transform_indices = #map}]} {
    %mul3A = arith.constant 2 : i32
    %mul3A_0 = arith.muli %arg1, %mul3A : i32
    %add3A = arith.addi %mul3A_0, %arg0 : i32
    %mul3A_1 = arith.constant 128 : i32
    %mul3A_2 = arith.muli %add3A, %mul3A_1 : i32
    "tpu.region"() ({
      %run_scoped3A = tpu.sem_alloc : memref<!tpu.dma_semaphore, #tpu.memory_space<semaphore_mem>>
      %dma_start3A_391 = arith.constant 0 : i32
      %dma_start3A_392 = tpu.memref_slice %arg3[%mul3A_2, %dma_start3A_391] : memref<4608x128xi32, #tpu.memory_space<hbm>> -> memref<128x128xi32, #tpu.memory_space<hbm>>
      %dma_start3A_393 = arith.constant 0 : i32
      %dma_start3A_394 = tpu.memref_slice %arg3[%mul3A_2, %dma_start3A_393] : memref<4608x128xi32, #tpu.memory_space<hbm>> -> memref<128x128xi32, #tpu.memory_space<hbm>>
      tpu.enqueue_dma source(%dma_start3A_394 : memref<128x128xi32, #tpu.memory_space<hbm>>) target(%arg6 : memref<128x128xi32, #tpu.memory_space<vmem>>) target_semaphore(%run_scoped3A : memref<!tpu.dma_semaphore, #tpu.memory_space<semaphore_mem>>)
      %dma_wait3A_395 = arith.constant 0 : i32
      %dma_wait3A_396 = tpu.memref_slice %arg3[%mul3A_2, %dma_wait3A_395] : memref<4608x128xi32, #tpu.memory_space<hbm>> -> memref<128x128xi32, #tpu.memory_space<hbm>>
      %dma_wait3A_397 = arith.constant 0 : i32
      %dma_wait3A_398 = tpu.memref_slice %arg3[%mul3A_2, %dma_wait3A_397] : memref<4608x128xi32, #tpu.memory_space<hbm>> -> memref<128x128xi32, #tpu.memory_space<hbm>>
      tpu.wait_dma2 semaphore(%run_scoped3A : memref<!tpu.dma_semaphore, #tpu.memory_space<semaphore_mem>>) src(%dma_wait3A_398 : memref<128x128xi32, #tpu.memory_space<hbm>>) dst(%arg6 : memref<128x128xi32, #tpu.memory_space<vmem>>)
      tpu.yield
    }) : () -> ()
    "tpu.region"() ({
      %run_scoped3A = tpu.sem_alloc : memref<!tpu.dma_semaphore, #tpu.memory_space<semaphore_mem>>
      tpu.enqueue_dma source(%arg4 : memref<16xi32, #tpu.memory_space<hbm>>) target(%arg9 : memref<16xi32, #tpu.memory_space<vmem>>) target_semaphore(%run_scoped3A : memref<!tpu.dma_semaphore, #tpu.memory_space<semaphore_mem>>)
      tpu.wait_dma2 semaphore(%run_scoped3A : memref<!tpu.dma_semaphore, #tpu.memory_space<semaphore_mem>>) src(%arg4 : memref<16xi32, #tpu.memory_space<hbm>>) dst(%arg9 : memref<16xi32, #tpu.memory_space<vmem>>)
      tpu.yield
    }) : () -> ()
    %jit3A = arith.constant 512 : i32
    %div3A = arith.divsi %mul3A_2, %jit3A : i32
    %sign3A = arith.constant 0 : i32
    %sign3A_3 = arith.cmpi sgt, %mul3A_2, %sign3A : i32
    %sign3A_4 = arith.extui %sign3A_3 : i1 to i32
    %sign3A_5 = arith.constant 0 : i32
    %sign3A_6 = arith.cmpi slt, %mul3A_2, %sign3A_5 : i32
    %sign3A_7 = arith.extui %sign3A_6 : i1 to i32
    %sign3A_8 = arith.subi %sign3A_4, %sign3A_7 : i32
    %sign3A_9 = arith.constant 0 : i32
    %sign3A_10 = arith.cmpi sgt, %jit3A, %sign3A_9 : i32
    %sign3A_11 = arith.extui %sign3A_10 : i1 to i32
    %sign3A_12 = arith.constant 0 : i32
    %sign3A_13 = arith.cmpi slt, %jit3A, %sign3A_12 : i32
    %sign3A_14 = arith.extui %sign3A_13 : i1 to i32
    %sign3A_15 = arith.subi %sign3A_11, %sign3A_14 : i32
    %ne3A = arith.cmpi ne, %sign3A_8, %sign3A_15 : i32
    %rem3A = arith.remsi %mul3A_2, %jit3A : i32
    %ne3A_16 = arith.constant 0 : i32
    %ne3A_17 = arith.cmpi ne, %rem3A, %ne3A_16 : i32
    %and3A = arith.andi %ne3A, %ne3A_17 : i1
    %sub3A = arith.constant 1 : i32
    %sub3A_18 = arith.subi %div3A, %sub3A : i32
    %select_n3A = arith.select %and3A, %sub3A_18, %div3A : i32
    %broadcast_in_dim3A = vector.broadcast %select_n3A : i32 to vector<16xi32>
    %gather3A = tpu.vector_load_idx %arg9[%broadcast_in_dim3A] : memref<16xi32, #tpu.memory_space<vmem>>[vector<16xi32>], vector<16xi32>,
    %mul3A_19 = arith.constant 512 : i32
    %mul3A_20 = arith.muli %select_n3A, %mul3A_19 : i32
    %min3A = arith.constant 512 : i32
    %min3A_21 = vector.broadcast %min3A : i32 to vector<16xi32>
    %min3A_22 = arith.minsi %gather3A, %min3A_21 : vector<16xi32>
    %add3A_23 = vector.broadcast %mul3A_20 : i32 to vector<16xi32>
    %add3A_24 = arith.addi %add3A_23, %min3A_22 : vector<16xi32>
    %broadcast_in_dim3A_25 = arith.constant 0 : i32
    %broadcast_in_dim3A_26 = vector.broadcast %broadcast_in_dim3A_25 : i32 to vector<16xi32>
    %iota3A = tpu.iota {dimensions = array<i32: 0>} : vector<16xi32>
    %add3A_27 = arith.constant 0 : i32
    %add3A_28 = arith.addi %mul3A_2, %add3A_27 : i32
    %add3A_29 = vector.broadcast %add3A_28 : i32 to vector<16xi32>
    %add3A_30 = arith.addi %add3A_29, %iota3A : vector<16xi32>
    %add3A_31 = arith.constant 0 : i32
    %add3A_32 = vector.broadcast %add3A_31 : i32 to vector<16xi32>
    %add3A_33 = arith.addi %add3A_32, %iota3A : vector<16xi32>
    %gather3A_34 = tpu.vector_load_idx %arg6[%add3A_33, %broadcast_in_dim3A_26] : memref<128x128xi32, #tpu.memory_space<vmem>>[vector<16xi32>, vector<16xi32>], vector<16xi32>,
    %lt3A = arith.cmpi slt, %add3A_30, %add3A_24 : vector<16xi32>
    %and3A_35 = arith.constant 511 : i32
    %and3A_36 = vector.broadcast %and3A_35 : i32 to vector<16xi32>
    %and3A_37 = arith.andi %add3A_30, %and3A_36 : vector<16xi32>
    %add3A_38 = arith.constant 4096 : i32
    %add3A_39 = vector.broadcast %add3A_38 : i32 to vector<16xi32>
    %add3A_40 = arith.addi %add3A_39, %and3A_37 : vector<16xi32>
    %select_n3A_41 = arith.select %lt3A, %gather3A_34, %add3A_40 : vector<16xi1>, vector<16xi32>
    %swap3A = arith.constant 0 : i32
    %swap3A_42 = arith.index_cast %swap3A : i32 to index
    %swap3A_43 = arith.constant 0 : index
    %swap3A_44 = tpu.vector_load %arg7[%swap3A_42, %swap3A_43] {strides = array<i32>} : memref<4x32xi32, #tpu.memory_space<vmem>>, vector<16xi32>,
    tpu.vector_store %arg7[%swap3A_42, %swap3A_43], %select_n3A_41 {strides = array<i32>} : memref<4x32xi32, #tpu.memory_space<vmem>>, vector<16xi32>,
    %add3A_45 = arith.constant 16 : i32
    %add3A_46 = arith.addi %mul3A_2, %add3A_45 : i32
    %add3A_47 = vector.broadcast %add3A_46 : i32 to vector<16xi32>
    %add3A_48 = arith.addi %add3A_47, %iota3A : vector<16xi32>
    %add3A_49 = arith.constant 16 : i32
    %add3A_50 = vector.broadcast %add3A_49 : i32 to vector<16xi32>
    %add3A_51 = arith.addi %add3A_50, %iota3A : vector<16xi32>
    %gather3A_52 = tpu.vector_load_idx %arg6[%add3A_51, %broadcast_in_dim3A_26] : memref<128x128xi32, #tpu.memory_space<vmem>>[vector<16xi32>, vector<16xi32>], vector<16xi32>,
    %lt3A_53 = arith.cmpi slt, %add3A_48, %add3A_24 : vector<16xi32>
    %and3A_54 = arith.constant 511 : i32
    %and3A_55 = vector.broadcast %and3A_54 : i32 to vector<16xi32>
    %and3A_56 = arith.andi %add3A_48, %and3A_55 : vector<16xi32>
    %add3A_57 = arith.constant 4096 : i32
    %add3A_58 = vector.broadcast %add3A_57 : i32 to vector<16xi32>
    %add3A_59 = arith.addi %add3A_58, %and3A_56 : vector<16xi32>
    %select_n3A_60 = arith.select %lt3A_53, %gather3A_52, %add3A_59 : vector<16xi1>, vector<16xi32>
    %swap3A_61 = arith.constant 0 : i32
    %swap3A_62 = arith.index_cast %swap3A_61 : i32 to index
    %swap3A_63 = arith.constant 16 : index
    %swap3A_64 = tpu.vector_load %arg7[%swap3A_62, %swap3A_63] {strides = array<i32>} : memref<4x32xi32, #tpu.memory_space<vmem>>, vector<16xi32>,
    tpu.vector_store %arg7[%swap3A_62, %swap3A_63], %select_n3A_60 {strides = array<i32>} : memref<4x32xi32, #tpu.memory_space<vmem>>, vector<16xi32>,
    %add3A_65 = arith.constant 32 : i32
    %add3A_66 = arith.addi %mul3A_2, %add3A_65 : i32
    %add3A_67 = vector.broadcast %add3A_66 : i32 to vector<16xi32>
    %add3A_68 = arith.addi %add3A_67, %iota3A : vector<16xi32>
    %add3A_69 = arith.constant 32 : i32
    %add3A_70 = vector.broadcast %add3A_69 : i32 to vector<16xi32>
    %add3A_71 = arith.addi %add3A_70, %iota3A : vector<16xi32>
    %gather3A_72 = tpu.vector_load_idx %arg6[%add3A_71, %broadcast_in_dim3A_26] : memref<128x128xi32, #tpu.memory_space<vmem>>[vector<16xi32>, vector<16xi32>], vector<16xi32>,
    %lt3A_73 = arith.cmpi slt, %add3A_68, %add3A_24 : vector<16xi32>
    %and3A_74 = arith.constant 511 : i32
    %and3A_75 = vector.broadcast %and3A_74 : i32 to vector<16xi32>
    %and3A_76 = arith.andi %add3A_68, %and3A_75 : vector<16xi32>
    %add3A_77 = arith.constant 4096 : i32
    %add3A_78 = vector.broadcast %add3A_77 : i32 to vector<16xi32>
    %add3A_79 = arith.addi %add3A_78, %and3A_76 : vector<16xi32>
    %select_n3A_80 = arith.select %lt3A_73, %gather3A_72, %add3A_79 : vector<16xi1>, vector<16xi32>
    %swap3A_81 = arith.constant 1 : i32
    %swap3A_82 = arith.index_cast %swap3A_81 : i32 to index
    %swap3A_83 = arith.constant 0 : index
    %swap3A_84 = tpu.vector_load %arg7[%swap3A_82, %swap3A_83] {strides = array<i32>} : memref<4x32xi32, #tpu.memory_space<vmem>>, vector<16xi32>,
    tpu.vector_store %arg7[%swap3A_82, %swap3A_83], %select_n3A_80 {strides = array<i32>} : memref<4x32xi32, #tpu.memory_space<vmem>>, vector<16xi32>,
    %add3A_85 = arith.constant 48 : i32
    %add3A_86 = arith.addi %mul3A_2, %add3A_85 : i32
    %add3A_87 = vector.broadcast %add3A_86 : i32 to vector<16xi32>
    %add3A_88 = arith.addi %add3A_87, %iota3A : vector<16xi32>
    %add3A_89 = arith.constant 48 : i32
    %add3A_90 = vector.broadcast %add3A_89 : i32 to vector<16xi32>
    %add3A_91 = arith.addi %add3A_90, %iota3A : vector<16xi32>
    %gather3A_92 = tpu.vector_load_idx %arg6[%add3A_91, %broadcast_in_dim3A_26] : memref<128x128xi32, #tpu.memory_space<vmem>>[vector<16xi32>, vector<16xi32>], vector<16xi32>,
    %lt3A_93 = arith.cmpi slt, %add3A_88, %add3A_24 : vector<16xi32>
    %and3A_94 = arith.constant 511 : i32
    %and3A_95 = vector.broadcast %and3A_94 : i32 to vector<16xi32>
    %and3A_96 = arith.andi %add3A_88, %and3A_95 : vector<16xi32>
    %add3A_97 = arith.constant 4096 : i32
    %add3A_98 = vector.broadcast %add3A_97 : i32 to vector<16xi32>
    %add3A_99 = arith.addi %add3A_98, %and3A_96 : vector<16xi32>
    %select_n3A_100 = arith.select %lt3A_93, %gather3A_92, %add3A_99 : vector<16xi1>, vector<16xi32>
    %swap3A_101 = arith.constant 1 : i32
    %swap3A_102 = arith.index_cast %swap3A_101 : i32 to index
    %swap3A_103 = arith.constant 16 : index
    %swap3A_104 = tpu.vector_load %arg7[%swap3A_102, %swap3A_103] {strides = array<i32>} : memref<4x32xi32, #tpu.memory_space<vmem>>, vector<16xi32>,
    tpu.vector_store %arg7[%swap3A_102, %swap3A_103], %select_n3A_100 {strides = array<i32>} : memref<4x32xi32, #tpu.memory_space<vmem>>, vector<16xi32>,
    %add3A_105 = arith.constant 64 : i32
    %add3A_106 = arith.addi %mul3A_2, %add3A_105 : i32
    %add3A_107 = vector.broadcast %add3A_106 : i32 to vector<16xi32>
    %add3A_108 = arith.addi %add3A_107, %iota3A : vector<16xi32>
    %add3A_109 = arith.constant 64 : i32
    %add3A_110 = vector.broadcast %add3A_109 : i32 to vector<16xi32>
    %add3A_111 = arith.addi %add3A_110, %iota3A : vector<16xi32>
    %gather3A_112 = tpu.vector_load_idx %arg6[%add3A_111, %broadcast_in_dim3A_26] : memref<128x128xi32, #tpu.memory_space<vmem>>[vector<16xi32>, vector<16xi32>], vector<16xi32>,
    %lt3A_113 = arith.cmpi slt, %add3A_108, %add3A_24 : vector<16xi32>
    %and3A_114 = arith.constant 511 : i32
    %and3A_115 = vector.broadcast %and3A_114 : i32 to vector<16xi32>
    %and3A_116 = arith.andi %add3A_108, %and3A_115 : vector<16xi32>
    %add3A_117 = arith.constant 4096 : i32
    %add3A_118 = vector.broadcast %add3A_117 : i32 to vector<16xi32>
    %add3A_119 = arith.addi %add3A_118, %and3A_116 : vector<16xi32>
    %select_n3A_120 = arith.select %lt3A_113, %gather3A_112, %add3A_119 : vector<16xi1>, vector<16xi32>
    %swap3A_121 = arith.constant 2 : i32
    %swap3A_122 = arith.index_cast %swap3A_121 : i32 to index
    %swap3A_123 = arith.constant 0 : index
    %swap3A_124 = tpu.vector_load %arg7[%swap3A_122, %swap3A_123] {strides = array<i32>} : memref<4x32xi32, #tpu.memory_space<vmem>>, vector<16xi32>,
    tpu.vector_store %arg7[%swap3A_122, %swap3A_123], %select_n3A_120 {strides = array<i32>} : memref<4x32xi32, #tpu.memory_space<vmem>>, vector<16xi32>,
    %add3A_125 = arith.constant 80 : i32
    %add3A_126 = arith.addi %mul3A_2, %add3A_125 : i32
    %add3A_127 = vector.broadcast %add3A_126 : i32 to vector<16xi32>
    %add3A_128 = arith.addi %add3A_127, %iota3A : vector<16xi32>
    %add3A_129 = arith.constant 80 : i32
    %add3A_130 = vector.broadcast %add3A_129 : i32 to vector<16xi32>
    %add3A_131 = arith.addi %add3A_130, %iota3A : vector<16xi32>
    %gather3A_132 = tpu.vector_load_idx %arg6[%add3A_131, %broadcast_in_dim3A_26] : memref<128x128xi32, #tpu.memory_space<vmem>>[vector<16xi32>, vector<16xi32>], vector<16xi32>,
    %lt3A_133 = arith.cmpi slt, %add3A_128, %add3A_24 : vector<16xi32>
    %and3A_134 = arith.constant 511 : i32
    %and3A_135 = vector.broadcast %and3A_134 : i32 to vector<16xi32>
    %and3A_136 = arith.andi %add3A_128, %and3A_135 : vector<16xi32>
    %add3A_137 = arith.constant 4096 : i32
    %add3A_138 = vector.broadcast %add3A_137 : i32 to vector<16xi32>
    %add3A_139 = arith.addi %add3A_138, %and3A_136 : vector<16xi32>
    %select_n3A_140 = arith.select %lt3A_133, %gather3A_132, %add3A_139 : vector<16xi1>, vector<16xi32>
    %swap3A_141 = arith.constant 2 : i32
    %swap3A_142 = arith.index_cast %swap3A_141 : i32 to index
    %swap3A_143 = arith.constant 16 : index
    %swap3A_144 = tpu.vector_load %arg7[%swap3A_142, %swap3A_143] {strides = array<i32>} : memref<4x32xi32, #tpu.memory_space<vmem>>, vector<16xi32>,
    tpu.vector_store %arg7[%swap3A_142, %swap3A_143], %select_n3A_140 {strides = array<i32>} : memref<4x32xi32, #tpu.memory_space<vmem>>, vector<16xi32>,
    %add3A_145 = arith.constant 96 : i32
    %add3A_146 = arith.addi %mul3A_2, %add3A_145 : i32
    %add3A_147 = vector.broadcast %add3A_146 : i32 to vector<16xi32>
    %add3A_148 = arith.addi %add3A_147, %iota3A : vector<16xi32>
    %add3A_149 = arith.constant 96 : i32
    %add3A_150 = vector.broadcast %add3A_149 : i32 to vector<16xi32>
    %add3A_151 = arith.addi %add3A_150, %iota3A : vector<16xi32>
    %gather3A_152 = tpu.vector_load_idx %arg6[%add3A_151, %broadcast_in_dim3A_26] : memref<128x128xi32, #tpu.memory_space<vmem>>[vector<16xi32>, vector<16xi32>], vector<16xi32>,
    %lt3A_153 = arith.cmpi slt, %add3A_148, %add3A_24 : vector<16xi32>
    %and3A_154 = arith.constant 511 : i32
    %and3A_155 = vector.broadcast %and3A_154 : i32 to vector<16xi32>
    %and3A_156 = arith.andi %add3A_148, %and3A_155 : vector<16xi32>
    %add3A_157 = arith.constant 4096 : i32
    %add3A_158 = vector.broadcast %add3A_157 : i32 to vector<16xi32>
    %add3A_159 = arith.addi %add3A_158, %and3A_156 : vector<16xi32>
    %select_n3A_160 = arith.select %lt3A_153, %gather3A_152, %add3A_159 : vector<16xi1>, vector<16xi32>
    %swap3A_161 = arith.constant 3 : i32
    %swap3A_162 = arith.index_cast %swap3A_161 : i32 to index
    %swap3A_163 = arith.constant 0 : index
    %swap3A_164 = tpu.vector_load %arg7[%swap3A_162, %swap3A_163] {strides = array<i32>} : memref<4x32xi32, #tpu.memory_space<vmem>>, vector<16xi32>,
    tpu.vector_store %arg7[%swap3A_162, %swap3A_163], %select_n3A_160 {strides = array<i32>} : memref<4x32xi32, #tpu.memory_space<vmem>>, vector<16xi32>,
    %add3A_165 = arith.constant 112 : i32
    %add3A_166 = arith.addi %mul3A_2, %add3A_165 : i32
    %add3A_167 = vector.broadcast %add3A_166 : i32 to vector<16xi32>
    %add3A_168 = arith.addi %add3A_167, %iota3A : vector<16xi32>
    %add3A_169 = arith.constant 112 : i32
    %add3A_170 = vector.broadcast %add3A_169 : i32 to vector<16xi32>
    %add3A_171 = arith.addi %add3A_170, %iota3A : vector<16xi32>
    %gather3A_172 = tpu.vector_load_idx %arg6[%add3A_171, %broadcast_in_dim3A_26] : memref<128x128xi32, #tpu.memory_space<vmem>>[vector<16xi32>, vector<16xi32>], vector<16xi32>,
    %lt3A_173 = arith.cmpi slt, %add3A_168, %add3A_24 : vector<16xi32>
    %and3A_174 = arith.constant 511 : i32
    %and3A_175 = vector.broadcast %and3A_174 : i32 to vector<16xi32>
    %and3A_176 = arith.andi %add3A_168, %and3A_175 : vector<16xi32>
    %add3A_177 = arith.constant 4096 : i32
    %add3A_178 = vector.broadcast %add3A_177 : i32 to vector<16xi32>
    %add3A_179 = arith.addi %add3A_178, %and3A_176 : vector<16xi32>
    %select_n3A_180 = arith.select %lt3A_173, %gather3A_172, %add3A_179 : vector<16xi1>, vector<16xi32>
    %swap3A_181 = arith.constant 3 : i32
    %swap3A_182 = arith.index_cast %swap3A_181 : i32 to index
    %swap3A_183 = arith.constant 16 : index
    %swap3A_184 = tpu.vector_load %arg7[%swap3A_182, %swap3A_183] {strides = array<i32>} : memref<4x32xi32, #tpu.memory_space<vmem>>, vector<16xi32>,
    tpu.vector_store %arg7[%swap3A_182, %swap3A_183], %select_n3A_180 {strides = array<i32>} : memref<4x32xi32, #tpu.memory_space<vmem>>, vector<16xi32>,
    %add3A_185 = arith.constant 0 : i32
    %add3A_186 = arith.addi %mul3A_2, %add3A_185 : i32
    %dma_start3A = arith.constant 0 : i32
    %dma_start3A_187 = arith.constant 0 : i32
    %dma_start3A_188 = arith.constant 0 : i32
    %dma_start3A_189 = tpu.memref_slice %arg8[%dma_start3A, %dma_start3A_187, %dma_start3A_188] : memref<3x32x1024xf32, #tpu.memory_space<vmem>> -> memref<1x32x1024xf32, #tpu.memory_space<vmem>>
    %dma_start3A_190 = tpu.memref_squeeze %dma_start3A_189 : memref<1x32x1024xf32, #tpu.memory_space<vmem>> -> memref<32x1024xf32, #tpu.memory_space<vmem>>
    %dma_start3A_191 = arith.constant 0 : i32
    %dma_start3A_192 = tpu.memref_slice %arg2[%add3A_186, %dma_start3A_191] : memref<4096x1024xf32, #tpu.memory_space<hbm>> -> memref<32x1024xf32, #tpu.memory_space<hbm>>
    %dma_start3A_193 = arith.constant 0 : i32
    %dma_start3A_194 = arith.constant 0 : i32
    %dma_start3A_195 = tpu.memref_slice %arg8[%dma_start3A, %dma_start3A_193, %dma_start3A_194] : memref<3x32x1024xf32, #tpu.memory_space<vmem>> -> memref<1x32x1024xf32, #tpu.memory_space<vmem>>
    %dma_start3A_196 = tpu.memref_squeeze %dma_start3A_195 : memref<1x32x1024xf32, #tpu.memory_space<vmem>> -> memref<32x1024xf32, #tpu.memory_space<vmem>>
    %dma_start3A_197 = arith.constant 0 : i32
    %dma_start3A_198 = tpu.memref_slice %arg2[%add3A_186, %dma_start3A_197] : memref<4096x1024xf32, #tpu.memory_space<hbm>> -> memref<32x1024xf32, #tpu.memory_space<hbm>>
    tpu.enqueue_dma source(%dma_start3A_198 : memref<32x1024xf32, #tpu.memory_space<hbm>>) target(%dma_start3A_196 : memref<32x1024xf32, #tpu.memory_space<vmem>>) target_semaphore(%arg10 : memref<!tpu.dma_semaphore, #tpu.memory_space<semaphore_mem>>)
    %add3A_199 = arith.constant 32 : i32
    %add3A_200 = arith.addi %mul3A_2, %add3A_199 : i32
    %dma_start3A_201 = arith.constant 1 : i32
    %dma_start3A_202 = arith.constant 0 : i32
    %dma_start3A_203 = arith.constant 0 : i32
    %dma_start3A_204 = tpu.memref_slice %arg8[%dma_start3A_201, %dma_start3A_202, %dma_start3A_203] : memref<3x32x1024xf32, #tpu.memory_space<vmem>> -> memref<1x32x1024xf32, #tpu.memory_space<vmem>>
    %dma_start3A_205 = tpu.memref_squeeze %dma_start3A_204 : memref<1x32x1024xf32, #tpu.memory_space<vmem>> -> memref<32x1024xf32, #tpu.memory_space<vmem>>
    %dma_start3A_206 = arith.constant 0 : i32
    %dma_start3A_207 = tpu.memref_slice %arg2[%add3A_200, %dma_start3A_206] : memref<4096x1024xf32, #tpu.memory_space<hbm>> -> memref<32x1024xf32, #tpu.memory_space<hbm>>
    %dma_start3A_208 = arith.constant 0 : i32
    %dma_start3A_209 = arith.constant 0 : i32
    %dma_start3A_210 = tpu.memref_slice %arg8[%dma_start3A_201, %dma_start3A_208, %dma_start3A_209] : memref<3x32x1024xf32, #tpu.memory_space<vmem>> -> memref<1x32x1024xf32, #tpu.memory_space<vmem>>
    %dma_start3A_211 = tpu.memref_squeeze %dma_start3A_210 : memref<1x32x1024xf32, #tpu.memory_space<vmem>> -> memref<32x1024xf32, #tpu.memory_space<vmem>>
    %dma_start3A_212 = arith.constant 0 : i32
    %dma_start3A_213 = tpu.memref_slice %arg2[%add3A_200, %dma_start3A_212] : memref<4096x1024xf32, #tpu.memory_space<hbm>> -> memref<32x1024xf32, #tpu.memory_space<hbm>>
    tpu.enqueue_dma source(%dma_start3A_213 : memref<32x1024xf32, #tpu.memory_space<hbm>>) target(%dma_start3A_211 : memref<32x1024xf32, #tpu.memory_space<vmem>>) target_semaphore(%arg11 : memref<!tpu.dma_semaphore, #tpu.memory_space<semaphore_mem>>)
    %add3A_214 = arith.constant 64 : i32
    %add3A_215 = arith.addi %mul3A_2, %add3A_214 : i32
    %dma_start3A_216 = arith.constant 2 : i32
    %dma_start3A_217 = arith.constant 0 : i32
    %dma_start3A_218 = arith.constant 0 : i32
    %dma_start3A_219 = tpu.memref_slice %arg8[%dma_start3A_216, %dma_start3A_217, %dma_start3A_218] : memref<3x32x1024xf32, #tpu.memory_space<vmem>> -> memref<1x32x1024xf32, #tpu.memory_space<vmem>>
    %dma_start3A_220 = tpu.memref_squeeze %dma_start3A_219 : memref<1x32x1024xf32, #tpu.memory_space<vmem>> -> memref<32x1024xf32, #tpu.memory_space<vmem>>
    %dma_start3A_221 = arith.constant 0 : i32
    %dma_start3A_222 = tpu.memref_slice %arg2[%add3A_215, %dma_start3A_221] : memref<4096x1024xf32, #tpu.memory_space<hbm>> -> memref<32x1024xf32, #tpu.memory_space<hbm>>
    %dma_start3A_223 = arith.constant 0 : i32
    %dma_start3A_224 = arith.constant 0 : i32
    %dma_start3A_225 = tpu.memref_slice %arg8[%dma_start3A_216, %dma_start3A_223, %dma_start3A_224] : memref<3x32x1024xf32, #tpu.memory_space<vmem>> -> memref<1x32x1024xf32, #tpu.memory_space<vmem>>
    %dma_start3A_226 = tpu.memref_squeeze %dma_start3A_225 : memref<1x32x1024xf32, #tpu.memory_space<vmem>> -> memref<32x1024xf32, #tpu.memory_space<vmem>>
    %dma_start3A_227 = arith.constant 0 : i32
    %dma_start3A_228 = tpu.memref_slice %arg2[%add3A_215, %dma_start3A_227] : memref<4096x1024xf32, #tpu.memory_space<hbm>> -> memref<32x1024xf32, #tpu.memory_space<hbm>>
    tpu.enqueue_dma source(%dma_start3A_228 : memref<32x1024xf32, #tpu.memory_space<hbm>>) target(%dma_start3A_226 : memref<32x1024xf32, #tpu.memory_space<vmem>>) target_semaphore(%arg12 : memref<!tpu.dma_semaphore, #tpu.memory_space<semaphore_mem>>)
    %dma_wait3A = arith.constant 0 : i32
    %dma_wait3A_229 = arith.constant 0 : i32
    %dma_wait3A_230 = arith.constant 0 : i32
    %dma_wait3A_231 = tpu.memref_slice %arg8[%dma_wait3A, %dma_wait3A_229, %dma_wait3A_230] : memref<3x32x1024xf32, #tpu.memory_space<vmem>> -> memref<1x32x1024xf32, #tpu.memory_space<vmem>>
    %dma_wait3A_232 = tpu.memref_squeeze %dma_wait3A_231 : memref<1x32x1024xf32, #tpu.memory_space<vmem>> -> memref<32x1024xf32, #tpu.memory_space<vmem>>
    %dma_wait3A_233 = arith.constant 0 : i32
    %dma_wait3A_234 = tpu.memref_slice %arg2[%add3A_186, %dma_wait3A_233] : memref<4096x1024xf32, #tpu.memory_space<hbm>> -> memref<32x1024xf32, #tpu.memory_space<hbm>>
    %dma_wait3A_235 = arith.constant 0 : i32
    %dma_wait3A_236 = arith.constant 0 : i32
    %dma_wait3A_237 = tpu.memref_slice %arg8[%dma_wait3A, %dma_wait3A_235, %dma_wait3A_236] : memref<3x32x1024xf32, #tpu.memory_space<vmem>> -> memref<1x32x1024xf32, #tpu.memory_space<vmem>>
    %dma_wait3A_238 = tpu.memref_squeeze %dma_wait3A_237 : memref<1x32x1024xf32, #tpu.memory_space<vmem>> -> memref<32x1024xf32, #tpu.memory_space<vmem>>
    %dma_wait3A_239 = arith.constant 0 : i32
    %dma_wait3A_240 = tpu.memref_slice %arg2[%add3A_186, %dma_wait3A_239] : memref<4096x1024xf32, #tpu.memory_space<hbm>> -> memref<32x1024xf32, #tpu.memory_space<hbm>>
    tpu.wait_dma2 semaphore(%arg10 : memref<!tpu.dma_semaphore, #tpu.memory_space<semaphore_mem>>) src(%dma_wait3A_240 : memref<32x1024xf32, #tpu.memory_space<hbm>>) dst(%dma_wait3A_238 : memref<32x1024xf32, #tpu.memory_space<vmem>>)
    %dma_start3A_241 = arith.constant 0 : i32
    %dma_start3A_242 = arith.constant 0 : i32
    %dma_start3A_243 = arith.constant 0 : i32
    %dma_start3A_244 = arith.constant 0 : i32
    %dma_start3A_245 = tpu.memref_slice %arg8[%dma_start3A_241, %dma_start3A_243, %dma_start3A_244] : memref<3x32x1024xf32, #tpu.memory_space<vmem>> -> memref<1x32x1024xf32, #tpu.memory_space<vmem>>
    %dma_start3A_246 = tpu.memref_squeeze %dma_start3A_245 : memref<1x32x1024xf32, #tpu.memory_space<vmem>> -> memref<32x1024xf32, #tpu.memory_space<vmem>>
    %dma_start3A_247 = arith.constant 0 : i32
    %dma_start3A_248 = tpu.memref_slice %arg7[%dma_start3A_242, %dma_start3A_247] : memref<4x32xi32, #tpu.memory_space<vmem>> -> memref<1x32xi32, #tpu.memory_space<vmem>>
    %dma_start3A_249 = tpu.memref_squeeze %dma_start3A_248 : memref<1x32xi32, #tpu.memory_space<vmem>> -> memref<32xi32, #tpu.memory_space<vmem>>
    %dma_start3A_250 = arith.constant 0 : i32
    %dma_start3A_251 = arith.constant 0 : i32
    %dma_start3A_252 = tpu.memref_slice %arg5[%dma_start3A_250, %dma_start3A_251] : memref<4608x1024xf32, #tpu.memory_space<hbm>> -> memref<4608x1024xf32, #tpu.memory_space<hbm>>
    tpu.enqueue_indirect_dma source(%dma_start3A_246 : memref<32x1024xf32, #tpu.memory_space<vmem>>) target(%dma_start3A_252 : memref<4608x1024xf32, #tpu.memory_space<hbm>>) offsets(%dma_start3A_249 : memref<32xi32, #tpu.memory_space<vmem>>) semaphore(%arg13 : memref<!tpu.dma_semaphore, #tpu.memory_space<semaphore_mem>>)
    %dma_wait3A_253 = arith.constant 0 : i32
    %dma_wait3A_254 = arith.constant 0 : i32
    %dma_wait3A_255 = arith.constant 0 : i32
    %dma_wait3A_256 = arith.constant 0 : i32
    %dma_wait3A_257 = tpu.memref_slice %arg8[%dma_wait3A_253, %dma_wait3A_255, %dma_wait3A_256] : memref<3x32x1024xf32, #tpu.memory_space<vmem>> -> memref<1x32x1024xf32, #tpu.memory_space<vmem>>
    %dma_wait3A_258 = tpu.memref_squeeze %dma_wait3A_257 : memref<1x32x1024xf32, #tpu.memory_space<vmem>> -> memref<32x1024xf32, #tpu.memory_space<vmem>>
    %dma_wait3A_259 = arith.constant 0 : i32
    %dma_wait3A_260 = tpu.memref_slice %arg7[%dma_wait3A_254, %dma_wait3A_259] : memref<4x32xi32, #tpu.memory_space<vmem>> -> memref<1x32xi32, #tpu.memory_space<vmem>>
    %dma_wait3A_261 = tpu.memref_squeeze %dma_wait3A_260 : memref<1x32xi32, #tpu.memory_space<vmem>> -> memref<32xi32, #tpu.memory_space<vmem>>
    %dma_wait3A_262 = arith.constant 0 : i32
    %dma_wait3A_263 = arith.constant 0 : i32
    %dma_wait3A_264 = tpu.memref_slice %arg5[%dma_wait3A_262, %dma_wait3A_263] : memref<4608x1024xf32, #tpu.memory_space<hbm>> -> memref<4608x1024xf32, #tpu.memory_space<hbm>>
    tpu.wait_indirect_dma semaphore(%arg13 : memref<!tpu.dma_semaphore, #tpu.memory_space<semaphore_mem>>) src(%dma_wait3A_258 : memref<32x1024xf32, #tpu.memory_space<vmem>>) dst(%dma_wait3A_264 : memref<4608x1024xf32, #tpu.memory_space<hbm>>)
    %add3A_265 = arith.constant 96 : i32
    %add3A_266 = arith.addi %mul3A_2, %add3A_265 : i32
    %dma_start3A_267 = arith.constant 0 : i32
    %dma_start3A_268 = arith.constant 0 : i32
    %dma_start3A_269 = arith.constant 0 : i32
    %dma_start3A_270 = tpu.memref_slice %arg8[%dma_start3A_267, %dma_start3A_268, %dma_start3A_269] : memref<3x32x1024xf32, #tpu.memory_space<vmem>> -> memref<1x32x1024xf32, #tpu.memory_space<vmem>>
    %dma_start3A_271 = tpu.memref_squeeze %dma_start3A_270 : memref<1x32x1024xf32, #tpu.memory_space<vmem>> -> memref<32x1024xf32, #tpu.memory_space<vmem>>
    %dma_start3A_272 = arith.constant 0 : i32
    %dma_start3A_273 = tpu.memref_slice %arg2[%add3A_266, %dma_start3A_272] : memref<4096x1024xf32, #tpu.memory_space<hbm>> -> memref<32x1024xf32, #tpu.memory_space<hbm>>
    %dma_start3A_274 = arith.constant 0 : i32
    %dma_start3A_275 = arith.constant 0 : i32
    %dma_start3A_276 = tpu.memref_slice %arg8[%dma_start3A_267, %dma_start3A_274, %dma_start3A_275] : memref<3x32x1024xf32, #tpu.memory_space<vmem>> -> memref<1x32x1024xf32, #tpu.memory_space<vmem>>
    %dma_start3A_277 = tpu.memref_squeeze %dma_start3A_276 : memref<1x32x1024xf32, #tpu.memory_space<vmem>> -> memref<32x1024xf32, #tpu.memory_space<vmem>>
    %dma_start3A_278 = arith.constant 0 : i32
    %dma_start3A_279 = tpu.memref_slice %arg2[%add3A_266, %dma_start3A_278] : memref<4096x1024xf32, #tpu.memory_space<hbm>> -> memref<32x1024xf32, #tpu.memory_space<hbm>>
    tpu.enqueue_dma source(%dma_start3A_279 : memref<32x1024xf32, #tpu.memory_space<hbm>>) target(%dma_start3A_277 : memref<32x1024xf32, #tpu.memory_space<vmem>>) target_semaphore(%arg10 : memref<!tpu.dma_semaphore, #tpu.memory_space<semaphore_mem>>)
    %dma_wait3A_280 = arith.constant 1 : i32
    %dma_wait3A_281 = arith.constant 0 : i32
    %dma_wait3A_282 = arith.constant 0 : i32
    %dma_wait3A_283 = tpu.memref_slice %arg8[%dma_wait3A_280, %dma_wait3A_281, %dma_wait3A_282] : memref<3x32x1024xf32, #tpu.memory_space<vmem>> -> memref<1x32x1024xf32, #tpu.memory_space<vmem>>
    %dma_wait3A_284 = tpu.memref_squeeze %dma_wait3A_283 : memref<1x32x1024xf32, #tpu.memory_space<vmem>> -> memref<32x1024xf32, #tpu.memory_space<vmem>>
    %dma_wait3A_285 = arith.constant 0 : i32
    %dma_wait3A_286 = tpu.memref_slice %arg2[%add3A_200, %dma_wait3A_285] : memref<4096x1024xf32, #tpu.memory_space<hbm>> -> memref<32x1024xf32, #tpu.memory_space<hbm>>
    %dma_wait3A_287 = arith.constant 0 : i32
    %dma_wait3A_288 = arith.constant 0 : i32
    %dma_wait3A_289 = tpu.memref_slice %arg8[%dma_wait3A_280, %dma_wait3A_287, %dma_wait3A_288] : memref<3x32x1024xf32, #tpu.memory_space<vmem>> -> memref<1x32x1024xf32, #tpu.memory_space<vmem>>
    %dma_wait3A_290 = tpu.memref_squeeze %dma_wait3A_289 : memref<1x32x1024xf32, #tpu.memory_space<vmem>> -> memref<32x1024xf32, #tpu.memory_space<vmem>>
    %dma_wait3A_291 = arith.constant 0 : i32
    %dma_wait3A_292 = tpu.memref_slice %arg2[%add3A_200, %dma_wait3A_291] : memref<4096x1024xf32, #tpu.memory_space<hbm>> -> memref<32x1024xf32, #tpu.memory_space<hbm>>
    tpu.wait_dma2 semaphore(%arg11 : memref<!tpu.dma_semaphore, #tpu.memory_space<semaphore_mem>>) src(%dma_wait3A_292 : memref<32x1024xf32, #tpu.memory_space<hbm>>) dst(%dma_wait3A_290 : memref<32x1024xf32, #tpu.memory_space<vmem>>)
    %dma_start3A_293 = arith.constant 1 : i32
    %dma_start3A_294 = arith.constant 1 : i32
    %dma_start3A_295 = arith.constant 0 : i32
    %dma_start3A_296 = arith.constant 0 : i32
    %dma_start3A_297 = tpu.memref_slice %arg8[%dma_start3A_293, %dma_start3A_295, %dma_start3A_296] : memref<3x32x1024xf32, #tpu.memory_space<vmem>> -> memref<1x32x1024xf32, #tpu.memory_space<vmem>>
    %dma_start3A_298 = tpu.memref_squeeze %dma_start3A_297 : memref<1x32x1024xf32, #tpu.memory_space<vmem>> -> memref<32x1024xf32, #tpu.memory_space<vmem>>
    %dma_start3A_299 = arith.constant 0 : i32
    %dma_start3A_300 = tpu.memref_slice %arg7[%dma_start3A_294, %dma_start3A_299] : memref<4x32xi32, #tpu.memory_space<vmem>> -> memref<1x32xi32, #tpu.memory_space<vmem>>
    %dma_start3A_301 = tpu.memref_squeeze %dma_start3A_300 : memref<1x32xi32, #tpu.memory_space<vmem>> -> memref<32xi32, #tpu.memory_space<vmem>>
    %dma_start3A_302 = arith.constant 0 : i32
    %dma_start3A_303 = arith.constant 0 : i32
    %dma_start3A_304 = tpu.memref_slice %arg5[%dma_start3A_302, %dma_start3A_303] : memref<4608x1024xf32, #tpu.memory_space<hbm>> -> memref<4608x1024xf32, #tpu.memory_space<hbm>>
    tpu.enqueue_indirect_dma source(%dma_start3A_298 : memref<32x1024xf32, #tpu.memory_space<vmem>>) target(%dma_start3A_304 : memref<4608x1024xf32, #tpu.memory_space<hbm>>) offsets(%dma_start3A_301 : memref<32xi32, #tpu.memory_space<vmem>>) semaphore(%arg14 : memref<!tpu.dma_semaphore, #tpu.memory_space<semaphore_mem>>)
    %dma_wait3A_305 = arith.constant 2 : i32
    %dma_wait3A_306 = arith.constant 0 : i32
    %dma_wait3A_307 = arith.constant 0 : i32
    %dma_wait3A_308 = tpu.memref_slice %arg8[%dma_wait3A_305, %dma_wait3A_306, %dma_wait3A_307] : memref<3x32x1024xf32, #tpu.memory_space<vmem>> -> memref<1x32x1024xf32, #tpu.memory_space<vmem>>
    %dma_wait3A_309 = tpu.memref_squeeze %dma_wait3A_308 : memref<1x32x1024xf32, #tpu.memory_space<vmem>> -> memref<32x1024xf32, #tpu.memory_space<vmem>>
    %dma_wait3A_310 = arith.constant 0 : i32
    %dma_wait3A_311 = tpu.memref_slice %arg2[%add3A_215, %dma_wait3A_310] : memref<4096x1024xf32, #tpu.memory_space<hbm>> -> memref<32x1024xf32, #tpu.memory_space<hbm>>
    %dma_wait3A_312 = arith.constant 0 : i32
    %dma_wait3A_313 = arith.constant 0 : i32
    %dma_wait3A_314 = tpu.memref_slice %arg8[%dma_wait3A_305, %dma_wait3A_312, %dma_wait3A_313] : memref<3x32x1024xf32, #tpu.memory_space<vmem>> -> memref<1x32x1024xf32, #tpu.memory_space<vmem>>
    %dma_wait3A_315 = tpu.memref_squeeze %dma_wait3A_314 : memref<1x32x1024xf32, #tpu.memory_space<vmem>> -> memref<32x1024xf32, #tpu.memory_space<vmem>>
    %dma_wait3A_316 = arith.constant 0 : i32
    %dma_wait3A_317 = tpu.memref_slice %arg2[%add3A_215, %dma_wait3A_316] : memref<4096x1024xf32, #tpu.memory_space<hbm>> -> memref<32x1024xf32, #tpu.memory_space<hbm>>
    tpu.wait_dma2 semaphore(%arg12 : memref<!tpu.dma_semaphore, #tpu.memory_space<semaphore_mem>>) src(%dma_wait3A_317 : memref<32x1024xf32, #tpu.memory_space<hbm>>) dst(%dma_wait3A_315 : memref<32x1024xf32, #tpu.memory_space<vmem>>)
    %dma_start3A_318 = arith.constant 2 : i32
    %dma_start3A_319 = arith.constant 2 : i32
    %dma_start3A_320 = arith.constant 0 : i32
    %dma_start3A_321 = arith.constant 0 : i32
    %dma_start3A_322 = tpu.memref_slice %arg8[%dma_start3A_318, %dma_start3A_320, %dma_start3A_321] : memref<3x32x1024xf32, #tpu.memory_space<vmem>> -> memref<1x32x1024xf32, #tpu.memory_space<vmem>>
    %dma_start3A_323 = tpu.memref_squeeze %dma_start3A_322 : memref<1x32x1024xf32, #tpu.memory_space<vmem>> -> memref<32x1024xf32, #tpu.memory_space<vmem>>
    %dma_start3A_324 = arith.constant 0 : i32
    %dma_start3A_325 = tpu.memref_slice %arg7[%dma_start3A_319, %dma_start3A_324] : memref<4x32xi32, #tpu.memory_space<vmem>> -> memref<1x32xi32, #tpu.memory_space<vmem>>
    %dma_start3A_326 = tpu.memref_squeeze %dma_start3A_325 : memref<1x32xi32, #tpu.memory_space<vmem>> -> memref<32xi32, #tpu.memory_space<vmem>>
    %dma_start3A_327 = arith.constant 0 : i32
    %dma_start3A_328 = arith.constant 0 : i32
    %dma_start3A_329 = tpu.memref_slice %arg5[%dma_start3A_327, %dma_start3A_328] : memref<4608x1024xf32, #tpu.memory_space<hbm>> -> memref<4608x1024xf32, #tpu.memory_space<hbm>>
    tpu.enqueue_indirect_dma source(%dma_start3A_323 : memref<32x1024xf32, #tpu.memory_space<vmem>>) target(%dma_start3A_329 : memref<4608x1024xf32, #tpu.memory_space<hbm>>) offsets(%dma_start3A_326 : memref<32xi32, #tpu.memory_space<vmem>>) semaphore(%arg15 : memref<!tpu.dma_semaphore, #tpu.memory_space<semaphore_mem>>)
    %dma_wait3A_330 = arith.constant 0 : i32
    %dma_wait3A_331 = arith.constant 0 : i32
    %dma_wait3A_332 = arith.constant 0 : i32
    %dma_wait3A_333 = tpu.memref_slice %arg8[%dma_wait3A_330, %dma_wait3A_331, %dma_wait3A_332] : memref<3x32x1024xf32, #tpu.memory_space<vmem>> -> memref<1x32x1024xf32, #tpu.memory_space<vmem>>
    %dma_wait3A_334 = tpu.memref_squeeze %dma_wait3A_333 : memref<1x32x1024xf32, #tpu.memory_space<vmem>> -> memref<32x1024xf32, #tpu.memory_space<vmem>>
    %dma_wait3A_335 = arith.constant 0 : i32
    %dma_wait3A_336 = tpu.memref_slice %arg2[%add3A_266, %dma_wait3A_335] : memref<4096x1024xf32, #tpu.memory_space<hbm>> -> memref<32x1024xf32, #tpu.memory_space<hbm>>
    %dma_wait3A_337 = arith.constant 0 : i32
    %dma_wait3A_338 = arith.constant 0 : i32
    %dma_wait3A_339 = tpu.memref_slice %arg8[%dma_wait3A_330, %dma_wait3A_337, %dma_wait3A_338] : memref<3x32x1024xf32, #tpu.memory_space<vmem>> -> memref<1x32x1024xf32, #tpu.memory_space<vmem>>
    %dma_wait3A_340 = tpu.memref_squeeze %dma_wait3A_339 : memref<1x32x1024xf32, #tpu.memory_space<vmem>> -> memref<32x1024xf32, #tpu.memory_space<vmem>>
    %dma_wait3A_341 = arith.constant 0 : i32
    %dma_wait3A_342 = tpu.memref_slice %arg2[%add3A_266, %dma_wait3A_341] : memref<4096x1024xf32, #tpu.memory_space<hbm>> -> memref<32x1024xf32, #tpu.memory_space<hbm>>
    tpu.wait_dma2 semaphore(%arg10 : memref<!tpu.dma_semaphore, #tpu.memory_space<semaphore_mem>>) src(%dma_wait3A_342 : memref<32x1024xf32, #tpu.memory_space<hbm>>) dst(%dma_wait3A_340 : memref<32x1024xf32, #tpu.memory_space<vmem>>)
    %dma_start3A_343 = arith.constant 0 : i32
    %dma_start3A_344 = arith.constant 3 : i32
    %dma_start3A_345 = arith.constant 0 : i32
    %dma_start3A_346 = arith.constant 0 : i32
    %dma_start3A_347 = tpu.memref_slice %arg8[%dma_start3A_343, %dma_start3A_345, %dma_start3A_346] : memref<3x32x1024xf32, #tpu.memory_space<vmem>> -> memref<1x32x1024xf32, #tpu.memory_space<vmem>>
    %dma_start3A_348 = tpu.memref_squeeze %dma_start3A_347 : memref<1x32x1024xf32, #tpu.memory_space<vmem>> -> memref<32x1024xf32, #tpu.memory_space<vmem>>
    %dma_start3A_349 = arith.constant 0 : i32
    %dma_start3A_350 = tpu.memref_slice %arg7[%dma_start3A_344, %dma_start3A_349] : memref<4x32xi32, #tpu.memory_space<vmem>> -> memref<1x32xi32, #tpu.memory_space<vmem>>
    %dma_start3A_351 = tpu.memref_squeeze %dma_start3A_350 : memref<1x32xi32, #tpu.memory_space<vmem>> -> memref<32xi32, #tpu.memory_space<vmem>>
    %dma_start3A_352 = arith.constant 0 : i32
    %dma_start3A_353 = arith.constant 0 : i32
    %dma_start3A_354 = tpu.memref_slice %arg5[%dma_start3A_352, %dma_start3A_353] : memref<4608x1024xf32, #tpu.memory_space<hbm>> -> memref<4608x1024xf32, #tpu.memory_space<hbm>>
    tpu.enqueue_indirect_dma source(%dma_start3A_348 : memref<32x1024xf32, #tpu.memory_space<vmem>>) target(%dma_start3A_354 : memref<4608x1024xf32, #tpu.memory_space<hbm>>) offsets(%dma_start3A_351 : memref<32xi32, #tpu.memory_space<vmem>>) semaphore(%arg13 : memref<!tpu.dma_semaphore, #tpu.memory_space<semaphore_mem>>)
    %dma_wait3A_355 = arith.constant 1 : i32
    %dma_wait3A_356 = arith.constant 1 : i32
    %dma_wait3A_357 = arith.constant 0 : i32
    %dma_wait3A_358 = arith.constant 0 : i32
    %dma_wait3A_359 = tpu.memref_slice %arg8[%dma_wait3A_355, %dma_wait3A_357, %dma_wait3A_358] : memref<3x32x1024xf32, #tpu.memory_space<vmem>> -> memref<1x32x1024xf32, #tpu.memory_space<vmem>>
    %dma_wait3A_360 = tpu.memref_squeeze %dma_wait3A_359 : memref<1x32x1024xf32, #tpu.memory_space<vmem>> -> memref<32x1024xf32, #tpu.memory_space<vmem>>
    %dma_wait3A_361 = arith.constant 0 : i32
    %dma_wait3A_362 = tpu.memref_slice %arg7[%dma_wait3A_356, %dma_wait3A_361] : memref<4x32xi32, #tpu.memory_space<vmem>> -> memref<1x32xi32, #tpu.memory_space<vmem>>
    %dma_wait3A_363 = tpu.memref_squeeze %dma_wait3A_362 : memref<1x32xi32, #tpu.memory_space<vmem>> -> memref<32xi32, #tpu.memory_space<vmem>>
    %dma_wait3A_364 = arith.constant 0 : i32
    %dma_wait3A_365 = arith.constant 0 : i32
    %dma_wait3A_366 = tpu.memref_slice %arg5[%dma_wait3A_364, %dma_wait3A_365] : memref<4608x1024xf32, #tpu.memory_space<hbm>> -> memref<4608x1024xf32, #tpu.memory_space<hbm>>
    tpu.wait_indirect_dma semaphore(%arg14 : memref<!tpu.dma_semaphore, #tpu.memory_space<semaphore_mem>>) src(%dma_wait3A_360 : memref<32x1024xf32, #tpu.memory_space<vmem>>) dst(%dma_wait3A_366 : memref<4608x1024xf32, #tpu.memory_space<hbm>>)
    %dma_wait3A_367 = arith.constant 2 : i32
    %dma_wait3A_368 = arith.constant 2 : i32
    %dma_wait3A_369 = arith.constant 0 : i32
    %dma_wait3A_370 = arith.constant 0 : i32
    %dma_wait3A_371 = tpu.memref_slice %arg8[%dma_wait3A_367, %dma_wait3A_369, %dma_wait3A_370] : memref<3x32x1024xf32, #tpu.memory_space<vmem>> -> memref<1x32x1024xf32, #tpu.memory_space<vmem>>
    %dma_wait3A_372 = tpu.memref_squeeze %dma_wait3A_371 : memref<1x32x1024xf32, #tpu.memory_space<vmem>> -> memref<32x1024xf32, #tpu.memory_space<vmem>>
    %dma_wait3A_373 = arith.constant 0 : i32
    %dma_wait3A_374 = tpu.memref_slice %arg7[%dma_wait3A_368, %dma_wait3A_373] : memref<4x32xi32, #tpu.memory_space<vmem>> -> memref<1x32xi32, #tpu.memory_space<vmem>>
    %dma_wait3A_375 = tpu.memref_squeeze %dma_wait3A_374 : memref<1x32xi32, #tpu.memory_space<vmem>> -> memref<32xi32, #tpu.memory_space<vmem>>
    %dma_wait3A_376 = arith.constant 0 : i32
    %dma_wait3A_377 = arith.constant 0 : i32
    %dma_wait3A_378 = tpu.memref_slice %arg5[%dma_wait3A_376, %dma_wait3A_377] : memref<4608x1024xf32, #tpu.memory_space<hbm>> -> memref<4608x1024xf32, #tpu.memory_space<hbm>>
    tpu.wait_indirect_dma semaphore(%arg15 : memref<!tpu.dma_semaphore, #tpu.memory_space<semaphore_mem>>) src(%dma_wait3A_372 : memref<32x1024xf32, #tpu.memory_space<vmem>>) dst(%dma_wait3A_378 : memref<4608x1024xf32, #tpu.memory_space<hbm>>)
    %dma_wait3A_379 = arith.constant 0 : i32
    %dma_wait3A_380 = arith.constant 3 : i32
    %dma_wait3A_381 = arith.constant 0 : i32
    %dma_wait3A_382 = arith.constant 0 : i32
    %dma_wait3A_383 = tpu.memref_slice %arg8[%dma_wait3A_379, %dma_wait3A_381, %dma_wait3A_382] : memref<3x32x1024xf32, #tpu.memory_space<vmem>> -> memref<1x32x1024xf32, #tpu.memory_space<vmem>>
    %dma_wait3A_384 = tpu.memref_squeeze %dma_wait3A_383 : memref<1x32x1024xf32, #tpu.memory_space<vmem>> -> memref<32x1024xf32, #tpu.memory_space<vmem>>
    %dma_wait3A_385 = arith.constant 0 : i32
    %dma_wait3A_386 = tpu.memref_slice %arg7[%dma_wait3A_380, %dma_wait3A_385] : memref<4x32xi32, #tpu.memory_space<vmem>> -> memref<1x32xi32, #tpu.memory_space<vmem>>
    %dma_wait3A_387 = tpu.memref_squeeze %dma_wait3A_386 : memref<1x32xi32, #tpu.memory_space<vmem>> -> memref<32xi32, #tpu.memory_space<vmem>>
    %dma_wait3A_388 = arith.constant 0 : i32
    %dma_wait3A_389 = arith.constant 0 : i32
    %dma_wait3A_390 = tpu.memref_slice %arg5[%dma_wait3A_388, %dma_wait3A_389] : memref<4608x1024xf32, #tpu.memory_space<hbm>> -> memref<4608x1024xf32, #tpu.memory_space<hbm>>
    tpu.wait_indirect_dma semaphore(%arg13 : memref<!tpu.dma_semaphore, #tpu.memory_space<semaphore_mem>>) src(%dma_wait3A_384 : memref<32x1024xf32, #tpu.memory_space<vmem>>) dst(%dma_wait3A_390 : memref<4608x1024xf32, #tpu.memory_space<hbm>>)
    return
  }
}

module attributes {stable_mosaic.version = 14 : i64} {
  func.func @_stage1_body(%arg0: i32, %arg1: memref<512x1024xf32, #tpu.memory_space<vmem>>, %arg2: memref<1024x1024xf32, #tpu.memory_space<vmem>>, %arg3: memref<1x1024xf32, #tpu.memory_space<vmem>>, %arg4: memref<1024x8xf32, #tpu.memory_space<vmem>>, %arg5: memref<512x1024xf32, #tpu.memory_space<vmem>>, %arg6: memref<4096x1xi32, #tpu.memory_space<vmem>>, %arg7: memref<4096x1xf32, #tpu.memory_space<vmem>>, %arg8: memref<1x16xi32, #tpu.memory_space<vmem>>, %arg9: memref<2x1024xf32, #tpu.memory_space<vmem>>, %arg10: memref<4096x8xf32, #tpu.memory_space<vmem>>, %arg11: memref<2x1024xf32, #tpu.memory_space<vmem>>) attributes {dimension_semantics = [#tpu.dimension_semantics<arbitrary>], iteration_bounds = array<i64: 8>, scalar_prefetch = 0 : i64, scratch_operands = 2 : i64, tpu.core_type = #tpu.core_type<tc>, window_params = [{transform_indices = @transform_0, window_bounds = array<i64: 512, 1024>}, {pipeline_mode = #tpu.pipeline_mode<synchronous>, transform_indices = @transform_1, window_bounds = array<i64: 1024, 1024>}, {pipeline_mode = #tpu.pipeline_mode<synchronous>, transform_indices = @transform_2, window_bounds = array<i64: 1, 1024>}, {pipeline_mode = #tpu.pipeline_mode<synchronous>, transform_indices = @transform_3, window_bounds = array<i64: 1024, 8>}, {transform_indices = @transform_4, window_bounds = array<i64: 512, 1024>}, {pipeline_mode = #tpu.pipeline_mode<synchronous>, transform_indices = @transform_5, window_bounds = array<i64: 4096, 1>}, {pipeline_mode = #tpu.pipeline_mode<synchronous>, transform_indices = @transform_6, window_bounds = array<i64: 4096, 1>}, {pipeline_mode = #tpu.pipeline_mode<synchronous>, transform_indices = @transform_7, window_bounds = array<i64: 1, 16>}, {pipeline_mode = #tpu.pipeline_mode<synchronous>, transform_indices = @transform_8, window_bounds = array<i64: 2, 1024>}]} {
    %eq3A = arith.constant 0 : i32
    %eq3A_0 = arith.cmpi eq, %arg0, %eq3A : i32
    %convert_element_type3A = arith.extui %eq3A_0 : i1 to i32
    %cond3A = arith.constant 0 : i32
    %cond3A_1 = arith.cmpi ne, %convert_element_type3A, %cond3A : i32
    scf.if %cond3A_1 {
      %broadcast_in_dim3A_63 = arith.constant 0.000000e+00 : f32
      %broadcast_in_dim3A_64 = vector.broadcast %broadcast_in_dim3A_63 : f32 to vector<2x1024xf32>
      %swap3A_65 = arith.constant 0 : index
      %swap3A_66 = arith.constant 0 : index
      %swap3A_67 = vector.load %arg11[%swap3A_65, %swap3A_66] : memref<2x1024xf32, #tpu.memory_space<vmem>>, vector<2x1024xf32>
      tpu.vector_store %arg11[%swap3A_65, %swap3A_66], %broadcast_in_dim3A_64 {strides = array<i32>} : memref<2x1024xf32, #tpu.memory_space<vmem>>, vector<2x1024xf32>,
    } else {
    }
    %get3A = arith.constant 0 : index
    %get3A_2 = arith.constant 0 : index
    %get3A_3 = vector.load %arg1[%get3A, %get3A_2] : memref<512x1024xf32, #tpu.memory_space<vmem>>, vector<512x1024xf32>
    %convert_element_type3A_4 = arith.truncf %get3A_3 : vector<512x1024xf32> to vector<512x1024xbf16>
    %get3A_5 = arith.constant 0 : index
    %get3A_6 = arith.constant 0 : index
    %get3A_7 = vector.load %arg2[%get3A_5, %get3A_6] : memref<1024x1024xf32, #tpu.memory_space<vmem>>, vector<1024x1024xf32>
    %convert_element_type3A_8 = arith.truncf %get3A_7 : vector<1024x1024xf32> to vector<1024x1024xbf16>
    %dot_general3A = arith.constant dense<0.000000e+00> : vector<512x1024xf32>
    %dot_general3A_9 = tpu.matmul %convert_element_type3A_4, %convert_element_type3A_8, %dot_general3A {dimension_numbers = #tpu.dot_dimension_numbers<[1], [0], [0], [1], [0, 0, 1, 1], [], []>, transpose_lhs_hint = false} : vector<512x1024xbf16>, vector<1024x1024xbf16>, vector<512x1024xf32> -> vector<512x1024xf32>
    %get3A_10 = arith.constant 0 : index
    %get3A_11 = arith.constant 0 : index
    %get3A_12 = vector.load %arg3[%get3A_10, %get3A_11] : memref<1x1024xf32, #tpu.memory_space<vmem>>, vector<1x1024xf32>
    %add3A = vector.broadcast %get3A_12 : vector<1x1024xf32> to vector<512x1024xf32>
    %add3A_13 = arith.addf %dot_general3A_9, %add3A : vector<512x1024xf32>
    %swap3A = arith.constant 0 : index
    %swap3A_14 = arith.constant 0 : index
    %swap3A_15 = vector.load %arg5[%swap3A, %swap3A_14] : memref<512x1024xf32, #tpu.memory_space<vmem>>, vector<512x1024xf32>
    tpu.vector_store %arg5[%swap3A, %swap3A_14], %add3A_13 {strides = array<i32>} : memref<512x1024xf32, #tpu.memory_space<vmem>>, vector<512x1024xf32>,
    %jit3A = arith.constant 4 : i32
    %div3A = arith.divsi %arg0, %jit3A : i32
    %sign3A = arith.constant 0 : i32
    %sign3A_16 = arith.cmpi sgt, %arg0, %sign3A : i32
    %sign3A_17 = arith.extui %sign3A_16 : i1 to i32
    %sign3A_18 = arith.constant 0 : i32
    %sign3A_19 = arith.cmpi slt, %arg0, %sign3A_18 : i32
    %sign3A_20 = arith.extui %sign3A_19 : i1 to i32
    %sign3A_21 = arith.subi %sign3A_17, %sign3A_20 : i32
    %sign3A_22 = arith.constant 0 : i32
    %sign3A_23 = arith.cmpi sgt, %jit3A, %sign3A_22 : i32
    %sign3A_24 = arith.extui %sign3A_23 : i1 to i32
    %sign3A_25 = arith.constant 0 : i32
    %sign3A_26 = arith.cmpi slt, %jit3A, %sign3A_25 : i32
    %sign3A_27 = arith.extui %sign3A_26 : i1 to i32
    %sign3A_28 = arith.subi %sign3A_24, %sign3A_27 : i32
    %ne3A = arith.cmpi ne, %sign3A_21, %sign3A_28 : i32
    %rem3A = arith.remsi %arg0, %jit3A : i32
    %ne3A_29 = arith.constant 0 : i32
    %ne3A_30 = arith.cmpi ne, %rem3A, %ne3A_29 : i32
    %and3A = arith.andi %ne3A, %ne3A_30 : i1
    %sub3A = arith.constant 1 : i32
    %sub3A_31 = arith.subi %div3A, %sub3A : i32
    %select_n3A = arith.select %and3A, %sub3A_31, %div3A : i32
    %iota3A = tpu.iota {dimensions = array<i32: 0>} : vector<2x1xi32>
    %eq3A_32 = vector.broadcast %select_n3A : i32 to vector<2x1xi32>
    %eq3A_33 = arith.cmpi eq, %iota3A, %eq3A_32 : vector<2x1xi32>
    %convert_element_type3A_34 = arith.extui %eq3A_33 : vector<2x1xi1> to vector<2x1xi32>
    %convert_element_type3A_35 = arith.sitofp %convert_element_type3A_34 : vector<2x1xi32> to vector<2x1xf32>
    %get3A_36 = arith.constant 0 : index
    %get3A_37 = arith.constant 0 : index
    %get3A_38 = vector.load %arg11[%get3A_36, %get3A_37] : memref<2x1024xf32, #tpu.memory_space<vmem>>, vector<2x1024xf32>
    %reduce_sum3A = arith.constant dense<0.000000e+00> : vector<1024xf32>
    %reduce_sum3A_39 = vector.multi_reduction <add>, %add3A_13, %reduce_sum3A [0] : vector<512x1024xf32> to vector<1024xf32>
    %broadcast_in_dim3A = vector.shape_cast %reduce_sum3A_39 : vector<1024xf32> to vector<1x1024xf32>
    %mul3A = vector.broadcast %convert_element_type3A_35 : vector<2x1xf32> to vector<2x1024xf32>
    %mul3A_40 = vector.broadcast %broadcast_in_dim3A : vector<1x1024xf32> to vector<2x1024xf32>
    %mul3A_41 = arith.mulf %mul3A, %mul3A_40 : vector<2x1024xf32>
    %add3A_42 = arith.addf %get3A_38, %mul3A_41 : vector<2x1024xf32>
    %swap3A_43 = arith.constant 0 : index
    %swap3A_44 = arith.constant 0 : index
    %swap3A_45 = vector.load %arg11[%swap3A_43, %swap3A_44] : memref<2x1024xf32, #tpu.memory_space<vmem>>, vector<2x1024xf32>
    tpu.vector_store %arg11[%swap3A_43, %swap3A_44], %add3A_42 {strides = array<i32>} : memref<2x1024xf32, #tpu.memory_space<vmem>>, vector<2x1024xf32>,
    %convert_element_type3A_46 = arith.truncf %add3A_13 : vector<512x1024xf32> to vector<512x1024xbf16>
    %get3A_47 = arith.constant 0 : index
    %get3A_48 = arith.constant 0 : index
    %get3A_49 = vector.load %arg4[%get3A_47, %get3A_48] : memref<1024x8xf32, #tpu.memory_space<vmem>>, vector<1024x8xf32>
    %convert_element_type3A_50 = arith.truncf %get3A_49 : vector<1024x8xf32> to vector<1024x8xbf16>
    %dot_general3A_51 = arith.constant dense<0.000000e+00> : vector<512x8xf32>
    %dot_general3A_52 = tpu.matmul %convert_element_type3A_46, %convert_element_type3A_50, %dot_general3A_51 {dimension_numbers = #tpu.dot_dimension_numbers<[1], [0], [0], [1], [0, 0, 1, 1], [], []>, transpose_lhs_hint = false} : vector<512x1024xbf16>, vector<1024x8xbf16>, vector<512x8xf32> -> vector<512x8xf32>
    %mul3A_53 = arith.constant 512 : i32
    %mul3A_54 = arith.muli %arg0, %mul3A_53 : i32
    %swap3A_55 = arith.index_cast %mul3A_54 : i32 to index
    %swap3A_56 = arith.constant 0 : index
    %swap3A_57 = vector.load %arg10[%swap3A_55, %swap3A_56] : memref<4096x8xf32, #tpu.memory_space<vmem>>, vector<512x8xf32>
    tpu.vector_store %arg10[%swap3A_55, %swap3A_56], %dot_general3A_52 {strides = array<i32>} : memref<4096x8xf32, #tpu.memory_space<vmem>>, vector<512x8xf32>,
    %eq3A_58 = arith.constant 7 : i32
    %eq3A_59 = arith.cmpi eq, %arg0, %eq3A_58 : i32
    %convert_element_type3A_60 = arith.extui %eq3A_59 : i1 to i32
    %cond3A_61 = arith.constant 0 : i32
    %cond3A_62 = arith.cmpi ne, %convert_element_type3A_60, %cond3A_61 : i32
    scf.if %cond3A_62 {
      %get3A_63 = arith.constant 0 : index
      %get3A_64 = arith.constant 0 : index
      %get3A_65 = vector.load %arg10[%get3A_63, %get3A_64] : memref<4096x8xf32, #tpu.memory_space<vmem>>, vector<4096x8xf32>
      %reduce_max3A = arith.constant dense<0xFF800000> : vector<4096xf32>
      %reduce_max3A_66 = vector.multi_reduction <maximumf>, %get3A_65, %reduce_max3A [1] : vector<4096x8xf32> to vector<4096xf32>
      %broadcast_in_dim3A_67 = vector.shape_cast %reduce_max3A_66 : vector<4096xf32> to vector<4096x1xf32>
      %sub3A_68 = vector.broadcast %broadcast_in_dim3A_67 : vector<4096x1xf32> to vector<4096x8xf32>
      %sub3A_69 = arith.subf %get3A_65, %sub3A_68 : vector<4096x8xf32>
      %exp3A = math.exp %sub3A_69 : vector<4096x8xf32>
      %reduce_sum3A_70 = arith.constant dense<0.000000e+00> : vector<4096xf32>
      %reduce_sum3A_71 = vector.multi_reduction <add>, %exp3A, %reduce_sum3A_70 [1] : vector<4096x8xf32> to vector<4096xf32>
      %broadcast_in_dim3A_72 = vector.shape_cast %reduce_sum3A_71 : vector<4096xf32> to vector<4096x1xf32>
      %div3A_73 = arith.constant 1.000000e+00 : f32
      %div3A_74 = vector.broadcast %div3A_73 : f32 to vector<4096x1xf32>
      %div3A_75 = arith.divf %div3A_74, %broadcast_in_dim3A_72 : vector<4096x1xf32>
      %iota3A_76 = tpu.iota {dimensions = array<i32: 1>} : vector<4096x8xi32>
      %eq3A_77 = vector.broadcast %broadcast_in_dim3A_67 : vector<4096x1xf32> to vector<4096x8xf32>
      %eq3A_78 = arith.cmpf oeq, %get3A_65, %eq3A_77 : vector<4096x8xf32>
      %jit3A_79 = arith.constant 8 : i32
      %broadcast_in_dim3A_80 = vector.broadcast %jit3A_79 : i32 to vector<4096x8xi32>
      %select_n3A_81 = arith.select %eq3A_78, %iota3A_76, %broadcast_in_dim3A_80 : vector<4096x8xi1>, vector<4096x8xi32>
      %reduce_min3A = arith.constant dense<2147483647> : vector<4096xi32>
      %reduce_min3A_82 = vector.multi_reduction <minsi>, %select_n3A_81, %reduce_min3A [1] : vector<4096x8xi32> to vector<4096xi32>
      %broadcast_in_dim3A_83 = vector.shape_cast %reduce_min3A_82 : vector<4096xi32> to vector<4096x1xi32>
      %eq3A_84 = vector.broadcast %broadcast_in_dim3A_83 : vector<4096x1xi32> to vector<4096x8xi32>
      %eq3A_85 = arith.cmpi eq, %iota3A_76, %eq3A_84 : vector<4096x8xi32>
      %convert_element_type3A_86 = arith.extui %eq3A_85 : vector<4096x8xi1> to vector<4096x8xi32>
      %convert_element_type3A_87 = arith.sitofp %convert_element_type3A_86 : vector<4096x8xi32> to vector<4096x8xf32>
      %iota3A_88 = tpu.iota {dimensions = array<i32: 0>} : vector<512x512xi32>
      %iota3A_89 = tpu.iota {dimensions = array<i32: 1>} : vector<512x512xi32>
      %le3A = arith.cmpi sle, %iota3A_89, %iota3A_88 : vector<512x512xi32>
      %convert_element_type3A_90 = arith.extui %le3A : vector<512x512xi1> to vector<512x512xi32>
      %convert_element_type3A_91 = arith.sitofp %convert_element_type3A_90 : vector<512x512xi32> to vector<512x512xf32>
      %convert_element_type3A_92 = arith.truncf %convert_element_type3A_91 : vector<512x512xf32> to vector<512x512xbf16>
      %broadcast_in_dim3A_93 = arith.constant 0.000000e+00 : f32
      %broadcast_in_dim3A_94 = vector.broadcast %broadcast_in_dim3A_93 : f32 to vector<1x8xf32>
      %slice3A = vector.extract_strided_slice %convert_element_type3A_87 {offsets = [0, 0], sizes = [512, 8], strides = [1, 1]} : vector<4096x8xf32> to vector<512x8xf32>
      %convert_element_type3A_95 = arith.truncf %slice3A : vector<512x8xf32> to vector<512x8xbf16>
      %dot_general3A_96 = arith.constant dense<0.000000e+00> : vector<512x8xf32>
      %dot_general3A_97 = tpu.matmul %convert_element_type3A_92, %convert_element_type3A_95, %dot_general3A_96 {dimension_numbers = #tpu.dot_dimension_numbers<[1], [0], [0], [1], [0, 0, 1, 1], [], []>, transpose_lhs_hint = false} : vector<512x512xbf16>, vector<512x8xbf16>, vector<512x8xf32> -> vector<512x8xf32>
      %mul3A_98 = arith.mulf %dot_general3A_97, %slice3A : vector<512x8xf32>
      %reduce_sum3A_99 = arith.constant dense<0.000000e+00> : vector<512xf32>
      %reduce_sum3A_100 = vector.multi_reduction <add>, %mul3A_98, %reduce_sum3A_99 [1] : vector<512x8xf32> to vector<512xf32>
      %broadcast_in_dim3A_101 = vector.shape_cast %reduce_sum3A_100 : vector<512xf32> to vector<512x1xf32>
      %mul3A_102 = vector.broadcast %broadcast_in_dim3A_94 : vector<1x8xf32> to vector<512x8xf32>
      %mul3A_103 = arith.mulf %mul3A_102, %slice3A : vector<512x8xf32>
      %reduce_sum3A_104 = arith.constant dense<0.000000e+00> : vector<512xf32>
      %reduce_sum3A_105 = vector.multi_reduction <add>, %mul3A_103, %reduce_sum3A_104 [1] : vector<512x8xf32> to vector<512xf32>
      %broadcast_in_dim3A_106 = vector.shape_cast %reduce_sum3A_105 : vector<512xf32> to vector<512x1xf32>
      %add3A_107 = arith.addf %broadcast_in_dim3A_106, %broadcast_in_dim3A_101 : vector<512x1xf32>
      %sub3A_108 = arith.constant 1.000000e+00 : f32
      %sub3A_109 = vector.broadcast %sub3A_108 : f32 to vector<512x1xf32>
      %sub3A_110 = arith.subf %add3A_107, %sub3A_109 : vector<512x1xf32>
      %reduce_sum3A_111 = arith.constant dense<0.000000e+00> : vector<8xf32>
      %reduce_sum3A_112 = vector.multi_reduction <add>, %slice3A, %reduce_sum3A_111 [0] : vector<512x8xf32> to vector<8xf32>
      %broadcast_in_dim3A_113 = vector.shape_cast %reduce_sum3A_112 : vector<8xf32> to vector<1x8xf32>
      %add3A_114 = arith.addf %broadcast_in_dim3A_94, %broadcast_in_dim3A_113 : vector<1x8xf32>
      %slice3A_115 = vector.extract_strided_slice %convert_element_type3A_87 {offsets = [512, 0], sizes = [512, 8], strides = [1, 1]} : vector<4096x8xf32> to vector<512x8xf32>
      %convert_element_type3A_116 = arith.truncf %slice3A_115 : vector<512x8xf32> to vector<512x8xbf16>
      %dot_general3A_117 = arith.constant dense<0.000000e+00> : vector<512x8xf32>
      %dot_general3A_118 = tpu.matmul %convert_element_type3A_92, %convert_element_type3A_116, %dot_general3A_117 {dimension_numbers = #tpu.dot_dimension_numbers<[1], [0], [0], [1], [0, 0, 1, 1], [], []>, transpose_lhs_hint = false} : vector<512x512xbf16>, vector<512x8xbf16>, vector<512x8xf32> -> vector<512x8xf32>
      %mul3A_119 = arith.mulf %dot_general3A_118, %slice3A_115 : vector<512x8xf32>
      %reduce_sum3A_120 = arith.constant dense<0.000000e+00> : vector<512xf32>
      %reduce_sum3A_121 = vector.multi_reduction <add>, %mul3A_119, %reduce_sum3A_120 [1] : vector<512x8xf32> to vector<512xf32>
      %broadcast_in_dim3A_122 = vector.shape_cast %reduce_sum3A_121 : vector<512xf32> to vector<512x1xf32>
      %mul3A_123 = vector.broadcast %add3A_114 : vector<1x8xf32> to vector<512x8xf32>
      %mul3A_124 = arith.mulf %mul3A_123, %slice3A_115 : vector<512x8xf32>
      %reduce_sum3A_125 = arith.constant dense<0.000000e+00> : vector<512xf32>
      %reduce_sum3A_126 = vector.multi_reduction <add>, %mul3A_124, %reduce_sum3A_125 [1] : vector<512x8xf32> to vector<512xf32>
      %broadcast_in_dim3A_127 = vector.shape_cast %reduce_sum3A_126 : vector<512xf32> to vector<512x1xf32>
      %add3A_128 = arith.addf %broadcast_in_dim3A_127, %broadcast_in_dim3A_122 : vector<512x1xf32>
      %sub3A_129 = arith.constant 1.000000e+00 : f32
      %sub3A_130 = vector.broadcast %sub3A_129 : f32 to vector<512x1xf32>
      %sub3A_131 = arith.subf %add3A_128, %sub3A_130 : vector<512x1xf32>
      %reduce_sum3A_132 = arith.constant dense<0.000000e+00> : vector<8xf32>
      %reduce_sum3A_133 = vector.multi_reduction <add>, %slice3A_115, %reduce_sum3A_132 [0] : vector<512x8xf32> to vector<8xf32>
      %broadcast_in_dim3A_134 = vector.shape_cast %reduce_sum3A_133 : vector<8xf32> to vector<1x8xf32>
      %add3A_135 = arith.addf %add3A_114, %broadcast_in_dim3A_134 : vector<1x8xf32>
      %slice3A_136 = vector.extract_strided_slice %convert_element_type3A_87 {offsets = [1024, 0], sizes = [512, 8], strides = [1, 1]} : vector<4096x8xf32> to vector<512x8xf32>
      %convert_element_type3A_137 = arith.truncf %slice3A_136 : vector<512x8xf32> to vector<512x8xbf16>
      %dot_general3A_138 = arith.constant dense<0.000000e+00> : vector<512x8xf32>
      %dot_general3A_139 = tpu.matmul %convert_element_type3A_92, %convert_element_type3A_137, %dot_general3A_138 {dimension_numbers = #tpu.dot_dimension_numbers<[1], [0], [0], [1], [0, 0, 1, 1], [], []>, transpose_lhs_hint = false} : vector<512x512xbf16>, vector<512x8xbf16>, vector<512x8xf32> -> vector<512x8xf32>
      %mul3A_140 = arith.mulf %dot_general3A_139, %slice3A_136 : vector<512x8xf32>
      %reduce_sum3A_141 = arith.constant dense<0.000000e+00> : vector<512xf32>
      %reduce_sum3A_142 = vector.multi_reduction <add>, %mul3A_140, %reduce_sum3A_141 [1] : vector<512x8xf32> to vector<512xf32>
      %broadcast_in_dim3A_143 = vector.shape_cast %reduce_sum3A_142 : vector<512xf32> to vector<512x1xf32>
      %mul3A_144 = vector.broadcast %add3A_135 : vector<1x8xf32> to vector<512x8xf32>
      %mul3A_145 = arith.mulf %mul3A_144, %slice3A_136 : vector<512x8xf32>
      %reduce_sum3A_146 = arith.constant dense<0.000000e+00> : vector<512xf32>
      %reduce_sum3A_147 = vector.multi_reduction <add>, %mul3A_145, %reduce_sum3A_146 [1] : vector<512x8xf32> to vector<512xf32>
      %broadcast_in_dim3A_148 = vector.shape_cast %reduce_sum3A_147 : vector<512xf32> to vector<512x1xf32>
      %add3A_149 = arith.addf %broadcast_in_dim3A_148, %broadcast_in_dim3A_143 : vector<512x1xf32>
      %sub3A_150 = arith.constant 1.000000e+00 : f32
      %sub3A_151 = vector.broadcast %sub3A_150 : f32 to vector<512x1xf32>
      %sub3A_152 = arith.subf %add3A_149, %sub3A_151 : vector<512x1xf32>
      %reduce_sum3A_153 = arith.constant dense<0.000000e+00> : vector<8xf32>
      %reduce_sum3A_154 = vector.multi_reduction <add>, %slice3A_136, %reduce_sum3A_153 [0] : vector<512x8xf32> to vector<8xf32>
      %broadcast_in_dim3A_155 = vector.shape_cast %reduce_sum3A_154 : vector<8xf32> to vector<1x8xf32>
      %add3A_156 = arith.addf %add3A_135, %broadcast_in_dim3A_155 : vector<1x8xf32>
      %slice3A_157 = vector.extract_strided_slice %convert_element_type3A_87 {offsets = [1536, 0], sizes = [512, 8], strides = [1, 1]} : vector<4096x8xf32> to vector<512x8xf32>
      %convert_element_type3A_158 = arith.truncf %slice3A_157 : vector<512x8xf32> to vector<512x8xbf16>
      %dot_general3A_159 = arith.constant dense<0.000000e+00> : vector<512x8xf32>
      %dot_general3A_160 = tpu.matmul %convert_element_type3A_92, %convert_element_type3A_158, %dot_general3A_159 {dimension_numbers = #tpu.dot_dimension_numbers<[1], [0], [0], [1], [0, 0, 1, 1], [], []>, transpose_lhs_hint = false} : vector<512x512xbf16>, vector<512x8xbf16>, vector<512x8xf32> -> vector<512x8xf32>
      %mul3A_161 = arith.mulf %dot_general3A_160, %slice3A_157 : vector<512x8xf32>
      %reduce_sum3A_162 = arith.constant dense<0.000000e+00> : vector<512xf32>
      %reduce_sum3A_163 = vector.multi_reduction <add>, %mul3A_161, %reduce_sum3A_162 [1] : vector<512x8xf32> to vector<512xf32>
      %broadcast_in_dim3A_164 = vector.shape_cast %reduce_sum3A_163 : vector<512xf32> to vector<512x1xf32>
      %mul3A_165 = vector.broadcast %add3A_156 : vector<1x8xf32> to vector<512x8xf32>
      %mul3A_166 = arith.mulf %mul3A_165, %slice3A_157 : vector<512x8xf32>
      %reduce_sum3A_167 = arith.constant dense<0.000000e+00> : vector<512xf32>
      %reduce_sum3A_168 = vector.multi_reduction <add>, %mul3A_166, %reduce_sum3A_167 [1] : vector<512x8xf32> to vector<512xf32>
      %broadcast_in_dim3A_169 = vector.shape_cast %reduce_sum3A_168 : vector<512xf32> to vector<512x1xf32>
      %add3A_170 = arith.addf %broadcast_in_dim3A_169, %broadcast_in_dim3A_164 : vector<512x1xf32>
      %sub3A_171 = arith.constant 1.000000e+00 : f32
      %sub3A_172 = vector.broadcast %sub3A_171 : f32 to vector<512x1xf32>
      %sub3A_173 = arith.subf %add3A_170, %sub3A_172 : vector<512x1xf32>
      %reduce_sum3A_174 = arith.constant dense<0.000000e+00> : vector<8xf32>
      %reduce_sum3A_175 = vector.multi_reduction <add>, %slice3A_157, %reduce_sum3A_174 [0] : vector<512x8xf32> to vector<8xf32>
      %broadcast_in_dim3A_176 = vector.shape_cast %reduce_sum3A_175 : vector<8xf32> to vector<1x8xf32>
      %add3A_177 = arith.addf %add3A_156, %broadcast_in_dim3A_176 : vector<1x8xf32>
      %slice3A_178 = vector.extract_strided_slice %convert_element_type3A_87 {offsets = [2048, 0], sizes = [512, 8], strides = [1, 1]} : vector<4096x8xf32> to vector<512x8xf32>
      %convert_element_type3A_179 = arith.truncf %slice3A_178 : vector<512x8xf32> to vector<512x8xbf16>
      %dot_general3A_180 = arith.constant dense<0.000000e+00> : vector<512x8xf32>
      %dot_general3A_181 = tpu.matmul %convert_element_type3A_92, %convert_element_type3A_179, %dot_general3A_180 {dimension_numbers = #tpu.dot_dimension_numbers<[1], [0], [0], [1], [0, 0, 1, 1], [], []>, transpose_lhs_hint = false} : vector<512x512xbf16>, vector<512x8xbf16>, vector<512x8xf32> -> vector<512x8xf32>
      %mul3A_182 = arith.mulf %dot_general3A_181, %slice3A_178 : vector<512x8xf32>
      %reduce_sum3A_183 = arith.constant dense<0.000000e+00> : vector<512xf32>
      %reduce_sum3A_184 = vector.multi_reduction <add>, %mul3A_182, %reduce_sum3A_183 [1] : vector<512x8xf32> to vector<512xf32>
      %broadcast_in_dim3A_185 = vector.shape_cast %reduce_sum3A_184 : vector<512xf32> to vector<512x1xf32>
      %mul3A_186 = vector.broadcast %add3A_177 : vector<1x8xf32> to vector<512x8xf32>
      %mul3A_187 = arith.mulf %mul3A_186, %slice3A_178 : vector<512x8xf32>
      %reduce_sum3A_188 = arith.constant dense<0.000000e+00> : vector<512xf32>
      %reduce_sum3A_189 = vector.multi_reduction <add>, %mul3A_187, %reduce_sum3A_188 [1] : vector<512x8xf32> to vector<512xf32>
      %broadcast_in_dim3A_190 = vector.shape_cast %reduce_sum3A_189 : vector<512xf32> to vector<512x1xf32>
      %add3A_191 = arith.addf %broadcast_in_dim3A_190, %broadcast_in_dim3A_185 : vector<512x1xf32>
      %sub3A_192 = arith.constant 1.000000e+00 : f32
      %sub3A_193 = vector.broadcast %sub3A_192 : f32 to vector<512x1xf32>
      %sub3A_194 = arith.subf %add3A_191, %sub3A_193 : vector<512x1xf32>
      %reduce_sum3A_195 = arith.constant dense<0.000000e+00> : vector<8xf32>
      %reduce_sum3A_196 = vector.multi_reduction <add>, %slice3A_178, %reduce_sum3A_195 [0] : vector<512x8xf32> to vector<8xf32>
      %broadcast_in_dim3A_197 = vector.shape_cast %reduce_sum3A_196 : vector<8xf32> to vector<1x8xf32>
      %add3A_198 = arith.addf %add3A_177, %broadcast_in_dim3A_197 : vector<1x8xf32>
      %slice3A_199 = vector.extract_strided_slice %convert_element_type3A_87 {offsets = [2560, 0], sizes = [512, 8], strides = [1, 1]} : vector<4096x8xf32> to vector<512x8xf32>
      %convert_element_type3A_200 = arith.truncf %slice3A_199 : vector<512x8xf32> to vector<512x8xbf16>
      %dot_general3A_201 = arith.constant dense<0.000000e+00> : vector<512x8xf32>
      %dot_general3A_202 = tpu.matmul %convert_element_type3A_92, %convert_element_type3A_200, %dot_general3A_201 {dimension_numbers = #tpu.dot_dimension_numbers<[1], [0], [0], [1], [0, 0, 1, 1], [], []>, transpose_lhs_hint = false} : vector<512x512xbf16>, vector<512x8xbf16>, vector<512x8xf32> -> vector<512x8xf32>
      %mul3A_203 = arith.mulf %dot_general3A_202, %slice3A_199 : vector<512x8xf32>
      %reduce_sum3A_204 = arith.constant dense<0.000000e+00> : vector<512xf32>
      %reduce_sum3A_205 = vector.multi_reduction <add>, %mul3A_203, %reduce_sum3A_204 [1] : vector<512x8xf32> to vector<512xf32>
      %broadcast_in_dim3A_206 = vector.shape_cast %reduce_sum3A_205 : vector<512xf32> to vector<512x1xf32>
      %mul3A_207 = vector.broadcast %add3A_198 : vector<1x8xf32> to vector<512x8xf32>
      %mul3A_208 = arith.mulf %mul3A_207, %slice3A_199 : vector<512x8xf32>
      %reduce_sum3A_209 = arith.constant dense<0.000000e+00> : vector<512xf32>
      %reduce_sum3A_210 = vector.multi_reduction <add>, %mul3A_208, %reduce_sum3A_209 [1] : vector<512x8xf32> to vector<512xf32>
      %broadcast_in_dim3A_211 = vector.shape_cast %reduce_sum3A_210 : vector<512xf32> to vector<512x1xf32>
      %add3A_212 = arith.addf %broadcast_in_dim3A_211, %broadcast_in_dim3A_206 : vector<512x1xf32>
      %sub3A_213 = arith.constant 1.000000e+00 : f32
      %sub3A_214 = vector.broadcast %sub3A_213 : f32 to vector<512x1xf32>
      %sub3A_215 = arith.subf %add3A_212, %sub3A_214 : vector<512x1xf32>
      %reduce_sum3A_216 = arith.constant dense<0.000000e+00> : vector<8xf32>
      %reduce_sum3A_217 = vector.multi_reduction <add>, %slice3A_199, %reduce_sum3A_216 [0] : vector<512x8xf32> to vector<8xf32>
      %broadcast_in_dim3A_218 = vector.shape_cast %reduce_sum3A_217 : vector<8xf32> to vector<1x8xf32>
      %add3A_219 = arith.addf %add3A_198, %broadcast_in_dim3A_218 : vector<1x8xf32>
      %slice3A_220 = vector.extract_strided_slice %convert_element_type3A_87 {offsets = [3072, 0], sizes = [512, 8], strides = [1, 1]} : vector<4096x8xf32> to vector<512x8xf32>
      %convert_element_type3A_221 = arith.truncf %slice3A_220 : vector<512x8xf32> to vector<512x8xbf16>
      %dot_general3A_222 = arith.constant dense<0.000000e+00> : vector<512x8xf32>
      %dot_general3A_223 = tpu.matmul %convert_element_type3A_92, %convert_element_type3A_221, %dot_general3A_222 {dimension_numbers = #tpu.dot_dimension_numbers<[1], [0], [0], [1], [0, 0, 1, 1], [], []>, transpose_lhs_hint = false} : vector<512x512xbf16>, vector<512x8xbf16>, vector<512x8xf32> -> vector<512x8xf32>
      %mul3A_224 = arith.mulf %dot_general3A_223, %slice3A_220 : vector<512x8xf32>
      %reduce_sum3A_225 = arith.constant dense<0.000000e+00> : vector<512xf32>
      %reduce_sum3A_226 = vector.multi_reduction <add>, %mul3A_224, %reduce_sum3A_225 [1] : vector<512x8xf32> to vector<512xf32>
      %broadcast_in_dim3A_227 = vector.shape_cast %reduce_sum3A_226 : vector<512xf32> to vector<512x1xf32>
      %mul3A_228 = vector.broadcast %add3A_219 : vector<1x8xf32> to vector<512x8xf32>
      %mul3A_229 = arith.mulf %mul3A_228, %slice3A_220 : vector<512x8xf32>
      %reduce_sum3A_230 = arith.constant dense<0.000000e+00> : vector<512xf32>
      %reduce_sum3A_231 = vector.multi_reduction <add>, %mul3A_229, %reduce_sum3A_230 [1] : vector<512x8xf32> to vector<512xf32>
      %broadcast_in_dim3A_232 = vector.shape_cast %reduce_sum3A_231 : vector<512xf32> to vector<512x1xf32>
      %add3A_233 = arith.addf %broadcast_in_dim3A_232, %broadcast_in_dim3A_227 : vector<512x1xf32>
      %sub3A_234 = arith.constant 1.000000e+00 : f32
      %sub3A_235 = vector.broadcast %sub3A_234 : f32 to vector<512x1xf32>
      %sub3A_236 = arith.subf %add3A_233, %sub3A_235 : vector<512x1xf32>
      %reduce_sum3A_237 = arith.constant dense<0.000000e+00> : vector<8xf32>
      %reduce_sum3A_238 = vector.multi_reduction <add>, %slice3A_220, %reduce_sum3A_237 [0] : vector<512x8xf32> to vector<8xf32>
      %broadcast_in_dim3A_239 = vector.shape_cast %reduce_sum3A_238 : vector<8xf32> to vector<1x8xf32>
      %add3A_240 = arith.addf %add3A_219, %broadcast_in_dim3A_239 : vector<1x8xf32>
      %slice3A_241 = vector.extract_strided_slice %convert_element_type3A_87 {offsets = [3584, 0], sizes = [512, 8], strides = [1, 1]} : vector<4096x8xf32> to vector<512x8xf32>
      %convert_element_type3A_242 = arith.truncf %slice3A_241 : vector<512x8xf32> to vector<512x8xbf16>
      %dot_general3A_243 = arith.constant dense<0.000000e+00> : vector<512x8xf32>
      %dot_general3A_244 = tpu.matmul %convert_element_type3A_92, %convert_element_type3A_242, %dot_general3A_243 {dimension_numbers = #tpu.dot_dimension_numbers<[1], [0], [0], [1], [0, 0, 1, 1], [], []>, transpose_lhs_hint = false} : vector<512x512xbf16>, vector<512x8xbf16>, vector<512x8xf32> -> vector<512x8xf32>
      %mul3A_245 = arith.mulf %dot_general3A_244, %slice3A_241 : vector<512x8xf32>
      %reduce_sum3A_246 = arith.constant dense<0.000000e+00> : vector<512xf32>
      %reduce_sum3A_247 = vector.multi_reduction <add>, %mul3A_245, %reduce_sum3A_246 [1] : vector<512x8xf32> to vector<512xf32>
      %broadcast_in_dim3A_248 = vector.shape_cast %reduce_sum3A_247 : vector<512xf32> to vector<512x1xf32>
      %mul3A_249 = vector.broadcast %add3A_240 : vector<1x8xf32> to vector<512x8xf32>
      %mul3A_250 = arith.mulf %mul3A_249, %slice3A_241 : vector<512x8xf32>
      %reduce_sum3A_251 = arith.constant dense<0.000000e+00> : vector<512xf32>
      %reduce_sum3A_252 = vector.multi_reduction <add>, %mul3A_250, %reduce_sum3A_251 [1] : vector<512x8xf32> to vector<512xf32>
      %broadcast_in_dim3A_253 = vector.shape_cast %reduce_sum3A_252 : vector<512xf32> to vector<512x1xf32>
      %add3A_254 = arith.addf %broadcast_in_dim3A_253, %broadcast_in_dim3A_248 : vector<512x1xf32>
      %sub3A_255 = arith.constant 1.000000e+00 : f32
      %sub3A_256 = vector.broadcast %sub3A_255 : f32 to vector<512x1xf32>
      %sub3A_257 = arith.subf %add3A_254, %sub3A_256 : vector<512x1xf32>
      %reduce_sum3A_258 = arith.constant dense<0.000000e+00> : vector<8xf32>
      %reduce_sum3A_259 = vector.multi_reduction <add>, %slice3A_241, %reduce_sum3A_258 [0] : vector<512x8xf32> to vector<8xf32>
      %broadcast_in_dim3A_260 = vector.shape_cast %reduce_sum3A_259 : vector<8xf32> to vector<1x8xf32>
      %add3A_261 = arith.addf %add3A_240, %broadcast_in_dim3A_260 : vector<1x8xf32>
      %concatenate3A = tpu.concatenate %sub3A_110, %sub3A_131, %sub3A_152, %sub3A_173, %sub3A_194, %sub3A_215, %sub3A_236, %sub3A_257 in 0 : vector<512x1xf32>, vector<512x1xf32>, vector<512x1xf32>, vector<512x1xf32>, vector<512x1xf32>, vector<512x1xf32>, vector<512x1xf32>, vector<512x1xf32> -> vector<4096x1xf32>
      %lt3A = arith.constant 5.120000e+02 : f32
      %lt3A_262 = vector.broadcast %lt3A : f32 to vector<4096x1xf32>
      %lt3A_263 = arith.cmpf olt, %concatenate3A, %lt3A_262 : vector<4096x1xf32>
      %min3A = arith.constant 5.110000e+02 : f32
      %min3A_264 = vector.broadcast %min3A : f32 to vector<4096x1xf32>
      %min3A_265 = arith.minimumf %concatenate3A, %min3A_264 : vector<4096x1xf32>
      %convert_element_type3A_266 = arith.fptosi %min3A_265 : vector<4096x1xf32> to vector<4096x1xi32>
      %mul3A_267 = arith.constant 512 : i32
      %mul3A_268 = vector.broadcast %mul3A_267 : i32 to vector<4096x1xi32>
      %mul3A_269 = arith.muli %broadcast_in_dim3A_83, %mul3A_268 : vector<4096x1xi32>
      %add3A_270 = arith.addi %mul3A_269, %convert_element_type3A_266 : vector<4096x1xi32>
      %iota3A_271 = tpu.iota {dimensions = array<i32: 0>} : vector<4096x1xi32>
      %and3A_272 = arith.constant 511 : i32
      %and3A_273 = vector.broadcast %and3A_272 : i32 to vector<4096x1xi32>
      %and3A_274 = arith.andi %iota3A_271, %and3A_273 : vector<4096x1xi32>
      %add3A_275 = arith.constant 4096 : i32
      %add3A_276 = vector.broadcast %add3A_275 : i32 to vector<4096x1xi32>
      %add3A_277 = arith.addi %add3A_276, %and3A_274 : vector<4096x1xi32>
      %select_n3A_278 = arith.select %lt3A_263, %add3A_270, %add3A_277 : vector<4096x1xi1>, vector<4096x1xi32>
      %jit3A_279 = arith.constant 0.000000e+00 : f32
      %broadcast_in_dim3A_280 = vector.broadcast %jit3A_279 : f32 to vector<4096x1xf32>
      %select_n3A_281 = arith.select %lt3A_263, %div3A_75, %broadcast_in_dim3A_280 : vector<4096x1xi1>, vector<4096x1xf32>
      %convert_element_type3A_282 = arith.fptosi %add3A_261 : vector<1x8xf32> to vector<1x8xi32>
      %broadcast_in_dim3A_283 = arith.constant 0 : i32
      %broadcast_in_dim3A_284 = vector.broadcast %broadcast_in_dim3A_283 : i32 to vector<1x8xi32>
      %concatenate3A_285 = tpu.concatenate %convert_element_type3A_282, %broadcast_in_dim3A_284 in 1 : vector<1x8xi32>, vector<1x8xi32> -> vector<1x16xi32>
      %swap3A_286 = arith.constant 0 : index
      %swap3A_287 = arith.constant 0 : index
      %swap3A_288 = vector.load %arg6[%swap3A_286, %swap3A_287] : memref<4096x1xi32, #tpu.memory_space<vmem>>, vector<4096x1xi32>
      tpu.vector_store %arg6[%swap3A_286, %swap3A_287], %select_n3A_278 {strides = array<i32>} : memref<4096x1xi32, #tpu.memory_space<vmem>>, vector<4096x1xi32>,
      %swap3A_289 = arith.constant 0 : index
      %swap3A_290 = arith.constant 0 : index
      %swap3A_291 = vector.load %arg7[%swap3A_289, %swap3A_290] : memref<4096x1xf32, #tpu.memory_space<vmem>>, vector<4096x1xf32>
      tpu.vector_store %arg7[%swap3A_289, %swap3A_290], %select_n3A_281 {strides = array<i32>} : memref<4096x1xf32, #tpu.memory_space<vmem>>, vector<4096x1xf32>,
      %swap3A_292 = arith.constant 0 : index
      %swap3A_293 = arith.constant 0 : index
      %swap3A_294 = vector.load %arg8[%swap3A_292, %swap3A_293] : memref<1x16xi32, #tpu.memory_space<vmem>>, vector<1x16xi32>
      tpu.vector_store %arg8[%swap3A_292, %swap3A_293], %concatenate3A_285 {strides = array<i32>} : memref<1x16xi32, #tpu.memory_space<vmem>>, vector<1x16xi32>,
      %get3A_295 = arith.constant 0 : index
      %get3A_296 = arith.constant 0 : index
      %get3A_297 = vector.load %arg11[%get3A_295, %get3A_296] : memref<2x1024xf32, #tpu.memory_space<vmem>>, vector<2x1024xf32>
      %swap3A_298 = arith.constant 0 : index
      %swap3A_299 = arith.constant 0 : index
      %swap3A_300 = vector.load %arg9[%swap3A_298, %swap3A_299] : memref<2x1024xf32, #tpu.memory_space<vmem>>, vector<2x1024xf32>
      tpu.vector_store %arg9[%swap3A_298, %swap3A_299], %get3A_297 {strides = array<i32>} : memref<2x1024xf32, #tpu.memory_space<vmem>>, vector<2x1024xf32>,
    } else {
    }
    return
  }
  func.func @transform_0(%arg0: i32) -> (i32, i32) {
    %c0_i32 = arith.constant 0 : i32
    %c0_i32_0 = arith.constant 0 : i32
    return %arg0, %c0_i32 : i32, i32
  }
  func.func @transform_1(%arg0: i32) -> (i32, i32) {
    %c0_i32 = arith.constant 0 : i32
    %c0_i32_0 = arith.constant 0 : i32
    %c0_i32_1 = arith.constant 0 : i32
    return %c0_i32, %c0_i32_0 : i32, i32
  }
  func.func @transform_2(%arg0: i32) -> (i32, i32) {
    %c0_i32 = arith.constant 0 : i32
    %c0_i32_0 = arith.constant 0 : i32
    %c0_i32_1 = arith.constant 0 : i32
    return %c0_i32, %c0_i32_0 : i32, i32
  }
  func.func @transform_3(%arg0: i32) -> (i32, i32) {
    %c0_i32 = arith.constant 0 : i32
    %c0_i32_0 = arith.constant 0 : i32
    %c0_i32_1 = arith.constant 0 : i32
    return %c0_i32, %c0_i32_0 : i32, i32
  }
  func.func @transform_4(%arg0: i32) -> (i32, i32) {
    %c0_i32 = arith.constant 0 : i32
    %c0_i32_0 = arith.constant 0 : i32
    return %arg0, %c0_i32 : i32, i32
  }
  func.func @transform_5(%arg0: i32) -> (i32, i32) {
    %c0_i32 = arith.constant 0 : i32
    %c0_i32_0 = arith.constant 0 : i32
    %c0_i32_1 = arith.constant 0 : i32
    return %c0_i32, %c0_i32_0 : i32, i32
  }
  func.func @transform_6(%arg0: i32) -> (i32, i32) {
    %c0_i32 = arith.constant 0 : i32
    %c0_i32_0 = arith.constant 0 : i32
    %c0_i32_1 = arith.constant 0 : i32
    return %c0_i32, %c0_i32_0 : i32, i32
  }
  func.func @transform_7(%arg0: i32) -> (i32, i32) {
    %c0_i32 = arith.constant 0 : i32
    %c0_i32_0 = arith.constant 0 : i32
    %c0_i32_1 = arith.constant 0 : i32
    return %c0_i32, %c0_i32_0 : i32, i32
  }
  func.func @transform_8(%arg0: i32) -> (i32, i32) {
    %c0_i32 = arith.constant 0 : i32
    %c0_i32_0 = arith.constant 0 : i32
    %c0_i32_1 = arith.constant 0 : i32
    return %c0_i32, %c0_i32_0 : i32, i32
  }
}

module attributes {stable_mosaic.version = 14 : i64} {
  func.func @_ffn_body(%arg0: i32, %arg1: memref<512x1024xf32, #tpu.memory_space<vmem>>, %arg2: memref<1x1024x1024xf32, #tpu.memory_space<vmem>>, %arg3: memref<1x1x1024xf32, #tpu.memory_space<vmem>>, %arg4: memref<1x1024x1024xf32, #tpu.memory_space<vmem>>, %arg5: memref<1x1x1024xf32, #tpu.memory_space<vmem>>, %arg6: memref<512x1024xf32, #tpu.memory_space<vmem>>) attributes {dimension_semantics = [#tpu.dimension_semantics<parallel>], iteration_bounds = array<i64: 8>, scalar_prefetch = 0 : i64, scratch_operands = 0 : i64, tpu.core_type = #tpu.core_type<tc>, window_params = [{transform_indices = @transform_0, window_bounds = array<i64: 512, 1024>}, {transform_indices = @transform_1, window_bounds = array<i64: 1, 1024, 1024>}, {transform_indices = @transform_2, window_bounds = array<i64: 1, 1, 1024>}, {transform_indices = @transform_3, window_bounds = array<i64: 1, 1024, 1024>}, {transform_indices = @transform_4, window_bounds = array<i64: 1, 1, 1024>}, {transform_indices = @transform_5, window_bounds = array<i64: 512, 1024>}]} {
    %get3A = arith.constant 0 : index
    %get3A_0 = arith.constant 0 : index
    %get3A_1 = vector.load %arg1[%get3A, %get3A_0] : memref<512x1024xf32, #tpu.memory_space<vmem>>, vector<512x1024xf32>
    %convert_element_type3A = arith.truncf %get3A_1 : vector<512x1024xf32> to vector<512x1024xbf16>
    %get3A_2 = arith.constant 0 : index
    %get3A_3 = arith.constant 0 : index
    %get3A_4 = arith.constant 0 : index
    %get3A_5 = vector.load %arg2[%get3A_2, %get3A_3, %get3A_4] : memref<1x1024x1024xf32, #tpu.memory_space<vmem>>, vector<1x1024x1024xf32>
    %get3A_6 = vector.shape_cast %get3A_5 : vector<1x1024x1024xf32> to vector<1024x1024xf32>
    %convert_element_type3A_7 = arith.truncf %get3A_6 : vector<1024x1024xf32> to vector<1024x1024xbf16>
    %dot_general3A = arith.constant dense<0.000000e+00> : vector<512x1024xf32>
    %dot_general3A_8 = tpu.matmul %convert_element_type3A, %convert_element_type3A_7, %dot_general3A {dimension_numbers = #tpu.dot_dimension_numbers<[1], [0], [0], [1], [0, 0, 1, 1], [], []>, transpose_lhs_hint = false} : vector<512x1024xbf16>, vector<1024x1024xbf16>, vector<512x1024xf32> -> vector<512x1024xf32>
    %get3A_9 = arith.constant 0 : index
    %get3A_10 = arith.constant 0 : index
    %get3A_11 = arith.constant 0 : index
    %get3A_12 = vector.load %arg3[%get3A_9, %get3A_10, %get3A_11] : memref<1x1x1024xf32, #tpu.memory_space<vmem>>, vector<1x1x1024xf32>
    %get3A_13 = vector.shape_cast %get3A_12 : vector<1x1x1024xf32> to vector<1x1024xf32>
    %add3A = vector.broadcast %get3A_13 : vector<1x1024xf32> to vector<512x1024xf32>
    %add3A_14 = arith.addf %dot_general3A_8, %add3A : vector<512x1024xf32>
    %convert_element_type3A_15 = arith.truncf %add3A_14 : vector<512x1024xf32> to vector<512x1024xbf16>
    %get3A_16 = arith.constant 0 : index
    %get3A_17 = arith.constant 0 : index
    %get3A_18 = arith.constant 0 : index
    %get3A_19 = vector.load %arg4[%get3A_16, %get3A_17, %get3A_18] : memref<1x1024x1024xf32, #tpu.memory_space<vmem>>, vector<1x1024x1024xf32>
    %get3A_20 = vector.shape_cast %get3A_19 : vector<1x1024x1024xf32> to vector<1024x1024xf32>
    %convert_element_type3A_21 = arith.truncf %get3A_20 : vector<1024x1024xf32> to vector<1024x1024xbf16>
    %dot_general3A_22 = arith.constant dense<0.000000e+00> : vector<512x1024xf32>
    %dot_general3A_23 = tpu.matmul %convert_element_type3A_15, %convert_element_type3A_21, %dot_general3A_22 {dimension_numbers = #tpu.dot_dimension_numbers<[1], [0], [0], [1], [0, 0, 1, 1], [], []>, transpose_lhs_hint = false} : vector<512x1024xbf16>, vector<1024x1024xbf16>, vector<512x1024xf32> -> vector<512x1024xf32>
    %get3A_24 = arith.constant 0 : index
    %get3A_25 = arith.constant 0 : index
    %get3A_26 = arith.constant 0 : index
    %get3A_27 = vector.load %arg5[%get3A_24, %get3A_25, %get3A_26] : memref<1x1x1024xf32, #tpu.memory_space<vmem>>, vector<1x1x1024xf32>
    %get3A_28 = vector.shape_cast %get3A_27 : vector<1x1x1024xf32> to vector<1x1024xf32>
    %add3A_29 = vector.broadcast %get3A_28 : vector<1x1024xf32> to vector<512x1024xf32>
    %add3A_30 = arith.addf %dot_general3A_23, %add3A_29 : vector<512x1024xf32>
    %swap3A = arith.constant 0 : index
    %swap3A_31 = arith.constant 0 : index
    %swap3A_32 = vector.load %arg6[%swap3A, %swap3A_31] : memref<512x1024xf32, #tpu.memory_space<vmem>>, vector<512x1024xf32>
    tpu.vector_store %arg6[%swap3A, %swap3A_31], %add3A_30 {strides = array<i32>} : memref<512x1024xf32, #tpu.memory_space<vmem>>, vector<512x1024xf32>,
    return
  }
  func.func @transform_0(%arg0: i32) -> (i32, i32) {
    %c0_i32 = arith.constant 0 : i32
    %c0_i32_0 = arith.constant 0 : i32
    return %arg0, %c0_i32 : i32, i32
  }
  func.func @transform_1(%arg0: i32) -> (i32, i32, i32) {
    %c0_i32 = arith.constant 0 : i32
    %c0_i32_0 = arith.constant 0 : i32
    %c0_i32_1 = arith.constant 0 : i32
    return %arg0, %c0_i32, %c0_i32_0 : i32, i32, i32
  }
  func.func @transform_2(%arg0: i32) -> (i32, i32, i32) {
    %c0_i32 = arith.constant 0 : i32
    %c0_i32_0 = arith.constant 0 : i32
    %c0_i32_1 = arith.constant 0 : i32
    return %arg0, %c0_i32, %c0_i32_0 : i32, i32, i32
  }
  func.func @transform_3(%arg0: i32) -> (i32, i32, i32) {
    %c0_i32 = arith.constant 0 : i32
    %c0_i32_0 = arith.constant 0 : i32
    %c0_i32_1 = arith.constant 0 : i32
    return %arg0, %c0_i32, %c0_i32_0 : i32, i32, i32
  }
  func.func @transform_4(%arg0: i32) -> (i32, i32, i32) {
    %c0_i32 = arith.constant 0 : i32
    %c0_i32_0 = arith.constant 0 : i32
    %c0_i32_1 = arith.constant 0 : i32
    return %arg0, %c0_i32, %c0_i32_0 : i32, i32, i32
  }
  func.func @transform_5(%arg0: i32) -> (i32, i32) {
    %c0_i32 = arith.constant 0 : i32
    %c0_i32_0 = arith.constant 0 : i32
    return %arg0, %c0_i32 : i32, i32
  }
}

module attributes {stable_mosaic.version = 14 : i64} {
  func.func @_w2_body(%arg0: i32, %arg1: memref<512x1024xf32, #tpu.memory_space<vmem>>, %arg2: memref<512x1xf32, #tpu.memory_space<vmem>>, %arg3: memref<1024x1024xf32, #tpu.memory_space<vmem>>, %arg4: memref<1x1024xf32, #tpu.memory_space<vmem>>, %arg5: memref<1024x8xf32, #tpu.memory_space<vmem>>, %arg6: memref<512x1024xf32, #tpu.memory_space<vmem>>, %arg7: memref<4096x1xi32, #tpu.memory_space<vmem>>, %arg8: memref<4096x128xf32, #tpu.memory_space<vmem>>, %arg9: memref<1x16xi32, #tpu.memory_space<vmem>>, %arg10: memref<4096x8xf32, #tpu.memory_space<vmem>>) attributes {dimension_semantics = [#tpu.dimension_semantics<arbitrary>], iteration_bounds = array<i64: 8>, scalar_prefetch = 0 : i64, scratch_operands = 1 : i64, tpu.core_type = #tpu.core_type<tc>, window_params = [{transform_indices = @transform_0, window_bounds = array<i64: 512, 1024>}, {transform_indices = @transform_1, window_bounds = array<i64: 512, 1>}, {pipeline_mode = #tpu.pipeline_mode<synchronous>, transform_indices = @transform_2, window_bounds = array<i64: 1024, 1024>}, {pipeline_mode = #tpu.pipeline_mode<synchronous>, transform_indices = @transform_3, window_bounds = array<i64: 1, 1024>}, {pipeline_mode = #tpu.pipeline_mode<synchronous>, transform_indices = @transform_4, window_bounds = array<i64: 1024, 8>}, {transform_indices = @transform_5, window_bounds = array<i64: 512, 1024>}, {pipeline_mode = #tpu.pipeline_mode<synchronous>, transform_indices = @transform_6, window_bounds = array<i64: 4096, 1>}, {pipeline_mode = #tpu.pipeline_mode<synchronous>, transform_indices = @transform_7, window_bounds = array<i64: 4096, 128>}, {pipeline_mode = #tpu.pipeline_mode<synchronous>, transform_indices = @transform_8, window_bounds = array<i64: 1, 16>}]} {
    %get3A = arith.constant 0 : index
    %get3A_0 = arith.constant 0 : index
    %get3A_1 = vector.load %arg2[%get3A, %get3A_0] : memref<512x1xf32, #tpu.memory_space<vmem>>, vector<512x1xf32>
    %gt3A = arith.constant 0.000000e+00 : f32
    %gt3A_2 = vector.broadcast %gt3A : f32 to vector<512x1xf32>
    %gt3A_3 = arith.cmpf ogt, %get3A_1, %gt3A_2 : vector<512x1xf32>
    %get3A_4 = arith.constant 0 : index
    %get3A_5 = arith.constant 0 : index
    %get3A_6 = vector.load %arg1[%get3A_4, %get3A_5] : memref<512x1024xf32, #tpu.memory_space<vmem>>, vector<512x1024xf32>
    %mul3A = vector.broadcast %get3A_1 : vector<512x1xf32> to vector<512x1024xf32>
    %mul3A_7 = arith.mulf %get3A_6, %mul3A : vector<512x1024xf32>
    %jit3A = arith.constant 0.000000e+00 : f32
    %broadcast_in_dim3A = vector.shape_cast %gt3A_3 : vector<512x1xi1> to vector<512x1xi1>
    %broadcast_in_dim3A_8 = vector.broadcast %broadcast_in_dim3A : vector<512x1xi1> to vector<512x1024xi1>
    %broadcast_in_dim3A_9 = vector.broadcast %jit3A : f32 to vector<512x1024xf32>
    %select_n3A = arith.select %broadcast_in_dim3A_8, %mul3A_7, %broadcast_in_dim3A_9 : vector<512x1024xi1>, vector<512x1024xf32>
    %convert_element_type3A = arith.truncf %select_n3A : vector<512x1024xf32> to vector<512x1024xbf16>
    %get3A_10 = arith.constant 0 : index
    %get3A_11 = arith.constant 0 : index
    %get3A_12 = vector.load %arg3[%get3A_10, %get3A_11] : memref<1024x1024xf32, #tpu.memory_space<vmem>>, vector<1024x1024xf32>
    %convert_element_type3A_13 = arith.truncf %get3A_12 : vector<1024x1024xf32> to vector<1024x1024xbf16>
    %dot_general3A = arith.constant dense<0.000000e+00> : vector<512x1024xf32>
    %dot_general3A_14 = tpu.matmul %convert_element_type3A, %convert_element_type3A_13, %dot_general3A {dimension_numbers = #tpu.dot_dimension_numbers<[1], [0], [0], [1], [0, 0, 1, 1], [], []>, transpose_lhs_hint = false} : vector<512x1024xbf16>, vector<1024x1024xbf16>, vector<512x1024xf32> -> vector<512x1024xf32>
    %get3A_15 = arith.constant 0 : index
    %get3A_16 = arith.constant 0 : index
    %get3A_17 = vector.load %arg4[%get3A_15, %get3A_16] : memref<1x1024xf32, #tpu.memory_space<vmem>>, vector<1x1024xf32>
    %add3A = vector.broadcast %get3A_17 : vector<1x1024xf32> to vector<512x1024xf32>
    %add3A_18 = arith.addf %dot_general3A_14, %add3A : vector<512x1024xf32>
    %swap3A = arith.constant 0 : index
    %swap3A_19 = arith.constant 0 : index
    %swap3A_20 = vector.load %arg6[%swap3A, %swap3A_19] : memref<512x1024xf32, #tpu.memory_space<vmem>>, vector<512x1024xf32>
    tpu.vector_store %arg6[%swap3A, %swap3A_19], %add3A_18 {strides = array<i32>} : memref<512x1024xf32, #tpu.memory_space<vmem>>, vector<512x1024xf32>,
    %convert_element_type3A_21 = arith.truncf %add3A_18 : vector<512x1024xf32> to vector<512x1024xbf16>
    %get3A_22 = arith.constant 0 : index
    %get3A_23 = arith.constant 0 : index
    %get3A_24 = vector.load %arg5[%get3A_22, %get3A_23] : memref<1024x8xf32, #tpu.memory_space<vmem>>, vector<1024x8xf32>
    %convert_element_type3A_25 = arith.truncf %get3A_24 : vector<1024x8xf32> to vector<1024x8xbf16>
    %dot_general3A_26 = arith.constant dense<0.000000e+00> : vector<512x8xf32>
    %dot_general3A_27 = tpu.matmul %convert_element_type3A_21, %convert_element_type3A_25, %dot_general3A_26 {dimension_numbers = #tpu.dot_dimension_numbers<[1], [0], [0], [1], [0, 0, 1, 1], [], []>, transpose_lhs_hint = false} : vector<512x1024xbf16>, vector<1024x8xbf16>, vector<512x8xf32> -> vector<512x8xf32>
    %mul3A_28 = arith.constant 512 : i32
    %mul3A_29 = arith.muli %arg0, %mul3A_28 : i32
    %swap3A_30 = arith.index_cast %mul3A_29 : i32 to index
    %swap3A_31 = arith.constant 0 : index
    %swap3A_32 = vector.load %arg10[%swap3A_30, %swap3A_31] : memref<4096x8xf32, #tpu.memory_space<vmem>>, vector<512x8xf32>
    tpu.vector_store %arg10[%swap3A_30, %swap3A_31], %dot_general3A_27 {strides = array<i32>} : memref<4096x8xf32, #tpu.memory_space<vmem>>, vector<512x8xf32>,
    %eq3A = arith.constant 7 : i32
    %eq3A_33 = arith.cmpi eq, %arg0, %eq3A : i32
    %convert_element_type3A_34 = arith.extui %eq3A_33 : i1 to i32
    %cond3A = arith.constant 0 : i32
    %cond3A_35 = arith.cmpi ne, %convert_element_type3A_34, %cond3A : i32
    scf.if %cond3A_35 {
      %get3A_36 = arith.constant 0 : index
      %get3A_37 = arith.constant 0 : index
      %get3A_38 = vector.load %arg10[%get3A_36, %get3A_37] : memref<4096x8xf32, #tpu.memory_space<vmem>>, vector<4096x8xf32>
      %reduce_max3A = arith.constant dense<0xFF800000> : vector<4096xf32>
      %reduce_max3A_39 = vector.multi_reduction <maximumf>, %get3A_38, %reduce_max3A [1] : vector<4096x8xf32> to vector<4096xf32>
      %broadcast_in_dim3A_40 = vector.shape_cast %reduce_max3A_39 : vector<4096xf32> to vector<4096x1xf32>
      %sub3A = vector.broadcast %broadcast_in_dim3A_40 : vector<4096x1xf32> to vector<4096x8xf32>
      %sub3A_41 = arith.subf %get3A_38, %sub3A : vector<4096x8xf32>
      %exp3A = math.exp %sub3A_41 : vector<4096x8xf32>
      %reduce_sum3A = arith.constant dense<0.000000e+00> : vector<4096xf32>
      %reduce_sum3A_42 = vector.multi_reduction <add>, %exp3A, %reduce_sum3A [1] : vector<4096x8xf32> to vector<4096xf32>
      %broadcast_in_dim3A_43 = vector.shape_cast %reduce_sum3A_42 : vector<4096xf32> to vector<4096x1xf32>
      %div3A = arith.constant 1.000000e+00 : f32
      %div3A_44 = vector.broadcast %div3A : f32 to vector<4096x1xf32>
      %div3A_45 = arith.divf %div3A_44, %broadcast_in_dim3A_43 : vector<4096x1xf32>
      %iota3A = tpu.iota {dimensions = array<i32: 1>} : vector<4096x8xi32>
      %eq3A_46 = vector.broadcast %broadcast_in_dim3A_40 : vector<4096x1xf32> to vector<4096x8xf32>
      %eq3A_47 = arith.cmpf oeq, %get3A_38, %eq3A_46 : vector<4096x8xf32>
      %jit3A_48 = arith.constant 8 : i32
      %broadcast_in_dim3A_49 = vector.broadcast %jit3A_48 : i32 to vector<4096x8xi32>
      %select_n3A_50 = arith.select %eq3A_47, %iota3A, %broadcast_in_dim3A_49 : vector<4096x8xi1>, vector<4096x8xi32>
      %reduce_min3A = arith.constant dense<2147483647> : vector<4096xi32>
      %reduce_min3A_51 = vector.multi_reduction <minsi>, %select_n3A_50, %reduce_min3A [1] : vector<4096x8xi32> to vector<4096xi32>
      %broadcast_in_dim3A_52 = vector.shape_cast %reduce_min3A_51 : vector<4096xi32> to vector<4096x1xi32>
      %eq3A_53 = vector.broadcast %broadcast_in_dim3A_52 : vector<4096x1xi32> to vector<4096x8xi32>
      %eq3A_54 = arith.cmpi eq, %iota3A, %eq3A_53 : vector<4096x8xi32>
      %convert_element_type3A_55 = arith.extui %eq3A_54 : vector<4096x8xi1> to vector<4096x8xi32>
      %convert_element_type3A_56 = arith.sitofp %convert_element_type3A_55 : vector<4096x8xi32> to vector<4096x8xf32>
      %iota3A_57 = tpu.iota {dimensions = array<i32: 0>} : vector<512x512xi32>
      %iota3A_58 = tpu.iota {dimensions = array<i32: 1>} : vector<512x512xi32>
      %le3A = arith.cmpi sle, %iota3A_58, %iota3A_57 : vector<512x512xi32>
      %convert_element_type3A_59 = arith.extui %le3A : vector<512x512xi1> to vector<512x512xi32>
      %convert_element_type3A_60 = arith.sitofp %convert_element_type3A_59 : vector<512x512xi32> to vector<512x512xf32>
      %convert_element_type3A_61 = arith.truncf %convert_element_type3A_60 : vector<512x512xf32> to vector<512x512xbf16>
      %broadcast_in_dim3A_62 = arith.constant 0.000000e+00 : f32
      %broadcast_in_dim3A_63 = vector.broadcast %broadcast_in_dim3A_62 : f32 to vector<1x8xf32>
      %slice3A = vector.extract_strided_slice %convert_element_type3A_56 {offsets = [0, 0], sizes = [512, 8], strides = [1, 1]} : vector<4096x8xf32> to vector<512x8xf32>
      %convert_element_type3A_64 = arith.truncf %slice3A : vector<512x8xf32> to vector<512x8xbf16>
      %dot_general3A_65 = arith.constant dense<0.000000e+00> : vector<512x8xf32>
      %dot_general3A_66 = tpu.matmul %convert_element_type3A_61, %convert_element_type3A_64, %dot_general3A_65 {dimension_numbers = #tpu.dot_dimension_numbers<[1], [0], [0], [1], [0, 0, 1, 1], [], []>, transpose_lhs_hint = false} : vector<512x512xbf16>, vector<512x8xbf16>, vector<512x8xf32> -> vector<512x8xf32>
      %mul3A_67 = arith.mulf %dot_general3A_66, %slice3A : vector<512x8xf32>
      %reduce_sum3A_68 = arith.constant dense<0.000000e+00> : vector<512xf32>
      %reduce_sum3A_69 = vector.multi_reduction <add>, %mul3A_67, %reduce_sum3A_68 [1] : vector<512x8xf32> to vector<512xf32>
      %broadcast_in_dim3A_70 = vector.shape_cast %reduce_sum3A_69 : vector<512xf32> to vector<512x1xf32>
      %mul3A_71 = vector.broadcast %broadcast_in_dim3A_63 : vector<1x8xf32> to vector<512x8xf32>
      %mul3A_72 = arith.mulf %mul3A_71, %slice3A : vector<512x8xf32>
      %reduce_sum3A_73 = arith.constant dense<0.000000e+00> : vector<512xf32>
      %reduce_sum3A_74 = vector.multi_reduction <add>, %mul3A_72, %reduce_sum3A_73 [1] : vector<512x8xf32> to vector<512xf32>
      %broadcast_in_dim3A_75 = vector.shape_cast %reduce_sum3A_74 : vector<512xf32> to vector<512x1xf32>
      %add3A_76 = arith.addf %broadcast_in_dim3A_75, %broadcast_in_dim3A_70 : vector<512x1xf32>
      %sub3A_77 = arith.constant 1.000000e+00 : f32
      %sub3A_78 = vector.broadcast %sub3A_77 : f32 to vector<512x1xf32>
      %sub3A_79 = arith.subf %add3A_76, %sub3A_78 : vector<512x1xf32>
      %reduce_sum3A_80 = arith.constant dense<0.000000e+00> : vector<8xf32>
      %reduce_sum3A_81 = vector.multi_reduction <add>, %slice3A, %reduce_sum3A_80 [0] : vector<512x8xf32> to vector<8xf32>
      %broadcast_in_dim3A_82 = vector.shape_cast %reduce_sum3A_81 : vector<8xf32> to vector<1x8xf32>
      %add3A_83 = arith.addf %broadcast_in_dim3A_63, %broadcast_in_dim3A_82 : vector<1x8xf32>
      %slice3A_84 = vector.extract_strided_slice %convert_element_type3A_56 {offsets = [512, 0], sizes = [512, 8], strides = [1, 1]} : vector<4096x8xf32> to vector<512x8xf32>
      %convert_element_type3A_85 = arith.truncf %slice3A_84 : vector<512x8xf32> to vector<512x8xbf16>
      %dot_general3A_86 = arith.constant dense<0.000000e+00> : vector<512x8xf32>
      %dot_general3A_87 = tpu.matmul %convert_element_type3A_61, %convert_element_type3A_85, %dot_general3A_86 {dimension_numbers = #tpu.dot_dimension_numbers<[1], [0], [0], [1], [0, 0, 1, 1], [], []>, transpose_lhs_hint = false} : vector<512x512xbf16>, vector<512x8xbf16>, vector<512x8xf32> -> vector<512x8xf32>
      %mul3A_88 = arith.mulf %dot_general3A_87, %slice3A_84 : vector<512x8xf32>
      %reduce_sum3A_89 = arith.constant dense<0.000000e+00> : vector<512xf32>
      %reduce_sum3A_90 = vector.multi_reduction <add>, %mul3A_88, %reduce_sum3A_89 [1] : vector<512x8xf32> to vector<512xf32>
      %broadcast_in_dim3A_91 = vector.shape_cast %reduce_sum3A_90 : vector<512xf32> to vector<512x1xf32>
      %mul3A_92 = vector.broadcast %add3A_83 : vector<1x8xf32> to vector<512x8xf32>
      %mul3A_93 = arith.mulf %mul3A_92, %slice3A_84 : vector<512x8xf32>
      %reduce_sum3A_94 = arith.constant dense<0.000000e+00> : vector<512xf32>
      %reduce_sum3A_95 = vector.multi_reduction <add>, %mul3A_93, %reduce_sum3A_94 [1] : vector<512x8xf32> to vector<512xf32>
      %broadcast_in_dim3A_96 = vector.shape_cast %reduce_sum3A_95 : vector<512xf32> to vector<512x1xf32>
      %add3A_97 = arith.addf %broadcast_in_dim3A_96, %broadcast_in_dim3A_91 : vector<512x1xf32>
      %sub3A_98 = arith.constant 1.000000e+00 : f32
      %sub3A_99 = vector.broadcast %sub3A_98 : f32 to vector<512x1xf32>
      %sub3A_100 = arith.subf %add3A_97, %sub3A_99 : vector<512x1xf32>
      %reduce_sum3A_101 = arith.constant dense<0.000000e+00> : vector<8xf32>
      %reduce_sum3A_102 = vector.multi_reduction <add>, %slice3A_84, %reduce_sum3A_101 [0] : vector<512x8xf32> to vector<8xf32>
      %broadcast_in_dim3A_103 = vector.shape_cast %reduce_sum3A_102 : vector<8xf32> to vector<1x8xf32>
      %add3A_104 = arith.addf %add3A_83, %broadcast_in_dim3A_103 : vector<1x8xf32>
      %slice3A_105 = vector.extract_strided_slice %convert_element_type3A_56 {offsets = [1024, 0], sizes = [512, 8], strides = [1, 1]} : vector<4096x8xf32> to vector<512x8xf32>
      %convert_element_type3A_106 = arith.truncf %slice3A_105 : vector<512x8xf32> to vector<512x8xbf16>
      %dot_general3A_107 = arith.constant dense<0.000000e+00> : vector<512x8xf32>
      %dot_general3A_108 = tpu.matmul %convert_element_type3A_61, %convert_element_type3A_106, %dot_general3A_107 {dimension_numbers = #tpu.dot_dimension_numbers<[1], [0], [0], [1], [0, 0, 1, 1], [], []>, transpose_lhs_hint = false} : vector<512x512xbf16>, vector<512x8xbf16>, vector<512x8xf32> -> vector<512x8xf32>
      %mul3A_109 = arith.mulf %dot_general3A_108, %slice3A_105 : vector<512x8xf32>
      %reduce_sum3A_110 = arith.constant dense<0.000000e+00> : vector<512xf32>
      %reduce_sum3A_111 = vector.multi_reduction <add>, %mul3A_109, %reduce_sum3A_110 [1] : vector<512x8xf32> to vector<512xf32>
      %broadcast_in_dim3A_112 = vector.shape_cast %reduce_sum3A_111 : vector<512xf32> to vector<512x1xf32>
      %mul3A_113 = vector.broadcast %add3A_104 : vector<1x8xf32> to vector<512x8xf32>
      %mul3A_114 = arith.mulf %mul3A_113, %slice3A_105 : vector<512x8xf32>
      %reduce_sum3A_115 = arith.constant dense<0.000000e+00> : vector<512xf32>
      %reduce_sum3A_116 = vector.multi_reduction <add>, %mul3A_114, %reduce_sum3A_115 [1] : vector<512x8xf32> to vector<512xf32>
      %broadcast_in_dim3A_117 = vector.shape_cast %reduce_sum3A_116 : vector<512xf32> to vector<512x1xf32>
      %add3A_118 = arith.addf %broadcast_in_dim3A_117, %broadcast_in_dim3A_112 : vector<512x1xf32>
      %sub3A_119 = arith.constant 1.000000e+00 : f32
      %sub3A_120 = vector.broadcast %sub3A_119 : f32 to vector<512x1xf32>
      %sub3A_121 = arith.subf %add3A_118, %sub3A_120 : vector<512x1xf32>
      %reduce_sum3A_122 = arith.constant dense<0.000000e+00> : vector<8xf32>
      %reduce_sum3A_123 = vector.multi_reduction <add>, %slice3A_105, %reduce_sum3A_122 [0] : vector<512x8xf32> to vector<8xf32>
      %broadcast_in_dim3A_124 = vector.shape_cast %reduce_sum3A_123 : vector<8xf32> to vector<1x8xf32>
      %add3A_125 = arith.addf %add3A_104, %broadcast_in_dim3A_124 : vector<1x8xf32>
      %slice3A_126 = vector.extract_strided_slice %convert_element_type3A_56 {offsets = [1536, 0], sizes = [512, 8], strides = [1, 1]} : vector<4096x8xf32> to vector<512x8xf32>
      %convert_element_type3A_127 = arith.truncf %slice3A_126 : vector<512x8xf32> to vector<512x8xbf16>
      %dot_general3A_128 = arith.constant dense<0.000000e+00> : vector<512x8xf32>
      %dot_general3A_129 = tpu.matmul %convert_element_type3A_61, %convert_element_type3A_127, %dot_general3A_128 {dimension_numbers = #tpu.dot_dimension_numbers<[1], [0], [0], [1], [0, 0, 1, 1], [], []>, transpose_lhs_hint = false} : vector<512x512xbf16>, vector<512x8xbf16>, vector<512x8xf32> -> vector<512x8xf32>
      %mul3A_130 = arith.mulf %dot_general3A_129, %slice3A_126 : vector<512x8xf32>
      %reduce_sum3A_131 = arith.constant dense<0.000000e+00> : vector<512xf32>
      %reduce_sum3A_132 = vector.multi_reduction <add>, %mul3A_130, %reduce_sum3A_131 [1] : vector<512x8xf32> to vector<512xf32>
      %broadcast_in_dim3A_133 = vector.shape_cast %reduce_sum3A_132 : vector<512xf32> to vector<512x1xf32>
      %mul3A_134 = vector.broadcast %add3A_125 : vector<1x8xf32> to vector<512x8xf32>
      %mul3A_135 = arith.mulf %mul3A_134, %slice3A_126 : vector<512x8xf32>
      %reduce_sum3A_136 = arith.constant dense<0.000000e+00> : vector<512xf32>
      %reduce_sum3A_137 = vector.multi_reduction <add>, %mul3A_135, %reduce_sum3A_136 [1] : vector<512x8xf32> to vector<512xf32>
      %broadcast_in_dim3A_138 = vector.shape_cast %reduce_sum3A_137 : vector<512xf32> to vector<512x1xf32>
      %add3A_139 = arith.addf %broadcast_in_dim3A_138, %broadcast_in_dim3A_133 : vector<512x1xf32>
      %sub3A_140 = arith.constant 1.000000e+00 : f32
      %sub3A_141 = vector.broadcast %sub3A_140 : f32 to vector<512x1xf32>
      %sub3A_142 = arith.subf %add3A_139, %sub3A_141 : vector<512x1xf32>
      %reduce_sum3A_143 = arith.constant dense<0.000000e+00> : vector<8xf32>
      %reduce_sum3A_144 = vector.multi_reduction <add>, %slice3A_126, %reduce_sum3A_143 [0] : vector<512x8xf32> to vector<8xf32>
      %broadcast_in_dim3A_145 = vector.shape_cast %reduce_sum3A_144 : vector<8xf32> to vector<1x8xf32>
      %add3A_146 = arith.addf %add3A_125, %broadcast_in_dim3A_145 : vector<1x8xf32>
      %slice3A_147 = vector.extract_strided_slice %convert_element_type3A_56 {offsets = [2048, 0], sizes = [512, 8], strides = [1, 1]} : vector<4096x8xf32> to vector<512x8xf32>
      %convert_element_type3A_148 = arith.truncf %slice3A_147 : vector<512x8xf32> to vector<512x8xbf16>
      %dot_general3A_149 = arith.constant dense<0.000000e+00> : vector<512x8xf32>
      %dot_general3A_150 = tpu.matmul %convert_element_type3A_61, %convert_element_type3A_148, %dot_general3A_149 {dimension_numbers = #tpu.dot_dimension_numbers<[1], [0], [0], [1], [0, 0, 1, 1], [], []>, transpose_lhs_hint = false} : vector<512x512xbf16>, vector<512x8xbf16>, vector<512x8xf32> -> vector<512x8xf32>
      %mul3A_151 = arith.mulf %dot_general3A_150, %slice3A_147 : vector<512x8xf32>
      %reduce_sum3A_152 = arith.constant dense<0.000000e+00> : vector<512xf32>
      %reduce_sum3A_153 = vector.multi_reduction <add>, %mul3A_151, %reduce_sum3A_152 [1] : vector<512x8xf32> to vector<512xf32>
      %broadcast_in_dim3A_154 = vector.shape_cast %reduce_sum3A_153 : vector<512xf32> to vector<512x1xf32>
      %mul3A_155 = vector.broadcast %add3A_146 : vector<1x8xf32> to vector<512x8xf32>
      %mul3A_156 = arith.mulf %mul3A_155, %slice3A_147 : vector<512x8xf32>
      %reduce_sum3A_157 = arith.constant dense<0.000000e+00> : vector<512xf32>
      %reduce_sum3A_158 = vector.multi_reduction <add>, %mul3A_156, %reduce_sum3A_157 [1] : vector<512x8xf32> to vector<512xf32>
      %broadcast_in_dim3A_159 = vector.shape_cast %reduce_sum3A_158 : vector<512xf32> to vector<512x1xf32>
      %add3A_160 = arith.addf %broadcast_in_dim3A_159, %broadcast_in_dim3A_154 : vector<512x1xf32>
      %sub3A_161 = arith.constant 1.000000e+00 : f32
      %sub3A_162 = vector.broadcast %sub3A_161 : f32 to vector<512x1xf32>
      %sub3A_163 = arith.subf %add3A_160, %sub3A_162 : vector<512x1xf32>
      %reduce_sum3A_164 = arith.constant dense<0.000000e+00> : vector<8xf32>
      %reduce_sum3A_165 = vector.multi_reduction <add>, %slice3A_147, %reduce_sum3A_164 [0] : vector<512x8xf32> to vector<8xf32>
      %broadcast_in_dim3A_166 = vector.shape_cast %reduce_sum3A_165 : vector<8xf32> to vector<1x8xf32>
      %add3A_167 = arith.addf %add3A_146, %broadcast_in_dim3A_166 : vector<1x8xf32>
      %slice3A_168 = vector.extract_strided_slice %convert_element_type3A_56 {offsets = [2560, 0], sizes = [512, 8], strides = [1, 1]} : vector<4096x8xf32> to vector<512x8xf32>
      %convert_element_type3A_169 = arith.truncf %slice3A_168 : vector<512x8xf32> to vector<512x8xbf16>
      %dot_general3A_170 = arith.constant dense<0.000000e+00> : vector<512x8xf32>
      %dot_general3A_171 = tpu.matmul %convert_element_type3A_61, %convert_element_type3A_169, %dot_general3A_170 {dimension_numbers = #tpu.dot_dimension_numbers<[1], [0], [0], [1], [0, 0, 1, 1], [], []>, transpose_lhs_hint = false} : vector<512x512xbf16>, vector<512x8xbf16>, vector<512x8xf32> -> vector<512x8xf32>
      %mul3A_172 = arith.mulf %dot_general3A_171, %slice3A_168 : vector<512x8xf32>
      %reduce_sum3A_173 = arith.constant dense<0.000000e+00> : vector<512xf32>
      %reduce_sum3A_174 = vector.multi_reduction <add>, %mul3A_172, %reduce_sum3A_173 [1] : vector<512x8xf32> to vector<512xf32>
      %broadcast_in_dim3A_175 = vector.shape_cast %reduce_sum3A_174 : vector<512xf32> to vector<512x1xf32>
      %mul3A_176 = vector.broadcast %add3A_167 : vector<1x8xf32> to vector<512x8xf32>
      %mul3A_177 = arith.mulf %mul3A_176, %slice3A_168 : vector<512x8xf32>
      %reduce_sum3A_178 = arith.constant dense<0.000000e+00> : vector<512xf32>
      %reduce_sum3A_179 = vector.multi_reduction <add>, %mul3A_177, %reduce_sum3A_178 [1] : vector<512x8xf32> to vector<512xf32>
      %broadcast_in_dim3A_180 = vector.shape_cast %reduce_sum3A_179 : vector<512xf32> to vector<512x1xf32>
      %add3A_181 = arith.addf %broadcast_in_dim3A_180, %broadcast_in_dim3A_175 : vector<512x1xf32>
      %sub3A_182 = arith.constant 1.000000e+00 : f32
      %sub3A_183 = vector.broadcast %sub3A_182 : f32 to vector<512x1xf32>
      %sub3A_184 = arith.subf %add3A_181, %sub3A_183 : vector<512x1xf32>
      %reduce_sum3A_185 = arith.constant dense<0.000000e+00> : vector<8xf32>
      %reduce_sum3A_186 = vector.multi_reduction <add>, %slice3A_168, %reduce_sum3A_185 [0] : vector<512x8xf32> to vector<8xf32>
      %broadcast_in_dim3A_187 = vector.shape_cast %reduce_sum3A_186 : vector<8xf32> to vector<1x8xf32>
      %add3A_188 = arith.addf %add3A_167, %broadcast_in_dim3A_187 : vector<1x8xf32>
      %slice3A_189 = vector.extract_strided_slice %convert_element_type3A_56 {offsets = [3072, 0], sizes = [512, 8], strides = [1, 1]} : vector<4096x8xf32> to vector<512x8xf32>
      %convert_element_type3A_190 = arith.truncf %slice3A_189 : vector<512x8xf32> to vector<512x8xbf16>
      %dot_general3A_191 = arith.constant dense<0.000000e+00> : vector<512x8xf32>
      %dot_general3A_192 = tpu.matmul %convert_element_type3A_61, %convert_element_type3A_190, %dot_general3A_191 {dimension_numbers = #tpu.dot_dimension_numbers<[1], [0], [0], [1], [0, 0, 1, 1], [], []>, transpose_lhs_hint = false} : vector<512x512xbf16>, vector<512x8xbf16>, vector<512x8xf32> -> vector<512x8xf32>
      %mul3A_193 = arith.mulf %dot_general3A_192, %slice3A_189 : vector<512x8xf32>
      %reduce_sum3A_194 = arith.constant dense<0.000000e+00> : vector<512xf32>
      %reduce_sum3A_195 = vector.multi_reduction <add>, %mul3A_193, %reduce_sum3A_194 [1] : vector<512x8xf32> to vector<512xf32>
      %broadcast_in_dim3A_196 = vector.shape_cast %reduce_sum3A_195 : vector<512xf32> to vector<512x1xf32>
      %mul3A_197 = vector.broadcast %add3A_188 : vector<1x8xf32> to vector<512x8xf32>
      %mul3A_198 = arith.mulf %mul3A_197, %slice3A_189 : vector<512x8xf32>
      %reduce_sum3A_199 = arith.constant dense<0.000000e+00> : vector<512xf32>
      %reduce_sum3A_200 = vector.multi_reduction <add>, %mul3A_198, %reduce_sum3A_199 [1] : vector<512x8xf32> to vector<512xf32>
      %broadcast_in_dim3A_201 = vector.shape_cast %reduce_sum3A_200 : vector<512xf32> to vector<512x1xf32>
      %add3A_202 = arith.addf %broadcast_in_dim3A_201, %broadcast_in_dim3A_196 : vector<512x1xf32>
      %sub3A_203 = arith.constant 1.000000e+00 : f32
      %sub3A_204 = vector.broadcast %sub3A_203 : f32 to vector<512x1xf32>
      %sub3A_205 = arith.subf %add3A_202, %sub3A_204 : vector<512x1xf32>
      %reduce_sum3A_206 = arith.constant dense<0.000000e+00> : vector<8xf32>
      %reduce_sum3A_207 = vector.multi_reduction <add>, %slice3A_189, %reduce_sum3A_206 [0] : vector<512x8xf32> to vector<8xf32>
      %broadcast_in_dim3A_208 = vector.shape_cast %reduce_sum3A_207 : vector<8xf32> to vector<1x8xf32>
      %add3A_209 = arith.addf %add3A_188, %broadcast_in_dim3A_208 : vector<1x8xf32>
      %slice3A_210 = vector.extract_strided_slice %convert_element_type3A_56 {offsets = [3584, 0], sizes = [512, 8], strides = [1, 1]} : vector<4096x8xf32> to vector<512x8xf32>
      %convert_element_type3A_211 = arith.truncf %slice3A_210 : vector<512x8xf32> to vector<512x8xbf16>
      %dot_general3A_212 = arith.constant dense<0.000000e+00> : vector<512x8xf32>
      %dot_general3A_213 = tpu.matmul %convert_element_type3A_61, %convert_element_type3A_211, %dot_general3A_212 {dimension_numbers = #tpu.dot_dimension_numbers<[1], [0], [0], [1], [0, 0, 1, 1], [], []>, transpose_lhs_hint = false} : vector<512x512xbf16>, vector<512x8xbf16>, vector<512x8xf32> -> vector<512x8xf32>
      %mul3A_214 = arith.mulf %dot_general3A_213, %slice3A_210 : vector<512x8xf32>
      %reduce_sum3A_215 = arith.constant dense<0.000000e+00> : vector<512xf32>
      %reduce_sum3A_216 = vector.multi_reduction <add>, %mul3A_214, %reduce_sum3A_215 [1] : vector<512x8xf32> to vector<512xf32>
      %broadcast_in_dim3A_217 = vector.shape_cast %reduce_sum3A_216 : vector<512xf32> to vector<512x1xf32>
      %mul3A_218 = vector.broadcast %add3A_209 : vector<1x8xf32> to vector<512x8xf32>
      %mul3A_219 = arith.mulf %mul3A_218, %slice3A_210 : vector<512x8xf32>
      %reduce_sum3A_220 = arith.constant dense<0.000000e+00> : vector<512xf32>
      %reduce_sum3A_221 = vector.multi_reduction <add>, %mul3A_219, %reduce_sum3A_220 [1] : vector<512x8xf32> to vector<512xf32>
      %broadcast_in_dim3A_222 = vector.shape_cast %reduce_sum3A_221 : vector<512xf32> to vector<512x1xf32>
      %add3A_223 = arith.addf %broadcast_in_dim3A_222, %broadcast_in_dim3A_217 : vector<512x1xf32>
      %sub3A_224 = arith.constant 1.000000e+00 : f32
      %sub3A_225 = vector.broadcast %sub3A_224 : f32 to vector<512x1xf32>
      %sub3A_226 = arith.subf %add3A_223, %sub3A_225 : vector<512x1xf32>
      %reduce_sum3A_227 = arith.constant dense<0.000000e+00> : vector<8xf32>
      %reduce_sum3A_228 = vector.multi_reduction <add>, %slice3A_210, %reduce_sum3A_227 [0] : vector<512x8xf32> to vector<8xf32>
      %broadcast_in_dim3A_229 = vector.shape_cast %reduce_sum3A_228 : vector<8xf32> to vector<1x8xf32>
      %add3A_230 = arith.addf %add3A_209, %broadcast_in_dim3A_229 : vector<1x8xf32>
      %concatenate3A = tpu.concatenate %sub3A_79, %sub3A_100, %sub3A_121, %sub3A_142, %sub3A_163, %sub3A_184, %sub3A_205, %sub3A_226 in 0 : vector<512x1xf32>, vector<512x1xf32>, vector<512x1xf32>, vector<512x1xf32>, vector<512x1xf32>, vector<512x1xf32>, vector<512x1xf32>, vector<512x1xf32> -> vector<4096x1xf32>
      %lt3A = arith.constant 5.120000e+02 : f32
      %lt3A_231 = vector.broadcast %lt3A : f32 to vector<4096x1xf32>
      %lt3A_232 = arith.cmpf olt, %concatenate3A, %lt3A_231 : vector<4096x1xf32>
      %min3A = arith.constant 5.110000e+02 : f32
      %min3A_233 = vector.broadcast %min3A : f32 to vector<4096x1xf32>
      %min3A_234 = arith.minimumf %concatenate3A, %min3A_233 : vector<4096x1xf32>
      %convert_element_type3A_235 = arith.fptosi %min3A_234 : vector<4096x1xf32> to vector<4096x1xi32>
      %mul3A_236 = arith.constant 512 : i32
      %mul3A_237 = vector.broadcast %mul3A_236 : i32 to vector<4096x1xi32>
      %mul3A_238 = arith.muli %broadcast_in_dim3A_52, %mul3A_237 : vector<4096x1xi32>
      %add3A_239 = arith.addi %mul3A_238, %convert_element_type3A_235 : vector<4096x1xi32>
      %iota3A_240 = tpu.iota {dimensions = array<i32: 0>} : vector<4096x1xi32>
      %and3A = arith.constant 511 : i32
      %and3A_241 = vector.broadcast %and3A : i32 to vector<4096x1xi32>
      %and3A_242 = arith.andi %iota3A_240, %and3A_241 : vector<4096x1xi32>
      %add3A_243 = arith.constant 4096 : i32
      %add3A_244 = vector.broadcast %add3A_243 : i32 to vector<4096x1xi32>
      %add3A_245 = arith.addi %add3A_244, %and3A_242 : vector<4096x1xi32>
      %select_n3A_246 = arith.select %lt3A_232, %add3A_239, %add3A_245 : vector<4096x1xi1>, vector<4096x1xi32>
      %jit3A_247 = arith.constant 0.000000e+00 : f32
      %broadcast_in_dim3A_248 = vector.broadcast %jit3A_247 : f32 to vector<4096x1xf32>
      %select_n3A_249 = arith.select %lt3A_232, %div3A_45, %broadcast_in_dim3A_248 : vector<4096x1xi1>, vector<4096x1xf32>
      %convert_element_type3A_250 = arith.fptosi %add3A_230 : vector<1x8xf32> to vector<1x8xi32>
      %broadcast_in_dim3A_251 = arith.constant 0 : i32
      %broadcast_in_dim3A_252 = vector.broadcast %broadcast_in_dim3A_251 : i32 to vector<1x8xi32>
      %concatenate3A_253 = tpu.concatenate %convert_element_type3A_250, %broadcast_in_dim3A_252 in 1 : vector<1x8xi32>, vector<1x8xi32> -> vector<1x16xi32>
      %swap3A_254 = arith.constant 0 : index
      %swap3A_255 = arith.constant 0 : index
      %swap3A_256 = vector.load %arg7[%swap3A_254, %swap3A_255] : memref<4096x1xi32, #tpu.memory_space<vmem>>, vector<4096x1xi32>
      tpu.vector_store %arg7[%swap3A_254, %swap3A_255], %select_n3A_246 {strides = array<i32>} : memref<4096x1xi32, #tpu.memory_space<vmem>>, vector<4096x1xi32>,
      %swap3A_257 = arith.constant 0 : index
      %swap3A_258 = arith.constant 0 : index
      %swap3A_259 = vector.load %arg9[%swap3A_257, %swap3A_258] : memref<1x16xi32, #tpu.memory_space<vmem>>, vector<1x16xi32>
      tpu.vector_store %arg9[%swap3A_257, %swap3A_258], %concatenate3A_253 {strides = array<i32>} : memref<1x16xi32, #tpu.memory_space<vmem>>, vector<1x16xi32>,
      %iota3A_260 = tpu.iota {dimensions = array<i32: 0>} : vector<4096x1xi32>
      %iota3A_261 = tpu.iota {dimensions = array<i32: 1>} : vector<4096x128xi32>
      %lt3A_262 = arith.constant 2048 : i32
      %lt3A_263 = vector.broadcast %lt3A_262 : i32 to vector<4096x1xi32>
      %lt3A_264 = arith.cmpi slt, %iota3A_260, %lt3A_263 : vector<4096x1xi32>
      %eq3A_265 = arith.constant 0 : i32
      %eq3A_266 = vector.broadcast %eq3A_265 : i32 to vector<4096x128xi32>
      %eq3A_267 = arith.cmpi eq, %iota3A_261, %eq3A_266 : vector<4096x128xi32>
      %and3A_268 = vector.broadcast %lt3A_264 : vector<4096x1xi1> to vector<4096x128xi1>
      %and3A_269 = arith.andi %eq3A_267, %and3A_268 : vector<4096x128xi1>
      %eq3A_270 = arith.constant 1 : i32
      %eq3A_271 = vector.broadcast %eq3A_270 : i32 to vector<4096x128xi32>
      %eq3A_272 = arith.cmpi eq, %iota3A_261, %eq3A_271 : vector<4096x128xi32>
      %not3A = arith.constant dense<true> : vector<4096x1xi1>
      %not3A_273 = arith.xori %lt3A_264, %not3A : vector<4096x1xi1>
      %and3A_274 = vector.broadcast %not3A_273 : vector<4096x1xi1> to vector<4096x128xi1>
      %and3A_275 = arith.andi %eq3A_272, %and3A_274 : vector<4096x128xi1>
      %or3A = arith.ori %and3A_269, %and3A_275 : vector<4096x128xi1>
      %jit3A_276 = arith.constant 0.000000e+00 : f32
      %broadcast_in_dim3A_277 = vector.shape_cast %select_n3A_249 : vector<4096x1xf32> to vector<4096x1xf32>
      %broadcast_in_dim3A_278 = vector.broadcast %broadcast_in_dim3A_277 : vector<4096x1xf32> to vector<4096x128xf32>
      %broadcast_in_dim3A_279 = vector.broadcast %jit3A_276 : f32 to vector<4096x128xf32>
      %select_n3A_280 = arith.select %or3A, %broadcast_in_dim3A_278, %broadcast_in_dim3A_279 : vector<4096x128xi1>, vector<4096x128xf32>
      %swap3A_281 = arith.constant 0 : index
      %swap3A_282 = arith.constant 0 : index
      %swap3A_283 = vector.load %arg8[%swap3A_281, %swap3A_282] : memref<4096x128xf32, #tpu.memory_space<vmem>>, vector<4096x128xf32>
      tpu.vector_store %arg8[%swap3A_281, %swap3A_282], %select_n3A_280 {strides = array<i32>} : memref<4096x128xf32, #tpu.memory_space<vmem>>, vector<4096x128xf32>,
    } else {
    }
    return
  }
  func.func @transform_0(%arg0: i32) -> (i32, i32) {
    %c0_i32 = arith.constant 0 : i32
    %c0_i32_0 = arith.constant 0 : i32
    return %arg0, %c0_i32 : i32, i32
  }
  func.func @transform_1(%arg0: i32) -> (i32, i32) {
    %c0_i32 = arith.constant 0 : i32
    %c0_i32_0 = arith.constant 0 : i32
    return %arg0, %c0_i32 : i32, i32
  }
  func.func @transform_2(%arg0: i32) -> (i32, i32) {
    %c0_i32 = arith.constant 0 : i32
    %c0_i32_0 = arith.constant 0 : i32
    %c0_i32_1 = arith.constant 0 : i32
    return %c0_i32, %c0_i32_0 : i32, i32
  }
  func.func @transform_3(%arg0: i32) -> (i32, i32) {
    %c0_i32 = arith.constant 0 : i32
    %c0_i32_0 = arith.constant 0 : i32
    %c0_i32_1 = arith.constant 0 : i32
    return %c0_i32, %c0_i32_0 : i32, i32
  }
  func.func @transform_4(%arg0: i32) -> (i32, i32) {
    %c0_i32 = arith.constant 0 : i32
    %c0_i32_0 = arith.constant 0 : i32
    %c0_i32_1 = arith.constant 0 : i32
    return %c0_i32, %c0_i32_0 : i32, i32
  }
  func.func @transform_5(%arg0: i32) -> (i32, i32) {
    %c0_i32 = arith.constant 0 : i32
    %c0_i32_0 = arith.constant 0 : i32
    return %arg0, %c0_i32 : i32, i32
  }
  func.func @transform_6(%arg0: i32) -> (i32, i32) {
    %c0_i32 = arith.constant 0 : i32
    %c0_i32_0 = arith.constant 0 : i32
    %c0_i32_1 = arith.constant 0 : i32
    return %c0_i32, %c0_i32_0 : i32, i32
  }
  func.func @transform_7(%arg0: i32) -> (i32, i32) {
    %c0_i32 = arith.constant 0 : i32
    %c0_i32_0 = arith.constant 0 : i32
    %c0_i32_1 = arith.constant 0 : i32
    return %c0_i32, %c0_i32_0 : i32, i32
  }
  func.func @transform_8(%arg0: i32) -> (i32, i32) {
    %c0_i32 = arith.constant 0 : i32
    %c0_i32_0 = arith.constant 0 : i32
    %c0_i32_1 = arith.constant 0 : i32
    return %c0_i32, %c0_i32_0 : i32, i32
  }
}

module attributes {stable_mosaic.version = 14 : i64} {
  func.func @_ffn2_final_body(%arg0: i32, %arg1: memref<512x1024xf32, #tpu.memory_space<vmem>>, %arg2: memref<1x1024x1024xf32, #tpu.memory_space<vmem>>, %arg3: memref<1x1x1024xf32, #tpu.memory_space<vmem>>, %arg4: memref<1x1024x1024xf32, #tpu.memory_space<vmem>>, %arg5: memref<1x1x1024xf32, #tpu.memory_space<vmem>>, %arg6: memref<512x128xf32, #tpu.memory_space<vmem>>, %arg7: memref<1x16xi32, #tpu.memory_space<vmem>>, %arg8: memref<2x1024xf32, #tpu.memory_space<vmem>>, %arg9: memref<1024x1024xf32, #tpu.memory_space<vmem>>, %arg10: memref<1x1024xf32, #tpu.memory_space<vmem>>, %arg11: memref<2x1xi32, #tpu.memory_space<vmem>>, %arg12: memref<1x1xf32, #tpu.memory_space<vmem>>, %arg13: memref<2x1024xf32, #tpu.memory_space<vmem>>) attributes {dimension_semantics = [#tpu.dimension_semantics<arbitrary>], iteration_bounds = array<i64: 8>, scalar_prefetch = 0 : i64, scratch_operands = 1 : i64, tpu.core_type = #tpu.core_type<tc>, window_params = [{transform_indices = @transform_0, window_bounds = array<i64: 512, 1024>}, {transform_indices = @transform_1, window_bounds = array<i64: 1, 1024, 1024>}, {transform_indices = @transform_2, window_bounds = array<i64: 1, 1, 1024>}, {transform_indices = @transform_3, window_bounds = array<i64: 1, 1024, 1024>}, {transform_indices = @transform_4, window_bounds = array<i64: 1, 1, 1024>}, {transform_indices = @transform_5, window_bounds = array<i64: 512, 128>}, {pipeline_mode = #tpu.pipeline_mode<synchronous>, transform_indices = @transform_6, window_bounds = array<i64: 1, 16>}, {pipeline_mode = #tpu.pipeline_mode<synchronous>, transform_indices = @transform_7, window_bounds = array<i64: 2, 1024>}, {pipeline_mode = #tpu.pipeline_mode<synchronous>, transform_indices = @transform_8, window_bounds = array<i64: 1024, 1024>}, {pipeline_mode = #tpu.pipeline_mode<synchronous>, transform_indices = @transform_9, window_bounds = array<i64: 1, 1024>}, {pipeline_mode = #tpu.pipeline_mode<synchronous>, transform_indices = @transform_10, window_bounds = array<i64: 2, 1>}, {pipeline_mode = #tpu.pipeline_mode<synchronous>, transform_indices = @transform_11, window_bounds = array<i64: 1, 1>}]} {
    %eq3A = arith.constant 0 : i32
    %eq3A_0 = arith.cmpi eq, %arg0, %eq3A : i32
    %convert_element_type3A = arith.extui %eq3A_0 : i1 to i32
    %cond3A = arith.constant 0 : i32
    %cond3A_1 = arith.cmpi ne, %convert_element_type3A, %cond3A : i32
    scf.if %cond3A_1 {
      %broadcast_in_dim3A_80 = arith.constant 0.000000e+00 : f32
      %broadcast_in_dim3A_81 = vector.broadcast %broadcast_in_dim3A_80 : f32 to vector<2x1024xf32>
      %swap3A_82 = arith.constant 0 : index
      %swap3A_83 = arith.constant 0 : index
      %swap3A_84 = vector.load %arg13[%swap3A_82, %swap3A_83] : memref<2x1024xf32, #tpu.memory_space<vmem>>, vector<2x1024xf32>
      tpu.vector_store %arg13[%swap3A_82, %swap3A_83], %broadcast_in_dim3A_81 {strides = array<i32>} : memref<2x1024xf32, #tpu.memory_space<vmem>>, vector<2x1024xf32>,
      %broadcast_in_dim3A_85 = arith.constant 0.000000e+00 : f32
      %broadcast_in_dim3A_86 = vector.broadcast %broadcast_in_dim3A_85 : f32 to vector<1x1xf32>
      %swap3A_87 = arith.constant 0 : index
      %swap3A_88 = arith.constant 0 : index
      %swap3A_89 = vector.load %arg12[%swap3A_87, %swap3A_88] : memref<1x1xf32, #tpu.memory_space<vmem>>, vector<1x1xf32>
      tpu.vector_store %arg12[%swap3A_87, %swap3A_88], %broadcast_in_dim3A_86 {strides = array<i32>} : memref<1x1xf32, #tpu.memory_space<vmem>>, vector<1x1xf32>,
    } else {
    }
    %get3A = arith.constant 0 : index
    %get3A_2 = arith.constant 0 : index
    %get3A_3 = vector.load %arg1[%get3A, %get3A_2] : memref<512x1024xf32, #tpu.memory_space<vmem>>, vector<512x1024xf32>
    %convert_element_type3A_4 = arith.truncf %get3A_3 : vector<512x1024xf32> to vector<512x1024xbf16>
    %get3A_5 = arith.constant 0 : index
    %get3A_6 = arith.constant 0 : index
    %get3A_7 = arith.constant 0 : index
    %get3A_8 = vector.load %arg2[%get3A_5, %get3A_6, %get3A_7] : memref<1x1024x1024xf32, #tpu.memory_space<vmem>>, vector<1x1024x1024xf32>
    %get3A_9 = vector.shape_cast %get3A_8 : vector<1x1024x1024xf32> to vector<1024x1024xf32>
    %convert_element_type3A_10 = arith.truncf %get3A_9 : vector<1024x1024xf32> to vector<1024x1024xbf16>
    %dot_general3A = arith.constant dense<0.000000e+00> : vector<512x1024xf32>
    %dot_general3A_11 = tpu.matmul %convert_element_type3A_4, %convert_element_type3A_10, %dot_general3A {dimension_numbers = #tpu.dot_dimension_numbers<[1], [0], [0], [1], [0, 0, 1, 1], [], []>, transpose_lhs_hint = false} : vector<512x1024xbf16>, vector<1024x1024xbf16>, vector<512x1024xf32> -> vector<512x1024xf32>
    %get3A_12 = arith.constant 0 : index
    %get3A_13 = arith.constant 0 : index
    %get3A_14 = arith.constant 0 : index
    %get3A_15 = vector.load %arg3[%get3A_12, %get3A_13, %get3A_14] : memref<1x1x1024xf32, #tpu.memory_space<vmem>>, vector<1x1x1024xf32>
    %get3A_16 = vector.shape_cast %get3A_15 : vector<1x1x1024xf32> to vector<1x1024xf32>
    %add3A = vector.broadcast %get3A_16 : vector<1x1024xf32> to vector<512x1024xf32>
    %add3A_17 = arith.addf %dot_general3A_11, %add3A : vector<512x1024xf32>
    %convert_element_type3A_18 = arith.truncf %add3A_17 : vector<512x1024xf32> to vector<512x1024xbf16>
    %get3A_19 = arith.constant 0 : index
    %get3A_20 = arith.constant 0 : index
    %get3A_21 = arith.constant 0 : index
    %get3A_22 = vector.load %arg4[%get3A_19, %get3A_20, %get3A_21] : memref<1x1024x1024xf32, #tpu.memory_space<vmem>>, vector<1x1024x1024xf32>
    %get3A_23 = vector.shape_cast %get3A_22 : vector<1x1024x1024xf32> to vector<1024x1024xf32>
    %convert_element_type3A_24 = arith.truncf %get3A_23 : vector<1024x1024xf32> to vector<1024x1024xbf16>
    %dot_general3A_25 = arith.constant dense<0.000000e+00> : vector<512x1024xf32>
    %dot_general3A_26 = tpu.matmul %convert_element_type3A_18, %convert_element_type3A_24, %dot_general3A_25 {dimension_numbers = #tpu.dot_dimension_numbers<[1], [0], [0], [1], [0, 0, 1, 1], [], []>, transpose_lhs_hint = false} : vector<512x1024xbf16>, vector<1024x1024xbf16>, vector<512x1024xf32> -> vector<512x1024xf32>
    %get3A_27 = arith.constant 0 : index
    %get3A_28 = arith.constant 0 : index
    %get3A_29 = arith.constant 0 : index
    %get3A_30 = vector.load %arg5[%get3A_27, %get3A_28, %get3A_29] : memref<1x1x1024xf32, #tpu.memory_space<vmem>>, vector<1x1x1024xf32>
    %get3A_31 = vector.shape_cast %get3A_30 : vector<1x1x1024xf32> to vector<1x1024xf32>
    %add3A_32 = vector.broadcast %get3A_31 : vector<1x1024xf32> to vector<512x1024xf32>
    %add3A_33 = arith.addf %dot_general3A_26, %add3A_32 : vector<512x1024xf32>
    %iota3A = tpu.iota {dimensions = array<i32: 1>} : vector<1x16xi32>
    %eq3A_34 = vector.broadcast %arg0 : i32 to vector<1x16xi32>
    %eq3A_35 = arith.cmpi eq, %iota3A, %eq3A_34 : vector<1x16xi32>
    %get3A_36 = arith.constant 0 : index
    %get3A_37 = arith.constant 0 : index
    %get3A_38 = vector.load %arg7[%get3A_36, %get3A_37] : memref<1x16xi32, #tpu.memory_space<vmem>>, vector<1x16xi32>
    %jit3A = arith.constant 0 : i32
    %broadcast_in_dim3A = vector.broadcast %jit3A : i32 to vector<1x16xi32>
    %select_n3A = arith.select %eq3A_35, %get3A_38, %broadcast_in_dim3A : vector<1x16xi1>, vector<1x16xi32>
    %reduce_sum3A = vector.shape_cast %select_n3A : vector<1x16xi32> to vector<1x1x16xi32>
    %reduce_sum3A_39 = arith.constant dense<0> : vector<1xi32>
    %reduce_sum3A_40 = vector.multi_reduction <add>, %reduce_sum3A, %reduce_sum3A_39 [1, 2] : vector<1x1x16xi32> to vector<1xi32>
    %reduce_sum3A_41 = vector.shape_cast %reduce_sum3A_40 : vector<1xi32> to vector<1x1x1xi32>
    %reduce_sum3A_42 = vector.extract %reduce_sum3A_41[0, 0, 0] : i32 from vector<1x1x1xi32>
    %broadcast_in_dim3A_43 = vector.broadcast %reduce_sum3A_42 : i32 to vector<1x1xi32>
    %iota3A_44 = tpu.iota {dimensions = array<i32: 0>} : vector<512x1xi32>
    %lt3A = vector.broadcast %broadcast_in_dim3A_43 : vector<1x1xi32> to vector<512x1xi32>
    %lt3A_45 = arith.cmpi slt, %iota3A_44, %lt3A : vector<512x1xi32>
    %jit3A_46 = arith.constant 0.000000e+00 : f32
    %broadcast_in_dim3A_47 = vector.shape_cast %lt3A_45 : vector<512x1xi1> to vector<512x1xi1>
    %broadcast_in_dim3A_48 = vector.broadcast %broadcast_in_dim3A_47 : vector<512x1xi1> to vector<512x1024xi1>
    %broadcast_in_dim3A_49 = vector.broadcast %jit3A_46 : f32 to vector<512x1024xf32>
    %select_n3A_50 = arith.select %broadcast_in_dim3A_48, %add3A_33, %broadcast_in_dim3A_49 : vector<512x1024xi1>, vector<512x1024xf32>
    %get3A_51 = arith.constant 0 : index
    %get3A_52 = arith.constant 0 : index
    %get3A_53 = vector.load %arg6[%get3A_51, %get3A_52] : memref<512x128xf32, #tpu.memory_space<vmem>>, vector<512x128xf32>
    %jit3A_54 = arith.constant 0.000000e+00 : f32
    %broadcast_in_dim3A_55 = vector.shape_cast %lt3A_45 : vector<512x1xi1> to vector<512x1xi1>
    %broadcast_in_dim3A_56 = vector.broadcast %broadcast_in_dim3A_55 : vector<512x1xi1> to vector<512x128xi1>
    %broadcast_in_dim3A_57 = vector.broadcast %jit3A_54 : f32 to vector<512x128xf32>
    %select_n3A_58 = arith.select %broadcast_in_dim3A_56, %get3A_53, %broadcast_in_dim3A_57 : vector<512x128xi1>, vector<512x128xf32>
    %slice3A = vector.extract_strided_slice %select_n3A_58 {offsets = [0, 0], sizes = [512, 1], strides = [1, 1]} : vector<512x128xf32> to vector<512x1xf32>
    %mul3A = vector.broadcast %slice3A : vector<512x1xf32> to vector<512x1024xf32>
    %mul3A_59 = arith.mulf %mul3A, %select_n3A_50 : vector<512x1024xf32>
    %reduce_sum3A_60 = arith.constant dense<0.000000e+00> : vector<1024xf32>
    %reduce_sum3A_61 = vector.multi_reduction <add>, %mul3A_59, %reduce_sum3A_60 [0] : vector<512x1024xf32> to vector<1024xf32>
    %broadcast_in_dim3A_62 = vector.shape_cast %reduce_sum3A_61 : vector<1024xf32> to vector<1x1024xf32>
    %slice3A_63 = vector.extract_strided_slice %select_n3A_58 {offsets = [0, 1], sizes = [512, 1], strides = [1, 1]} : vector<512x128xf32> to vector<512x1xf32>
    %mul3A_64 = vector.broadcast %slice3A_63 : vector<512x1xf32> to vector<512x1024xf32>
    %mul3A_65 = arith.mulf %mul3A_64, %select_n3A_50 : vector<512x1024xf32>
    %reduce_sum3A_66 = arith.constant dense<0.000000e+00> : vector<1024xf32>
    %reduce_sum3A_67 = vector.multi_reduction <add>, %mul3A_65, %reduce_sum3A_66 [0] : vector<512x1024xf32> to vector<1024xf32>
    %broadcast_in_dim3A_68 = vector.shape_cast %reduce_sum3A_67 : vector<1024xf32> to vector<1x1024xf32>
    %get3A_69 = arith.constant 0 : index
    %get3A_70 = arith.constant 0 : index
    %get3A_71 = vector.load %arg13[%get3A_69, %get3A_70] : memref<2x1024xf32, #tpu.memory_space<vmem>>, vector<2x1024xf32>
    %concatenate3A = tpu.concatenate %broadcast_in_dim3A_62, %broadcast_in_dim3A_68 in 0 : vector<1x1024xf32>, vector<1x1024xf32> -> vector<2x1024xf32>
    %add3A_72 = arith.addf %get3A_71, %concatenate3A : vector<2x1024xf32>
    %swap3A = arith.constant 0 : index
    %swap3A_73 = arith.constant 0 : index
    %swap3A_74 = vector.load %arg13[%swap3A, %swap3A_73] : memref<2x1024xf32, #tpu.memory_space<vmem>>, vector<2x1024xf32>
    tpu.vector_store %arg13[%swap3A, %swap3A_73], %add3A_72 {strides = array<i32>} : memref<2x1024xf32, #tpu.memory_space<vmem>>, vector<2x1024xf32>,
    %eq3A_75 = arith.constant 7 : i32
    %eq3A_76 = arith.cmpi eq, %arg0, %eq3A_75 : i32
    %convert_element_type3A_77 = arith.extui %eq3A_76 : i1 to i32
    %cond3A_78 = arith.constant 0 : i32
    %cond3A_79 = arith.cmpi ne, %convert_element_type3A_77, %cond3A_78 : i32
    scf.if %cond3A_79 {
      %get3A_80 = arith.constant 0 : index
      %get3A_81 = arith.constant 0 : index
      %get3A_82 = vector.load %arg8[%get3A_80, %get3A_81] : memref<2x1024xf32, #tpu.memory_space<vmem>>, vector<2x1024xf32>
      %mul3A_83 = arith.constant 4.8828125E-4 : f32
      %mul3A_84 = vector.broadcast %mul3A_83 : f32 to vector<2x1024xf32>
      %mul3A_85 = arith.mulf %get3A_82, %mul3A_84 : vector<2x1024xf32>
      %get3A_86 = arith.constant 0 : index
      %get3A_87 = arith.constant 0 : index
      %get3A_88 = vector.load %arg13[%get3A_86, %get3A_87] : memref<2x1024xf32, #tpu.memory_space<vmem>>, vector<2x1024xf32>
      %mul3A_89 = arith.constant 4.8828125E-4 : f32
      %mul3A_90 = vector.broadcast %mul3A_89 : f32 to vector<2x1024xf32>
      %mul3A_91 = arith.mulf %get3A_88, %mul3A_90 : vector<2x1024xf32>
      %convert_element_type3A_92 = arith.truncf %mul3A_91 : vector<2x1024xf32> to vector<2x1024xbf16>
      %get3A_93 = arith.constant 0 : index
      %get3A_94 = arith.constant 0 : index
      %get3A_95 = vector.load %arg9[%get3A_93, %get3A_94] : memref<1024x1024xf32, #tpu.memory_space<vmem>>, vector<1024x1024xf32>
      %convert_element_type3A_96 = arith.truncf %get3A_95 : vector<1024x1024xf32> to vector<1024x1024xbf16>
      %dot_general3A_97 = arith.constant dense<0.000000e+00> : vector<2x1024xf32>
      %dot_general3A_98 = tpu.matmul %convert_element_type3A_92, %convert_element_type3A_96, %dot_general3A_97 {dimension_numbers = #tpu.dot_dimension_numbers<[1], [0], [0], [1], [0, 0, 1, 1], [], []>, transpose_lhs_hint = false} : vector<2x1024xbf16>, vector<1024x1024xbf16>, vector<2x1024xf32> -> vector<2x1024xf32>
      %add3A_99 = arith.addf %mul3A_85, %dot_general3A_98 : vector<2x1024xf32>
      %get3A_100 = arith.constant 0 : index
      %get3A_101 = arith.constant 0 : index
      %get3A_102 = vector.load %arg10[%get3A_100, %get3A_101] : memref<1x1024xf32, #tpu.memory_space<vmem>>, vector<1x1024xf32>
      %add3A_103 = vector.broadcast %get3A_102 : vector<1x1024xf32> to vector<2x1024xf32>
      %add3A_104 = arith.addf %add3A_99, %add3A_103 : vector<2x1024xf32>
      %reduce_max3A = arith.constant dense<0xFF800000> : vector<2xf32>
      %reduce_max3A_105 = vector.multi_reduction <maximumf>, %add3A_104, %reduce_max3A [1] : vector<2x1024xf32> to vector<2xf32>
      %broadcast_in_dim3A_106 = vector.shape_cast %reduce_max3A_105 : vector<2xf32> to vector<2x1xf32>
      %sub3A = vector.broadcast %broadcast_in_dim3A_106 : vector<2x1xf32> to vector<2x1024xf32>
      %sub3A_107 = arith.subf %add3A_104, %sub3A : vector<2x1024xf32>
      %exp3A = math.exp %sub3A_107 : vector<2x1024xf32>
      %reduce_sum3A_108 = arith.constant dense<0.000000e+00> : vector<2xf32>
      %reduce_sum3A_109 = vector.multi_reduction <add>, %exp3A, %reduce_sum3A_108 [1] : vector<2x1024xf32> to vector<2xf32>
      %broadcast_in_dim3A_110 = vector.shape_cast %reduce_sum3A_109 : vector<2xf32> to vector<2x1xf32>
      %log3A = math.log %broadcast_in_dim3A_110 : vector<2x1xf32>
      %add3A_111 = arith.addf %log3A, %broadcast_in_dim3A_106 : vector<2x1xf32>
      %iota3A_112 = tpu.iota {dimensions = array<i32: 1>} : vector<2x1024xi32>
      %get3A_113 = arith.constant 0 : index
      %get3A_114 = arith.constant 0 : index
      %get3A_115 = vector.load %arg11[%get3A_113, %get3A_114] : memref<2x1xi32, #tpu.memory_space<vmem>>, vector<2x1xi32>
      %eq3A_116 = vector.broadcast %get3A_115 : vector<2x1xi32> to vector<2x1024xi32>
      %eq3A_117 = arith.cmpi eq, %iota3A_112, %eq3A_116 : vector<2x1024xi32>
      %jit3A_118 = arith.constant 0.000000e+00 : f32
      %broadcast_in_dim3A_119 = vector.broadcast %jit3A_118 : f32 to vector<2x1024xf32>
      %select_n3A_120 = arith.select %eq3A_117, %add3A_104, %broadcast_in_dim3A_119 : vector<2x1024xi1>, vector<2x1024xf32>
      %reduce_sum3A_121 = arith.constant dense<0.000000e+00> : vector<2xf32>
      %reduce_sum3A_122 = vector.multi_reduction <add>, %select_n3A_120, %reduce_sum3A_121 [1] : vector<2x1024xf32> to vector<2xf32>
      %broadcast_in_dim3A_123 = vector.shape_cast %reduce_sum3A_122 : vector<2xf32> to vector<2x1xf32>
      %sub3A_124 = arith.subf %add3A_111, %broadcast_in_dim3A_123 : vector<2x1xf32>
      %reduce_sum3A_125 = arith.constant dense<0.000000e+00> : vector<1xf32>
      %reduce_sum3A_126 = vector.multi_reduction <add>, %sub3A_124, %reduce_sum3A_125 [0] : vector<2x1xf32> to vector<1xf32>
      %broadcast_in_dim3A_127 = vector.shape_cast %reduce_sum3A_126 : vector<1xf32> to vector<1x1xf32>
      %div3A = arith.constant 2.000000e+00 : f32
      %div3A_128 = vector.broadcast %div3A : f32 to vector<1x1xf32>
      %div3A_129 = arith.divf %broadcast_in_dim3A_127, %div3A_128 : vector<1x1xf32>
      %swap3A_130 = arith.constant 0 : index
      %swap3A_131 = arith.constant 0 : index
      %swap3A_132 = vector.load %arg12[%swap3A_130, %swap3A_131] : memref<1x1xf32, #tpu.memory_space<vmem>>, vector<1x1xf32>
      tpu.vector_store %arg12[%swap3A_130, %swap3A_131], %div3A_129 {strides = array<i32>} : memref<1x1xf32, #tpu.memory_space<vmem>>, vector<1x1xf32>,
    } else {
    }
    return
  }
  func.func @transform_0(%arg0: i32) -> (i32, i32) {
    %c0_i32 = arith.constant 0 : i32
    %c0_i32_0 = arith.constant 0 : i32
    return %arg0, %c0_i32 : i32, i32
  }
  func.func @transform_1(%arg0: i32) -> (i32, i32, i32) {
    %c0_i32 = arith.constant 0 : i32
    %c0_i32_0 = arith.constant 0 : i32
    %c0_i32_1 = arith.constant 0 : i32
    return %arg0, %c0_i32, %c0_i32_0 : i32, i32, i32
  }
  func.func @transform_2(%arg0: i32) -> (i32, i32, i32) {
    %c0_i32 = arith.constant 0 : i32
    %c0_i32_0 = arith.constant 0 : i32
    %c0_i32_1 = arith.constant 0 : i32
    return %arg0, %c0_i32, %c0_i32_0 : i32, i32, i32
  }
  func.func @transform_3(%arg0: i32) -> (i32, i32, i32) {
    %c0_i32 = arith.constant 0 : i32
    %c0_i32_0 = arith.constant 0 : i32
    %c0_i32_1 = arith.constant 0 : i32
    return %arg0, %c0_i32, %c0_i32_0 : i32, i32, i32
  }
  func.func @transform_4(%arg0: i32) -> (i32, i32, i32) {
    %c0_i32 = arith.constant 0 : i32
    %c0_i32_0 = arith.constant 0 : i32
    %c0_i32_1 = arith.constant 0 : i32
    return %arg0, %c0_i32, %c0_i32_0 : i32, i32, i32
  }
  func.func @transform_5(%arg0: i32) -> (i32, i32) {
    %c0_i32 = arith.constant 0 : i32
    %c0_i32_0 = arith.constant 0 : i32
    return %arg0, %c0_i32 : i32, i32
  }
  func.func @transform_6(%arg0: i32) -> (i32, i32) {
    %c0_i32 = arith.constant 0 : i32
    %c0_i32_0 = arith.constant 0 : i32
    %c0_i32_1 = arith.constant 0 : i32
    return %c0_i32, %c0_i32_0 : i32, i32
  }
  func.func @transform_7(%arg0: i32) -> (i32, i32) {
    %c0_i32 = arith.constant 0 : i32
    %c0_i32_0 = arith.constant 0 : i32
    %c0_i32_1 = arith.constant 0 : i32
    return %c0_i32, %c0_i32_0 : i32, i32
  }
  func.func @transform_8(%arg0: i32) -> (i32, i32) {
    %c0_i32 = arith.constant 0 : i32
    %c0_i32_0 = arith.constant 0 : i32
    %c0_i32_1 = arith.constant 0 : i32
    return %c0_i32, %c0_i32_0 : i32, i32
  }
  func.func @transform_9(%arg0: i32) -> (i32, i32) {
    %c0_i32 = arith.constant 0 : i32
    %c0_i32_0 = arith.constant 0 : i32
    %c0_i32_1 = arith.constant 0 : i32
    return %c0_i32, %c0_i32_0 : i32, i32
  }
  func.func @transform_10(%arg0: i32) -> (i32, i32) {
    %c0_i32 = arith.constant 0 : i32
    %c0_i32_0 = arith.constant 0 : i32
    %c0_i32_1 = arith.constant 0 : i32
    return %c0_i32, %c0_i32_0 : i32, i32
  }
  func.func @transform_11(%arg0: i32) -> (i32, i32) {
    %c0_i32 = arith.constant 0 : i32
    %c0_i32_0 = arith.constant 0 : i32
    %c0_i32_1 = arith.constant 0 : i32
    return %c0_i32, %c0_i32_0 : i32, i32
  }
}

</mosaic_0001>

<sc_bundles>
// kernel: kernel.12.cloned.1.call-start
scs
__scs_entry_jumppad:
0x0: {  	(pc) =	sbr.rel $0x88, $3  }
0x1: {  	(tag) =	ssettag $0x0;
	lr =	simm.s32 $0x1  }
0x2: {  	[smem:$0x3F8F] =	sst lr;
	_ =	strace $0xD0000000  }
0x3: {  	_ = 	snop  }
0x4: {  	_ = 	snop  }
0x5: {  	_ = 	snop  }
0x6: {  	_ = 	snop  }
0x7: {  	_ = 	snop  }
__scs_overlays_trampoline_lowered:
0x8: {  	[smem:$0x3F9E] =	sst s0  }
0x9: {  	[smem:$0x3F9F] =	sst s1  }
0xa: {  	[smem:$0x3FA0] =	sst s2  }
0xb: {  	[smem:$0x3FA1] =	sst s3  }
0xc: {  	[smem:$0x3FA2] =	sst s4  }
0xd: {  	[smem:$0x3FA3] =	sst s5  }
0xe: {  	[smem:$0x3FA4] =	sst s6  }
0xf: {  	[smem:$0x3FA5] =	sst s7  }
0x10: {  	[smem:$0x3FA6] =	sst s8  }
0x11: {  	[smem:$0x3FA7] =	sst s9;
	s0 =	simm.s32 @!p0 $0x0  }
0x12: {  	s1 =	sld [smem:$0x3F8D];
	s0 =	simm.s32 @p0 $0x1  }
0x13: {  	[smem:$0x3FA8] =	sst s0;
	s0 =	simm.s32 @!p1 $0x0  }
0x14: {  	s2 =	sld [smem:$0x3F8C];
	s0 =	simm.s32 @p1 $0x1  }
0x15: {  	[smem:$0x3FA9] =	sst s0;
	s0 =	simm.s32 @!p2 $0x0  }
0x16: {  	s3 =	sld [smem:$0x3FDB];
	s0 =	simm.s32 @p2 $0x1  }
0x17: {  	s4 =	simm.s32 $0x1BF5;
	[smem:$0x3FAB] =	sst s0  }
0x18: {  	s0 =	sld [smem:$0x3F8E];
	_ =	swait.ge [sflag:s4], $0x0  }
0x19: {  	s7 =	sld [smem:$0x3F8F]  }
0x1a: {  	s8 =	sadd.s32 $0xFFFFE003, lr  }
0x1b: {  	s9 =	sadd.s32 $0xFFFFFEF7, lr;
	s5 =	simm.s32 $0xFFFFFFFF;
	p2 =	slt.u32 s8, $0xFFFFF086  }
0x1c: {  	p1 =	slt.u32 s9, $0xF7A;
	s5 =	simm.s32 @!p2 $0x0  }
0x1d: {  	s5 =	simm.s32 @p1 $0x1;
	p0 =	seq.s32 s7, s2  }
0x1e: {  	s7 =	smul.u32 @!p0 $0xF7A, s2;
	p2 =	seq.s32 @!p0 s5, $0x0  }
0x1f: {  	s9 =	smul.u32 $0xF7A, s1;
	s8 =	simm.s32 @!p0 $0x1BF5;
	p2 =	por !p2, p0  }
0x20: {  	[sflag:s8] =	ssyncset.s32 @!p0 $0xFFFFF086;
	s6 =	sadd.s32 @!p0 s3, s7;
	s7 =	simm.s32 @!p0 $0x108  }
0x21: {  	s3 =	sadd.s32 s3, s9;
	s6 =	sadd.s32 @!p0 $0x88, s6;
	s7 =	simm.s32 @p2 $0x1082  }
0x22: {  	[simem:s7], [sflag:s8] =	dma.local @!p0 [hbm:s6], $0xF7A  }
0x23: {  	s9 =	sor.u32 $0xD0000000, s2;
	s6 =	simm.s32 $0x108;
	_ =	swait.ge @!p0 [sflag:s8], $0x0  }
0x24: {  	s3 =	sadd.s32 $0x88, s3;
	s6 =	simm.s32 @!p1 $0x1082;
	[sflag:s4] =	ssyncset.s32 $0xFFFFF086  }
0x25: {  	[simem:s6], [sflag:s4] =	dma.local [hbm:s3], $0xF7A  }
0x26: {  	[smem:$0x3F8F] =	sst s1;
	(tag) =	ssettag s2;
	_ =	strace s9  }
0x27: {  	s1 =	sld [smem:$0x3F9F]  }
0x28: {  	s2 =	sld [smem:$0x3FA0]  }
0x29: {  	s4 =	sld [smem:$0x3FA2]  }
0x2a: {  	p0 =	seq.s32 s5, $0x0;
	s5 =	sld [smem:$0x3FA3]  }
0x2b: {  	s6 =	sld [smem:$0x3FA4]  }
0x2c: {  	s7 =	sld [smem:$0x3FA5]  }
0x2d: {  	s3 =	simm.s32 $0x108;
	s8 =	sld [smem:$0x3FA6]  }
0x2e: {  	s3 =	simm.s32 @!p0 $0x1082;
	s9 =	sld [smem:$0x3FA7]  }
0x2f: {  	lr =	sadd.s32 s0, s3;
	s0 =	sld [smem:$0x3F9E]  }
0x30: {  	s3 =	sld [smem:$0x3FA1]  }
0x31: {  	[smem:$0x3FAA] =	sst s10  }
0x32: {  	s10 =	sld [smem:$0x3FA8];
	_ =	sdelay $0x3  }
0x33: {  	p0 =	seq.s32 s10, $0x1;
	s10 =	sld [smem:$0x3FAA];
	_ =	sdelay $0x3  }
0x34: {  	[smem:$0x3FAA] =	sst s10  }
0x35: {  	s10 =	sld [smem:$0x3FA9];
	_ =	sdelay $0x3  }
0x36: {  	p1 =	seq.s32 s10, $0x1;
	s10 =	sld [smem:$0x3FAA];
	_ =	sdelay $0x3  }
0x37: {  	[smem:$0x3FAA] =	sst s10  }
0x38: {  	s10 =	sld [smem:$0x3FAB]  }
0x39: {  	_ = 	snop;
	(pc) =	sbr.ind lr, $3  }
0x3a: {  	_ = 	snop  }
0x3b: {  	_ = 	snop  }
0x3c: {  	p2 =	seq.s32 s10, $0x1;
	s10 =	sld [smem:$0x3FAA]  }
0x3d: {  	_ =	shalt  }
0x3e: {  	_ =	shalt  }
0x3f: {  	_ =	shalt  }
0x40: {  	_ =	shalt  }
0x41: {  	_ =	shalt  }
0x42: {  	_ =	shalt  }
0x43: {  	_ =	shalt  }
0x44: {  	_ =	shalt  }
0x45: {  	_ =	shalt  }
0x46: {  	_ =	shalt  }
0x47: {  	_ =	shalt  }
0x48: {  	_ =	shalt  }
0x49: {  	_ =	shalt  }
0x4a: {  	_ =	shalt  }
0x4b: {  	_ =	shalt  }
0x4c: {  	_ =	shalt  }
0x4d: {  	_ =	shalt  }
0x4e: {  	_ =	shalt  }
0x4f: {  	_ =	shalt  }
0x50: {  	_ =	shalt  }
0x51: {  	_ =	shalt  }
0x52: {  	_ =	shalt  }
0x53: {  	_ =	shalt  }
0x54: {  	_ =	shalt  }
0x55: {  	_ =	shalt  }
0x56: {  	_ =	shalt  }
0x57: {  	_ =	shalt  }
0x58: {  	_ =	shalt  }
0x59: {  	_ =	shalt  }
0x5a: {  	_ =	shalt  }
0x5b: {  	_ =	shalt  }
0x5c: {  	_ =	shalt  }
0x5d: {  	_ =	shalt  }
0x5e: {  	_ =	shalt  }
0x5f: {  	_ =	shalt  }
0x60: {  	_ =	shalt  }
0x61: {  	_ =	shalt  }
0x62: {  	_ =	shalt  }
0x63: {  	_ =	shalt  }
0x64: {  	_ =	shalt  }
0x65: {  	_ =	shalt  }
0x66: {  	_ =	shalt  }
0x67: {  	_ =	shalt  }
0x68: {  	_ =	shalt  }
0x69: {  	_ =	shalt  }
0x6a: {  	_ =	shalt  }
0x6b: {  	_ =	shalt  }
0x6c: {  	_ =	shalt  }
0x6d: {  	_ =	shalt  }
0x6e: {  	_ =	shalt  }
0x6f: {  	_ =	shalt  }
0x70: {  	_ =	shalt  }
0x71: {  	_ =	shalt  }
0x72: {  	_ =	shalt  }
0x73: {  	_ =	shalt  }
0x74: {  	_ =	shalt  }
0x75: {  	_ =	shalt  }
0x76: {  	_ =	shalt  }
0x77: {  	_ =	shalt  }
0x78: {  	_ =	shalt  }
0x79: {  	_ =	shalt  }
0x7a: {  	_ =	shalt  }
0x7b: {  	_ =	shalt  }
0x7c: {  	_ =	shalt  }
0x7d: {  	_ =	shalt  }
0x7e: {  	_ =	shalt  }
0x7f: {  	_ =	shalt  }
0x80: {  	_ =	shalt  }
0x81: {  	_ =	shalt  }
0x82: {  	_ =	shalt  }
0x83: {  	_ =	shalt  }
0x84: {  	_ =	shalt  }
0x85: {  	_ =	shalt  }
0x86: {  	_ =	shalt  }
0x87: {  	_ =	shalt  }
.Lfunc_end0:
.L_simem_size_0:
called_computation.1_lowered:
.L_overlay_start_0:
0x88: {  	s2 =	sld [smem:$0x3FD9]  }
0x89: {  	s3 =	sld [smem:$0x3FFE];
	_ =	sdelay $0x1  }
0x8a: {  	s1 =	srdreg.scid  }
0x8b: {  	s0 =	sand.u32 $0x1, s1  }
0x8c: {  	s17 =	sshll.u32 s0, $0xA;
	s2 =	sadd.s32 s3, s2  }
0x8d: {  	s2 =	sadd.s32 s2, s17  }
0x8e: {  	[smem:$0x3FB6] =	sst s2  }
0x8f: {  	_ = 	snop  }
0x90: {  	s2 =	sld [smem:$0x3FD0];
	(tm) =	ssettm $0x1  }
0x91: {  	s18 =	sld [smem:$0x3FFB];
	_ =	sdelay $0x3  }
0x92: {  	_ =	strace s18  }
0x93: {  	s3 =	sld [smem:$0x3FFC];
	_ =	sdelay $0x3  }
0x94: {  	_ =	strace s3  }
0x95: {  	s3 =	sld [smem:$0x3FFD];
	_ =	sdelay $0x3  }
0x96: {  	_ =	strace s3  }
0x97: {  	_ =	strace $0x8FFFFFFF  }
0x98: {  	s19 =	sld [smem:$0x3FDB];
	_ =	sdelay $0x1  }
0x99: {  	s4 =	simm.s32 $_scs_section_size  }
0x9a: {  	s5 =	simm.s32 $_size__tile_overlayer_lowered;
	s6 =	simm.s32 $_tile_overlayer_lowered  }
0x9b: {  	s22 =	simm.s32 $0x1BFF;
	s21 =	sshll.u32 s6, $0x1;
	s3 =	sadd.s32 s4, s19  }
0x9c: {  	s7 =	simm.s32 $0x0;
	s20 =	sshll.u32 s5, $0x1;
	s5 =	sadd.s32 s21, s3  }
0x9d: {  	[timem:s7], [sflag:s22] =	dma.local [hbm:s5], s20  }
0x9e: {  	_ =	swait.ge [sflag:s22], s20  }
0x9f: {  	s4 =	ssub.s32 $0x0, s20;
	[sflag:s22] =	ssyncset.done $0x0  }
0xa0: {  	[sflag:s22] =	ssyncadd.s32 s4;
	_ =	sdelay $0x1  }
0xa1: {  	s23 =	simm.s32 $0x1B8B  }
0xa2: {  	_ =	swait.ge [sflag:s23], $0x1  }
0xa3: {  	[sflag:s23] =	ssyncset.done $0x0  }
0xa4: {  	s25 =	simm.s32 $0x1B8E;
	s24 =	sld [smem:$0x3FFE];
	[sflag:s23] =	ssyncadd.s32 $0xFFFFFFFF  }
0xa5: {  	s26 =	simm.s32 $execute0_lowered;
	[smem:$0x3FD2] =	sst s25  }
0xa6: {  	s5 =	sshll.u32 s26, $0x1;
	_ =	strace $0x80000049;
	[dreg:$0x1] =	wrdreg $0xFFFFFFFF  }
0xa7: {  	s28 =	simm.s32 $_size_execute0_lowered;
	s3 =	sadd.s32 s3, s5;
	[dreg:$0x0] =	wrdreg $0x0  }
0xa8: {  	s5 =	sshll.u32 s28, $0x1;
	[dreg:$0x2] =	wrdreg s3  }
0xa9: {  	[dreg:$0x3] =	wrdreg s5  }
0xaa: {  	[dreg:$0x4] =	wrdreg $0xC0  }
0xab: {  	_ =	task [dreg:s7], $0x5FFFF  }
0xac: {  	[dreg:$0x1] =	wrdreg $0xFFFFFFFF  }
0xad: {  	[dreg:$0x0] =	wrdreg $0x60  }
0xae: {  	[dreg:$0x2] =	wrdreg s24  }
0xaf: {  	[dreg:$0x3] =	wrdreg s2  }
0xb0: {  	[dreg:$0x4] =	wrdreg $0x9  }
0xb1: {  	_ =	task.clear_ibuf [dreg:s7], $0x5FFFF;
	_ =	strace $0x90000049  }
0xb2: {  	s29 =	simm.s32 $0x9;
	_ =	strace $0x8000004B  }
0xb3: {  	_ =	swait.ge [sflag:s29], $0x1  }
0xb4: {  	[sflag:s29] =	ssyncadd.s32 $0xFFFFFFFF  }
0xb5: {  	_ =	strace $0x9000004B  }
0xb6: {  	_ =	sfence  }
0xb7: {  	s30 =	sld [smem:$0x0];
	_ =	sdelay $0x2  }
0xb8: {  	s31 =	sshll.u32 s1, $0xD;
	s1 =	sshrl.u32 s1, $0x2  }
0xb9: {  	s3 =	sand.u32 $0x4000, s31;
	s1 =	sadd.s32 s1, s30  }
0xba: {  	s0 =	sor.u32 s3, s0;
	s1 =	sshll.u32 s1, $0x11  }
0xbb: {  	s0 =	sor.u32 s1, s0  }
0xbc: {  	s0 =	sadd.s32 $0x8F2B, s0  }
0xbd: {  	[sflag:s0] =	ssyncadd.remote.s32 $0x1  }
0xbe: {  	_ =	sfence.sel $0xFFFF  }
0xbf: {  	[dreg:$0x0] =	wrdreg $0xFFFFFFFF;
	(pc) =	sbr.abs _section_cstart, $3  }
0xc0: {  	[dreg:$0x1] =	wrdreg $0xFFFFFFFF  }
0xc1: {  	_ =	task.clear_ibuf [dreg:s7], $0x2FFFF;
	_ =	strace $0x9FFFFFFF  }
0xc2: {  	(tm) =	ssettm $0x7FFFFFFF  }
0xc3: {  	_ =	shalt  }
tec
execute0_lowered:
.L_overlay_start_1:
0x0: {  	(tag) =	ssettag $0x1  }
0x1: {  	s0 =	srdreg.scid  }
0x2: {  	s6 =	rddreg [dreg:$0x0];
	s10 =	stileid.u32  }
0x3: {  	s21 =	rddreg [dreg:$0x1];
	s2 =	simm.s32 $0x0;
	s11 =	simm.s32 $0xD200  }
0x4: {  	s12 =	simm.s32 $0xDA00;
	s15 =	simm.s32 $0xE200;
	[dreg:$0x3] =	wrdreg s21  }
0x5: {  	s16 =	simm.s32 $0xEA00;
	s17 =	simm.s32 $0xF200;
	[smem:$0x7FF] =	sst s2  }
0x6: {  	s18 =	simm.s32 $0xFA00;
	_ =	strace $0x8000004A;
	[dreg:$0xa] =	wrdreg s11  }
0x7: {  	s19 =	simm.s32 $0x10200;
	s20 =	simm.s32 $0x10A00;
	[dreg:$0xb] =	wrdreg s12  }
0x8: {  	s30 =	simm.s32 $0x4;
	s28 =	simm.s32 $0xA200;
	[dreg:$0xc] =	wrdreg s15  }
0x9: {  	s29 =	simm.s32 $0xAA00;
	s31 =	simm.s32 $0xB200;
	[dreg:$0xd] =	wrdreg s16  }
0xa: {  	s4 =	sand.u32 $0x1, s0;
	s5 =	sshll.u32 s10, $0x8;
	[dreg:$0xe] =	wrdreg s17  }
0xb: {  	s3 =	sadd.s32 $0x2E00, s6;
	s21 =	simm.s32 $0x11200;
	[dreg:$0xf] =	wrdreg s18  }
0xc: {  	s1 =	sshll.u32 s4, $0x7;
	s4 =	ssub.s32 $0x2, s4;
	[dreg:$0x10] =	wrdreg s19  }
0xd: {  	s15 =	sshrl.u32 s10, $0x1;
	s16 =	sand.u32 $0xE00, s5;
	[dreg:$0x11] =	wrdreg s20  }
0xe: {  	[dreg:$0x12] =	wrdreg s21;
	s11 =	simm.s32 $0x14A00;
	s10 =	simm.s32 $0x4200  }
0xf: {  	s12 =	simm.s32 $0x15A00;
	s21 =	simm.s32 $0x16A00;
	[dreg:$0x18] =	wrdreg s11  }
0x10: {  	s14 =	sor.u32 s1, s5;
	s13 =	sshrl.u32 s4, $0x1;
	[dreg:$0x1a] =	wrdreg s12  }
0x11: {  	s5 =	sadd.s32 $0x83000, s6;
	s11 =	simm.s32 $0x15200;
	[dreg:$0x1c] =	wrdreg s21  }
0x12: {  	s12 =	simm.s32 $0x17200;
	v0 =	vmov s15;
	s15 =	simm.s32 $0x17A00;
	v3 =	vmov s16;
	s16 =	simm.s32 $0x18200  }
0x13: {  	s21 =	simm.s32 $0x19200;
	s22 =	sshll.u32 s14, $0x4;
	[dreg:$0x19] =	wrdreg s11  }
0x14: {  	s9 =	sor.u32 $0x20, s14;
	s1 =	sor.u32 $0x40, s14;
	[dreg:$0x1d] =	wrdreg s12  }
0x15: {  	s7 =	sshll.u32 s14, $0x7;
	s17 =	sor.u32 $0x10, s14;
	[dreg:$0x1e] =	wrdreg s15  }
0x16: {  	s18 =	sor.u32 $0x30, s14;
	s19 =	sor.u32 $0x50, s14;
	[dreg:$0x1f] =	wrdreg s16  }
0x17: {  	s20 =	sor.u32 $0x70, s14;
	[smem:$0x7F8] =	sst s21;
	s15 =	simm.s32 $0x14200  }
0x18: {  	s16 =	simm.s32 $0x4A00;
	s21 =	simm.s32 $0x7200;
	s0 =	sadd.s32 s22, s6  }
0x19: {  	v28 =	vlaneseq.u32;
	s7 =	sadd.s32 s3, s7;
	s8 =	sshll.u32 s9, $0x7;
	s24 =	sshll.u32 s1, $0x7  }
0x1a: {  	s22 =	simm.s32 $0x11A00;
	v2 =	vor.u32 s17, v28;
	v6 =	vor.u32 s9, v28;
	s17 =	simm.s32 $0x18A00;
	s9 =	simm.s32 $0x6  }
0x1b: {  	v7 =	vor.u32 s18, v28;
	v12 =	vor.u32 s19, v28;
	s18 =	simm.s32 $0x5A00;
	s19 =	simm.s32 $0x6200;
	[dreg:$0x5] =	wrdreg s7  }
0x1c: {  	v8 =	vor.u32 s1, v28;
	v14 =	vor.u32 s20, v28;
	s20 =	simm.s32 $0x6A00;
	s1 =	simm.s32 $0xBA00;
	[dreg:$0x13] =	wrdreg s22  }
0x1d: {  	s0 =	sadd.s32 $0x113600, s0;
	s23 =	sadd.s32 s3, s8;
	[smem:$0x7F7] =	sst s17  }
0x1e: {  	s25 =	sadd.s32 s3, s24;
	s8 =	simm.s32 $0xCA00;
	[dreg:$0x4] =	wrdreg s0  }
0x1f: {  	s24 =	simm.s32 $0x12A00;
	s22 =	simm.s32 $0x19A00;
	[dreg:$0x6] =	wrdreg s23  }
0x20: {  	s17 =	simm.s32 $0x5200;
	s0 =	sor.u32 $0x60, s14;
	[dreg:$0x7] =	wrdreg s25  }
0x21: {  	[dreg:$0x9] =	wrdreg s8;
	s8 =	ssub.s32 s4, s13;
	s4 =	sadd.s32 $0x82F00, s6  }
0x22: {  	v15 =	vmul.u32 $0x80, v28;
	s23 =	simm.s32 $0x12200;
	[dreg:$0x15] =	wrdreg s24;
	s25 =	simm.s32 $0x13200  }
0x23: {  	vm0 =	vmmov $0xffff;
	v27 =	vshrl.u32 v28, $0x3;
	v26 =	vand.u32 $0x7, v28;
	s13 =	simm.s32 $0x16200;
	[smem:$0x7F9] =	sst s22;
	s24 =	simm.s32 $0x1AA00  }
0x24: {  	v27 =	vmul.u32 $0x8, v27;
	v19 =	vor.u32 $0x800, v15;
	v1 =	vor.u32 s14, v28;
	s14 =	simm.s32 $0xC200;
	s22 =	simm.s32 $0x7A00;
	[dreg:$0x14] =	wrdreg s23  }
0x25: {  	v20 =	vor.u32 $0x1000, v15;
	v21 =	vor.u32 $0x1800, v15;
	v22 =	vor.u32 $0x2000, v15;
	s26 =	sshll.u32 s0, $0x7;
	s7 =	smax.u32 s8, $0x1;
	[dreg:$0x16] =	wrdreg s25  }
0x26: {  	v23 =	vor.u32 $0x2800, v15;
	v24 =	vor.u32 $0x3000, v15;
	v4 =	vand.u32 $0x18F, v1;
	s8 =	simm.s32 $0x7;
	[dreg:$0x1b] =	wrdreg s13;
	s13 =	simm.s32 $0x1  }
0x27: {  	v25 =	vor.u32 $0x3800, v15;
	v5 =	vand.u32 $0x19F, v2;
	v4 =	vor.u32 $0x1000, v4;
	s23 =	simm.s32 $0x1A200;
	[smem:$0x7FB] =	sst s24;
	s25 =	simm.s32 $0x1B200  }
0x28: {  	v9 =	vand.u32 $0x1AF, v6;
	v10 =	vand.u32 $0x1BF, v7;
	v13 =	vor.u32 s0, v28;
	s0 =	simm.s32 $0x5;
	s24 =	simm.s32 $0x8A00;
	[smem:$0x7FA] =	sst s23  }
0x29: {  	v11 =	vand.u32 $0x1CF, v8;
	v16 =	vand.u32 $0x1DF, v12;
	v18 =	vand.u32 $0x1FF, v14;
	s3 =	sadd.s32 s3, s26;
	s26 =	simm.s32 $0x13A00;
	[smem:$0x7FC] =	sst s25  }
0x2a: {  	v5 =	vor.u32 $0x1000, v5;
	v9 =	vor.u32 $0x1000, v9;
	v10 =	vor.u32 $0x1000, v10;
	s23 =	simm.s32 $0x8200;
	s25 =	simm.s32 $0x9200;
	[dreg:$0x8] =	wrdreg s3  }
0x2b: {  	v11 =	vor.u32 $0x1000, v11;
	v16 =	vor.u32 $0x1000, v16;
	v17 =	vand.u32 $0x1EF, v13;
	s3 =	sadd.s32 $0x82E00, s6;
	[dreg:$0x17] =	wrdreg s26;
	s26 =	simm.s32 $0x1BA00  }
0x2c: {  	v18 =	vor.u32 $0x1000, v18;
	v28 =	vor.u32 $0x8, v28;
	s6 =	sadd.s32 $0x83100, s6;
	v17 =	vor.u32 $0x1000, v17;
	[smem:$0x7FD] =	sst s26;
	s26 =	simm.s32 $0x9A00  }
.LBB2_1:
0x2d: {  	s11 =	rddreg [dreg:$0x4]  }
0x2e: {  	[tilespmem:s2], [sflag:$0x7] =	stream.linear.gather [hbm4b:s11+s2], $0x4000, $0x38;
	[tilespmem:$0x1C280] =	vst v63  }
0x2f: {  	_ =	swait.ge [sflag:s8], $0x4000  }
0x30: {  	[sflag:s8] =	ssyncset.done $0x0  }
0x31: {  	s12 =	simm.s32 $0x1C200;
	s11 =	rddreg [dreg:$0x3];
	[sflag:s8] =	ssyncadd.s32 $0xFFFFC000  }
0x32: {  	[tilespmem:s12], [sflag:$0x7] =	stream.linear.gather [hbm4b:s11+s2], $0x80, $0x38;
	[tilespmem:$0x1C280] =	vst v63  }
0x33: {  	_ =	swait.ge [sflag:s8], $0x80  }
0x34: {  	[sflag:s8] =	ssyncset.done $0x0  }
0x35: {  	[sflag:s8] =	ssyncadd.s32 $0xFFFFFF80  }
0x36: {  	v29 =	vld.idx.msk [tilespmem:v0+s12+$0x0], $0xffff;
	_ =	sdelay $0x3  }
0x37: {  	v30 =	vld.idx.msk [tilespmem:v15+s2+$0x0], $0xffff  }
0x38: {  	vm1 =	vlt.s32 v29, $0x200  }
0x39: {  	v29 =	vnsel vm1, $0x200, v29  }
0x3a: {  	v29 =	vadd.s32 v3, v29  }
0x3b: {  	vm1 =	vlt.s32 v1, v29  }
0x3c: {  	v30 =	vsel vm1, v30, v4  }
0x3d: {  	[tilespmem:$0x4000] =	vst v30  }
0x3e: {  	v30 =	vld.idx.msk [tilespmem:v19+s2+$0x0], $0xffff;
	_ =	sdelay $0x3  }
0x3f: {  	vm1 =	vlt.s32 v2, v29  }
0x40: {  	v30 =	vsel vm1, v30, v5  }
0x41: {  	[tilespmem:$0x4010] =	vst v30  }
0x42: {  	v30 =	vld.idx.msk [tilespmem:v20+s2+$0x0], $0xffff;
	_ =	sdelay $0x3  }
0x43: {  	vm1 =	vlt.s32 v6, v29  }
0x44: {  	v30 =	vsel vm1, v30, v9  }
0x45: {  	[tilespmem:$0x4080] =	vst v30  }
0x46: {  	v30 =	vld.idx.msk [tilespmem:v21+s2+$0x0], $0xffff;
	_ =	sdelay $0x3  }
0x47: {  	vm1 =	vlt.s32 v7, v29  }
0x48: {  	v30 =	vsel vm1, v30, v10  }
0x49: {  	[tilespmem:$0x4090] =	vst v30  }
0x4a: {  	v30 =	vld.idx.msk [tilespmem:v22+s2+$0x0], $0xffff;
	_ =	sdelay $0x3  }
0x4b: {  	vm1 =	vlt.s32 v8, v29  }
0x4c: {  	v30 =	vsel vm1, v30, v11  }
0x4d: {  	[tilespmem:$0x4100] =	vst v30  }
0x4e: {  	v30 =	vld.idx.msk [tilespmem:v23+s2+$0x0], $0xffff;
	_ =	sdelay $0x3  }
0x4f: {  	vm1 =	vlt.s32 v12, v29  }
0x50: {  	v30 =	vsel vm1, v30, v16  }
0x51: {  	[tilespmem:$0x4110] =	vst v30  }
0x52: {  	v30 =	vld.idx.msk [tilespmem:v24+s2+$0x0], $0xffff;
	_ =	sdelay $0x3  }
0x53: {  	vm1 =	vlt.s32 v13, v29  }
0x54: {  	v30 =	vsel vm1, v30, v17  }
0x55: {  	[tilespmem:$0x4180] =	vst v30  }
0x56: {  	v30 =	vld.idx.msk [tilespmem:v25+s2+$0x0], $0xffff;
	_ =	sdelay $0x3  }
0x57: {  	vm1 =	vlt.s32 v14, v29  }
0x58: {  	v29 =	vsel vm1, v30, v18  }
0x59: {  	s11 =	rddreg [dreg:$0x5];
	[tilespmem:$0x4190] =	vst v29  }
0x5a: {  	[tilespmem:s10], [sflag:$0x1] =	stream.linear.gather [hbm4b:s11+s2], $0x8000, $0x38;
	[tilespmem:$0x1C280] =	vst v63  }
0x5b: {  	s12 =	rddreg [dreg:$0x6]  }
0x5c: {  	[tilespmem:s14], [sflag:$0x2] =	stream.linear.gather [hbm4b:s12+s2], $0x8000, $0x38;
	[tilespmem:$0x1C280] =	vst v63  }
0x5d: {  	s11 =	rddreg [dreg:$0x7]  }
0x5e: {  	[tilespmem:s15], [sflag:$0x3] =	stream.linear.gather [hbm4b:s11+s2], $0x8000, $0x38;
	[tilespmem:$0x1C280] =	vst v63  }
0x5f: {  	_ =	swait.ge [sflag:s13], $0x8000  }
0x60: {  	[sflag:s13] =	ssyncset.done $0x0  }
0x61: {  	[sflag:s13] =	ssyncadd.s32 $0xFFFF8000  }
0x62: {  	v29 =	vld [tilespmem:$0x4000];
	_ =	sdelay $0x4  }
0x63: {  	v30 =	vshll.u32 v29, $0x3  }
0x64: {  	v29 =	vand.u32 $0x7, v29;
	v30 =	vand.u32 $0xFFFFFFC0, v30  }
0x65: {  	v29 =	vor.u32 v29, v30  }
0x66: {  	v30 =	vperm.xlane v29, v26;
	_ =	sdelay $0x1  }
0x67: {  	v30 =	vadd.s32 v27, v30;
	_ =	sdelay $0x4  }
0x68: {  	[hbm4b:s3+s2] =	stream.indirect_vreg.scatter [tilespmem:s10], [sflag:$0x4], $0x80, v30, vm0, $0xb8;
	[tilespmem:$0x1C280] =	vst v63  }
0x69: {  	v29 =	vperm.xlane v29, v28  }
0x6a: {  	[hbm4b:s4+s2] =	stream.indirect_vreg.scatter [tilespmem:s16], [sflag:$0x4], $0x80, v30, vm0, $0xb8;
	[tilespmem:$0x1C280] =	vst v63  }
0x6b: {  	v29 =	vadd.s32 v27, v29  }
0x6c: {  	[hbm4b:s5+s2] =	stream.indirect_vreg.scatter [tilespmem:s17], [sflag:$0x4], $0x80, v30, vm0, $0xb8;
	[tilespmem:$0x1C280] =	vst v63  }
0x6d: {  	_ = 	snop  }
0x6e: {  	[hbm4b:s6+s2] =	stream.indirect_vreg.scatter [tilespmem:s18], [sflag:$0x4], $0x80, v30, vm0, $0xb8;
	[tilespmem:$0x1C280] =	vst v63  }
0x6f: {  	_ = 	snop  }
0x70: {  	[hbm4b:s3+s2] =	stream.indirect_vreg.scatter [tilespmem:s19], [sflag:$0x4], $0x80, v29, vm0, $0xb8;
	[tilespmem:$0x1C280] =	vst v63  }
0x71: {  	_ = 	snop  }
0x72: {  	[hbm4b:s4+s2] =	stream.indirect_vreg.scatter [tilespmem:s20], [sflag:$0x4], $0x80, v29, vm0, $0xb8;
	[tilespmem:$0x1C280] =	vst v63  }
0x73: {  	_ = 	snop  }
0x74: {  	[hbm4b:s5+s2] =	stream.indirect_vreg.scatter [tilespmem:s21], [sflag:$0x4], $0x80, v29, vm0, $0xb8;
	[tilespmem:$0x1C280] =	vst v63  }
0x75: {  	_ = 	snop  }
0x76: {  	[hbm4b:s6+s2] =	stream.indirect_vreg.scatter [tilespmem:s22], [sflag:$0x4], $0x80, v29, vm0, $0xb8;
	[tilespmem:$0x1C280] =	vst v63  }
0x77: {  	v29 =	vld [tilespmem:$0x4010];
	_ =	sdelay $0x4  }
0x78: {  	v30 =	vshll.u32 v29, $0x3  }
0x79: {  	v29 =	vand.u32 $0x7, v29;
	v30 =	vand.u32 $0xFFFFFFC0, v30  }
0x7a: {  	v29 =	vor.u32 v29, v30  }
0x7b: {  	v30 =	vperm.xlane v29, v26;
	_ =	sdelay $0x1  }
0x7c: {  	v30 =	vadd.s32 v27, v30;
	_ =	sdelay $0x4  }
0x7d: {  	[hbm4b:s3+s2] =	stream.indirect_vreg.scatter [tilespmem:s23], [sflag:$0x4], $0x80, v30, vm0, $0xb8;
	[tilespmem:$0x1C280] =	vst v63  }
0x7e: {  	v29 =	vperm.xlane v29, v28  }
0x7f: {  	[hbm4b:s4+s2] =	stream.indirect_vreg.scatter [tilespmem:s24], [sflag:$0x4], $0x80, v30, vm0, $0xb8;
	[tilespmem:$0x1C280] =	vst v63  }
0x80: {  	v29 =	vadd.s32 v27, v29  }
0x81: {  	[hbm4b:s5+s2] =	stream.indirect_vreg.scatter [tilespmem:s25], [sflag:$0x4], $0x80, v30, vm0, $0xb8;
	[tilespmem:$0x1C280] =	vst v63  }
0x82: {  	_ = 	snop  }
0x83: {  	[hbm4b:s6+s2] =	stream.indirect_vreg.scatter [tilespmem:s26], [sflag:$0x4], $0x80, v30, vm0, $0xb8;
	[tilespmem:$0x1C280] =	vst v63  }
0x84: {  	_ = 	snop  }
0x85: {  	[hbm4b:s3+s2] =	stream.indirect_vreg.scatter [tilespmem:s28], [sflag:$0x4], $0x80, v29, vm0, $0xb8;
	[tilespmem:$0x1C280] =	vst v63  }
0x86: {  	_ = 	snop  }
0x87: {  	[hbm4b:s4+s2] =	stream.indirect_vreg.scatter [tilespmem:s29], [sflag:$0x4], $0x80, v29, vm0, $0xb8;
	[tilespmem:$0x1C280] =	vst v63  }
0x88: {  	_ = 	snop  }
0x89: {  	[hbm4b:s5+s2] =	stream.indirect_vreg.scatter [tilespmem:s31], [sflag:$0x4], $0x80, v29, vm0, $0xb8;
	[tilespmem:$0x1C280] =	vst v63  }
0x8a: {  	_ = 	snop  }
0x8b: {  	[hbm4b:s6+s2] =	stream.indirect_vreg.scatter [tilespmem:s1], [sflag:$0x4], $0x80, v29, vm0, $0xb8;
	[tilespmem:$0x1C280] =	vst v63  }
0x8c: {  	_ =	swait.ge [sflag:s30], $0x8000  }
0x8d: {  	[sflag:s30] =	ssyncset.done $0x0  }
0x8e: {  	s12 =	rddreg [dreg:$0x8];
	[sflag:s30] =	ssyncadd.s32 $0xFFFF8000  }
0x8f: {  	[tilespmem:s10], [sflag:$0x1] =	stream.linear.gather [hbm4b:s12+s2], $0x8000, $0x38;
	[tilespmem:$0x1C280] =	vst v63  }
0x90: {  	s12 =	simm.s32 $0x2  }
0x91: {  	_ =	swait.ge [sflag:s12], $0x8000  }
0x92: {  	[sflag:s12] =	ssyncset.done $0x0  }
0x93: {  	[sflag:s12] =	ssyncadd.s32 $0xFFFF8000  }
0x94: {  	v29 =	vld [tilespmem:$0x4080];
	_ =	sdelay $0x4  }
0x95: {  	v30 =	vshll.u32 v29, $0x3  }
0x96: {  	v29 =	vand.u32 $0x7, v29;
	v30 =	vand.u32 $0xFFFFFFC0, v30  }
0x97: {  	v29 =	vor.u32 v29, v30  }
0x98: {  	v30 =	vperm.xlane v29, v26;
	_ =	sdelay $0x1  }
0x99: {  	v30 =	vadd.s32 v27, v30;
	_ =	sdelay $0x4  }
0x9a: {  	[hbm4b:s3+s2] =	stream.indirect_vreg.scatter [tilespmem:s14], [sflag:$0x5], $0x80, v30, vm0, $0xb8;
	[tilespmem:$0x1C280] =	vst v63  }
0x9b: {  	s11 =	rddreg [dreg:$0x9];
	v29 =	vperm.xlane v29, v28  }
0x9c: {  	[hbm4b:s4+s2] =	stream.indirect_vreg.scatter [tilespmem:s11], [sflag:$0x5], $0x80, v30, vm0, $0xb8;
	[tilespmem:$0x1C280] =	vst v63  }
0x9d: {  	s12 =	rddreg [dreg:$0xa];
	v29 =	vadd.s32 v27, v29  }
0x9e: {  	[hbm4b:s5+s2] =	stream.indirect_vreg.scatter [tilespmem:s12], [sflag:$0x5], $0x80, v30, vm0, $0xb8;
	[tilespmem:$0x1C280] =	vst v63  }
0x9f: {  	s11 =	rddreg [dreg:$0xb]  }
0xa0: {  	[hbm4b:s6+s2] =	stream.indirect_vreg.scatter [tilespmem:s11], [sflag:$0x5], $0x80, v30, vm0, $0xb8;
	[tilespmem:$0x1C280] =	vst v63  }
0xa1: {  	s12 =	rddreg [dreg:$0xc]  }
0xa2: {  	[hbm4b:s3+s2] =	stream.indirect_vreg.scatter [tilespmem:s12], [sflag:$0x5], $0x80, v29, vm0, $0xb8;
	[tilespmem:$0x1C280] =	vst v63  }
0xa3: {  	s11 =	rddreg [dreg:$0xd]  }
0xa4: {  	[hbm4b:s4+s2] =	stream.indirect_vreg.scatter [tilespmem:s11], [sflag:$0x5], $0x80, v29, vm0, $0xb8;
	[tilespmem:$0x1C280] =	vst v63  }
0xa5: {  	s12 =	rddreg [dreg:$0xe]  }
0xa6: {  	[hbm4b:s5+s2] =	stream.indirect_vreg.scatter [tilespmem:s12], [sflag:$0x5], $0x80, v29, vm0, $0xb8;
	[tilespmem:$0x1C280] =	vst v63  }
0xa7: {  	s11 =	rddreg [dreg:$0xf]  }
0xa8: {  	[hbm4b:s6+s2] =	stream.indirect_vreg.scatter [tilespmem:s11], [sflag:$0x5], $0x80, v29, vm0, $0xb8;
	[tilespmem:$0x1C280] =	vst v63  }
0xa9: {  	v29 =	vld [tilespmem:$0x4090];
	_ =	sdelay $0x4  }
0xaa: {  	v30 =	vshll.u32 v29, $0x3  }
0xab: {  	v29 =	vand.u32 $0x7, v29;
	v30 =	vand.u32 $0xFFFFFFC0, v30  }
0xac: {  	v29 =	vor.u32 v29, v30  }
0xad: {  	v30 =	vperm.xlane v29, v26;
	_ =	sdelay $0x1  }
0xae: {  	v30 =	vadd.s32 v27, v30;
	_ =	sdelay $0x3  }
0xaf: {  	s11 =	rddreg [dreg:$0x10]  }
0xb0: {  	[hbm4b:s3+s2] =	stream.indirect_vreg.scatter [tilespmem:s11], [sflag:$0x5], $0x80, v30, vm0, $0xb8;
	[tilespmem:$0x1C280] =	vst v63  }
0xb1: {  	s12 =	rddreg [dreg:$0x11];
	v29 =	vperm.xlane v29, v28  }
0xb2: {  	[hbm4b:s4+s2] =	stream.indirect_vreg.scatter [tilespmem:s12], [sflag:$0x5], $0x80, v30, vm0, $0xb8;
	[tilespmem:$0x1C280] =	vst v63  }
0xb3: {  	v29 =	vadd.s32 v27, v29;
	s11 =	rddreg [dreg:$0x12]  }
0xb4: {  	[hbm4b:s5+s2] =	stream.indirect_vreg.scatter [tilespmem:s11], [sflag:$0x5], $0x80, v30, vm0, $0xb8;
	[tilespmem:$0x1C280] =	vst v63  }
0xb5: {  	s12 =	rddreg [dreg:$0x13]  }
0xb6: {  	[hbm4b:s6+s2] =	stream.indirect_vreg.scatter [tilespmem:s12], [sflag:$0x5], $0x80, v30, vm0, $0xb8;
	[tilespmem:$0x1C280] =	vst v63  }
0xb7: {  	s11 =	rddreg [dreg:$0x14]  }
0xb8: {  	[hbm4b:s3+s2] =	stream.indirect_vreg.scatter [tilespmem:s11], [sflag:$0x5], $0x80, v29, vm0, $0xb8;
	[tilespmem:$0x1C280] =	vst v63  }
0xb9: {  	s12 =	rddreg [dreg:$0x15]  }
0xba: {  	[hbm4b:s4+s2] =	stream.indirect_vreg.scatter [tilespmem:s12], [sflag:$0x5], $0x80, v29, vm0, $0xb8;
	[tilespmem:$0x1C280] =	vst v63  }
0xbb: {  	s11 =	rddreg [dreg:$0x16]  }
0xbc: {  	[hbm4b:s5+s2] =	stream.indirect_vreg.scatter [tilespmem:s11], [sflag:$0x5], $0x80, v29, vm0, $0xb8;
	[tilespmem:$0x1C280] =	vst v63  }
0xbd: {  	s12 =	rddreg [dreg:$0x17]  }
0xbe: {  	[hbm4b:s6+s2] =	stream.indirect_vreg.scatter [tilespmem:s12], [sflag:$0x5], $0x80, v29, vm0, $0xb8;
	[tilespmem:$0x1C280] =	vst v63  }
0xbf: {  	s12 =	simm.s32 $0x3  }
0xc0: {  	_ =	swait.ge [sflag:s12], $0x8000  }
0xc1: {  	[sflag:s12] =	ssyncset.done $0x0  }
0xc2: {  	[sflag:s12] =	ssyncadd.s32 $0xFFFF8000  }
0xc3: {  	v29 =	vld [tilespmem:$0x4100];
	_ =	sdelay $0x4  }
0xc4: {  	v30 =	vshll.u32 v29, $0x3  }
0xc5: {  	v29 =	vand.u32 $0x7, v29;
	v30 =	vand.u32 $0xFFFFFFC0, v30  }
0xc6: {  	v29 =	vor.u32 v29, v30  }
0xc7: {  	v30 =	vperm.xlane v29, v26;
	_ =	sdelay $0x1  }
0xc8: {  	v30 =	vadd.s32 v27, v30;
	_ =	sdelay $0x4  }
0xc9: {  	[hbm4b:s3+s2] =	stream.indirect_vreg.scatter [tilespmem:s15], [sflag:$0x6], $0x80, v30, vm0, $0xb8;
	[tilespmem:$0x1C280] =	vst v63  }
0xca: {  	s11 =	rddreg [dreg:$0x18];
	v29 =	vperm.xlane v29, v28  }
0xcb: {  	[hbm4b:s4+s2] =	stream.indirect_vreg.scatter [tilespmem:s11], [sflag:$0x6], $0x80, v30, vm0, $0xb8;
	[tilespmem:$0x1C280] =	vst v63  }
0xcc: {  	s12 =	rddreg [dreg:$0x19];
	v29 =	vadd.s32 v27, v29  }
0xcd: {  	[hbm4b:s5+s2] =	stream.indirect_vreg.scatter [tilespmem:s12], [sflag:$0x6], $0x80, v30, vm0, $0xb8;
	[tilespmem:$0x1C280] =	vst v63  }
0xce: {  	s11 =	rddreg [dreg:$0x1a]  }
0xcf: {  	[hbm4b:s6+s2] =	stream.indirect_vreg.scatter [tilespmem:s11], [sflag:$0x6], $0x80, v30, vm0, $0xb8;
	[tilespmem:$0x1C280] =	vst v63  }
0xd0: {  	s12 =	rddreg [dreg:$0x1b]  }
0xd1: {  	[hbm4b:s3+s2] =	stream.indirect_vreg.scatter [tilespmem:s12], [sflag:$0x6], $0x80, v29, vm0, $0xb8;
	[tilespmem:$0x1C280] =	vst v63  }
0xd2: {  	s11 =	rddreg [dreg:$0x1c]  }
0xd3: {  	[hbm4b:s4+s2] =	stream.indirect_vreg.scatter [tilespmem:s11], [sflag:$0x6], $0x80, v29, vm0, $0xb8;
	[tilespmem:$0x1C280] =	vst v63  }
0xd4: {  	s12 =	rddreg [dreg:$0x1d]  }
0xd5: {  	[hbm4b:s5+s2] =	stream.indirect_vreg.scatter [tilespmem:s12], [sflag:$0x6], $0x80, v29, vm0, $0xb8;
	[tilespmem:$0x1C280] =	vst v63  }
0xd6: {  	s11 =	rddreg [dreg:$0x1e]  }
0xd7: {  	[hbm4b:s6+s2] =	stream.indirect_vreg.scatter [tilespmem:s11], [sflag:$0x6], $0x80, v29, vm0, $0xb8;
	[tilespmem:$0x1C280] =	vst v63  }
0xd8: {  	v29 =	vld [tilespmem:$0x4110];
	_ =	sdelay $0x4  }
0xd9: {  	v30 =	vshll.u32 v29, $0x3  }
0xda: {  	v29 =	vand.u32 $0x7, v29;
	v30 =	vand.u32 $0xFFFFFFC0, v30  }
0xdb: {  	v29 =	vor.u32 v29, v30  }
0xdc: {  	v30 =	vperm.xlane v29, v26;
	_ =	sdelay $0x1  }
0xdd: {  	v30 =	vadd.s32 v27, v30;
	_ =	sdelay $0x2  }
0xde: {  	s12 =	sld [smem:$0x7F7]  }
0xdf: {  	s11 =	rddreg [dreg:$0x1f]  }
0xe0: {  	[hbm4b:s3+s2] =	stream.indirect_vreg.scatter [tilespmem:s11], [sflag:$0x6], $0x80, v30, vm0, $0xb8;
	[tilespmem:$0x1C280] =	vst v63  }
0xe1: {  	v29 =	vperm.xlane v29, v28;
	s11 =	sld [smem:$0x7F8]  }
0xe2: {  	[hbm4b:s4+s2] =	stream.indirect_vreg.scatter [tilespmem:s12], [sflag:$0x6], $0x80, v30, vm0, $0xb8;
	[tilespmem:$0x1C280] =	vst v63  }
0xe3: {  	v29 =	vadd.s32 v27, v29;
	s12 =	sld [smem:$0x7F9]  }
0xe4: {  	[hbm4b:s5+s2] =	stream.indirect_vreg.scatter [tilespmem:s11], [sflag:$0x6], $0x80, v30, vm0, $0xb8;
	[tilespmem:$0x1C280] =	vst v63  }
0xe5: {  	s11 =	sld [smem:$0x7FA]  }
0xe6: {  	[hbm4b:s6+s2] =	stream.indirect_vreg.scatter [tilespmem:s12], [sflag:$0x6], $0x80, v30, vm0, $0xb8;
	[tilespmem:$0x1C280] =	vst v63  }
0xe7: {  	s12 =	sld [smem:$0x7FB]  }
0xe8: {  	[hbm4b:s3+s2] =	stream.indirect_vreg.scatter [tilespmem:s11], [sflag:$0x6], $0x80, v29, vm0, $0xb8;
	[tilespmem:$0x1C280] =	vst v63  }
0xe9: {  	s11 =	sld [smem:$0x7FC]  }
0xea: {  	[hbm4b:s4+s2] =	stream.indirect_vreg.scatter [tilespmem:s12], [sflag:$0x6], $0x80, v29, vm0, $0xb8;
	[tilespmem:$0x1C280] =	vst v63  }
0xeb: {  	s12 =	sld [smem:$0x7FD]  }
0xec: {  	[hbm4b:s5+s2] =	stream.indirect_vreg.scatter [tilespmem:s11], [sflag:$0x6], $0x80, v29, vm0, $0xb8;
	[tilespmem:$0x1C280] =	vst v63  }
0xed: {  	_ = 	snop  }
0xee: {  	[hbm4b:s6+s2] =	stream.indirect_vreg.scatter [tilespmem:s12], [sflag:$0x6], $0x80, v29, vm0, $0xb8;
	[tilespmem:$0x1C280] =	vst v63  }
0xef: {  	_ =	swait.ge [sflag:s13], $0x8000  }
0xf0: {  	[sflag:s13] =	ssyncset.done $0x0  }
0xf1: {  	[sflag:s13] =	ssyncadd.s32 $0xFFFF8000  }
0xf2: {  	v29 =	vld [tilespmem:$0x4180];
	_ =	sdelay $0x4  }
0xf3: {  	v30 =	vshll.u32 v29, $0x3  }
0xf4: {  	v29 =	vand.u32 $0x7, v29;
	v30 =	vand.u32 $0xFFFFFFC0, v30  }
0xf5: {  	v29 =	vor.u32 v29, v30  }
0xf6: {  	v30 =	vperm.xlane v29, v26;
	_ =	sdelay $0x1  }
0xf7: {  	v30 =	vadd.s32 v27, v30;
	_ =	sdelay $0x4  }
0xf8: {  	[hbm4b:s3+s2] =	stream.indirect_vreg.scatter [tilespmem:s10], [sflag:$0x4], $0x80, v30, vm0, $0xb8;
	[tilespmem:$0x1C280] =	vst v63  }
0xf9: {  	v29 =	vperm.xlane v29, v28  }
0xfa: {  	[hbm4b:s4+s2] =	stream.indirect_vreg.scatter [tilespmem:s16], [sflag:$0x4], $0x80, v30, vm0, $0xb8;
	[tilespmem:$0x1C280] =	vst v63  }
0xfb: {  	v29 =	vadd.s32 v27, v29  }
0xfc: {  	[hbm4b:s5+s2] =	stream.indirect_vreg.scatter [tilespmem:s17], [sflag:$0x4], $0x80, v30, vm0, $0xb8;
	[tilespmem:$0x1C280] =	vst v63  }
0xfd: {  	_ = 	snop  }
0xfe: {  	[hbm4b:s6+s2] =	stream.indirect_vreg.scatter [tilespmem:s18], [sflag:$0x4], $0x80, v30, vm0, $0xb8;
	[tilespmem:$0x1C280] =	vst v63  }
0xff: {  	_ = 	snop  }
0x100: {  	[hbm4b:s3+s2] =	stream.indirect_vreg.scatter [tilespmem:s19], [sflag:$0x4], $0x80, v29, vm0, $0xb8;
	[tilespmem:$0x1C280] =	vst v63  }
0x101: {  	_ = 	snop  }
0x102: {  	[hbm4b:s4+s2] =	stream.indirect_vreg.scatter [tilespmem:s20], [sflag:$0x4], $0x80, v29, vm0, $0xb8;
	[tilespmem:$0x1C280] =	vst v63  }
0x103: {  	_ = 	snop  }
0x104: {  	[hbm4b:s5+s2] =	stream.indirect_vreg.scatter [tilespmem:s21], [sflag:$0x4], $0x80, v29, vm0, $0xb8;
	[tilespmem:$0x1C280] =	vst v63  }
0x105: {  	_ = 	snop  }
0x106: {  	[hbm4b:s6+s2] =	stream.indirect_vreg.scatter [tilespmem:s22], [sflag:$0x4], $0x80, v29, vm0, $0xb8;
	[tilespmem:$0x1C280] =	vst v63  }
0x107: {  	v29 =	vld [tilespmem:$0x4190];
	_ =	sdelay $0x4  }
0x108: {  	v30 =	vshll.u32 v29, $0x3  }
0x109: {  	v29 =	vand.u32 $0x7, v29;
	v30 =	vand.u32 $0xFFFFFFC0, v30  }
0x10a: {  	v29 =	vor.u32 v29, v30  }
0x10b: {  	v30 =	vperm.xlane v29, v26;
	_ =	sdelay $0x1  }
0x10c: {  	v30 =	vadd.s32 v27, v30;
	_ =	sdelay $0x4  }
0x10d: {  	[hbm4b:s3+s2] =	stream.indirect_vreg.scatter [tilespmem:s23], [sflag:$0x4], $0x80, v30, vm0, $0xb8;
	[tilespmem:$0x1C280] =	vst v63  }
0x10e: {  	v29 =	vperm.xlane v29, v28  }
0x10f: {  	[hbm4b:s4+s2] =	stream.indirect_vreg.scatter [tilespmem:s24], [sflag:$0x4], $0x80, v30, vm0, $0xb8;
	[tilespmem:$0x1C280] =	vst v63  }
0x110: {  	v29 =	vadd.s32 v27, v29  }
0x111: {  	[hbm4b:s5+s2] =	stream.indirect_vreg.scatter [tilespmem:s25], [sflag:$0x4], $0x80, v30, vm0, $0xb8;
	[tilespmem:$0x1C280] =	vst v63  }
0x112: {  	_ = 	snop  }
0x113: {  	[hbm4b:s6+s2] =	stream.indirect_vreg.scatter [tilespmem:s26], [sflag:$0x4], $0x80, v30, vm0, $0xb8;
	[tilespmem:$0x1C280] =	vst v63  }
0x114: {  	_ = 	snop  }
0x115: {  	[hbm4b:s3+s2] =	stream.indirect_vreg.scatter [tilespmem:s28], [sflag:$0x4], $0x80, v29, vm0, $0xb8;
	[tilespmem:$0x1C280] =	vst v63  }
0x116: {  	_ = 	snop  }
0x117: {  	[hbm4b:s4+s2] =	stream.indirect_vreg.scatter [tilespmem:s29], [sflag:$0x4], $0x80, v29, vm0, $0xb8;
	[tilespmem:$0x1C280] =	vst v63  }
0x118: {  	_ = 	snop  }
0x119: {  	[hbm4b:s5+s2] =	stream.indirect_vreg.scatter [tilespmem:s31], [sflag:$0x4], $0x80, v29, vm0, $0xb8;
	[tilespmem:$0x1C280] =	vst v63  }
0x11a: {  	_ = 	snop  }
0x11b: {  	[hbm4b:s6+s2] =	stream.indirect_vreg.scatter [tilespmem:s1], [sflag:$0x4], $0x80, v29, vm0, $0xb8;
	[tilespmem:$0x1C280] =	vst v63  }
0x11c: {  	_ =	swait.ge [sflag:s0], $0x8000  }
0x11d: {  	[sflag:s0] =	ssyncset.done $0x0  }
0x11e: {  	[sflag:s0] =	ssyncadd.s32 $0xFFFF8000  }
0x11f: {  	p0 =	sne.s32 s7, $0x1;
	_ =	swait.ge [sflag:s9], $0x8000  }
.Ltmp0:
0x120: {  	[sflag:s9] =	ssyncset.done $0x0;
	(pc) =	sbr.rel @p0 .LBB2_1-.Ltmp0, $4  }
0x121: {  	[sflag:s9] =	ssyncadd.s32 $0xFFFF8000  }
0x122: {  	_ =	swait.ge [sflag:s30], $0x8000  }
0x123: {  	[sflag:s30] =	ssyncset.done $0x0  }
0x124: {  	s7 =	sadd.s32 $0xFFFFFFFF, s7;
	[sflag:s30] =	ssyncadd.s32 $0xFFFF8000  }
0x125: {  	_ =	sfence.sel $0x180000  }
0x126: {  	[bflag:$0x0] =	sbarrier.arrive $0xFFFF  }
0x127: {  	_ =	strace $0x9000004A  }
0x128: {  	s0 =	stileid.u32;
	[bflag:$0x2] =	sbarrier.arrive $0xFFFF  }
0x129: {  	p0 =	sne.s32 s0, $0x0;
	s0 =	rddreg [dreg:$0x2]  }
0x12a: {  	s0 =	sadd.s32 @!p0 $0x100000, s0  }
0x12b: {  	[sflag:s0] =	ssyncadd.tile.s32 @!p0 $0x1;
	_ =	shalt  }
.Lfunc_end2:
_tile_overlayer_lowered:
.L_overlay_start_2:
0x12c: {  	(tag) =	ssettag $0x2  }
0x12d: {  	s0 =	rddreg [dreg:$0x0];
	s2 =	stileid.u32  }
0x12e: {  	s1 =	rddreg [dreg:$0x1];
	p0 =	sne.s32 s2, $0x0  }
0x12f: {  	s3 =	rddreg [dreg:$0x2];
	[bflag:$0x3] =	sbarrier.arrive $0xFFFF;
	s2 =	simm.s32 @!p0 $0x1C07  }
0x130: {  	[timem:s3], [sflag:s2] =	dma.local @!p0 [hbm:s0], s1  }
0x131: {  	s0 =	simm.s32 @!p0 $0x7  }
0x132: {  	_ =	swait.ge @!p0 [sflag:s0], s1  }
0x133: {  	s1 =	ssub.s32 @!p0 $0x0, s1;
	[sflag:s0] =	ssyncset.done @!p0 $0x0  }
0x134: {  	[sflag:s0] =	ssyncadd.s32 @!p0 s1  }
0x135: {  	[bflag:$0x3] =	sbarrier.arrive $0xFFFF  }
0x136: {  	_ =	shalt  }

// kernel: kernel.15.cloned.1.call-start
scs
__scs_entry_jumppad:
0x0: {  	(pc) =	sbr.rel $0x88, $3  }
0x1: {  	(tag) =	ssettag $0x0;
	lr =	simm.s32 $0x1  }
0x2: {  	[smem:$0x3F8F] =	sst lr;
	_ =	strace $0xD0000000  }
0x3: {  	_ = 	snop  }
0x4: {  	_ = 	snop  }
0x5: {  	_ = 	snop  }
0x6: {  	_ = 	snop  }
0x7: {  	_ = 	snop  }
__scs_overlays_trampoline_lowered:
0x8: {  	[smem:$0x3F9E] =	sst s0  }
0x9: {  	[smem:$0x3F9F] =	sst s1  }
0xa: {  	[smem:$0x3FA0] =	sst s2  }
0xb: {  	[smem:$0x3FA1] =	sst s3  }
0xc: {  	[smem:$0x3FA2] =	sst s4  }
0xd: {  	[smem:$0x3FA3] =	sst s5  }
0xe: {  	[smem:$0x3FA4] =	sst s6  }
0xf: {  	[smem:$0x3FA5] =	sst s7  }
0x10: {  	[smem:$0x3FA6] =	sst s8  }
0x11: {  	[smem:$0x3FA7] =	sst s9;
	s0 =	simm.s32 @!p0 $0x0  }
0x12: {  	s1 =	sld [smem:$0x3F8D];
	s0 =	simm.s32 @p0 $0x1  }
0x13: {  	[smem:$0x3FA8] =	sst s0;
	s0 =	simm.s32 @!p1 $0x0  }
0x14: {  	s2 =	sld [smem:$0x3F8C];
	s0 =	simm.s32 @p1 $0x1  }
0x15: {  	[smem:$0x3FA9] =	sst s0;
	s0 =	simm.s32 @!p2 $0x0  }
0x16: {  	s3 =	sld [smem:$0x3FDB];
	s0 =	simm.s32 @p2 $0x1  }
0x17: {  	s4 =	simm.s32 $0x1BF5;
	[smem:$0x3FAB] =	sst s0  }
0x18: {  	s0 =	sld [smem:$0x3F8E];
	_ =	swait.ge [sflag:s4], $0x0  }
0x19: {  	s7 =	sld [smem:$0x3F8F]  }
0x1a: {  	s8 =	sadd.s32 $0xFFFFE003, lr  }
0x1b: {  	s9 =	sadd.s32 $0xFFFFFEF7, lr;
	s5 =	simm.s32 $0xFFFFFFFF;
	p2 =	slt.u32 s8, $0xFFFFF086  }
0x1c: {  	p1 =	slt.u32 s9, $0xF7A;
	s5 =	simm.s32 @!p2 $0x0  }
0x1d: {  	s5 =	simm.s32 @p1 $0x1;
	p0 =	seq.s32 s7, s2  }
0x1e: {  	s7 =	smul.u32 @!p0 $0xF7A, s2;
	p2 =	seq.s32 @!p0 s5, $0x0  }
0x1f: {  	s9 =	smul.u32 $0xF7A, s1;
	s8 =	simm.s32 @!p0 $0x1BF5;
	p2 =	por !p2, p0  }
0x20: {  	[sflag:s8] =	ssyncset.s32 @!p0 $0xFFFFF086;
	s6 =	sadd.s32 @!p0 s3, s7;
	s7 =	simm.s32 @!p0 $0x108  }
0x21: {  	s3 =	sadd.s32 s3, s9;
	s6 =	sadd.s32 @!p0 $0x88, s6;
	s7 =	simm.s32 @p2 $0x1082  }
0x22: {  	[simem:s7], [sflag:s8] =	dma.local @!p0 [hbm:s6], $0xF7A  }
0x23: {  	s9 =	sor.u32 $0xD0000000, s2;
	s6 =	simm.s32 $0x108;
	_ =	swait.ge @!p0 [sflag:s8], $0x0  }
0x24: {  	s3 =	sadd.s32 $0x88, s3;
	s6 =	simm.s32 @!p1 $0x1082;
	[sflag:s4] =	ssyncset.s32 $0xFFFFF086  }
0x25: {  	[simem:s6], [sflag:s4] =	dma.local [hbm:s3], $0xF7A  }
0x26: {  	[smem:$0x3F8F] =	sst s1;
	(tag) =	ssettag s2;
	_ =	strace s9  }
0x27: {  	s1 =	sld [smem:$0x3F9F]  }
0x28: {  	s2 =	sld [smem:$0x3FA0]  }
0x29: {  	s4 =	sld [smem:$0x3FA2]  }
0x2a: {  	p0 =	seq.s32 s5, $0x0;
	s5 =	sld [smem:$0x3FA3]  }
0x2b: {  	s6 =	sld [smem:$0x3FA4]  }
0x2c: {  	s7 =	sld [smem:$0x3FA5]  }
0x2d: {  	s3 =	simm.s32 $0x108;
	s8 =	sld [smem:$0x3FA6]  }
0x2e: {  	s3 =	simm.s32 @!p0 $0x1082;
	s9 =	sld [smem:$0x3FA7]  }
0x2f: {  	lr =	sadd.s32 s0, s3;
	s0 =	sld [smem:$0x3F9E]  }
0x30: {  	s3 =	sld [smem:$0x3FA1]  }
0x31: {  	[smem:$0x3FAA] =	sst s10  }
0x32: {  	s10 =	sld [smem:$0x3FA8];
	_ =	sdelay $0x3  }
0x33: {  	p0 =	seq.s32 s10, $0x1;
	s10 =	sld [smem:$0x3FAA];
	_ =	sdelay $0x3  }
0x34: {  	[smem:$0x3FAA] =	sst s10  }
0x35: {  	s10 =	sld [smem:$0x3FA9];
	_ =	sdelay $0x3  }
0x36: {  	p1 =	seq.s32 s10, $0x1;
	s10 =	sld [smem:$0x3FAA];
	_ =	sdelay $0x3  }
0x37: {  	[smem:$0x3FAA] =	sst s10  }
0x38: {  	s10 =	sld [smem:$0x3FAB]  }
0x39: {  	_ = 	snop;
	(pc) =	sbr.ind lr, $3  }
0x3a: {  	_ = 	snop  }
0x3b: {  	_ = 	snop  }
0x3c: {  	p2 =	seq.s32 s10, $0x1;
	s10 =	sld [smem:$0x3FAA]  }
0x3d: {  	_ =	shalt  }
0x3e: {  	_ =	shalt  }
0x3f: {  	_ =	shalt  }
0x40: {  	_ =	shalt  }
0x41: {  	_ =	shalt  }
0x42: {  	_ =	shalt  }
0x43: {  	_ =	shalt  }
0x44: {  	_ =	shalt  }
0x45: {  	_ =	shalt  }
0x46: {  	_ =	shalt  }
0x47: {  	_ =	shalt  }
0x48: {  	_ =	shalt  }
0x49: {  	_ =	shalt  }
0x4a: {  	_ =	shalt  }
0x4b: {  	_ =	shalt  }
0x4c: {  	_ =	shalt  }
0x4d: {  	_ =	shalt  }
0x4e: {  	_ =	shalt  }
0x4f: {  	_ =	shalt  }
0x50: {  	_ =	shalt  }
0x51: {  	_ =	shalt  }
0x52: {  	_ =	shalt  }
0x53: {  	_ =	shalt  }
0x54: {  	_ =	shalt  }
0x55: {  	_ =	shalt  }
0x56: {  	_ =	shalt  }
0x57: {  	_ =	shalt  }
0x58: {  	_ =	shalt  }
0x59: {  	_ =	shalt  }
0x5a: {  	_ =	shalt  }
0x5b: {  	_ =	shalt  }
0x5c: {  	_ =	shalt  }
0x5d: {  	_ =	shalt  }
0x5e: {  	_ =	shalt  }
0x5f: {  	_ =	shalt  }
0x60: {  	_ =	shalt  }
0x61: {  	_ =	shalt  }
0x62: {  	_ =	shalt  }
0x63: {  	_ =	shalt  }
0x64: {  	_ =	shalt  }
0x65: {  	_ =	shalt  }
0x66: {  	_ =	shalt  }
0x67: {  	_ =	shalt  }
0x68: {  	_ =	shalt  }
0x69: {  	_ =	shalt  }
0x6a: {  	_ =	shalt  }
0x6b: {  	_ =	shalt  }
0x6c: {  	_ =	shalt  }
0x6d: {  	_ =	shalt  }
0x6e: {  	_ =	shalt  }
0x6f: {  	_ =	shalt  }
0x70: {  	_ =	shalt  }
0x71: {  	_ =	shalt  }
0x72: {  	_ =	shalt  }
0x73: {  	_ =	shalt  }
0x74: {  	_ =	shalt  }
0x75: {  	_ =	shalt  }
0x76: {  	_ =	shalt  }
0x77: {  	_ =	shalt  }
0x78: {  	_ =	shalt  }
0x79: {  	_ =	shalt  }
0x7a: {  	_ =	shalt  }
0x7b: {  	_ =	shalt  }
0x7c: {  	_ =	shalt  }
0x7d: {  	_ =	shalt  }
0x7e: {  	_ =	shalt  }
0x7f: {  	_ =	shalt  }
0x80: {  	_ =	shalt  }
0x81: {  	_ =	shalt  }
0x82: {  	_ =	shalt  }
0x83: {  	_ =	shalt  }
0x84: {  	_ =	shalt  }
0x85: {  	_ =	shalt  }
0x86: {  	_ =	shalt  }
0x87: {  	_ =	shalt  }
.Lfunc_end0:
.L_simem_size_0:
called_computation.2_lowered:
.L_overlay_start_0:
0x88: {  	s2 =	sld [smem:$0x3FD9]  }
0x89: {  	s3 =	sld [smem:$0x3FFE];
	_ =	sdelay $0x1  }
0x8a: {  	s1 =	srdreg.scid  }
0x8b: {  	s0 =	sand.u32 $0x1, s1  }
0x8c: {  	s16 =	sshll.u32 s0, $0xA;
	s2 =	sadd.s32 s3, s2  }
0x8d: {  	s2 =	sadd.s32 s2, s16  }
0x8e: {  	[smem:$0x3FB6] =	sst s2  }
0x8f: {  	_ = 	snop  }
0x90: {  	(tm) =	ssettm $0x1  }
0x91: {  	s17 =	sld [smem:$0x3FFB];
	_ =	sdelay $0x3  }
0x92: {  	_ =	strace s17  }
0x93: {  	s2 =	sld [smem:$0x3FFC];
	_ =	sdelay $0x3  }
0x94: {  	_ =	strace s2  }
0x95: {  	s2 =	sld [smem:$0x3FFD];
	_ =	sdelay $0x3  }
0x96: {  	_ =	strace s2  }
0x97: {  	_ =	strace $0x8FFFFFFF  }
0x98: {  	s18 =	sld [smem:$0x3FDB];
	_ =	sdelay $0x1  }
0x99: {  	s19 =	simm.s32 $_scs_section_size  }
0x9a: {  	s4 =	simm.s32 $_size__tile_overlayer_lowered;
	s5 =	simm.s32 $_tile_overlayer_lowered  }
0x9b: {  	s22 =	simm.s32 $0x1BFF;
	s21 =	sshll.u32 s5, $0x1;
	s2 =	sadd.s32 s19, s18  }
0x9c: {  	s6 =	simm.s32 $0x0;
	s20 =	sshll.u32 s4, $0x1;
	s4 =	sadd.s32 s21, s2  }
0x9d: {  	[timem:s6], [sflag:s22] =	dma.local [hbm:s4], s20  }
0x9e: {  	_ =	swait.ge [sflag:s22], s20  }
0x9f: {  	s3 =	ssub.s32 $0x0, s20;
	[sflag:s22] =	ssyncset.done $0x0  }
0xa0: {  	[sflag:s22] =	ssyncadd.s32 s3;
	_ =	sdelay $0x1  }
0xa1: {  	s23 =	simm.s32 $0x1B8B  }
0xa2: {  	_ =	swait.ge [sflag:s23], $0x1  }
0xa3: {  	[sflag:s23] =	ssyncset.done $0x0  }
0xa4: {  	s25 =	simm.s32 $0x1B8E;
	s24 =	sld [smem:$0x3FFE];
	[sflag:s23] =	ssyncadd.s32 $0xFFFFFFFF  }
0xa5: {  	s26 =	simm.s32 $execute0_lowered;
	[smem:$0x3FD2] =	sst s25  }
0xa6: {  	s4 =	sshll.u32 s26, $0x1;
	_ =	strace $0x8000004C;
	[dreg:$0x1] =	wrdreg $0xFFFFFFFF  }
0xa7: {  	s28 =	simm.s32 $_size_execute0_lowered;
	s2 =	sadd.s32 s2, s4;
	[dreg:$0x0] =	wrdreg $0x0  }
0xa8: {  	s4 =	sshll.u32 s28, $0x1;
	[dreg:$0x2] =	wrdreg s2  }
0xa9: {  	[dreg:$0x3] =	wrdreg s4  }
0xaa: {  	[dreg:$0x4] =	wrdreg $0xC0  }
0xab: {  	_ =	task [dreg:s6], $0x5FFFF  }
0xac: {  	[dreg:$0x1] =	wrdreg $0xFFFFFFFF  }
0xad: {  	[dreg:$0x0] =	wrdreg $0x60  }
0xae: {  	[dreg:$0x2] =	wrdreg s24  }
0xaf: {  	[dreg:$0x3] =	wrdreg $0x9  }
0xb0: {  	_ =	task.clear_ibuf [dreg:s6], $0x4FFFF;
	_ =	strace $0x9000004C  }
0xb1: {  	s29 =	simm.s32 $0x9;
	_ =	strace $0x8000004E  }
0xb2: {  	_ =	swait.ge [sflag:s29], $0x1  }
0xb3: {  	[sflag:s29] =	ssyncadd.s32 $0xFFFFFFFF  }
0xb4: {  	_ =	strace $0x9000004E  }
0xb5: {  	_ =	sfence  }
0xb6: {  	s30 =	sld [smem:$0x0];
	_ =	sdelay $0x2  }
0xb7: {  	s31 =	sshll.u32 s1, $0xD;
	s1 =	sshrl.u32 s1, $0x2  }
0xb8: {  	s3 =	sand.u32 $0x4000, s31;
	s1 =	sadd.s32 s1, s30  }
0xb9: {  	s0 =	sor.u32 s3, s0;
	s1 =	sshll.u32 s1, $0x11  }
0xba: {  	s0 =	sor.u32 s1, s0  }
0xbb: {  	s0 =	sadd.s32 $0x8F2B, s0  }
0xbc: {  	[sflag:s0] =	ssyncadd.remote.s32 $0x1  }
0xbd: {  	_ =	sfence.sel $0xFFFF  }
0xbe: {  	[dreg:$0x0] =	wrdreg $0xFFFFFFFF;
	(pc) =	sbr.abs _section_cstart, $3  }
0xbf: {  	[dreg:$0x1] =	wrdreg $0xFFFFFFFF  }
0xc0: {  	_ =	task.clear_ibuf [dreg:s6], $0x2FFFF;
	_ =	strace $0x9FFFFFFF  }
0xc1: {  	(tm) =	ssettm $0x7FFFFFFF  }
tec
execute0_lowered:
.L_overlay_start_1:
0x0: {  	(tag) =	ssettag $0x1  }
0x1: {  	s0 =	rddreg [dreg:$0x0];
	s2 =	simm.s32 $0x0  }
0x2: {  	s13 =	simm.s32 $0x80;
	[smem:$0x7FF] =	sst s2  }
0x3: {  	s14 =	simm.s32 $0x19200;
	_ =	strace $0x8000004D;
	[dreg:$0x8] =	wrdreg s13  }
0x4: {  	s15 =	simm.s32 $0x100;
	[dreg:$0x9] =	wrdreg s14  }
0x5: {  	s16 =	simm.s32 $0x1A200;
	[dreg:$0xa] =	wrdreg s15  }
0x6: {  	s17 =	simm.s32 $0x180;
	[dreg:$0xb] =	wrdreg s16  }
0x7: {  	s18 =	simm.s32 $0x1B200;
	[dreg:$0xc] =	wrdreg s17  }
0x8: {  	s19 =	simm.s32 $0x8A00;
	[dreg:$0xd] =	wrdreg s18  }
0x9: {  	s20 =	simm.s32 $0x9200;
	[dreg:$0xe] =	wrdreg s19  }
0xa: {  	s21 =	simm.s32 $0x9A00;
	[dreg:$0xf] =	wrdreg s20  }
0xb: {  	s22 =	simm.s32 $0xA200;
	[dreg:$0x10] =	wrdreg s21  }
0xc: {  	s23 =	simm.s32 $0xAA00;
	[dreg:$0x11] =	wrdreg s22  }
0xd: {  	s24 =	simm.s32 $0xB200;
	[dreg:$0x12] =	wrdreg s23  }
0xe: {  	s25 =	simm.s32 $0xBA00;
	[dreg:$0x13] =	wrdreg s24  }
0xf: {  	s26 =	simm.s32 $0xC200;
	[dreg:$0x14] =	wrdreg s25  }
0x10: {  	s7 =	simm.s32 $0xD200;
	[dreg:$0x15] =	wrdreg s26  }
0x11: {  	s1 =	srdreg.scid;
	[dreg:$0x17] =	wrdreg s7;
	s7 =	simm.s32 $0xEA00  }
0x12: {  	s5 =	stileid.u32;
	s13 =	simm.s32 $0x11200;
	[dreg:$0x1a] =	wrdreg s7  }
0x13: {  	s28 =	simm.s32 $0x3A00;
	s14 =	simm.s32 $0x11A00;
	[dreg:$0x1e] =	wrdreg s13  }
0x14: {  	s29 =	simm.s32 $0x4200;
	s15 =	simm.s32 $0x12200;
	[dreg:$0x1f] =	wrdreg s14  }
0x15: {  	s30 =	simm.s32 $0x4A00;
	s16 =	simm.s32 $0x12A00;
	[smem:$0x7F2] =	sst s15  }
0x16: {  	s31 =	simm.s32 $0x5200;
	s17 =	simm.s32 $0x13200;
	[smem:$0x7F3] =	sst s16  }
0x17: {  	s1 =	sand.u32 $0x1, s1;
	s18 =	simm.s32 $0x13A00;
	[smem:$0x7F4] =	sst s17  }
0x18: {  	s3 =	sshll.u32 s5, $0x1;
	s19 =	simm.s32 $0x14200;
	[smem:$0x7F5] =	sst s18  }
0x19: {  	s5 =	sshll.u32 s5, $0x7;
	s20 =	simm.s32 $0x14A00;
	[smem:$0x7F6] =	sst s19  }
0x1a: {  	s4 =	sshll.u32 s1, $0x6;
	s21 =	simm.s32 $0x15200;
	[smem:$0x7F7] =	sst s20  }
0x1b: {  	s3 =	sor.u32 s1, s3;
	s22 =	simm.s32 $0x15A00;
	[smem:$0x7F8] =	sst s21  }
0x1c: {  	s1 =	ssub.s32 $0x2, s1;
	s23 =	simm.s32 $0x16200;
	[smem:$0x7F9] =	sst s22  }
0x1d: {  	s24 =	simm.s32 $0x16A00;
	s25 =	simm.s32 $0x17200;
	[smem:$0x7FA] =	sst s23  }
0x1e: {  	s26 =	simm.s32 $0x17A00;
	s4 =	sadd.s32 s4, s0;
	[smem:$0x7FB] =	sst s24  }
0x1f: {  	s6 =	sshll.u32 s3, $0xB;
	s3 =	sshll.u32 s3, $0xE;
	[smem:$0x7FC] =	sst s25  }
0x20: {  	s7 =	sadd.s32 $0xA5900, s0;
	s15 =	simm.s32 $0x1;
	[smem:$0x7FD] =	sst s26  }
0x21: {  	s16 =	simm.s32 $0x7;
	s21 =	simm.s32 $0xA00;
	s22 =	simm.s32 $0x1200  }
0x22: {  	s23 =	simm.s32 $0x1A00;
	s24 =	simm.s32 $0x2200;
	s25 =	simm.s32 $0x2A00  }
0x23: {  	s4 =	sadd.s32 s5, s4;
	s8 =	sadd.s32 s6, s0;
	s6 =	simm.s32 $0xCA00  }
0x24: {  	s26 =	simm.s32 $0x3200;
	s4 =	sadd.s32 $0x92E00, s4;
	[dreg:$0x16] =	wrdreg s6  }
0x25: {  	s3 =	sadd.s32 s3, s0;
	s9 =	sadd.s32 $0x82E00, s8;
	[dreg:$0x2] =	wrdreg s4  }
0x26: {  	s13 =	simm.s32 $0x6A00;
	s10 =	sadd.s32 $0x2E00, s3;
	[dreg:$0x3] =	wrdreg s9  }
0x27: {  	s14 =	simm.s32 $0x7200;
	s11 =	sadd.s32 $0x3E00, s3;
	[dreg:$0x4] =	wrdreg s10  }
0x28: {  	s5 =	sadd.s32 $0xA5700, s0;
	s12 =	sadd.s32 $0x4E00, s3;
	[dreg:$0x5] =	wrdreg s11  }
0x29: {  	s3 =	sadd.s32 $0x5E00, s3;
	s8 =	sshrl.u32 s1, $0x1;
	[dreg:$0x6] =	wrdreg s12  }
0x2a: {  	s6 =	sadd.s32 $0xA5800, s0;
	[dreg:$0x7] =	wrdreg s3;
	s9 =	simm.s32 $0xDA00  }
0x2b: {  	s3 =	sadd.s32 $0xA5600, s0;
	s10 =	simm.s32 $0xE200;
	[dreg:$0x18] =	wrdreg s9  }
0x2c: {  	s1 =	ssub.s32 s1, s8;
	s8 =	simm.s32 $0xF200;
	[dreg:$0x19] =	wrdreg s10  }
0x2d: {  	s4 =	sadd.s32 $0x93600, s0;
	s11 =	simm.s32 $0xFA00;
	[dreg:$0x1b] =	wrdreg s8  }
0x2e: {  	v2 =	vlaneseq.u32;
	s12 =	simm.s32 $0x10A00;
	s0 =	simm.s32 $0x4;
	[dreg:$0x1c] =	wrdreg s11  }
0x2f: {  	vm0 =	vmmov $0xffff;
	v1 =	vshrl.u32 v2, $0x3;
	s8 =	smax.u32 s1, $0x1;
	s9 =	simm.s32 $0x8;
	[dreg:$0x1d] =	wrdreg s12  }
0x30: {  	v0 =	vand.u32 $0x7, v2;
	v2 =	vor.u32 $0x8, v2;
	v1 =	vmul.u32 $0x8, v1;
	s12 =	simm.s32 $0x200;
	s10 =	simm.s32 $0x6200;
	s11 =	simm.s32 $0x7A00  }
.LBB2_1:
0x31: {  	s17 =	rddreg [dreg:$0x2]  }
0x32: {  	[tilespmem:s2], [sflag:$0x8] =	stream.linear.gather [hbm4b:s17+s2], $0x200, $0x38;
	[tilespmem:$0x1C200] =	vst v63  }
0x33: {  	_ =	swait.ge [sflag:s9], $0x200  }
0x34: {  	[sflag:s9] =	ssyncset.done $0x0  }
0x35: {  	s19 =	simm.s32 $0x18200;
	s18 =	rddreg [dreg:$0x3];
	[sflag:s9] =	ssyncadd.s32 $0xFFFFFE00  }
0x36: {  	[tilespmem:s19], [sflag:$0x8] =	stream.linear.gather [hbm4b:s18+s2], $0x4000, $0x38;
	[tilespmem:$0x1C200] =	vst v63  }
0x37: {  	_ =	swait.ge [sflag:s9], $0x4000  }
0x38: {  	s20 =	rddreg [dreg:$0x8]  }
0x39: {  	[sflag:s9] =	ssyncset.done $0x0;
	s18 =	rddreg [dreg:$0x9]  }
0x3a: {  	s1 =	simm.s32 $0x20;
	s17 =	rddreg [dreg:$0xa];
	[sflag:s9] =	ssyncadd.s32 $0xFFFFC000  }
0x3b: {  	[hbm4b:s4+s1] =	stream.indirect.scatter [tilespmem:s19], [sflag:$0x7], $0x80, s2, s1, $0xb8;
	[tilespmem:$0x1C200] =	vst v63  }
0x3c: {  	s19 =	rddreg [dreg:$0xc]  }
0x3d: {  	[hbm4b:s4+s1] =	stream.indirect.scatter [tilespmem:s18], [sflag:$0x7], $0x80, s20, s1, $0xb8;
	[tilespmem:$0x1C200] =	vst v63  }
0x3e: {  	s18 =	rddreg [dreg:$0xb]  }
0x3f: {  	[hbm4b:s4+s1] =	stream.indirect.scatter [tilespmem:s18], [sflag:$0x7], $0x80, s17, s1, $0xb8;
	[tilespmem:$0x1C200] =	vst v63  }
0x40: {  	s20 =	rddreg [dreg:$0xd]  }
0x41: {  	[hbm4b:s4+s1] =	stream.indirect.scatter [tilespmem:s20], [sflag:$0x7], $0x80, s19, s1, $0xb8;
	[tilespmem:$0x1C200] =	vst v63  }
0x42: {  	s18 =	rddreg [dreg:$0x4]  }
0x43: {  	[tilespmem:s12], [sflag:$0x1] =	stream.linear.gather [hbm4b:s18+s2], $0x8000, $0x38;
	[tilespmem:$0x1C200] =	vst v63  }
0x44: {  	s20 =	rddreg [dreg:$0x5];
	s19 =	simm.s32 $0x8200  }
0x45: {  	[tilespmem:s19], [sflag:$0x2] =	stream.linear.gather [hbm4b:s20+s2], $0x8000, $0x38;
	[tilespmem:$0x1C200] =	vst v63  }
0x46: {  	s1 =	rddreg [dreg:$0x6];
	s20 =	simm.s32 $0x10200  }
0x47: {  	[tilespmem:s20], [sflag:$0x3] =	stream.linear.gather [hbm4b:s1+s2], $0x8000, $0x38;
	[tilespmem:$0x1C200] =	vst v63  }
0x48: {  	_ =	swait.ge [sflag:s15], $0x8000  }
0x49: {  	[sflag:s15] =	ssyncset.done $0x0  }
0x4a: {  	[sflag:s15] =	ssyncadd.s32 $0xFFFF8000  }
0x4b: {  	v3 =	vld [tilespmem:$0x0];
	_ =	sdelay $0x4  }
0x4c: {  	v4 =	vshll.u32 v3, $0x3  }
0x4d: {  	v3 =	vand.u32 $0x7, v3;
	v4 =	vand.u32 $0xFFFFFFC0, v4  }
0x4e: {  	v3 =	vor.u32 v3, v4  }
0x4f: {  	v4 =	vperm.xlane v3, v0;
	_ =	sdelay $0x1  }
0x50: {  	v4 =	vadd.s32 v1, v4;
	_ =	sdelay $0x4  }
0x51: {  	[hbm4b:s3+s2] =	stream.indirect_vreg.scatter [tilespmem:s12], [sflag:$0x4], $0x80, v4, vm0, $0xb8;
	[tilespmem:$0x1C200] =	vst v63  }
0x52: {  	v3 =	vperm.xlane v3, v2  }
0x53: {  	[hbm4b:s5+s2] =	stream.indirect_vreg.scatter [tilespmem:s21], [sflag:$0x4], $0x80, v4, vm0, $0xb8;
	[tilespmem:$0x1C200] =	vst v63  }
0x54: {  	v3 =	vadd.s32 v1, v3  }
0x55: {  	[hbm4b:s6+s2] =	stream.indirect_vreg.scatter [tilespmem:s22], [sflag:$0x4], $0x80, v4, vm0, $0xb8;
	[tilespmem:$0x1C200] =	vst v63  }
0x56: {  	_ = 	snop  }
0x57: {  	[hbm4b:s7+s2] =	stream.indirect_vreg.scatter [tilespmem:s23], [sflag:$0x4], $0x80, v4, vm0, $0xb8;
	[tilespmem:$0x1C200] =	vst v63  }
0x58: {  	_ = 	snop  }
0x59: {  	[hbm4b:s3+s2] =	stream.indirect_vreg.scatter [tilespmem:s24], [sflag:$0x4], $0x80, v3, vm0, $0xb8;
	[tilespmem:$0x1C200] =	vst v63  }
0x5a: {  	_ = 	snop  }
0x5b: {  	[hbm4b:s5+s2] =	stream.indirect_vreg.scatter [tilespmem:s25], [sflag:$0x4], $0x80, v3, vm0, $0xb8;
	[tilespmem:$0x1C200] =	vst v63  }
0x5c: {  	_ = 	snop  }
0x5d: {  	[hbm4b:s6+s2] =	stream.indirect_vreg.scatter [tilespmem:s26], [sflag:$0x4], $0x80, v3, vm0, $0xb8;
	[tilespmem:$0x1C200] =	vst v63  }
0x5e: {  	_ = 	snop  }
0x5f: {  	[hbm4b:s7+s2] =	stream.indirect_vreg.scatter [tilespmem:s28], [sflag:$0x4], $0x80, v3, vm0, $0xb8;
	[tilespmem:$0x1C200] =	vst v63  }
0x60: {  	v3 =	vld [tilespmem:$0x10];
	_ =	sdelay $0x4  }
0x61: {  	v57 =	vshll.u32 v3, $0x3  }
0x62: {  	v3 =	vand.u32 $0x7, v3;
	v4 =	vand.u32 $0xFFFFFFC0, v57  }
0x63: {  	v3 =	vor.u32 v3, v4  }
0x64: {  	v4 =	vperm.xlane v3, v0;
	_ =	sdelay $0x1  }
0x65: {  	v4 =	vadd.s32 v1, v4;
	_ =	sdelay $0x4  }
0x66: {  	[hbm4b:s3+s2] =	stream.indirect_vreg.scatter [tilespmem:s29], [sflag:$0x4], $0x80, v4, vm0, $0xb8;
	[tilespmem:$0x1C200] =	vst v63  }
0x67: {  	v3 =	vperm.xlane v3, v2  }
0x68: {  	[hbm4b:s5+s2] =	stream.indirect_vreg.scatter [tilespmem:s30], [sflag:$0x4], $0x80, v4, vm0, $0xb8;
	[tilespmem:$0x1C200] =	vst v63  }
0x69: {  	v3 =	vadd.s32 v1, v3  }
0x6a: {  	[hbm4b:s6+s2] =	stream.indirect_vreg.scatter [tilespmem:s31], [sflag:$0x4], $0x80, v4, vm0, $0xb8;
	[tilespmem:$0x1C200] =	vst v63  }
0x6b: {  	s1 =	simm.s32 $0x5A00  }
0x6c: {  	[hbm4b:s7+s2] =	stream.indirect_vreg.scatter [tilespmem:s1], [sflag:$0x4], $0x80, v4, vm0, $0xb8;
	[tilespmem:$0x1C200] =	vst v63  }
0x6d: {  	_ = 	snop  }
0x6e: {  	[hbm4b:s3+s2] =	stream.indirect_vreg.scatter [tilespmem:s10], [sflag:$0x4], $0x80, v3, vm0, $0xb8;
	[tilespmem:$0x1C200] =	vst v63  }
0x6f: {  	_ = 	snop  }
0x70: {  	[hbm4b:s5+s2] =	stream.indirect_vreg.scatter [tilespmem:s13], [sflag:$0x4], $0x80, v3, vm0, $0xb8;
	[tilespmem:$0x1C200] =	vst v63  }
0x71: {  	_ = 	snop  }
0x72: {  	[hbm4b:s6+s2] =	stream.indirect_vreg.scatter [tilespmem:s14], [sflag:$0x4], $0x80, v3, vm0, $0xb8;
	[tilespmem:$0x1C200] =	vst v63  }
0x73: {  	_ = 	snop  }
0x74: {  	[hbm4b:s7+s2] =	stream.indirect_vreg.scatter [tilespmem:s11], [sflag:$0x4], $0x80, v3, vm0, $0xb8;
	[tilespmem:$0x1C200] =	vst v63  }
0x75: {  	_ =	swait.ge [sflag:s0], $0x8000  }
0x76: {  	[sflag:s0] =	ssyncset.done $0x0  }
0x77: {  	s18 =	rddreg [dreg:$0x7];
	[sflag:s0] =	ssyncadd.s32 $0xFFFF8000  }
0x78: {  	[tilespmem:s12], [sflag:$0x1] =	stream.linear.gather [hbm4b:s18+s2], $0x8000, $0x38;
	[tilespmem:$0x1C200] =	vst v63  }
0x79: {  	s18 =	simm.s32 $0x2  }
0x7a: {  	_ =	swait.ge [sflag:s18], $0x8000  }
0x7b: {  	[sflag:s18] =	ssyncset.done $0x0  }
0x7c: {  	[sflag:s18] =	ssyncadd.s32 $0xFFFF8000  }
0x7d: {  	v3 =	vld [tilespmem:$0x80];
	_ =	sdelay $0x4  }
0x7e: {  	v58 =	vshll.u32 v3, $0x3  }
0x7f: {  	v3 =	vand.u32 $0x7, v3;
	v4 =	vand.u32 $0xFFFFFFC0, v58  }
0x80: {  	v3 =	vor.u32 v3, v4  }
0x81: {  	v4 =	vperm.xlane v3, v0;
	_ =	sdelay $0x1  }
0x82: {  	v4 =	vadd.s32 v1, v4;
	_ =	sdelay $0x4  }
0x83: {  	[hbm4b:s3+s2] =	stream.indirect_vreg.scatter [tilespmem:s19], [sflag:$0x5], $0x80, v4, vm0, $0xb8;
	[tilespmem:$0x1C200] =	vst v63  }
0x84: {  	s17 =	rddreg [dreg:$0xe];
	v3 =	vperm.xlane v3, v2  }
0x85: {  	[hbm4b:s5+s2] =	stream.indirect_vreg.scatter [tilespmem:s17], [sflag:$0x5], $0x80, v4, vm0, $0xb8;
	[tilespmem:$0x1C200] =	vst v63  }
0x86: {  	s18 =	rddreg [dreg:$0xf];
	v3 =	vadd.s32 v1, v3  }
0x87: {  	[hbm4b:s6+s2] =	stream.indirect_vreg.scatter [tilespmem:s18], [sflag:$0x5], $0x80, v4, vm0, $0xb8;
	[tilespmem:$0x1C200] =	vst v63  }
0x88: {  	s19 =	rddreg [dreg:$0x10]  }
0x89: {  	[hbm4b:s7+s2] =	stream.indirect_vreg.scatter [tilespmem:s19], [sflag:$0x5], $0x80, v4, vm0, $0xb8;
	[tilespmem:$0x1C200] =	vst v63  }
0x8a: {  	s18 =	rddreg [dreg:$0x11]  }
0x8b: {  	[hbm4b:s3+s2] =	stream.indirect_vreg.scatter [tilespmem:s18], [sflag:$0x5], $0x80, v3, vm0, $0xb8;
	[tilespmem:$0x1C200] =	vst v63  }
0x8c: {  	s19 =	rddreg [dreg:$0x12]  }
0x8d: {  	[hbm4b:s5+s2] =	stream.indirect_vreg.scatter [tilespmem:s19], [sflag:$0x5], $0x80, v3, vm0, $0xb8;
	[tilespmem:$0x1C200] =	vst v63  }
0x8e: {  	s18 =	rddreg [dreg:$0x13]  }
0x8f: {  	[hbm4b:s6+s2] =	stream.indirect_vreg.scatter [tilespmem:s18], [sflag:$0x5], $0x80, v3, vm0, $0xb8;
	[tilespmem:$0x1C200] =	vst v63  }
0x90: {  	s19 =	rddreg [dreg:$0x14]  }
0x91: {  	[hbm4b:s7+s2] =	stream.indirect_vreg.scatter [tilespmem:s19], [sflag:$0x5], $0x80, v3, vm0, $0xb8;
	[tilespmem:$0x1C200] =	vst v63  }
0x92: {  	v3 =	vld [tilespmem:$0x90];
	_ =	sdelay $0x4  }
0x93: {  	v59 =	vshll.u32 v3, $0x3  }
0x94: {  	v3 =	vand.u32 $0x7, v3;
	v4 =	vand.u32 $0xFFFFFFC0, v59  }
0x95: {  	v3 =	vor.u32 v3, v4  }
0x96: {  	v4 =	vperm.xlane v3, v0;
	_ =	sdelay $0x1  }
0x97: {  	v4 =	vadd.s32 v1, v4;
	_ =	sdelay $0x3  }
0x98: {  	s18 =	rddreg [dreg:$0x15]  }
0x99: {  	[hbm4b:s3+s2] =	stream.indirect_vreg.scatter [tilespmem:s18], [sflag:$0x5], $0x80, v4, vm0, $0xb8;
	[tilespmem:$0x1C200] =	vst v63  }
0x9a: {  	s19 =	rddreg [dreg:$0x16];
	v3 =	vperm.xlane v3, v2  }
0x9b: {  	[hbm4b:s5+s2] =	stream.indirect_vreg.scatter [tilespmem:s19], [sflag:$0x5], $0x80, v4, vm0, $0xb8;
	[tilespmem:$0x1C200] =	vst v63  }
0x9c: {  	s17 =	rddreg [dreg:$0x17];
	v3 =	vadd.s32 v1, v3  }
0x9d: {  	[hbm4b:s6+s2] =	stream.indirect_vreg.scatter [tilespmem:s17], [sflag:$0x5], $0x80, v4, vm0, $0xb8;
	[tilespmem:$0x1C200] =	vst v63  }
0x9e: {  	s19 =	rddreg [dreg:$0x18]  }
0x9f: {  	[hbm4b:s7+s2] =	stream.indirect_vreg.scatter [tilespmem:s19], [sflag:$0x5], $0x80, v4, vm0, $0xb8;
	[tilespmem:$0x1C200] =	vst v63  }
0xa0: {  	s17 =	rddreg [dreg:$0x19]  }
0xa1: {  	[hbm4b:s3+s2] =	stream.indirect_vreg.scatter [tilespmem:s17], [sflag:$0x5], $0x80, v3, vm0, $0xb8;
	[tilespmem:$0x1C200] =	vst v63  }
0xa2: {  	s19 =	rddreg [dreg:$0x1a]  }
0xa3: {  	[hbm4b:s5+s2] =	stream.indirect_vreg.scatter [tilespmem:s19], [sflag:$0x5], $0x80, v3, vm0, $0xb8;
	[tilespmem:$0x1C200] =	vst v63  }
0xa4: {  	s17 =	rddreg [dreg:$0x1b]  }
0xa5: {  	[hbm4b:s6+s2] =	stream.indirect_vreg.scatter [tilespmem:s17], [sflag:$0x5], $0x80, v3, vm0, $0xb8;
	[tilespmem:$0x1C200] =	vst v63  }
0xa6: {  	s19 =	rddreg [dreg:$0x1c]  }
0xa7: {  	[hbm4b:s7+s2] =	stream.indirect_vreg.scatter [tilespmem:s19], [sflag:$0x5], $0x80, v3, vm0, $0xb8;
	[tilespmem:$0x1C200] =	vst v63  }
0xa8: {  	s19 =	simm.s32 $0x3  }
0xa9: {  	_ =	swait.ge [sflag:s19], $0x8000  }
0xaa: {  	[sflag:s19] =	ssyncset.done $0x0  }
0xab: {  	[sflag:s19] =	ssyncadd.s32 $0xFFFF8000  }
0xac: {  	v3 =	vld [tilespmem:$0x100];
	_ =	sdelay $0x4  }
0xad: {  	v60 =	vshll.u32 v3, $0x3  }
0xae: {  	v3 =	vand.u32 $0x7, v3;
	v4 =	vand.u32 $0xFFFFFFC0, v60  }
0xaf: {  	v3 =	vor.u32 v3, v4  }
0xb0: {  	v4 =	vperm.xlane v3, v0;
	_ =	sdelay $0x1  }
0xb1: {  	v4 =	vadd.s32 v1, v4;
	_ =	sdelay $0x3  }
0xb2: {  	s18 =	rddreg [dreg:$0x1d]  }
0xb3: {  	[hbm4b:s3+s2] =	stream.indirect_vreg.scatter [tilespmem:s20], [sflag:$0x6], $0x80, v4, vm0, $0xb8;
	[tilespmem:$0x1C200] =	vst v63  }
0xb4: {  	s19 =	rddreg [dreg:$0x1e];
	v3 =	vperm.xlane v3, v2  }
0xb5: {  	[hbm4b:s5+s2] =	stream.indirect_vreg.scatter [tilespmem:s18], [sflag:$0x6], $0x80, v4, vm0, $0xb8;
	[tilespmem:$0x1C200] =	vst v63  }
0xb6: {  	v3 =	vadd.s32 v1, v3;
	s20 =	rddreg [dreg:$0x1f]  }
0xb7: {  	[hbm4b:s6+s2] =	stream.indirect_vreg.scatter [tilespmem:s19], [sflag:$0x6], $0x80, v4, vm0, $0xb8;
	[tilespmem:$0x1C200] =	vst v63  }
0xb8: {  	s19 =	sld [smem:$0x7F2]  }
0xb9: {  	[hbm4b:s7+s2] =	stream.indirect_vreg.scatter [tilespmem:s20], [sflag:$0x6], $0x80, v4, vm0, $0xb8;
	[tilespmem:$0x1C200] =	vst v63  }
0xba: {  	s20 =	sld [smem:$0x7F3]  }
0xbb: {  	[hbm4b:s3+s2] =	stream.indirect_vreg.scatter [tilespmem:s19], [sflag:$0x6], $0x80, v3, vm0, $0xb8;
	[tilespmem:$0x1C200] =	vst v63  }
0xbc: {  	s19 =	sld [smem:$0x7F4]  }
0xbd: {  	[hbm4b:s5+s2] =	stream.indirect_vreg.scatter [tilespmem:s20], [sflag:$0x6], $0x80, v3, vm0, $0xb8;
	[tilespmem:$0x1C200] =	vst v63  }
0xbe: {  	s20 =	sld [smem:$0x7F5]  }
0xbf: {  	[hbm4b:s6+s2] =	stream.indirect_vreg.scatter [tilespmem:s19], [sflag:$0x6], $0x80, v3, vm0, $0xb8;
	[tilespmem:$0x1C200] =	vst v63  }
0xc0: {  	_ = 	snop  }
0xc1: {  	[hbm4b:s7+s2] =	stream.indirect_vreg.scatter [tilespmem:s20], [sflag:$0x6], $0x80, v3, vm0, $0xb8;
	[tilespmem:$0x1C200] =	vst v63  }
0xc2: {  	v3 =	vld [tilespmem:$0x110];
	_ =	sdelay $0x4  }
0xc3: {  	v61 =	vshll.u32 v3, $0x3  }
0xc4: {  	v3 =	vand.u32 $0x7, v3;
	v4 =	vand.u32 $0xFFFFFFC0, v61  }
0xc5: {  	v3 =	vor.u32 v3, v4  }
0xc6: {  	v4 =	vperm.xlane v3, v0;
	_ =	sdelay $0x1  }
0xc7: {  	v4 =	vadd.s32 v1, v4;
	_ =	sdelay $0x1  }
0xc8: {  	s19 =	sld [smem:$0x7F6];
	_ =	sdelay $0x1  }
0xc9: {  	s20 =	sld [smem:$0x7F7]  }
0xca: {  	[hbm4b:s3+s2] =	stream.indirect_vreg.scatter [tilespmem:s19], [sflag:$0x6], $0x80, v4, vm0, $0xb8;
	[tilespmem:$0x1C200] =	vst v63  }
0xcb: {  	v3 =	vperm.xlane v3, v2;
	s19 =	sld [smem:$0x7F8]  }
0xcc: {  	[hbm4b:s5+s2] =	stream.indirect_vreg.scatter [tilespmem:s20], [sflag:$0x6], $0x80, v4, vm0, $0xb8;
	[tilespmem:$0x1C200] =	vst v63  }
0xcd: {  	v3 =	vadd.s32 v1, v3;
	s20 =	sld [smem:$0x7F9]  }
0xce: {  	[hbm4b:s6+s2] =	stream.indirect_vreg.scatter [tilespmem:s19], [sflag:$0x6], $0x80, v4, vm0, $0xb8;
	[tilespmem:$0x1C200] =	vst v63  }
0xcf: {  	s19 =	sld [smem:$0x7FA]  }
0xd0: {  	[hbm4b:s7+s2] =	stream.indirect_vreg.scatter [tilespmem:s20], [sflag:$0x6], $0x80, v4, vm0, $0xb8;
	[tilespmem:$0x1C200] =	vst v63  }
0xd1: {  	s20 =	sld [smem:$0x7FB]  }
0xd2: {  	[hbm4b:s3+s2] =	stream.indirect_vreg.scatter [tilespmem:s19], [sflag:$0x6], $0x80, v3, vm0, $0xb8;
	[tilespmem:$0x1C200] =	vst v63  }
0xd3: {  	s19 =	sld [smem:$0x7FC]  }
0xd4: {  	[hbm4b:s5+s2] =	stream.indirect_vreg.scatter [tilespmem:s20], [sflag:$0x6], $0x80, v3, vm0, $0xb8;
	[tilespmem:$0x1C200] =	vst v63  }
0xd5: {  	s20 =	sld [smem:$0x7FD]  }
0xd6: {  	[hbm4b:s6+s2] =	stream.indirect_vreg.scatter [tilespmem:s19], [sflag:$0x6], $0x80, v3, vm0, $0xb8;
	[tilespmem:$0x1C200] =	vst v63  }
0xd7: {  	_ = 	snop  }
0xd8: {  	[hbm4b:s7+s2] =	stream.indirect_vreg.scatter [tilespmem:s20], [sflag:$0x6], $0x80, v3, vm0, $0xb8;
	[tilespmem:$0x1C200] =	vst v63  }
0xd9: {  	_ =	swait.ge [sflag:s15], $0x8000  }
0xda: {  	[sflag:s15] =	ssyncset.done $0x0  }
0xdb: {  	[sflag:s15] =	ssyncadd.s32 $0xFFFF8000  }
0xdc: {  	v3 =	vld [tilespmem:$0x180];
	_ =	sdelay $0x4  }
0xdd: {  	v62 =	vshll.u32 v3, $0x3  }
0xde: {  	v3 =	vand.u32 $0x7, v3;
	v4 =	vand.u32 $0xFFFFFFC0, v62  }
0xdf: {  	v3 =	vor.u32 v3, v4  }
0xe0: {  	v4 =	vperm.xlane v3, v0;
	_ =	sdelay $0x1  }
0xe1: {  	v4 =	vadd.s32 v1, v4;
	_ =	sdelay $0x4  }
0xe2: {  	[hbm4b:s3+s2] =	stream.indirect_vreg.scatter [tilespmem:s12], [sflag:$0x4], $0x80, v4, vm0, $0xb8;
	[tilespmem:$0x1C200] =	vst v63  }
0xe3: {  	v3 =	vperm.xlane v3, v2  }
0xe4: {  	[hbm4b:s5+s2] =	stream.indirect_vreg.scatter [tilespmem:s21], [sflag:$0x4], $0x80, v4, vm0, $0xb8;
	[tilespmem:$0x1C200] =	vst v63  }
0xe5: {  	v3 =	vadd.s32 v1, v3  }
0xe6: {  	[hbm4b:s6+s2] =	stream.indirect_vreg.scatter [tilespmem:s22], [sflag:$0x4], $0x80, v4, vm0, $0xb8;
	[tilespmem:$0x1C200] =	vst v63  }
0xe7: {  	_ = 	snop  }
0xe8: {  	[hbm4b:s7+s2] =	stream.indirect_vreg.scatter [tilespmem:s23], [sflag:$0x4], $0x80, v4, vm0, $0xb8;
	[tilespmem:$0x1C200] =	vst v63  }
0xe9: {  	_ = 	snop  }
0xea: {  	[hbm4b:s3+s2] =	stream.indirect_vreg.scatter [tilespmem:s24], [sflag:$0x4], $0x80, v3, vm0, $0xb8;
	[tilespmem:$0x1C200] =	vst v63  }
0xeb: {  	_ = 	snop  }
0xec: {  	[hbm4b:s5+s2] =	stream.indirect_vreg.scatter [tilespmem:s25], [sflag:$0x4], $0x80, v3, vm0, $0xb8;
	[tilespmem:$0x1C200] =	vst v63  }
0xed: {  	_ = 	snop  }
0xee: {  	[hbm4b:s6+s2] =	stream.indirect_vreg.scatter [tilespmem:s26], [sflag:$0x4], $0x80, v3, vm0, $0xb8;
	[tilespmem:$0x1C200] =	vst v63  }
0xef: {  	_ = 	snop  }
0xf0: {  	[hbm4b:s7+s2] =	stream.indirect_vreg.scatter [tilespmem:s28], [sflag:$0x4], $0x80, v3, vm0, $0xb8;
	[tilespmem:$0x1C200] =	vst v63  }
0xf1: {  	v3 =	vld [tilespmem:$0x190];
	_ =	sdelay $0x4  }
0xf2: {  	v63 =	vshll.u32 v3, $0x3  }
0xf3: {  	v3 =	vand.u32 $0x7, v3;
	v4 =	vand.u32 $0xFFFFFFC0, v63  }
0xf4: {  	v3 =	vor.u32 v3, v4  }
0xf5: {  	v4 =	vperm.xlane v3, v0;
	_ =	sdelay $0x1  }
0xf6: {  	v4 =	vadd.s32 v1, v4;
	_ =	sdelay $0x4  }
0xf7: {  	[hbm4b:s3+s2] =	stream.indirect_vreg.scatter [tilespmem:s29], [sflag:$0x4], $0x80, v4, vm0, $0xb8;
	[tilespmem:$0x1C200] =	vst v63  }
0xf8: {  	v3 =	vperm.xlane v3, v2  }
0xf9: {  	[hbm4b:s5+s2] =	stream.indirect_vreg.scatter [tilespmem:s30], [sflag:$0x4], $0x80, v4, vm0, $0xb8;
	[tilespmem:$0x1C200] =	vst v63  }
0xfa: {  	v3 =	vadd.s32 v1, v3  }
0xfb: {  	[hbm4b:s6+s2] =	stream.indirect_vreg.scatter [tilespmem:s31], [sflag:$0x4], $0x80, v4, vm0, $0xb8;
	[tilespmem:$0x1C200] =	vst v63  }
0xfc: {  	_ = 	snop  }
0xfd: {  	[hbm4b:s7+s2] =	stream.indirect_vreg.scatter [tilespmem:s1], [sflag:$0x4], $0x80, v4, vm0, $0xb8;
	[tilespmem:$0x1C200] =	vst v63  }
0xfe: {  	_ = 	snop  }
0xff: {  	[hbm4b:s3+s2] =	stream.indirect_vreg.scatter [tilespmem:s10], [sflag:$0x4], $0x80, v3, vm0, $0xb8;
	[tilespmem:$0x1C200] =	vst v63  }
0x100: {  	_ = 	snop  }
0x101: {  	[hbm4b:s5+s2] =	stream.indirect_vreg.scatter [tilespmem:s13], [sflag:$0x4], $0x80, v3, vm0, $0xb8;
	[tilespmem:$0x1C200] =	vst v63  }
0x102: {  	_ = 	snop  }
0x103: {  	[hbm4b:s6+s2] =	stream.indirect_vreg.scatter [tilespmem:s14], [sflag:$0x4], $0x80, v3, vm0, $0xb8;
	[tilespmem:$0x1C200] =	vst v63  }
0x104: {  	s19 =	simm.s32 $0x5  }
0x105: {  	[hbm4b:s7+s2] =	stream.indirect_vreg.scatter [tilespmem:s11], [sflag:$0x4], $0x80, v3, vm0, $0xb8;
	[tilespmem:$0x1C200] =	vst v63  }
0x106: {  	_ =	swait.ge [sflag:s19], $0x8000  }
0x107: {  	[sflag:s19] =	ssyncset.done $0x0  }
0x108: {  	s20 =	simm.s32 $0x6;
	[sflag:s19] =	ssyncadd.s32 $0xFFFF8000  }
0x109: {  	_ =	swait.ge [sflag:s20], $0x8000  }
0x10a: {  	[sflag:s20] =	ssyncset.done $0x0  }
0x10b: {  	[sflag:s20] =	ssyncadd.s32 $0xFFFF8000  }
0x10c: {  	_ =	swait.ge [sflag:s0], $0x8000  }
0x10d: {  	[sflag:s0] =	ssyncset.done $0x0  }
0x10e: {  	[sflag:s0] =	ssyncadd.s32 $0xFFFF8000  }
0x10f: {  	_ =	swait.ge [sflag:s16], $0x1000  }
0x110: {  	[sflag:s16] =	ssyncset.done $0x0  }
0x111: {  	[sflag:s16] =	ssyncadd.s32 $0xFFFFF000  }
0x112: {  	_ =	swait.ge [sflag:s16], $0x1000  }
0x113: {  	[sflag:s16] =	ssyncset.done $0x0  }
0x114: {  	[sflag:s16] =	ssyncadd.s32 $0xFFFFF000  }
0x115: {  	p0 =	sne.s32 s8, $0x1;
	_ =	swait.ge [sflag:s16], $0x1000  }
.Ltmp0:
0x116: {  	[sflag:s16] =	ssyncset.done $0x0;
	(pc) =	sbr.rel @p0 .LBB2_1-.Ltmp0, $4  }
0x117: {  	[sflag:s16] =	ssyncadd.s32 $0xFFFFF000  }
0x118: {  	_ =	swait.ge [sflag:s16], $0x1000  }
0x119: {  	[sflag:s16] =	ssyncset.done $0x0  }
0x11a: {  	s8 =	sadd.s32 $0xFFFFFFFF, s8;
	[sflag:s16] =	ssyncadd.s32 $0xFFFFF000  }
0x11b: {  	_ =	sfence.sel $0x180000  }
0x11c: {  	[bflag:$0x0] =	sbarrier.arrive $0xFFFF  }
0x11d: {  	_ =	strace $0x9000004D  }
0x11e: {  	s0 =	stileid.u32;
	[bflag:$0x2] =	sbarrier.arrive $0xFFFF  }
0x11f: {  	p0 =	sne.s32 s0, $0x0;
	s0 =	rddreg [dreg:$0x1]  }
0x120: {  	s0 =	sadd.s32 @!p0 $0x100000, s0  }
0x121: {  	[sflag:s0] =	ssyncadd.tile.s32 @!p0 $0x1;
	_ =	shalt  }
.Lfunc_end2:
_tile_overlayer_lowered:
.L_overlay_start_2:
0x122: {  	(tag) =	ssettag $0x2  }
0x123: {  	s0 =	rddreg [dreg:$0x0];
	s2 =	stileid.u32  }
0x124: {  	s1 =	rddreg [dreg:$0x1];
	p0 =	sne.s32 s2, $0x0  }
0x125: {  	s3 =	rddreg [dreg:$0x2];
	[bflag:$0x3] =	sbarrier.arrive $0xFFFF;
	s2 =	simm.s32 @!p0 $0x1C08  }
0x126: {  	[timem:s3], [sflag:s2] =	dma.local @!p0 [hbm:s0], s1  }
0x127: {  	s0 =	simm.s32 @!p0 $0x8  }
0x128: {  	_ =	swait.ge @!p0 [sflag:s0], s1  }
0x129: {  	s1 =	ssub.s32 @!p0 $0x0, s1;
	[sflag:s0] =	ssyncset.done @!p0 $0x0  }
0x12a: {  	[sflag:s0] =	ssyncadd.s32 @!p0 s1  }
0x12b: {  	[bflag:$0x3] =	sbarrier.arrive $0xFFFF  }
0x12c: {  	_ =	shalt  }

// kernel: kernel.9.cloned.1.call-start
scs
__scs_entry_jumppad:
0x0: {  	(pc) =	sbr.rel $0x88, $3  }
0x1: {  	(tag) =	ssettag $0x0;
	lr =	simm.s32 $0x1  }
0x2: {  	[smem:$0x3F8F] =	sst lr;
	_ =	strace $0xD0000000  }
0x3: {  	_ = 	snop  }
0x4: {  	_ = 	snop  }
0x5: {  	_ = 	snop  }
0x6: {  	_ = 	snop  }
0x7: {  	_ = 	snop  }
__scs_overlays_trampoline_lowered:
0x8: {  	[smem:$0x3F9E] =	sst s0  }
0x9: {  	[smem:$0x3F9F] =	sst s1  }
0xa: {  	[smem:$0x3FA0] =	sst s2  }
0xb: {  	[smem:$0x3FA1] =	sst s3  }
0xc: {  	[smem:$0x3FA2] =	sst s4  }
0xd: {  	[smem:$0x3FA3] =	sst s5  }
0xe: {  	[smem:$0x3FA4] =	sst s6  }
0xf: {  	[smem:$0x3FA5] =	sst s7  }
0x10: {  	[smem:$0x3FA6] =	sst s8  }
0x11: {  	[smem:$0x3FA7] =	sst s9;
	s0 =	simm.s32 @!p0 $0x0  }
0x12: {  	s1 =	sld [smem:$0x3F8D];
	s0 =	simm.s32 @p0 $0x1  }
0x13: {  	[smem:$0x3FA8] =	sst s0;
	s0 =	simm.s32 @!p1 $0x0  }
0x14: {  	s2 =	sld [smem:$0x3F8C];
	s0 =	simm.s32 @p1 $0x1  }
0x15: {  	[smem:$0x3FA9] =	sst s0;
	s0 =	simm.s32 @!p2 $0x0  }
0x16: {  	s3 =	sld [smem:$0x3FDB];
	s0 =	simm.s32 @p2 $0x1  }
0x17: {  	s4 =	simm.s32 $0x1BF5;
	[smem:$0x3FAB] =	sst s0  }
0x18: {  	s0 =	sld [smem:$0x3F8E];
	_ =	swait.ge [sflag:s4], $0x0  }
0x19: {  	s7 =	sld [smem:$0x3F8F]  }
0x1a: {  	s8 =	sadd.s32 $0xFFFFE003, lr  }
0x1b: {  	s9 =	sadd.s32 $0xFFFFFEF7, lr;
	s5 =	simm.s32 $0xFFFFFFFF;
	p2 =	slt.u32 s8, $0xFFFFF086  }
0x1c: {  	p1 =	slt.u32 s9, $0xF7A;
	s5 =	simm.s32 @!p2 $0x0  }
0x1d: {  	s5 =	simm.s32 @p1 $0x1;
	p0 =	seq.s32 s7, s2  }
0x1e: {  	s7 =	smul.u32 @!p0 $0xF7A, s2;
	p2 =	seq.s32 @!p0 s5, $0x0  }
0x1f: {  	s9 =	smul.u32 $0xF7A, s1;
	s8 =	simm.s32 @!p0 $0x1BF5;
	p2 =	por !p2, p0  }
0x20: {  	[sflag:s8] =	ssyncset.s32 @!p0 $0xFFFFF086;
	s6 =	sadd.s32 @!p0 s3, s7;
	s7 =	simm.s32 @!p0 $0x108  }
0x21: {  	s3 =	sadd.s32 s3, s9;
	s6 =	sadd.s32 @!p0 $0x88, s6;
	s7 =	simm.s32 @p2 $0x1082  }
0x22: {  	[simem:s7], [sflag:s8] =	dma.local @!p0 [hbm:s6], $0xF7A  }
0x23: {  	s9 =	sor.u32 $0xD0000000, s2;
	s6 =	simm.s32 $0x108;
	_ =	swait.ge @!p0 [sflag:s8], $0x0  }
0x24: {  	s3 =	sadd.s32 $0x88, s3;
	s6 =	simm.s32 @!p1 $0x1082;
	[sflag:s4] =	ssyncset.s32 $0xFFFFF086  }
0x25: {  	[simem:s6], [sflag:s4] =	dma.local [hbm:s3], $0xF7A  }
0x26: {  	[smem:$0x3F8F] =	sst s1;
	(tag) =	ssettag s2;
	_ =	strace s9  }
0x27: {  	s1 =	sld [smem:$0x3F9F]  }
0x28: {  	s2 =	sld [smem:$0x3FA0]  }
0x29: {  	s4 =	sld [smem:$0x3FA2]  }
0x2a: {  	p0 =	seq.s32 s5, $0x0;
	s5 =	sld [smem:$0x3FA3]  }
0x2b: {  	s6 =	sld [smem:$0x3FA4]  }
0x2c: {  	s7 =	sld [smem:$0x3FA5]  }
0x2d: {  	s3 =	simm.s32 $0x108;
	s8 =	sld [smem:$0x3FA6]  }
0x2e: {  	s3 =	simm.s32 @!p0 $0x1082;
	s9 =	sld [smem:$0x3FA7]  }
0x2f: {  	lr =	sadd.s32 s0, s3;
	s0 =	sld [smem:$0x3F9E]  }
0x30: {  	s3 =	sld [smem:$0x3FA1]  }
0x31: {  	[smem:$0x3FAA] =	sst s10  }
0x32: {  	s10 =	sld [smem:$0x3FA8];
	_ =	sdelay $0x3  }
0x33: {  	p0 =	seq.s32 s10, $0x1;
	s10 =	sld [smem:$0x3FAA];
	_ =	sdelay $0x3  }
0x34: {  	[smem:$0x3FAA] =	sst s10  }
0x35: {  	s10 =	sld [smem:$0x3FA9];
	_ =	sdelay $0x3  }
0x36: {  	p1 =	seq.s32 s10, $0x1;
	s10 =	sld [smem:$0x3FAA];
	_ =	sdelay $0x3  }
0x37: {  	[smem:$0x3FAA] =	sst s10  }
0x38: {  	s10 =	sld [smem:$0x3FAB]  }
0x39: {  	_ = 	snop;
	(pc) =	sbr.ind lr, $3  }
0x3a: {  	_ = 	snop  }
0x3b: {  	_ = 	snop  }
0x3c: {  	p2 =	seq.s32 s10, $0x1;
	s10 =	sld [smem:$0x3FAA]  }
0x3d: {  	_ =	shalt  }
0x3e: {  	_ =	shalt  }
0x3f: {  	_ =	shalt  }
0x40: {  	_ =	shalt  }
0x41: {  	_ =	shalt  }
0x42: {  	_ =	shalt  }
0x43: {  	_ =	shalt  }
0x44: {  	_ =	shalt  }
0x45: {  	_ =	shalt  }
0x46: {  	_ =	shalt  }
0x47: {  	_ =	shalt  }
0x48: {  	_ =	shalt  }
0x49: {  	_ =	shalt  }
0x4a: {  	_ =	shalt  }
0x4b: {  	_ =	shalt  }
0x4c: {  	_ =	shalt  }
0x4d: {  	_ =	shalt  }
0x4e: {  	_ =	shalt  }
0x4f: {  	_ =	shalt  }
0x50: {  	_ =	shalt  }
0x51: {  	_ =	shalt  }
0x52: {  	_ =	shalt  }
0x53: {  	_ =	shalt  }
0x54: {  	_ =	shalt  }
0x55: {  	_ =	shalt  }
0x56: {  	_ =	shalt  }
0x57: {  	_ =	shalt  }
0x58: {  	_ =	shalt  }
0x59: {  	_ =	shalt  }
0x5a: {  	_ =	shalt  }
0x5b: {  	_ =	shalt  }
0x5c: {  	_ =	shalt  }
0x5d: {  	_ =	shalt  }
0x5e: {  	_ =	shalt  }
0x5f: {  	_ =	shalt  }
0x60: {  	_ =	shalt  }
0x61: {  	_ =	shalt  }
0x62: {  	_ =	shalt  }
0x63: {  	_ =	shalt  }
0x64: {  	_ =	shalt  }
0x65: {  	_ =	shalt  }
0x66: {  	_ =	shalt  }
0x67: {  	_ =	shalt  }
0x68: {  	_ =	shalt  }
0x69: {  	_ =	shalt  }
0x6a: {  	_ =	shalt  }
0x6b: {  	_ =	shalt  }
0x6c: {  	_ =	shalt  }
0x6d: {  	_ =	shalt  }
0x6e: {  	_ =	shalt  }
0x6f: {  	_ =	shalt  }
0x70: {  	_ =	shalt  }
0x71: {  	_ =	shalt  }
0x72: {  	_ =	shalt  }
0x73: {  	_ =	shalt  }
0x74: {  	_ =	shalt  }
0x75: {  	_ =	shalt  }
0x76: {  	_ =	shalt  }
0x77: {  	_ =	shalt  }
0x78: {  	_ =	shalt  }
0x79: {  	_ =	shalt  }
0x7a: {  	_ =	shalt  }
0x7b: {  	_ =	shalt  }
0x7c: {  	_ =	shalt  }
0x7d: {  	_ =	shalt  }
0x7e: {  	_ =	shalt  }
0x7f: {  	_ =	shalt  }
0x80: {  	_ =	shalt  }
0x81: {  	_ =	shalt  }
0x82: {  	_ =	shalt  }
0x83: {  	_ =	shalt  }
0x84: {  	_ =	shalt  }
0x85: {  	_ =	shalt  }
0x86: {  	_ =	shalt  }
0x87: {  	_ =	shalt  }
.Lfunc_end0:
.L_simem_size_0:
called_computation_lowered:
.L_overlay_start_0:
0x88: {  	s2 =	sld [smem:$0x3FD9]  }
0x89: {  	s3 =	sld [smem:$0x3FFE];
	_ =	sdelay $0x1  }
0x8a: {  	s1 =	srdreg.scid  }
0x8b: {  	s0 =	sand.u32 $0x1, s1  }
0x8c: {  	s16 =	sshll.u32 s0, $0xA;
	s2 =	sadd.s32 s3, s2  }
0x8d: {  	s2 =	sadd.s32 s2, s16  }
0x8e: {  	[smem:$0x3FB6] =	sst s2  }
0x8f: {  	_ = 	snop  }
0x90: {  	(tm) =	ssettm $0x1  }
0x91: {  	s17 =	sld [smem:$0x3FFB];
	_ =	sdelay $0x3  }
0x92: {  	_ =	strace s17  }
0x93: {  	s2 =	sld [smem:$0x3FFC];
	_ =	sdelay $0x3  }
0x94: {  	_ =	strace s2  }
0x95: {  	s2 =	sld [smem:$0x3FFD];
	_ =	sdelay $0x3  }
0x96: {  	_ =	strace s2  }
0x97: {  	_ =	strace $0x8FFFFFFF  }
0x98: {  	s18 =	sld [smem:$0x3FDB];
	_ =	sdelay $0x1  }
0x99: {  	s19 =	simm.s32 $_scs_section_size  }
0x9a: {  	s4 =	simm.s32 $_size__tile_overlayer_lowered;
	s5 =	simm.s32 $_tile_overlayer_lowered  }
0x9b: {  	s22 =	simm.s32 $0x1BFF;
	s21 =	sshll.u32 s5, $0x1;
	s2 =	sadd.s32 s19, s18  }
0x9c: {  	s6 =	simm.s32 $0x0;
	s20 =	sshll.u32 s4, $0x1;
	s4 =	sadd.s32 s21, s2  }
0x9d: {  	[timem:s6], [sflag:s22] =	dma.local [hbm:s4], s20  }
0x9e: {  	_ =	swait.ge [sflag:s22], s20  }
0x9f: {  	s3 =	ssub.s32 $0x0, s20;
	[sflag:s22] =	ssyncset.done $0x0  }
0xa0: {  	[sflag:s22] =	ssyncadd.s32 s3;
	_ =	sdelay $0x1  }
0xa1: {  	s23 =	simm.s32 $0x1B8B  }
0xa2: {  	_ =	swait.ge [sflag:s23], $0x1  }
0xa3: {  	[sflag:s23] =	ssyncset.done $0x0  }
0xa4: {  	s25 =	simm.s32 $0x1B8E;
	s24 =	sld [smem:$0x3FFE];
	[sflag:s23] =	ssyncadd.s32 $0xFFFFFFFF  }
0xa5: {  	s26 =	simm.s32 $execute0_lowered;
	[smem:$0x3FD2] =	sst s25  }
0xa6: {  	s4 =	sshll.u32 s26, $0x1;
	_ =	strace $0x80000046;
	[dreg:$0x1] =	wrdreg $0xFFFFFFFF  }
0xa7: {  	s28 =	simm.s32 $_size_execute0_lowered;
	s2 =	sadd.s32 s2, s4;
	[dreg:$0x0] =	wrdreg $0x0  }
0xa8: {  	s4 =	sshll.u32 s28, $0x1;
	[dreg:$0x2] =	wrdreg s2  }
0xa9: {  	[dreg:$0x3] =	wrdreg s4  }
0xaa: {  	[dreg:$0x4] =	wrdreg $0xC0  }
0xab: {  	_ =	task [dreg:s6], $0x5FFFF  }
0xac: {  	[dreg:$0x1] =	wrdreg $0xFFFFFFFF  }
0xad: {  	[dreg:$0x0] =	wrdreg $0x60  }
0xae: {  	[dreg:$0x2] =	wrdreg s24  }
0xaf: {  	[dreg:$0x3] =	wrdreg $0x9  }
0xb0: {  	_ =	task.clear_ibuf [dreg:s6], $0x4FFFF;
	_ =	strace $0x90000046  }
0xb1: {  	s29 =	simm.s32 $0x9;
	_ =	strace $0x80000048  }
0xb2: {  	_ =	swait.ge [sflag:s29], $0x1  }
0xb3: {  	[sflag:s29] =	ssyncadd.s32 $0xFFFFFFFF  }
0xb4: {  	_ =	strace $0x90000048  }
0xb5: {  	_ =	sfence  }
0xb6: {  	s30 =	sld [smem:$0x0];
	_ =	sdelay $0x2  }
0xb7: {  	s31 =	sshll.u32 s1, $0xD;
	s1 =	sshrl.u32 s1, $0x2  }
0xb8: {  	s3 =	sand.u32 $0x4000, s31;
	s1 =	sadd.s32 s1, s30  }
0xb9: {  	s0 =	sor.u32 s3, s0;
	s1 =	sshll.u32 s1, $0x11  }
0xba: {  	s0 =	sor.u32 s1, s0  }
0xbb: {  	s0 =	sadd.s32 $0x8F2B, s0  }
0xbc: {  	[sflag:s0] =	ssyncadd.remote.s32 $0x1  }
0xbd: {  	_ =	sfence.sel $0xFFFF  }
0xbe: {  	[dreg:$0x0] =	wrdreg $0xFFFFFFFF;
	(pc) =	sbr.abs _section_cstart, $3  }
0xbf: {  	[dreg:$0x1] =	wrdreg $0xFFFFFFFF  }
0xc0: {  	_ =	task.clear_ibuf [dreg:s6], $0x2FFFF;
	_ =	strace $0x9FFFFFFF  }
0xc1: {  	(tm) =	ssettm $0x7FFFFFFF  }
tec
execute0_lowered:
.L_overlay_start_1:
0x0: {  	(tag) =	ssettag $0x1  }
0x1: {  	s5 =	rddreg [dreg:$0x0];
	s2 =	simm.s32 $0x0  }
0x2: {  	s17 =	simm.s32 $0x18200;
	[smem:$0x7FF] =	sst s2  }
0x3: {  	s18 =	simm.s32 $0x80;
	_ =	strace $0x80000047;
	[dreg:$0x7] =	wrdreg s17  }
0x4: {  	s1 =	srdreg.scid;
	s19 =	simm.s32 $0x19200;
	[dreg:$0x8] =	wrdreg s18  }
0x5: {  	s0 =	stileid.u32;
	s20 =	simm.s32 $0x100;
	[dreg:$0x9] =	wrdreg s19  }
0x6: {  	s21 =	simm.s32 $0x1A200;
	s22 =	simm.s32 $0x180;
	[dreg:$0xa] =	wrdreg s20  }
0x7: {  	s23 =	simm.s32 $0x1B200;
	s24 =	simm.s32 $0x8A00;
	[dreg:$0xb] =	wrdreg s21  }
0x8: {  	s25 =	simm.s32 $0x9200;
	s26 =	simm.s32 $0x9A00;
	[dreg:$0xc] =	wrdreg s22  }
0x9: {  	s6 =	simm.s32 $0xC200;
	s7 =	sand.u32 $0x1, s1;
	[dreg:$0xd] =	wrdreg s23  }
0xa: {  	s3 =	sshll.u32 s0, $0x7;
	s1 =	sshll.u32 s7, $0x6;
	[dreg:$0xe] =	wrdreg s24  }
0xb: {  	s4 =	sshll.u32 s0, $0x1;
	[dreg:$0xf] =	wrdreg s25;
	s1 =	sadd.s32 s1, s5  }
0xc: {  	s0 =	sor.u32 s7, s4;
	[dreg:$0x10] =	wrdreg s26;
	s3 =	sadd.s32 s3, s1  }
0xd: {  	[dreg:$0x15] =	wrdreg s6;
	s9 =	sadd.s32 $0x82E00, s3;
	s3 =	sshll.u32 s0, $0x7  }
0xe: {  	s8 =	sadd.s32 $0x2E00, s5;
	[dreg:$0x2] =	wrdreg s9;
	s10 =	sor.u32 $0x20, s3  }
0xf: {  	s7 =	ssub.s32 $0x2, s7;
	s11 =	sor.u32 $0x40, s3;
	[smem:$0x7ED] =	sst s10  }
0x10: {  	s9 =	sshll.u32 s0, $0xE;
	s12 =	sor.u32 $0x60, s3;
	[smem:$0x7EE] =	sst s11  }
0x11: {  	[smem:$0x7F1] =	sst s12;
	s9 =	sadd.s32 s8, s9;
	s10 =	sshll.u32 s10, $0x7  }
0x12: {  	s14 =	sshll.u32 s11, $0x7;
	s11 =	simm.s32 $0xDA00;
	[dreg:$0x3] =	wrdreg s9  }
0x13: {  	s16 =	sshll.u32 s12, $0x7;
	s12 =	simm.s32 $0xE200;
	[dreg:$0x18] =	wrdreg s11  }
0x14: {  	s13 =	sadd.s32 s8, s10;
	s9 =	simm.s32 $0xCA00;
	[dreg:$0x19] =	wrdreg s12  }
0x15: {  	s10 =	simm.s32 $0xD200;
	[dreg:$0x16] =	wrdreg s9;
	s9 =	sor.u32 $0x1, s3  }
0x16: {  	s15 =	sadd.s32 s8, s14;
	[dreg:$0x17] =	wrdreg s10;
	s10 =	sor.u32 $0x2, s3;
	v0 =	vmov s9  }
0x17: {  	s8 =	sadd.s32 s8, s16;
	s11 =	sor.u32 $0x3, s3;
	[dreg:$0x4] =	wrdreg s13;
	[tilespmem:$0x1FBA0] =	vst v0;
	v0 =	vmov s10  }
0x18: {  	s12 =	sor.u32 $0x4, s3;
	[dreg:$0x5] =	wrdreg s15;
	s13 =	simm.s32 $0xEA00;
	[tilespmem:$0x1FBB0] =	vst v0;
	v0 =	vmov s11  }
0x19: {  	s14 =	simm.s32 $0xF200;
	[dreg:$0x1a] =	wrdreg s13;
	s13 =	sor.u32 $0x5, s3;
	[tilespmem:$0x1FBC0] =	vst v0;
	v0 =	vmov s12  }
0x1a: {  	s15 =	sshrl.u32 s7, $0x1;
	[dreg:$0x1b] =	wrdreg s14;
	s14 =	sor.u32 $0x6, s3;
	[tilespmem:$0x1FBD0] =	vst v0;
	v0 =	vmov s13  }
0x1b: {  	s16 =	simm.s32 $0xFA00;
	s17 =	ssub.s32 s7, s15;
	s15 =	sor.u32 $0x7, s3;
	[tilespmem:$0x1FBE0] =	vst v0;
	v0 =	vmov s14  }
0x1c: {  	[dreg:$0x1c] =	wrdreg s16;
	s16 =	sor.u32 $0x8, s3;
	[tilespmem:$0x1FBF0] =	vst v0;
	v0 =	vmov s15  }
0x1d: {  	s18 =	simm.s32 $0x10A00;
	[smem:$0x7F3] =	sst s17;
	s17 =	sor.u32 $0x9, s3;
	[tilespmem:$0x1FC00] =	vst v0;
	v0 =	vmov s16  }
0x1e: {  	s19 =	simm.s32 $0x11200;
	[dreg:$0x1d] =	wrdreg s18;
	s18 =	sor.u32 $0xA, s3;
	[tilespmem:$0x1FC10] =	vst v0;
	v0 =	vmov s17  }
0x1f: {  	s20 =	simm.s32 $0x11A00;
	[dreg:$0x1e] =	wrdreg s19;
	s19 =	sor.u32 $0xB, s3;
	[tilespmem:$0x1FC20] =	vst v0;
	v0 =	vmov s18  }
0x20: {  	s21 =	simm.s32 $0x12200;
	[dreg:$0x1f] =	wrdreg s20;
	s20 =	sor.u32 $0xC, s3;
	[tilespmem:$0x1FC30] =	vst v0;
	v0 =	vmov s19  }
0x21: {  	s22 =	simm.s32 $0x12A00;
	[smem:$0x7E1] =	sst s21;
	s21 =	sor.u32 $0xD, s3;
	[tilespmem:$0x1FC40] =	vst v0;
	v0 =	vmov s20  }
0x22: {  	s23 =	simm.s32 $0x13200;
	[smem:$0x7E2] =	sst s22;
	s22 =	sor.u32 $0xE, s3;
	[tilespmem:$0x1FC50] =	vst v0;
	v0 =	vmov s21  }
0x23: {  	[smem:$0x7E3] =	sst s23;
	s23 =	sor.u32 $0xF, s3;
	[tilespmem:$0x1FC60] =	vst v0;
	v0 =	vmov s22  }
0x24: {  	s24 =	simm.s32 $0x13A00;
	[smem:$0x7F0] =	sst s0;
	s7 =	sor.u32 $0x10, s3;
	[tilespmem:$0x1FC70] =	vst v0;
	v0 =	vmov s23  }
0x25: {  	s25 =	simm.s32 $0x14200;
	[smem:$0x7E4] =	sst s24;
	s24 =	sor.u32 $0x11, s3;
	[tilespmem:$0x1FC80] =	vst v0;
	v0 =	vmov s7  }
0x26: {  	s26 =	simm.s32 $0x14A00;
	[smem:$0x7E5] =	sst s25;
	s25 =	sor.u32 $0x12, s3;
	[tilespmem:$0x1FC90] =	vst v0;
	v0 =	vmov s24  }
0x27: {  	s4 =	simm.s32 $0xB200;
	[smem:$0x7E6] =	sst s26;
	s26 =	sor.u32 $0x13, s3;
	[tilespmem:$0x1FCA0] =	vst v0;
	v0 =	vmov s25  }
0x28: {  	[dreg:$0x13] =	wrdreg s4;
	s5 =	simm.s32 $0xBA00;
	s28 =	sor.u32 $0x14, s3;
	[tilespmem:$0x1FCB0] =	vst v0;
	v0 =	vmov s26  }
0x29: {  	s1 =	simm.s32 $0xAA00;
	[dreg:$0x14] =	wrdreg s5;
	s29 =	sor.u32 $0x15, s3;
	[tilespmem:$0x1FCC0] =	vst v0;
	v0 =	vmov s28  }
0x2a: {  	[dreg:$0x12] =	wrdreg s1;
	s0 =	simm.s32 $0xA200;
	s30 =	sor.u32 $0x16, s3;
	[tilespmem:$0x1FCD0] =	vst v0;
	v0 =	vmov s29  }
0x2b: {  	s31 =	sor.u32 $0x17, s3;
	[dreg:$0x11] =	wrdreg s0;
	s0 =	simm.s32 $0x15200;
	[tilespmem:$0x1FCE0] =	vst v0;
	v0 =	vmov s30  }
0x2c: {  	s1 =	simm.s32 $0x15A00;
	[smem:$0x7E7] =	sst s0;
	s0 =	sor.u32 $0x18, s3;
	[tilespmem:$0x1FCF0] =	vst v0;
	v0 =	vmov s31  }
0x2d: {  	s4 =	simm.s32 $0x16200;
	[smem:$0x7E8] =	sst s1;
	s1 =	sor.u32 $0x19, s3;
	[tilespmem:$0x1FD00] =	vst v0;
	v0 =	vmov s0  }
0x2e: {  	[smem:$0x7E9] =	sst s4;
	s5 =	simm.s32 $0x16A00;
	s4 =	sor.u32 $0x1A, s3;
	[tilespmem:$0x1FD10] =	vst v0;
	v0 =	vmov s1  }
0x2f: {  	s6 =	simm.s32 $0x17200;
	[smem:$0x7EA] =	sst s5;
	s5 =	sor.u32 $0x1B, s3;
	[tilespmem:$0x1FD20] =	vst v0;
	v0 =	vmov s4  }
0x30: {  	[smem:$0x7EB] =	sst s6;
	s6 =	sor.u32 $0x1C, s3;
	[tilespmem:$0x1FD30] =	vst v0;
	v0 =	vmov s5  }
0x31: {  	s10 =	sor.u32 $0x1D, s3;
	[tilespmem:$0x1FD40] =	vst v0;
	v0 =	vmov s6  }
0x32: {  	[dreg:$0x6] =	wrdreg s8;
	s11 =	sor.u32 $0x1E, s3;
	[tilespmem:$0x1FD50] =	vst v0;
	v0 =	vmov s10  }
0x33: {  	s8 =	simm.s32 $0x17A00;
	[tilespmem:$0x1FD60] =	vst v0;
	v0 =	vmov s11;
	s11 =	sld [smem:$0x7ED]  }
0x34: {  	[smem:$0x7EC] =	sst s8;
	s8 =	sor.u32 $0x1F, s3  }
0x35: {  	s9 =	sor.u32 $0x3A, s3;
	s12 =	sor.u32 $0x21, s3;
	[tilespmem:$0x1FD70] =	vst v0;
	v0 =	vmov s8  }
0x36: {  	s13 =	sor.u32 $0x22, s3;
	s14 =	sor.u32 $0x23, s3;
	s15 =	sor.u32 $0x24, s3;
	[tilespmem:$0x1FD80] =	vst v0;
	v0 =	vmov s11  }
0x37: {  	s16 =	sor.u32 $0x25, s3;
	s17 =	sor.u32 $0x26, s3;
	s18 =	sor.u32 $0x27, s3;
	[tilespmem:$0x1FD90] =	vst v0;
	v0 =	vmov s12  }
0x38: {  	s19 =	sor.u32 $0x28, s3;
	s20 =	sor.u32 $0x29, s3;
	s21 =	sor.u32 $0x2A, s3;
	[tilespmem:$0x1FDA0] =	vst v0;
	v0 =	vmov s13  }
0x39: {  	s22 =	sor.u32 $0x2B, s3;
	s23 =	sor.u32 $0x2C, s3;
	s7 =	sor.u32 $0x2D, s3;
	[tilespmem:$0x1FDB0] =	vst v0;
	v0 =	vmov s14  }
0x3a: {  	s24 =	sor.u32 $0x2E, s3;
	s25 =	sor.u32 $0x2F, s3;
	s26 =	sor.u32 $0x30, s3;
	[tilespmem:$0x1FDC0] =	vst v0;
	v0 =	vmov s15  }
0x3b: {  	s28 =	sor.u32 $0x31, s3;
	s29 =	sor.u32 $0x32, s3;
	s30 =	sor.u32 $0x34, s3;
	[tilespmem:$0x1FDD0] =	vst v0;
	v0 =	vmov s16  }
0x3c: {  	s31 =	sor.u32 $0x35, s3;
	s0 =	sor.u32 $0x33, s3;
	s1 =	sor.u32 $0x36, s3;
	[tilespmem:$0x1FDE0] =	vst v0;
	v0 =	vmov s17  }
0x3d: {  	s4 =	sor.u32 $0x37, s3;
	s5 =	sor.u32 $0x38, s3;
	s6 =	sor.u32 $0x39, s3;
	[tilespmem:$0x1FDF0] =	vst v0;
	v0 =	vmov s18  }
0x3e: {  	s10 =	sor.u32 $0x3B, s3;
	s8 =	sor.u32 $0x3E, s3;
	s11 =	sor.u32 $0x3C, s3;
	[tilespmem:$0x1FE00] =	vst v0;
	v0 =	vmov s19  }
0x3f: {  	s12 =	sor.u32 $0x3D, s3;
	s13 =	sor.u32 $0x3F, s3;
	s14 =	sor.u32 $0x41, s3;
	[tilespmem:$0x1FE10] =	vst v0;
	v0 =	vmov s20  }
0x40: {  	s15 =	sor.u32 $0x42, s3;
	s16 =	sor.u32 $0x43, s3;
	s17 =	sor.u32 $0x44, s3;
	[tilespmem:$0x1FE20] =	vst v0;
	v0 =	vmov s21  }
0x41: {  	s18 =	sor.u32 $0x45, s3;
	s20 =	sor.u32 $0x47, s3;
	s21 =	sor.u32 $0x48, s3;
	[tilespmem:$0x1FE30] =	vst v0;
	v0 =	vmov s22  }
0x42: {  	s19 =	sor.u32 $0x46, s3;
	v6 =	vmov s20;
	s20 =	sor.u32 $0x66, s3;
	v7 =	vmov s21;
	s21 =	sor.u32 $0x67, s3;
	[tilespmem:$0x1FE40] =	vst v0;
	v0 =	vmov s23  }
0x43: {  	s22 =	sor.u32 $0x4A, s3;
	s23 =	sor.u32 $0x4B, s3;
	[smem:$0x7F4] =	sst s21;
	[tilespmem:$0x1FE50] =	vst v0;
	v0 =	vmov s7  }
0x44: {  	v9 =	vmov s22;
	s22 =	sor.u32 $0x68, s3;
	s21 =	sor.u32 $0x6A, s3;
	s7 =	sor.u32 $0x49, s3;
	[tilespmem:$0x1FE60] =	vst v0;
	v0 =	vmov s24  }
0x45: {  	v10 =	vmov s23;
	s23 =	sor.u32 $0x69, s3;
	[smem:$0x7F5] =	sst s21;
	s24 =	sor.u32 $0x4C, s3;
	[tilespmem:$0x1FE70] =	vst v0;
	v0 =	vmov s25  }
0x46: {  	v8 =	vmov s7;
	s7 =	sor.u32 $0x6C, s3;
	s25 =	sor.u32 $0x4D, s3;
	v11 =	vmov s24;
	s24 =	sor.u32 $0x6B, s3;
	[tilespmem:$0x1FE80] =	vst v0;
	v0 =	vmov s26  }
0x47: {  	[smem:$0x7F6] =	sst s7;
	s7 =	sor.u32 $0x79, s3;
	s26 =	sor.u32 $0x4E, s3;
	[tilespmem:$0x1FE90] =	vst v0;
	v0 =	vmov s28  }
0x48: {  	v12 =	vmov s25;
	s25 =	sor.u32 $0x75, s3;
	[smem:$0x7FA] =	sst s7;
	s28 =	sor.u32 $0x50, s3;
	[tilespmem:$0x1FEA0] =	vst v0;
	v0 =	vmov s29  }
0x49: {  	v13 =	vmov s26;
	s26 =	sor.u32 $0x6D, s3;
	[smem:$0x7F7] =	sst s25;
	s25 =	sor.u32 $0x77, s3;
	[tilespmem:$0x1FEB0] =	vst v0;
	v0 =	vmov s0  }
0x4a: {  	v41 =	vmov s23;
	s23 =	sld [smem:$0x7FA];
	s29 =	sor.u32 $0x51, s3;
	v15 =	vmov s28;
	s28 =	sor.u32 $0x6F, s3;
	[tilespmem:$0x1FEC0] =	vst v0;
	v0 =	vmov s30  }
0x4b: {  	v38 =	vmov s20;
	s20 =	sld [smem:$0x7F7];
	s0 =	sor.u32 $0x4F, s3;
	v16 =	vmov s29;
	s29 =	sor.u32 $0x70, s3;
	[tilespmem:$0x1FED0] =	vst v0;
	v0 =	vmov s31  }
0x4c: {  	v47 =	vmov s28;
	s28 =	simm.s32 $0x4200;
	[smem:$0x7EF] =	sst s0;
	s30 =	sor.u32 $0x53, s3;
	[tilespmem:$0x1FEE0] =	vst v0;
	v0 =	vmov s1  }
0x4d: {  	s0 =	sld [smem:$0x7EE];
	v48 =	vmov s29;
	v57 =	vmov s23;
	s23 =	simm.s32 $0x2200;
	s29 =	simm.s32 $0x4A00;
	[tilespmem:$0x1FEF0] =	vst v0;
	v0 =	vmov s4  }
0x4e: {  	s31 =	sor.u32 $0x54, s3;
	s21 =	sld [smem:$0x7EF];
	[tilespmem:$0x1FF00] =	vst v0;
	v0 =	vmov s5;
	s5 =	sor.u32 $0x56, s3  }
0x4f: {  	v18 =	vmov s30;
	s30 =	sor.u32 $0x72, s3;
	[tilespmem:$0x1FF10] =	vst v0;
	v0 =	vmov s6;
	s6 =	sor.u32 $0x57, s3;
	v21 =	vmov s5;
	s5 =	sor.u32 $0x76, s3  }
0x50: {  	v53 =	vmov s20;
	s20 =	simm.s32 $0xA00;
	[tilespmem:$0x1FF20] =	vst v0;
	v0 =	vmov s9;
	v22 =	vmov s6;
	[smem:$0x7F8] =	sst s5;
	s6 =	sor.u32 $0x78, s3  }
0x51: {  	s1 =	sor.u32 $0x52, s3;
	v19 =	vmov s31;
	s9 =	sor.u32 $0x58, s3;
	[tilespmem:$0x1FF30] =	vst v0;
	v0 =	vmov s10;
	[smem:$0x7F9] =	sst s6  }
0x52: {  	s31 =	sor.u32 $0x73, s3;
	v14 =	vmov s21;
	s21 =	sor.u32 $0x74, s3;
	v23 =	vmov s9;
	s9 =	sld [smem:$0x7F0];
	[tilespmem:$0x1FF40] =	vst v0;
	v0 =	vmov s11  }
0x53: {  	v50 =	vmov s30;
	s30 =	simm.s32 $0x5200;
	v52 =	vmov s21;
	s10 =	sor.u32 $0x59, s3;
	s21 =	sld [smem:$0x7F8];
	[tilespmem:$0x1FF50] =	vst v0;
	v0 =	vmov s12  }
0x54: {  	v40 =	vmov s22;
	s4 =	sor.u32 $0x55, s3;
	v24 =	vmov s10;
	s10 =	sld [smem:$0x7F1];
	[tilespmem:$0x1FF60] =	vst v0;
	v0 =	vmov s8;
	s8 =	sor.u32 $0x5B, s3  }
0x55: {  	v17 =	vmov s1;
	s1 =	sor.u32 $0x71, s3;
	s22 =	sld [smem:$0x7F9];
	[tilespmem:$0x1FF70] =	vst v0;
	v0 =	vmov s13;
	v26 =	vmov s8;
	s8 =	sor.u32 $0x7C, s3  }
0x56: {  	v51 =	vmov s31;
	s31 =	simm.s32 $0x4;
	[tilespmem:$0x1FF80] =	vst v0;
	v0 =	vmov s0;
	s0 =	sor.u32 $0x61, s3;
	[smem:$0x7FB] =	sst s8  }
0x57: {  	s11 =	sor.u32 $0x5A, s3;
	s12 =	sor.u32 $0x5C, s3;
	[smem:$0x7F2] =	sst s0  }
0x58: {  	v43 =	vmov s24;
	v27 =	vmov s12;
	s12 =	sor.u32 $0x7A, s3;
	s13 =	sor.u32 $0x5D, s3;
	[tilespmem:$0x1FF90] =	vst v0;
	v0 =	vmov s14;
	s24 =	sld [smem:$0x7FB]  }
0x59: {  	v25 =	vmov s11;
	v28 =	vmov s13;
	s13 =	sor.u32 $0x7B, s3;
	s14 =	sor.u32 $0x5E, s3;
	[tilespmem:$0x1FFA0] =	vst v0;
	v0 =	vmov s15;
	s11 =	sld [smem:$0x7F2]  }
0x5a: {  	s0 =	sor.u32 $0x6E, s3;
	v29 =	vmov s14;
	s14 =	rddreg [dreg:$0x0];
	[tilespmem:$0x1FFB0] =	vst v0;
	v0 =	vmov s16;
	s16 =	sor.u32 $0x62, s3  }
0x5b: {  	s15 =	sor.u32 $0x5F, s3;
	[tilespmem:$0x1FFC0] =	vst v0;
	v0 =	vmov s17;
	s17 =	sor.u32 $0x63, s3;
	v34 =	vmov s16;
	s16 =	sld [smem:$0x7F3]  }
0x5c: {  	v30 =	vmov s15;
	s15 =	sor.u32 $0x7D, s3;
	[tilespmem:$0x1FFD0] =	vst v0;
	v0 =	vmov s18;
	s18 =	sor.u32 $0x64, s3;
	v35 =	vmov s17;
	s17 =	sld [smem:$0x7F4]  }
0x5d: {  	v31 =	vmov s3;
	[tilespmem:$0x1FFE0] =	vst v0;
	v0 =	vmov s19;
	s19 =	sor.u32 $0x65, s3;
	s3 =	sor.u32 $0x7E, s3;
	v36 =	vmov s18;
	s18 =	sld [smem:$0x7F5]  }
0x5e: {  	v49 =	vmov s1;
	s1 =	simm.s32 $0x6A00;
	v54 =	vmov s21;
	s21 =	simm.s32 $0x1200;
	[smem:$0x7FC] =	sst s3  }
0x5f: {  	v32 =	vmov s10;
	s10 =	simm.s32 $0x20;
	s3 =	sshllo.u32 s9, $0x7;
	v37 =	vmov s19;
	s19 =	sld [smem:$0x7F6]  }
0x60: {  	v56 =	vmov s22;
	v58 =	vmov s12;
	s22 =	simm.s32 $0x1A00;
	s12 =	simm.s32 $0x7200;
	[smem:$0x7FD] =	sst s3  }
0x61: {  	v55 =	vmov s25;
	v20 =	vmov s4;
	v59 =	vmov s13;
	s13 =	simm.s32 $0x7A00;
	s4 =	sadd.s32 $0x113600, s14;
	s25 =	sld [smem:$0x7FC]  }
0x62: {  	vm0 =	vmmov $0xffff;
	v45 =	vmov s26;
	v46 =	vmov s0;
	s5 =	sadd.s32 $0x83700, s14;
	s6 =	sadd.s32 $0x83800, s14;
	s26 =	sld [smem:$0x7FD]  }
0x63: {  	s7 =	sadd.s32 $0x83900, s14;
	v60 =	vmov s24;
	v61 =	vmov s15;
	s15 =	simm.s32 $0x7;
	s24 =	simm.s32 $0x2A00;
	v33 =	vmov s11  }
0x64: {  	s11 =	simm.s32 $0x200;
	[tilespmem:$0x1FFF0] =	vst v0;
	s8 =	smax.u32 s16, $0x1;
	v0 =	vlaneseq.u32;
	s3 =	sadd.s32 $0x83600, s14;
	v39 =	vmov s17;
	v42 =	vmov s18  }
0x65: {  	s14 =	simm.s32 $0x1;
	v44 =	vmov s19;
	v62 =	vmov s25;
	s25 =	simm.s32 $0x3200;
	v63 =	vmov s26;
	s26 =	simm.s32 $0x3A00  }
.LBB2_1:
0x66: {  	s16 =	rddreg [dreg:$0x2];
	s9 =	simm.s32 $0x8  }
0x67: {  	[tilespmem:s2], [sflag:$0x8] =	stream.linear.gather [hbm4b:s16+s2], $0x200, $0x38;
	[tilespmem:$0x1C200] =	vst v63  }
0x68: {  	_ =	swait.ge [sflag:s9], $0x200  }
0x69: {  	v1 =	vld [tilespmem:$0x1FBA0];
	_ =	sdelay $0x2  }
0x6a: {  	[sflag:s9] =	ssyncset.done $0x0  }
0x6b: {  	[sflag:s9] =	ssyncadd.s32 $0xFFFFFE00  }
0x6c: {  	[tilespmem:$0x18280] =	vst v1;
	v1 =	vld [tilespmem:$0x1FBB0];
	_ =	sdelay $0x4  }
0x6d: {  	[tilespmem:$0x18300] =	vst v1;
	v1 =	vld [tilespmem:$0x1FBC0];
	_ =	sdelay $0x4  }
0x6e: {  	[tilespmem:$0x18380] =	vst v1;
	v1 =	vld [tilespmem:$0x1FBD0];
	_ =	sdelay $0x4  }
0x6f: {  	[tilespmem:$0x18400] =	vst v1;
	v1 =	vld [tilespmem:$0x1FBE0];
	_ =	sdelay $0x4  }
0x70: {  	[tilespmem:$0x18480] =	vst v1;
	v1 =	vld [tilespmem:$0x1FBF0];
	_ =	sdelay $0x4  }
0x71: {  	[tilespmem:$0x18500] =	vst v1;
	v1 =	vld [tilespmem:$0x1FC00];
	_ =	sdelay $0x4  }
0x72: {  	[tilespmem:$0x18580] =	vst v1;
	v1 =	vld [tilespmem:$0x1FC10];
	_ =	sdelay $0x4  }
0x73: {  	[tilespmem:$0x18600] =	vst v1;
	v1 =	vld [tilespmem:$0x1FC20];
	_ =	sdelay $0x4  }
0x74: {  	[tilespmem:$0x18680] =	vst v1;
	v1 =	vld [tilespmem:$0x1FC30];
	_ =	sdelay $0x4  }
0x75: {  	[tilespmem:$0x18700] =	vst v1;
	v1 =	vld [tilespmem:$0x1FC40];
	_ =	sdelay $0x4  }
0x76: {  	[tilespmem:$0x18780] =	vst v1;
	v1 =	vld [tilespmem:$0x1FC50];
	_ =	sdelay $0x4  }
0x77: {  	[tilespmem:$0x18800] =	vst v1;
	v1 =	vld [tilespmem:$0x1FC60];
	_ =	sdelay $0x4  }
0x78: {  	[tilespmem:$0x18880] =	vst v1;
	v1 =	vld [tilespmem:$0x1FC70];
	_ =	sdelay $0x4  }
0x79: {  	[tilespmem:$0x18900] =	vst v1;
	v1 =	vld [tilespmem:$0x1FC80];
	_ =	sdelay $0x4  }
0x7a: {  	[tilespmem:$0x18980] =	vst v1;
	v1 =	vld [tilespmem:$0x1FC90];
	_ =	sdelay $0x4  }
0x7b: {  	[tilespmem:$0x18A00] =	vst v1;
	v1 =	vld [tilespmem:$0x1FCA0];
	_ =	sdelay $0x4  }
0x7c: {  	[tilespmem:$0x18A80] =	vst v1;
	v1 =	vld [tilespmem:$0x1FCB0];
	_ =	sdelay $0x4  }
0x7d: {  	[tilespmem:$0x18B00] =	vst v1;
	v1 =	vld [tilespmem:$0x1FCC0];
	_ =	sdelay $0x4  }
0x7e: {  	[tilespmem:$0x18B80] =	vst v1;
	v1 =	vld [tilespmem:$0x1FCD0];
	_ =	sdelay $0x4  }
0x7f: {  	[tilespmem:$0x18C00] =	vst v1;
	v1 =	vld [tilespmem:$0x1FCE0];
	_ =	sdelay $0x4  }
0x80: {  	[tilespmem:$0x18C80] =	vst v1;
	v1 =	vld [tilespmem:$0x1FCF0];
	_ =	sdelay $0x4  }
0x81: {  	[tilespmem:$0x18D00] =	vst v1;
	v1 =	vld [tilespmem:$0x1FD00];
	_ =	sdelay $0x4  }
0x82: {  	[tilespmem:$0x18D80] =	vst v1;
	v1 =	vld [tilespmem:$0x1FD10];
	_ =	sdelay $0x4  }
0x83: {  	[tilespmem:$0x18E00] =	vst v1;
	v1 =	vld [tilespmem:$0x1FD20];
	_ =	sdelay $0x4  }
0x84: {  	[tilespmem:$0x18E80] =	vst v1;
	v1 =	vld [tilespmem:$0x1FD30];
	_ =	sdelay $0x4  }
0x85: {  	[tilespmem:$0x18F00] =	vst v1;
	v1 =	vld [tilespmem:$0x1FD40];
	_ =	sdelay $0x4  }
0x86: {  	[tilespmem:$0x18F80] =	vst v1;
	v1 =	vld [tilespmem:$0x1FD50];
	_ =	sdelay $0x4  }
0x87: {  	[tilespmem:$0x19000] =	vst v1;
	v1 =	vld [tilespmem:$0x1FD60];
	_ =	sdelay $0x4  }
0x88: {  	[tilespmem:$0x19080] =	vst v1;
	v1 =	vld [tilespmem:$0x1FD70];
	_ =	sdelay $0x4  }
0x89: {  	[tilespmem:$0x19100] =	vst v1;
	v1 =	vld [tilespmem:$0x1FD80];
	_ =	sdelay $0x4  }
0x8a: {  	[tilespmem:$0x19180] =	vst v1;
	v1 =	vld [tilespmem:$0x1FD90];
	_ =	sdelay $0x4  }
0x8b: {  	[tilespmem:$0x19200] =	vst v1;
	v1 =	vld [tilespmem:$0x1FDA0];
	_ =	sdelay $0x4  }
0x8c: {  	[tilespmem:$0x19280] =	vst v1;
	v1 =	vld [tilespmem:$0x1FDB0];
	_ =	sdelay $0x4  }
0x8d: {  	[tilespmem:$0x19300] =	vst v1;
	v1 =	vld [tilespmem:$0x1FDC0];
	_ =	sdelay $0x4  }
0x8e: {  	[tilespmem:$0x19380] =	vst v1;
	v1 =	vld [tilespmem:$0x1FDD0];
	_ =	sdelay $0x4  }
0x8f: {  	[tilespmem:$0x19400] =	vst v1;
	v1 =	vld [tilespmem:$0x1FDE0];
	_ =	sdelay $0x4  }
0x90: {  	[tilespmem:$0x19480] =	vst v1;
	v1 =	vld [tilespmem:$0x1FDF0];
	_ =	sdelay $0x4  }
0x91: {  	[tilespmem:$0x19500] =	vst v1;
	v1 =	vld [tilespmem:$0x1FE00];
	_ =	sdelay $0x4  }
0x92: {  	[tilespmem:$0x19580] =	vst v1;
	v1 =	vld [tilespmem:$0x1FE10];
	_ =	sdelay $0x4  }
0x93: {  	[tilespmem:$0x19600] =	vst v1;
	v1 =	vld [tilespmem:$0x1FE20];
	_ =	sdelay $0x4  }
0x94: {  	[tilespmem:$0x19680] =	vst v1;
	v1 =	vld [tilespmem:$0x1FE30];
	_ =	sdelay $0x4  }
0x95: {  	[tilespmem:$0x19700] =	vst v1;
	v1 =	vld [tilespmem:$0x1FE40];
	_ =	sdelay $0x4  }
0x96: {  	[tilespmem:$0x19780] =	vst v1;
	v1 =	vld [tilespmem:$0x1FE50];
	_ =	sdelay $0x4  }
0x97: {  	[tilespmem:$0x19800] =	vst v1;
	v1 =	vld [tilespmem:$0x1FE60];
	_ =	sdelay $0x4  }
0x98: {  	[tilespmem:$0x19880] =	vst v1;
	v1 =	vld [tilespmem:$0x1FE70];
	_ =	sdelay $0x4  }
0x99: {  	[tilespmem:$0x19900] =	vst v1;
	v1 =	vld [tilespmem:$0x1FE80];
	_ =	sdelay $0x4  }
0x9a: {  	[tilespmem:$0x19980] =	vst v1;
	v1 =	vld [tilespmem:$0x1FE90];
	_ =	sdelay $0x4  }
0x9b: {  	[tilespmem:$0x19A00] =	vst v1;
	v1 =	vld [tilespmem:$0x1FEA0];
	_ =	sdelay $0x4  }
0x9c: {  	[tilespmem:$0x19A80] =	vst v1;
	v1 =	vld [tilespmem:$0x1FEB0];
	_ =	sdelay $0x4  }
0x9d: {  	[tilespmem:$0x19B00] =	vst v1;
	v1 =	vld [tilespmem:$0x1FEC0];
	_ =	sdelay $0x4  }
0x9e: {  	[tilespmem:$0x19B80] =	vst v1;
	v1 =	vld [tilespmem:$0x1FED0];
	_ =	sdelay $0x4  }
0x9f: {  	[tilespmem:$0x19C00] =	vst v1;
	v1 =	vld [tilespmem:$0x1FEE0];
	_ =	sdelay $0x4  }
0xa0: {  	[tilespmem:$0x19C80] =	vst v1;
	v1 =	vld [tilespmem:$0x1FEF0];
	_ =	sdelay $0x4  }
0xa1: {  	[tilespmem:$0x19D00] =	vst v1;
	v1 =	vld [tilespmem:$0x1FF00];
	_ =	sdelay $0x4  }
0xa2: {  	[tilespmem:$0x19D80] =	vst v1;
	v1 =	vld [tilespmem:$0x1FF10];
	_ =	sdelay $0x2  }
0xa3: {  	[tilespmem:$0x18200] =	vst v31  }
0xa4: {  	[tilespmem:$0x1A580] =	vst v6  }
0xa5: {  	[tilespmem:$0x19E00] =	vst v1;
	v1 =	vld [tilespmem:$0x1FF20]  }
0xa6: {  	[tilespmem:$0x1A600] =	vst v7  }
0xa7: {  	[tilespmem:$0x1A680] =	vst v8  }
0xa8: {  	[tilespmem:$0x1A700] =	vst v9  }
0xa9: {  	[tilespmem:$0x1A780] =	vst v10  }
0xaa: {  	[tilespmem:$0x19E80] =	vst v1;
	v1 =	vld [tilespmem:$0x1FF30]  }
0xab: {  	[tilespmem:$0x1A800] =	vst v11  }
0xac: {  	[tilespmem:$0x1A880] =	vst v12  }
0xad: {  	[tilespmem:$0x1A900] =	vst v13  }
0xae: {  	[tilespmem:$0x1A980] =	vst v14  }
0xaf: {  	[tilespmem:$0x19F00] =	vst v1;
	v1 =	vld [tilespmem:$0x1FF40]  }
0xb0: {  	[tilespmem:$0x1AA00] =	vst v15  }
0xb1: {  	[tilespmem:$0x1AA80] =	vst v16  }
0xb2: {  	[tilespmem:$0x1AB00] =	vst v17  }
0xb3: {  	[tilespmem:$0x1AB80] =	vst v18  }
0xb4: {  	[tilespmem:$0x19F80] =	vst v1;
	v1 =	vld [tilespmem:$0x1FF50]  }
0xb5: {  	[tilespmem:$0x1AC00] =	vst v19  }
0xb6: {  	[tilespmem:$0x1AC80] =	vst v20  }
0xb7: {  	[tilespmem:$0x1AD00] =	vst v21  }
0xb8: {  	[tilespmem:$0x1AD80] =	vst v22  }
0xb9: {  	[tilespmem:$0x1A000] =	vst v1;
	v1 =	vld [tilespmem:$0x1FF60]  }
0xba: {  	[tilespmem:$0x1AE00] =	vst v23  }
0xbb: {  	[tilespmem:$0x1AE80] =	vst v24  }
0xbc: {  	[tilespmem:$0x1AF00] =	vst v25  }
0xbd: {  	[tilespmem:$0x1AF80] =	vst v26  }
0xbe: {  	[tilespmem:$0x1A080] =	vst v1;
	v1 =	vld [tilespmem:$0x1FF70]  }
0xbf: {  	[tilespmem:$0x1B000] =	vst v27  }
0xc0: {  	[tilespmem:$0x1B080] =	vst v28  }
0xc1: {  	[tilespmem:$0x1B100] =	vst v29  }
0xc2: {  	[tilespmem:$0x1B180] =	vst v30  }
0xc3: {  	[tilespmem:$0x1A100] =	vst v1;
	v1 =	vld [tilespmem:$0x1FF80]  }
0xc4: {  	[tilespmem:$0x1B200] =	vst v32  }
0xc5: {  	[tilespmem:$0x1B280] =	vst v33  }
0xc6: {  	[tilespmem:$0x1B300] =	vst v34  }
0xc7: {  	[tilespmem:$0x1B380] =	vst v35  }
0xc8: {  	[tilespmem:$0x1A180] =	vst v1;
	v1 =	vld [tilespmem:$0x1FF90]  }
0xc9: {  	[tilespmem:$0x1B400] =	vst v36  }
0xca: {  	[tilespmem:$0x1B480] =	vst v37  }
0xcb: {  	[tilespmem:$0x1B500] =	vst v38  }
0xcc: {  	[tilespmem:$0x1B580] =	vst v39  }
0xcd: {  	[tilespmem:$0x1A200] =	vst v1;
	v1 =	vld [tilespmem:$0x1FFA0]  }
0xce: {  	[tilespmem:$0x1B600] =	vst v40  }
0xcf: {  	[tilespmem:$0x1B680] =	vst v41  }
0xd0: {  	[tilespmem:$0x1B700] =	vst v42  }
0xd1: {  	[tilespmem:$0x1B780] =	vst v43  }
0xd2: {  	[tilespmem:$0x1A280] =	vst v1;
	v1 =	vld [tilespmem:$0x1FFB0]  }
0xd3: {  	[tilespmem:$0x1B800] =	vst v44  }
0xd4: {  	[tilespmem:$0x1B880] =	vst v45  }
0xd5: {  	[tilespmem:$0x1B900] =	vst v46  }
0xd6: {  	[tilespmem:$0x1B980] =	vst v47  }
0xd7: {  	[tilespmem:$0x1A300] =	vst v1;
	v1 =	vld [tilespmem:$0x1FFC0]  }
0xd8: {  	[tilespmem:$0x1BA00] =	vst v48  }
0xd9: {  	[tilespmem:$0x1BA80] =	vst v49  }
0xda: {  	[tilespmem:$0x1BB00] =	vst v50  }
0xdb: {  	[tilespmem:$0x1BB80] =	vst v51  }
0xdc: {  	[tilespmem:$0x1A380] =	vst v1;
	v1 =	vld [tilespmem:$0x1FFD0]  }
0xdd: {  	[tilespmem:$0x1BC00] =	vst v52  }
0xde: {  	[tilespmem:$0x1BC80] =	vst v53  }
0xdf: {  	[tilespmem:$0x1BD00] =	vst v54  }
0xe0: {  	[tilespmem:$0x1BD80] =	vst v55  }
0xe1: {  	[tilespmem:$0x1A400] =	vst v1;
	v1 =	vld [tilespmem:$0x1FFE0]  }
0xe2: {  	[tilespmem:$0x1BE00] =	vst v56  }
0xe3: {  	[tilespmem:$0x1BE80] =	vst v57  }
0xe4: {  	[tilespmem:$0x1BF00] =	vst v58  }
0xe5: {  	[tilespmem:$0x1BF80] =	vst v59  }
0xe6: {  	[tilespmem:$0x1A480] =	vst v1;
	v1 =	vld [tilespmem:$0x1FFF0]  }
0xe7: {  	[tilespmem:$0x1C000] =	vst v60  }
0xe8: {  	s17 =	rddreg [dreg:$0x8];
	[tilespmem:$0x1C080] =	vst v61  }
0xe9: {  	s18 =	rddreg [dreg:$0x9];
	[tilespmem:$0x1C100] =	vst v62  }
0xea: {  	s0 =	rddreg [dreg:$0xb];
	[tilespmem:$0x1C180] =	vst v63  }
0xeb: {  	s9 =	rddreg [dreg:$0x7];
	[tilespmem:$0x1A500] =	vst v1  }
0xec: {  	[hbm4b:s4+s10] =	stream.indirect.scatter [tilespmem:s9], [sflag:$0x7], $0x80, s2, s10, $0xb8;
	[tilespmem:$0x1C200] =	vst v63  }
0xed: {  	s19 =	rddreg [dreg:$0xd]  }
0xee: {  	[hbm4b:s4+s10] =	stream.indirect.scatter [tilespmem:s18], [sflag:$0x7], $0x80, s17, s10, $0xb8;
	[tilespmem:$0x1C200] =	vst v63  }
0xef: {  	s18 =	rddreg [dreg:$0xa]  }
0xf0: {  	[hbm4b:s4+s10] =	stream.indirect.scatter [tilespmem:s0], [sflag:$0x7], $0x80, s18, s10, $0xb8;
	[tilespmem:$0x1C200] =	vst v63  }
0xf1: {  	s9 =	rddreg [dreg:$0xc]  }
0xf2: {  	[hbm4b:s4+s10] =	stream.indirect.scatter [tilespmem:s19], [sflag:$0x7], $0x80, s9, s10, $0xb8;
	[tilespmem:$0x1C200] =	vst v63  }
0xf3: {  	s17 =	rddreg [dreg:$0x3]  }
0xf4: {  	[tilespmem:s11], [sflag:$0x1] =	stream.linear.gather [hbm4b:s17+s2], $0x8000, $0x38;
	[tilespmem:$0x1C200] =	vst v63  }
0xf5: {  	s0 =	rddreg [dreg:$0x4];
	s18 =	simm.s32 $0x8200  }
0xf6: {  	[tilespmem:s18], [sflag:$0x2] =	stream.linear.gather [hbm4b:s0+s2], $0x8000, $0x38;
	[tilespmem:$0x1C200] =	vst v63  }
0xf7: {  	s9 =	rddreg [dreg:$0x5];
	s19 =	simm.s32 $0x10200  }
0xf8: {  	[tilespmem:s19], [sflag:$0x3] =	stream.linear.gather [hbm4b:s9+s2], $0x8000, $0x38;
	[tilespmem:$0x1C200] =	vst v63  }
0xf9: {  	_ =	swait.ge [sflag:s14], $0x8000  }
0xfa: {  	[sflag:s14] =	ssyncset.done $0x0  }
0xfb: {  	[sflag:s14] =	ssyncadd.s32 $0xFFFF8000  }
0xfc: {  	v1 =	vld [tilespmem:$0x0];
	_ =	sdelay $0x4  }
0xfd: {  	v2 =	vshll.u32 v1, $0x3  }
0xfe: {  	v1 =	vand.u32 $0x7, v1;
	v2 =	vand.u32 $0xFFFFFFC0, v2  }
0xff: {  	v4 =	vor.u32 v1, v2;
	v2 =	vand.u32 $0x7, v0;
	v1 =	vshrl.u32 v0, $0x3  }
0x100: {  	v3 =	vperm.xlane v4, v2;
	v1 =	vmul.u32 $0x8, v1;
	_ =	sdelay $0x1  }
0x101: {  	v5 =	vadd.s32 v1, v3;
	_ =	sdelay $0x4  }
0x102: {  	v3 =	vor.u32 $0x8, v0;
	[hbm4b:s3+s2] =	stream.indirect_vreg.scatter [tilespmem:s11], [sflag:$0x4], $0x80, v5, vm0, $0xb8;
	[tilespmem:$0x1C200] =	vst v63  }
0x103: {  	v4 =	vperm.xlane v4, v3  }
0x104: {  	[hbm4b:s5+s2] =	stream.indirect_vreg.scatter [tilespmem:s20], [sflag:$0x4], $0x80, v5, vm0, $0xb8;
	[tilespmem:$0x1C200] =	vst v63  }
0x105: {  	v4 =	vadd.s32 v1, v4  }
0x106: {  	[hbm4b:s6+s2] =	stream.indirect_vreg.scatter [tilespmem:s21], [sflag:$0x4], $0x80, v5, vm0, $0xb8;
	[tilespmem:$0x1C200] =	vst v63  }
0x107: {  	_ = 	snop  }
0x108: {  	[hbm4b:s7+s2] =	stream.indirect_vreg.scatter [tilespmem:s22], [sflag:$0x4], $0x80, v5, vm0, $0xb8;
	[tilespmem:$0x1C200] =	vst v63  }
0x109: {  	_ = 	snop  }
0x10a: {  	[hbm4b:s3+s2] =	stream.indirect_vreg.scatter [tilespmem:s23], [sflag:$0x4], $0x80, v4, vm0, $0xb8;
	[tilespmem:$0x1C200] =	vst v63  }
0x10b: {  	_ = 	snop  }
0x10c: {  	[hbm4b:s5+s2] =	stream.indirect_vreg.scatter [tilespmem:s24], [sflag:$0x4], $0x80, v4, vm0, $0xb8;
	[tilespmem:$0x1C200] =	vst v63  }
0x10d: {  	_ = 	snop  }
0x10e: {  	[hbm4b:s6+s2] =	stream.indirect_vreg.scatter [tilespmem:s25], [sflag:$0x4], $0x80, v4, vm0, $0xb8;
	[tilespmem:$0x1C200] =	vst v63  }
0x10f: {  	_ = 	snop  }
0x110: {  	[hbm4b:s7+s2] =	stream.indirect_vreg.scatter [tilespmem:s26], [sflag:$0x4], $0x80, v4, vm0, $0xb8;
	[tilespmem:$0x1C200] =	vst v63  }
0x111: {  	v4 =	vld [tilespmem:$0x10];
	_ =	sdelay $0x4  }
0x112: {  	v5 =	vshll.u32 v4, $0x3  }
0x113: {  	v4 =	vand.u32 $0x7, v4;
	v5 =	vand.u32 $0xFFFFFFC0, v5  }
0x114: {  	v4 =	vor.u32 v4, v5  }
0x115: {  	v5 =	vperm.xlane v4, v2;
	_ =	sdelay $0x1  }
0x116: {  	v5 =	vadd.s32 v1, v5;
	_ =	sdelay $0x4  }
0x117: {  	[hbm4b:s3+s2] =	stream.indirect_vreg.scatter [tilespmem:s28], [sflag:$0x4], $0x80, v5, vm0, $0xb8;
	[tilespmem:$0x1C200] =	vst v63  }
0x118: {  	v4 =	vperm.xlane v4, v3  }
0x119: {  	[hbm4b:s5+s2] =	stream.indirect_vreg.scatter [tilespmem:s29], [sflag:$0x4], $0x80, v5, vm0, $0xb8;
	[tilespmem:$0x1C200] =	vst v63  }
0x11a: {  	v4 =	vadd.s32 v1, v4  }
0x11b: {  	[hbm4b:s6+s2] =	stream.indirect_vreg.scatter [tilespmem:s30], [sflag:$0x4], $0x80, v5, vm0, $0xb8;
	[tilespmem:$0x1C200] =	vst v63  }
0x11c: {  	s9 =	simm.s32 $0x5A00  }
0x11d: {  	[hbm4b:s7+s2] =	stream.indirect_vreg.scatter [tilespmem:s9], [sflag:$0x4], $0x80, v5, vm0, $0xb8;
	[tilespmem:$0x1C200] =	vst v63  }
0x11e: {  	s0 =	simm.s32 $0x6200  }
0x11f: {  	[hbm4b:s3+s2] =	stream.indirect_vreg.scatter [tilespmem:s0], [sflag:$0x4], $0x80, v4, vm0, $0xb8;
	[tilespmem:$0x1C200] =	vst v63  }
0x120: {  	_ = 	snop  }
0x121: {  	[hbm4b:s5+s2] =	stream.indirect_vreg.scatter [tilespmem:s1], [sflag:$0x4], $0x80, v4, vm0, $0xb8;
	[tilespmem:$0x1C200] =	vst v63  }
0x122: {  	_ = 	snop  }
0x123: {  	[hbm4b:s6+s2] =	stream.indirect_vreg.scatter [tilespmem:s12], [sflag:$0x4], $0x80, v4, vm0, $0xb8;
	[tilespmem:$0x1C200] =	vst v63  }
0x124: {  	_ = 	snop  }
0x125: {  	[hbm4b:s7+s2] =	stream.indirect_vreg.scatter [tilespmem:s13], [sflag:$0x4], $0x80, v4, vm0, $0xb8;
	[tilespmem:$0x1C200] =	vst v63  }
0x126: {  	_ =	swait.ge [sflag:s31], $0x8000  }
0x127: {  	[sflag:s31] =	ssyncset.done $0x0  }
0x128: {  	s17 =	rddreg [dreg:$0x6];
	[sflag:s31] =	ssyncadd.s32 $0xFFFF8000  }
0x129: {  	[tilespmem:s11], [sflag:$0x1] =	stream.linear.gather [hbm4b:s17+s2], $0x8000, $0x38;
	[tilespmem:$0x1C200] =	vst v63  }
0x12a: {  	s17 =	simm.s32 $0x2  }
0x12b: {  	_ =	swait.ge [sflag:s17], $0x8000  }
0x12c: {  	[sflag:s17] =	ssyncset.done $0x0  }
0x12d: {  	[sflag:s17] =	ssyncadd.s32 $0xFFFF8000  }
0x12e: {  	v4 =	vld [tilespmem:$0x80];
	_ =	sdelay $0x4  }
0x12f: {  	v5 =	vshll.u32 v4, $0x3  }
0x130: {  	v4 =	vand.u32 $0x7, v4;
	v5 =	vand.u32 $0xFFFFFFC0, v5  }
0x131: {  	v4 =	vor.u32 v4, v5  }
0x132: {  	v5 =	vperm.xlane v4, v2;
	_ =	sdelay $0x1  }
0x133: {  	v5 =	vadd.s32 v1, v5;
	_ =	sdelay $0x4  }
0x134: {  	[hbm4b:s3+s2] =	stream.indirect_vreg.scatter [tilespmem:s18], [sflag:$0x5], $0x80, v5, vm0, $0xb8;
	[tilespmem:$0x1C200] =	vst v63  }
0x135: {  	s16 =	rddreg [dreg:$0xe];
	v4 =	vperm.xlane v4, v3  }
0x136: {  	[hbm4b:s5+s2] =	stream.indirect_vreg.scatter [tilespmem:s16], [sflag:$0x5], $0x80, v5, vm0, $0xb8;
	[tilespmem:$0x1C200] =	vst v63  }
0x137: {  	s17 =	rddreg [dreg:$0xf];
	v4 =	vadd.s32 v1, v4  }
0x138: {  	[hbm4b:s6+s2] =	stream.indirect_vreg.scatter [tilespmem:s17], [sflag:$0x5], $0x80, v5, vm0, $0xb8;
	[tilespmem:$0x1C200] =	vst v63  }
0x139: {  	s18 =	rddreg [dreg:$0x10]  }
0x13a: {  	[hbm4b:s7+s2] =	stream.indirect_vreg.scatter [tilespmem:s18], [sflag:$0x5], $0x80, v5, vm0, $0xb8;
	[tilespmem:$0x1C200] =	vst v63  }
0x13b: {  	s17 =	rddreg [dreg:$0x11]  }
0x13c: {  	[hbm4b:s3+s2] =	stream.indirect_vreg.scatter [tilespmem:s17], [sflag:$0x5], $0x80, v4, vm0, $0xb8;
	[tilespmem:$0x1C200] =	vst v63  }
0x13d: {  	s18 =	rddreg [dreg:$0x12]  }
0x13e: {  	[hbm4b:s5+s2] =	stream.indirect_vreg.scatter [tilespmem:s18], [sflag:$0x5], $0x80, v4, vm0, $0xb8;
	[tilespmem:$0x1C200] =	vst v63  }
0x13f: {  	s17 =	rddreg [dreg:$0x13]  }
0x140: {  	[hbm4b:s6+s2] =	stream.indirect_vreg.scatter [tilespmem:s17], [sflag:$0x5], $0x80, v4, vm0, $0xb8;
	[tilespmem:$0x1C200] =	vst v63  }
0x141: {  	s18 =	rddreg [dreg:$0x14]  }
0x142: {  	[hbm4b:s7+s2] =	stream.indirect_vreg.scatter [tilespmem:s18], [sflag:$0x5], $0x80, v4, vm0, $0xb8;
	[tilespmem:$0x1C200] =	vst v63  }
0x143: {  	v4 =	vld [tilespmem:$0x90];
	_ =	sdelay $0x4  }
0x144: {  	v5 =	vshll.u32 v4, $0x3  }
0x145: {  	v4 =	vand.u32 $0x7, v4;
	v5 =	vand.u32 $0xFFFFFFC0, v5  }
0x146: {  	v4 =	vor.u32 v4, v5  }
0x147: {  	v5 =	vperm.xlane v4, v2;
	_ =	sdelay $0x1  }
0x148: {  	v5 =	vadd.s32 v1, v5;
	_ =	sdelay $0x3  }
0x149: {  	s17 =	rddreg [dreg:$0x15]  }
0x14a: {  	[hbm4b:s3+s2] =	stream.indirect_vreg.scatter [tilespmem:s17], [sflag:$0x5], $0x80, v5, vm0, $0xb8;
	[tilespmem:$0x1C200] =	vst v63  }
0x14b: {  	s18 =	rddreg [dreg:$0x16];
	v4 =	vperm.xlane v4, v3  }
0x14c: {  	[hbm4b:s5+s2] =	stream.indirect_vreg.scatter [tilespmem:s18], [sflag:$0x5], $0x80, v5, vm0, $0xb8;
	[tilespmem:$0x1C200] =	vst v63  }
0x14d: {  	s16 =	rddreg [dreg:$0x17];
	v4 =	vadd.s32 v1, v4  }
0x14e: {  	[hbm4b:s6+s2] =	stream.indirect_vreg.scatter [tilespmem:s16], [sflag:$0x5], $0x80, v5, vm0, $0xb8;
	[tilespmem:$0x1C200] =	vst v63  }
0x14f: {  	s18 =	rddreg [dreg:$0x18]  }
0x150: {  	[hbm4b:s7+s2] =	stream.indirect_vreg.scatter [tilespmem:s18], [sflag:$0x5], $0x80, v5, vm0, $0xb8;
	[tilespmem:$0x1C200] =	vst v63  }
0x151: {  	s16 =	rddreg [dreg:$0x19]  }
0x152: {  	[hbm4b:s3+s2] =	stream.indirect_vreg.scatter [tilespmem:s16], [sflag:$0x5], $0x80, v4, vm0, $0xb8;
	[tilespmem:$0x1C200] =	vst v63  }
0x153: {  	s18 =	rddreg [dreg:$0x1a]  }
0x154: {  	[hbm4b:s5+s2] =	stream.indirect_vreg.scatter [tilespmem:s18], [sflag:$0x5], $0x80, v4, vm0, $0xb8;
	[tilespmem:$0x1C200] =	vst v63  }
0x155: {  	s16 =	rddreg [dreg:$0x1b]  }
0x156: {  	[hbm4b:s6+s2] =	stream.indirect_vreg.scatter [tilespmem:s16], [sflag:$0x5], $0x80, v4, vm0, $0xb8;
	[tilespmem:$0x1C200] =	vst v63  }
0x157: {  	s18 =	rddreg [dreg:$0x1c]  }
0x158: {  	[hbm4b:s7+s2] =	stream.indirect_vreg.scatter [tilespmem:s18], [sflag:$0x5], $0x80, v4, vm0, $0xb8;
	[tilespmem:$0x1C200] =	vst v63  }
0x159: {  	s18 =	simm.s32 $0x3  }
0x15a: {  	_ =	swait.ge [sflag:s18], $0x8000  }
0x15b: {  	[sflag:s18] =	ssyncset.done $0x0  }
0x15c: {  	[sflag:s18] =	ssyncadd.s32 $0xFFFF8000  }
0x15d: {  	v4 =	vld [tilespmem:$0x100];
	_ =	sdelay $0x4  }
0x15e: {  	v5 =	vshll.u32 v4, $0x3  }
0x15f: {  	v4 =	vand.u32 $0x7, v4;
	v5 =	vand.u32 $0xFFFFFFC0, v5  }
0x160: {  	v4 =	vor.u32 v4, v5  }
0x161: {  	v5 =	vperm.xlane v4, v2;
	_ =	sdelay $0x1  }
0x162: {  	v5 =	vadd.s32 v1, v5;
	_ =	sdelay $0x3  }
0x163: {  	s17 =	rddreg [dreg:$0x1d]  }
0x164: {  	[hbm4b:s3+s2] =	stream.indirect_vreg.scatter [tilespmem:s19], [sflag:$0x6], $0x80, v5, vm0, $0xb8;
	[tilespmem:$0x1C200] =	vst v63  }
0x165: {  	s18 =	rddreg [dreg:$0x1e];
	v4 =	vperm.xlane v4, v3  }
0x166: {  	[hbm4b:s5+s2] =	stream.indirect_vreg.scatter [tilespmem:s17], [sflag:$0x6], $0x80, v5, vm0, $0xb8;
	[tilespmem:$0x1C200] =	vst v63  }
0x167: {  	v4 =	vadd.s32 v1, v4;
	s19 =	rddreg [dreg:$0x1f]  }
0x168: {  	[hbm4b:s6+s2] =	stream.indirect_vreg.scatter [tilespmem:s18], [sflag:$0x6], $0x80, v5, vm0, $0xb8;
	[tilespmem:$0x1C200] =	vst v63  }
0x169: {  	s18 =	sld [smem:$0x7E1]  }
0x16a: {  	[hbm4b:s7+s2] =	stream.indirect_vreg.scatter [tilespmem:s19], [sflag:$0x6], $0x80, v5, vm0, $0xb8;
	[tilespmem:$0x1C200] =	vst v63  }
0x16b: {  	s19 =	sld [smem:$0x7E2]  }
0x16c: {  	[hbm4b:s3+s2] =	stream.indirect_vreg.scatter [tilespmem:s18], [sflag:$0x6], $0x80, v4, vm0, $0xb8;
	[tilespmem:$0x1C200] =	vst v63  }
0x16d: {  	s18 =	sld [smem:$0x7E3]  }
0x16e: {  	[hbm4b:s5+s2] =	stream.indirect_vreg.scatter [tilespmem:s19], [sflag:$0x6], $0x80, v4, vm0, $0xb8;
	[tilespmem:$0x1C200] =	vst v63  }
0x16f: {  	s19 =	sld [smem:$0x7E4]  }
0x170: {  	[hbm4b:s6+s2] =	stream.indirect_vreg.scatter [tilespmem:s18], [sflag:$0x6], $0x80, v4, vm0, $0xb8;
	[tilespmem:$0x1C200] =	vst v63  }
0x171: {  	_ = 	snop  }
0x172: {  	[hbm4b:s7+s2] =	stream.indirect_vreg.scatter [tilespmem:s19], [sflag:$0x6], $0x80, v4, vm0, $0xb8;
	[tilespmem:$0x1C200] =	vst v63  }
0x173: {  	v4 =	vld [tilespmem:$0x110];
	_ =	sdelay $0x4  }
0x174: {  	v5 =	vshll.u32 v4, $0x3  }
0x175: {  	v4 =	vand.u32 $0x7, v4;
	v5 =	vand.u32 $0xFFFFFFC0, v5  }
0x176: {  	v4 =	vor.u32 v4, v5  }
0x177: {  	v5 =	vperm.xlane v4, v2;
	_ =	sdelay $0x1  }
0x178: {  	v5 =	vadd.s32 v1, v5;
	_ =	sdelay $0x1  }
0x179: {  	s18 =	sld [smem:$0x7E5];
	_ =	sdelay $0x1  }
0x17a: {  	s19 =	sld [smem:$0x7E6]  }
0x17b: {  	[hbm4b:s3+s2] =	stream.indirect_vreg.scatter [tilespmem:s18], [sflag:$0x6], $0x80, v5, vm0, $0xb8;
	[tilespmem:$0x1C200] =	vst v63  }
0x17c: {  	v4 =	vperm.xlane v4, v3;
	s18 =	sld [smem:$0x7E7]  }
0x17d: {  	[hbm4b:s5+s2] =	stream.indirect_vreg.scatter [tilespmem:s19], [sflag:$0x6], $0x80, v5, vm0, $0xb8;
	[tilespmem:$0x1C200] =	vst v63  }
0x17e: {  	v4 =	vadd.s32 v1, v4;
	s19 =	sld [smem:$0x7E8]  }
0x17f: {  	[hbm4b:s6+s2] =	stream.indirect_vreg.scatter [tilespmem:s18], [sflag:$0x6], $0x80, v5, vm0, $0xb8;
	[tilespmem:$0x1C200] =	vst v63  }
0x180: {  	s18 =	sld [smem:$0x7E9]  }
0x181: {  	[hbm4b:s7+s2] =	stream.indirect_vreg.scatter [tilespmem:s19], [sflag:$0x6], $0x80, v5, vm0, $0xb8;
	[tilespmem:$0x1C200] =	vst v63  }
0x182: {  	s19 =	sld [smem:$0x7EA]  }
0x183: {  	[hbm4b:s3+s2] =	stream.indirect_vreg.scatter [tilespmem:s18], [sflag:$0x6], $0x80, v4, vm0, $0xb8;
	[tilespmem:$0x1C200] =	vst v63  }
0x184: {  	s18 =	sld [smem:$0x7EB]  }
0x185: {  	[hbm4b:s5+s2] =	stream.indirect_vreg.scatter [tilespmem:s19], [sflag:$0x6], $0x80, v4, vm0, $0xb8;
	[tilespmem:$0x1C200] =	vst v63  }
0x186: {  	s19 =	sld [smem:$0x7EC]  }
0x187: {  	[hbm4b:s6+s2] =	stream.indirect_vreg.scatter [tilespmem:s18], [sflag:$0x6], $0x80, v4, vm0, $0xb8;
	[tilespmem:$0x1C200] =	vst v63  }
0x188: {  	_ = 	snop  }
0x189: {  	[hbm4b:s7+s2] =	stream.indirect_vreg.scatter [tilespmem:s19], [sflag:$0x6], $0x80, v4, vm0, $0xb8;
	[tilespmem:$0x1C200] =	vst v63  }
0x18a: {  	_ =	swait.ge [sflag:s14], $0x8000  }
0x18b: {  	[sflag:s14] =	ssyncset.done $0x0  }
0x18c: {  	[sflag:s14] =	ssyncadd.s32 $0xFFFF8000  }
0x18d: {  	v4 =	vld [tilespmem:$0x180];
	_ =	sdelay $0x4  }
0x18e: {  	v5 =	vshll.u32 v4, $0x3  }
0x18f: {  	v4 =	vand.u32 $0x7, v4;
	v5 =	vand.u32 $0xFFFFFFC0, v5  }
0x190: {  	v4 =	vor.u32 v4, v5  }
0x191: {  	v5 =	vperm.xlane v4, v2;
	_ =	sdelay $0x1  }
0x192: {  	v5 =	vadd.s32 v1, v5;
	_ =	sdelay $0x4  }
0x193: {  	[hbm4b:s3+s2] =	stream.indirect_vreg.scatter [tilespmem:s11], [sflag:$0x4], $0x80, v5, vm0, $0xb8;
	[tilespmem:$0x1C200] =	vst v63  }
0x194: {  	v4 =	vperm.xlane v4, v3  }
0x195: {  	[hbm4b:s5+s2] =	stream.indirect_vreg.scatter [tilespmem:s20], [sflag:$0x4], $0x80, v5, vm0, $0xb8;
	[tilespmem:$0x1C200] =	vst v63  }
0x196: {  	v4 =	vadd.s32 v1, v4  }
0x197: {  	[hbm4b:s6+s2] =	stream.indirect_vreg.scatter [tilespmem:s21], [sflag:$0x4], $0x80, v5, vm0, $0xb8;
	[tilespmem:$0x1C200] =	vst v63  }
0x198: {  	_ = 	snop  }
0x199: {  	[hbm4b:s7+s2] =	stream.indirect_vreg.scatter [tilespmem:s22], [sflag:$0x4], $0x80, v5, vm0, $0xb8;
	[tilespmem:$0x1C200] =	vst v63  }
0x19a: {  	_ = 	snop  }
0x19b: {  	[hbm4b:s3+s2] =	stream.indirect_vreg.scatter [tilespmem:s23], [sflag:$0x4], $0x80, v4, vm0, $0xb8;
	[tilespmem:$0x1C200] =	vst v63  }
0x19c: {  	_ = 	snop  }
0x19d: {  	[hbm4b:s5+s2] =	stream.indirect_vreg.scatter [tilespmem:s24], [sflag:$0x4], $0x80, v4, vm0, $0xb8;
	[tilespmem:$0x1C200] =	vst v63  }
0x19e: {  	_ = 	snop  }
0x19f: {  	[hbm4b:s6+s2] =	stream.indirect_vreg.scatter [tilespmem:s25], [sflag:$0x4], $0x80, v4, vm0, $0xb8;
	[tilespmem:$0x1C200] =	vst v63  }
0x1a0: {  	_ = 	snop  }
0x1a1: {  	[hbm4b:s7+s2] =	stream.indirect_vreg.scatter [tilespmem:s26], [sflag:$0x4], $0x80, v4, vm0, $0xb8;
	[tilespmem:$0x1C200] =	vst v63  }
0x1a2: {  	v4 =	vld [tilespmem:$0x190];
	_ =	sdelay $0x4  }
0x1a3: {  	v5 =	vshll.u32 v4, $0x3  }
0x1a4: {  	v4 =	vand.u32 $0x7, v4;
	v5 =	vand.u32 $0xFFFFFFC0, v5  }
0x1a5: {  	v4 =	vor.u32 v4, v5  }
0x1a6: {  	v2 =	vperm.xlane v4, v2;
	_ =	sdelay $0x1  }
0x1a7: {  	v2 =	vadd.s32 v1, v2;
	_ =	sdelay $0x4  }
0x1a8: {  	[hbm4b:s3+s2] =	stream.indirect_vreg.scatter [tilespmem:s28], [sflag:$0x4], $0x80, v2, vm0, $0xb8;
	[tilespmem:$0x1C200] =	vst v63  }
0x1a9: {  	v3 =	vperm.xlane v4, v3  }
0x1aa: {  	[hbm4b:s5+s2] =	stream.indirect_vreg.scatter [tilespmem:s29], [sflag:$0x4], $0x80, v2, vm0, $0xb8;
	[tilespmem:$0x1C200] =	vst v63  }
0x1ab: {  	v1 =	vadd.s32 v1, v3  }
0x1ac: {  	[hbm4b:s6+s2] =	stream.indirect_vreg.scatter [tilespmem:s30], [sflag:$0x4], $0x80, v2, vm0, $0xb8;
	[tilespmem:$0x1C200] =	vst v63  }
0x1ad: {  	_ = 	snop  }
0x1ae: {  	[hbm4b:s7+s2] =	stream.indirect_vreg.scatter [tilespmem:s9], [sflag:$0x4], $0x80, v2, vm0, $0xb8;
	[tilespmem:$0x1C200] =	vst v63  }
0x1af: {  	_ = 	snop  }
0x1b0: {  	[hbm4b:s3+s2] =	stream.indirect_vreg.scatter [tilespmem:s0], [sflag:$0x4], $0x80, v1, vm0, $0xb8;
	[tilespmem:$0x1C200] =	vst v63  }
0x1b1: {  	_ = 	snop  }
0x1b2: {  	[hbm4b:s5+s2] =	stream.indirect_vreg.scatter [tilespmem:s1], [sflag:$0x4], $0x80, v1, vm0, $0xb8;
	[tilespmem:$0x1C200] =	vst v63  }
0x1b3: {  	_ = 	snop  }
0x1b4: {  	[hbm4b:s6+s2] =	stream.indirect_vreg.scatter [tilespmem:s12], [sflag:$0x4], $0x80, v1, vm0, $0xb8;
	[tilespmem:$0x1C200] =	vst v63  }
0x1b5: {  	s18 =	simm.s32 $0x5  }
0x1b6: {  	[hbm4b:s7+s2] =	stream.indirect_vreg.scatter [tilespmem:s13], [sflag:$0x4], $0x80, v1, vm0, $0xb8;
	[tilespmem:$0x1C200] =	vst v63  }
0x1b7: {  	_ =	swait.ge [sflag:s18], $0x8000  }
0x1b8: {  	[sflag:s18] =	ssyncset.done $0x0  }
0x1b9: {  	s19 =	simm.s32 $0x6;
	[sflag:s18] =	ssyncadd.s32 $0xFFFF8000  }
0x1ba: {  	_ =	swait.ge [sflag:s19], $0x8000  }
0x1bb: {  	[sflag:s19] =	ssyncset.done $0x0  }
0x1bc: {  	[sflag:s19] =	ssyncadd.s32 $0xFFFF8000  }
0x1bd: {  	_ =	swait.ge [sflag:s31], $0x8000  }
0x1be: {  	[sflag:s31] =	ssyncset.done $0x0  }
0x1bf: {  	[sflag:s31] =	ssyncadd.s32 $0xFFFF8000  }
0x1c0: {  	_ =	swait.ge [sflag:s15], $0x1000  }
0x1c1: {  	[sflag:s15] =	ssyncset.done $0x0  }
0x1c2: {  	[sflag:s15] =	ssyncadd.s32 $0xFFFFF000  }
0x1c3: {  	_ =	swait.ge [sflag:s15], $0x1000  }
0x1c4: {  	[sflag:s15] =	ssyncset.done $0x0  }
0x1c5: {  	[sflag:s15] =	ssyncadd.s32 $0xFFFFF000  }
0x1c6: {  	p0 =	sne.s32 s8, $0x1;
	_ =	swait.ge [sflag:s15], $0x1000  }
.Ltmp0:
0x1c7: {  	[sflag:s15] =	ssyncset.done $0x0;
	(pc) =	sbr.rel @p0 .LBB2_1-.Ltmp0, $4  }
0x1c8: {  	[sflag:s15] =	ssyncadd.s32 $0xFFFFF000  }
0x1c9: {  	_ =	swait.ge [sflag:s15], $0x1000  }
0x1ca: {  	[sflag:s15] =	ssyncset.done $0x0  }
0x1cb: {  	s8 =	sadd.s32 $0xFFFFFFFF, s8;
	[sflag:s15] =	ssyncadd.s32 $0xFFFFF000  }
0x1cc: {  	_ =	sfence.sel $0x180000  }
0x1cd: {  	[bflag:$0x0] =	sbarrier.arrive $0xFFFF  }
0x1ce: {  	_ =	strace $0x90000047  }
0x1cf: {  	s0 =	stileid.u32;
	[bflag:$0x2] =	sbarrier.arrive $0xFFFF  }
0x1d0: {  	p0 =	sne.s32 s0, $0x0;
	s0 =	rddreg [dreg:$0x1]  }
0x1d1: {  	s0 =	sadd.s32 @!p0 $0x100000, s0  }
0x1d2: {  	[sflag:s0] =	ssyncadd.tile.s32 @!p0 $0x1;
	_ =	shalt  }
.Lfunc_end2:
_tile_overlayer_lowered:
.L_overlay_start_2:
0x1d3: {  	(tag) =	ssettag $0x2  }
0x1d4: {  	s0 =	rddreg [dreg:$0x0];
	s2 =	stileid.u32  }
0x1d5: {  	s1 =	rddreg [dreg:$0x1];
	p0 =	sne.s32 s2, $0x0  }
0x1d6: {  	s3 =	rddreg [dreg:$0x2];
	[bflag:$0x3] =	sbarrier.arrive $0xFFFF;
	s2 =	simm.s32 @!p0 $0x1C08  }
0x1d7: {  	[timem:s3], [sflag:s2] =	dma.local @!p0 [hbm:s0], s1  }
0x1d8: {  	s0 =	simm.s32 @!p0 $0x8  }
0x1d9: {  	_ =	swait.ge @!p0 [sflag:s0], s1  }
0x1da: {  	s1 =	ssub.s32 @!p0 $0x0, s1;
	[sflag:s0] =	ssyncset.done @!p0 $0x0  }
0x1db: {  	[sflag:s0] =	ssyncadd.s32 @!p0 s1  }
0x1dc: {  	[bflag:$0x3] =	sbarrier.arrive $0xFFFF  }
0x1dd: {  	_ =	shalt  }

</sc_bundles>
